<compile_context>
chip_gen: v7x
topology: tpu7x:2x2x1
jax: 0.10.2.dev20260603
libtpu: 0.0.44.dev20260713+nightly
codegen_flags: <defaults>
</compile_context>

<pallas_src>
import functools

import jax
import jax.numpy as jnp
from jax import lax
from jax.experimental import pallas as pl
from jax.experimental.pallas import tpu as pltpu
from jax.experimental.pallas import tpu_sc as plsc

NC = 2
NS = 16
LANES = 16
CH = 128
DEGW = 16
DH = 64


def _sc_mesh():
    return plsc.VectorSubcoreMesh(core_axis_name="c", subcore_axis_name="s")


def _make_sc_degrees(R, nchunks):
    rows_per_tile = R // NS
    n_init = rows_per_tile // CH

    @functools.partial(
        pl.kernel,
        out_type=jax.ShapeDtypeStruct((NC, R, DEGW), jnp.float32),
        mesh=_sc_mesh(),
        scratch_types=[
            pltpu.VMEM((nchunks, CH), jnp.int32),
            pltpu.VMEM((CH, DEGW), jnp.float32),
            pltpu.VMEM_SHARED((R, DEGW), jnp.float32),
            pltpu.SemaphoreType.DMA,
        ],
        compiler_params=pltpu.CompilerParams(use_tc_tiling_on_sc=False),
    )
    def body(edges_hbm, odeg_hbm, idx_v, ones_v, hist_sh, sem):
        c = lax.axis_index("c")
        s = lax.axis_index("s")
        pltpu.sync_copy(edges_hbm.at[c, s], idx_v)

        zero = jnp.zeros((LANES,), jnp.float32)
        one = jnp.ones((LANES,), jnp.float32)

        @pl.loop(0, CH)
        def _z(i):
            ones_v[i, :] = zero

        base = s * rows_per_tile
        for k in range(n_init):
            pltpu.sync_copy(ones_v, hist_sh.at[pl.ds(base + k * CH, CH)])

        @pl.loop(0, CH)
        def _o(i):
            ones_v[i, :] = one

        plsc.subcore_barrier()

        @pl.loop(0, nchunks)
        def _scat(j):
            pltpu.async_copy(ones_v, hist_sh.at[idx_v.at[j]], sem, add=True)

            @pl.when(j >= 8)
            def _drain():
                pltpu.make_async_copy(odeg_hbm.at[0, pl.ds(0, CH)], ones_v,
                                      sem).wait()

        for _ in range(8):
            pltpu.make_async_copy(odeg_hbm.at[0, pl.ds(0, CH)], ones_v,
                                  sem).wait()

        plsc.subcore_barrier()
        sl = pl.ds(base, rows_per_tile)
        pltpu.sync_copy(hist_sh.at[sl], odeg_hbm.at[c, sl])

    return body


def _make_sc_layer(R, nchunks):
    rows_per_tile = R // NS
    n_init = rows_per_tile // CH

    @functools.partial(
        pl.kernel,
        out_type=jax.ShapeDtypeStruct((NC, R, DH), jnp.float32),
        mesh=_sc_mesh(),
        scratch_types=[
            pltpu.VMEM((nchunks // 2, CH), jnp.int32),
            pltpu.VMEM((nchunks // 2, CH), jnp.int32),
            pltpu.VMEM((8, CH, DH), jnp.float32),
            pltpu.VMEM_SHARED((R, DH), jnp.float32),
            [pltpu.SemaphoreType.DMA] * 4,
            [pltpu.SemaphoreType.DMA] * 4,
        ],
        compiler_params=pltpu.CompilerParams(use_tc_tiling_on_sc=False),
    )
    def body(z_hbm2, src_hbm, dst_hbm, out_hbm2,
             src_v, dst_v, rows_v, agg_sh, sems_g, sems_s):
        c = lax.axis_index("c")
        s = lax.axis_index("s")
        hc = nchunks // 2
        z_hbm = z_hbm2.at[c]

        zero = jnp.zeros((LANES,), jnp.float32)
        base = s * rows_per_tile
        sl = pl.ds(base, rows_per_tile)

        @pl.loop(0, CH)
        def _z(i):
            for q in range(DH // LANES):
                rows_v[0, i, pl.ds(q * LANES, LANES)] = zero

        for k in range(n_init):
            pltpu.sync_copy(rows_v.at[0], agg_sh.at[pl.ds(base + k * CH, CH)])
        plsc.subcore_barrier()

        for half in range(2):
            pltpu.sync_copy(src_hbm.at[s, pl.ds(half * hc, hc)], src_v)
            pltpu.sync_copy(dst_hbm.at[s, pl.ds(half * hc, hc)], dst_v)

            for b in range(4):
                pltpu.async_copy(z_hbm.at[src_v.at[b]], rows_v.at[b],
                                 sems_g[b])

            @pl.loop(0, hc, step=8)
            def _main(j):
                for b in range(8):
                    jb = j + b
                    par = b % 4
                    pltpu.make_async_copy(
                        z_hbm.at[src_v.at[0]], rows_v.at[b],
                        sems_g[par]).wait()

                    @pl.when(jb >= 4)
                    def _drain():
                        pltpu.make_async_copy(
                            z_hbm.at[src_v.at[0]],
                            rows_v.at[(b + 4) % 8], sems_s[par]).wait()

                    pltpu.async_copy(rows_v.at[b], agg_sh.at[dst_v.at[jb]],
                                     sems_s[par], add=True)

                    @pl.when(jb + 4 < hc)
                    def _prefetch():
                        pltpu.async_copy(
                            z_hbm.at[src_v.at[jb + 4]],
                            rows_v.at[(b + 4) % 8], sems_g[par])

            for par in range(4):
                pltpu.make_async_copy(
                    z_hbm.at[src_v.at[0]], rows_v.at[0], sems_s[par]).wait()
        plsc.subcore_barrier()
        pltpu.sync_copy(agg_sh.at[sl], out_hbm2.at[c, sl])

    return body


def _tc_mm(feat, W1):
    R, D = feat.shape

    def body(x, w, zr_out):
        zr_out[...] = jnp.dot(x[...], w[...],
                              preferred_element_type=jnp.float32)

    return pl.pallas_call(
        body,
        out_shape=jax.ShapeDtypeStruct((R, D), jnp.float32),
    )(feat, W1)


def _tc_pre(deg, zr):
    R, D = zr.shape

    def body(dg, zz, z_out, ns_out, nd_out):
        ns = lax.rsqrt(jnp.maximum(dg[0, :, 0:1], 1.0))
        nd = lax.rsqrt(jnp.maximum(dg[1, :, 0:1], 1.0))
        ns_out[...] = ns
        nd_out[...] = nd
        z = zz[...] * ns
        z_out[0] = z[:, :DH]
        z_out[1] = z[:, DH:]

    return pl.pallas_call(
        body,
        out_shape=(
            jax.ShapeDtypeStruct((NC, R, DH), jnp.float32),
            jax.ShapeDtypeStruct((R, 1), jnp.float32),
            jax.ShapeDtypeStruct((R, 1), jnp.float32),
        ),
    )(deg, zr)


def _tc_mid(p, ns, nd, b1, W2):
    _, R, _ = p.shape

    def body(p_ref, ns_ref, nd_ref, b_ref, w_ref, z_out):
        h = jnp.concatenate([p_ref[0], p_ref[1]], axis=1)
        h = jnp.maximum(h * nd_ref[...] + b_ref[...], 0.0)
        z = jnp.dot(h * ns_ref[...], w_ref[...],
                    preferred_element_type=jnp.float32)
        z_out[0] = z[:, :DH]
        z_out[1] = z[:, DH:]

    return pl.pallas_call(
        body,
        out_shape=jax.ShapeDtypeStruct((NC, R, DH), jnp.float32),
    )(p, ns, nd, b1, W2)


def _tc_post(p, nd, b2, n_rows):
    def body(p_ref, nd_ref, b_ref, out):
        h = jnp.concatenate([p_ref[0, :n_rows], p_ref[1, :n_rows]], axis=1)
        out[...] = h * nd_ref[:n_rows] + b_ref[...]

    return pl.pallas_call(
        body,
        out_shape=jax.ShapeDtypeStruct((n_rows, 2 * DH), jnp.float32),
    )(p, nd, b2)


def kernel(features, edge_index, W1, b1, W2, b2):
    N, D = features.shape
    E = edge_index.shape[1]

    R = pl.cdiv(N + 1, NS * CH) * (NS * CH)
    ept = pl.cdiv(E, NS * 16 * CH) * (16 * CH)
    nchunks = ept // CH
    pad = NS * ept - E

    src = edge_index[0]
    dst = edge_index[1]
    trash = (N + jnp.arange(pad, dtype=jnp.int32) % (R - N)).astype(jnp.int32)
    srcp = jnp.concatenate([src, trash]).reshape(NS, nchunks, CH)
    dstp = jnp.concatenate([dst, trash]).reshape(NS, nchunks, CH)
    edges = jnp.stack([srcp, dstp])

    feat = jnp.pad(features, ((0, R - N), (0, 0)))

    sc_deg = _make_sc_degrees(R, nchunks)
    sc_layer = _make_sc_layer(R, nchunks)

    deg = sc_deg(edges)
    zr = _tc_mm(feat, W1)
    z1, ns, nd = _tc_pre(deg, zr)
    p1 = sc_layer(z1, srcp, dstp)
    z2 = _tc_mid(p1, ns, nd, b1.reshape(1, D), W2)
    p2 = sc_layer(z2, srcp, dstp)
    return _tc_post(p2, nd, b2.reshape(1, D), N)

# --- scband reference (transcript-rebuilt; emitter-appended) ---
"""Pipeline reference for scband-graph-embedding-29506425324286 (READ-ONLY COPY).

The authoritative reference and input builder live on the scoring server;
editing this copy changes nothing except your own understanding.
"""

import jax, jax.numpy as jnp
import numpy as np

N = 10000
E = 320000
D = 128


def setup_inputs(seed: int = 0) -> dict:
    key = jax.random.key(seed)
    k1, k2, k3, k4, k5 = jax.random.split(key, 5)
    features = jax.random.normal(k1, (N, D), dtype=jnp.float32)
    edge_index = jax.random.randint(k2, (2, E), 0, N, dtype=jnp.int32)
    scale = 1.0 / np.sqrt(D)
    W1 = jax.random.normal(k3, (D, D), dtype=jnp.float32) * scale
    b1 = jnp.zeros((D,), dtype=jnp.float32)
    W2 = jax.random.normal(k4, (D, D), dtype=jnp.float32) * scale
    b2 = jnp.zeros((D,), dtype=jnp.float32)
    return {"features": features, "edge_index": edge_index, "W1": W1, "b1": b1, "W2": W2, "b2": b2}


def _gcn_layer(x, src, dst, W, b):
    # Faithful to dgl.nn.GraphConv with norm='both', bias=True:
    # out = D_in^{-1/2} A D_out^{-1/2} X W + b, degrees clamped to min 1.
    n = x.shape[0]
    ones = jnp.ones(src.shape[0], dtype=x.dtype)
    deg_out = jnp.zeros((n,), dtype=x.dtype).at[src].add(ones)
    deg_in = jnp.zeros((n,), dtype=x.dtype).at[dst].add(ones)
    norm_src = jnp.power(jnp.clip(deg_out, 1.0), -0.5)
    norm_dst = jnp.power(jnp.clip(deg_in, 1.0), -0.5)
    h = x * norm_src[:, None]
    msg = jnp.take(h, src, axis=0)
    agg = jnp.zeros((n, h.shape[1]), dtype=x.dtype).at[dst].add(msg)
    rst = agg @ W
    rst = rst * norm_dst[:, None]
    return rst + b


def reference(features, edge_index, W1, b1, W2, b2):
    src = edge_index[0]
    dst = edge_index[1]
    h = _gcn_layer(features, src, dst, W1, b1)
    h = jax.nn.relu(h)
    h = _gcn_layer(h, src, dst, W2, b2)
    return h

if __name__ == "__main__":
    import jax
    _d = setup_inputs()
    print(jax.jit(kernel)(*tuple(_d.values())))

</pallas_src>

<mosaic_0001>
#map = affine_map<(d0, d1) -> (0, 0, 0, 0)>
#map1 = affine_map<(d0, d1) -> (0, 0, 0)>
module attributes {stable_mosaic.version = 14 : i64} {
  func.func @body(%arg0: i32, %arg1: i32, %arg2: memref<2x16x160x128xi32, #tpu.memory_space<hbm>>, %arg3: memref<2x10240x16xf32, #tpu.memory_space<hbm>>, %arg4: memref<160x128xi32, #tpu.memory_space<vmem>>, %arg5: memref<128x16xf32, #tpu.memory_space<vmem>>, %arg6: memref<10240x16xf32, #tpu.memory_space<vmem_shared>>, %arg7: memref<!tpu.dma_semaphore, #tpu.memory_space<semaphore_mem>>) attributes {dimension_semantics = [#tpu.dimension_semantics<core_parallel>, #tpu.dimension_semantics<subcore_parallel>], iteration_bounds = array<i64: 2, 16>, scalar_prefetch = 0 : i64, scratch_operands = 4 : i64, tpu.core_type = #tpu.core_type<sc_vector_subcore>, window_params = [{transform_indices = #map}, {transform_indices = #map1}]} {
    "tpu.region"() ({
      %run_scoped3A = tpu.sem_alloc : memref<!tpu.dma_semaphore, #tpu.memory_space<semaphore_mem>>
      %dma_start3A = arith.constant 0 : i32
      %dma_start3A_99 = arith.constant 0 : i32
      %dma_start3A_100 = tpu.memref_slice %arg2[%arg0, %arg1, %dma_start3A, %dma_start3A_99] : memref<2x16x160x128xi32, #tpu.memory_space<hbm>> -> memref<1x1x160x128xi32, #tpu.memory_space<hbm>>
      %dma_start3A_101 = tpu.memref_squeeze %dma_start3A_100 : memref<1x1x160x128xi32, #tpu.memory_space<hbm>> -> memref<160x128xi32, #tpu.memory_space<hbm>>
      %dma_start3A_102 = arith.constant 0 : i32
      %dma_start3A_103 = arith.constant 0 : i32
      %dma_start3A_104 = tpu.memref_slice %arg2[%arg0, %arg1, %dma_start3A_102, %dma_start3A_103] : memref<2x16x160x128xi32, #tpu.memory_space<hbm>> -> memref<1x1x160x128xi32, #tpu.memory_space<hbm>>
      %dma_start3A_105 = tpu.memref_squeeze %dma_start3A_104 : memref<1x1x160x128xi32, #tpu.memory_space<hbm>> -> memref<160x128xi32, #tpu.memory_space<hbm>>
      tpu.enqueue_dma source(%dma_start3A_105 : memref<160x128xi32, #tpu.memory_space<hbm>>) target(%arg4 : memref<160x128xi32, #tpu.memory_space<vmem>>) target_semaphore(%run_scoped3A : memref<!tpu.dma_semaphore, #tpu.memory_space<semaphore_mem>>)
      %dma_wait3A_106 = arith.constant 0 : i32
      %dma_wait3A_107 = arith.constant 0 : i32
      %dma_wait3A_108 = tpu.memref_slice %arg2[%arg0, %arg1, %dma_wait3A_106, %dma_wait3A_107] : memref<2x16x160x128xi32, #tpu.memory_space<hbm>> -> memref<1x1x160x128xi32, #tpu.memory_space<hbm>>
      %dma_wait3A_109 = tpu.memref_squeeze %dma_wait3A_108 : memref<1x1x160x128xi32, #tpu.memory_space<hbm>> -> memref<160x128xi32, #tpu.memory_space<hbm>>
      %dma_wait3A_110 = arith.constant 0 : i32
      %dma_wait3A_111 = arith.constant 0 : i32
      %dma_wait3A_112 = tpu.memref_slice %arg2[%arg0, %arg1, %dma_wait3A_110, %dma_wait3A_111] : memref<2x16x160x128xi32, #tpu.memory_space<hbm>> -> memref<1x1x160x128xi32, #tpu.memory_space<hbm>>
      %dma_wait3A_113 = tpu.memref_squeeze %dma_wait3A_112 : memref<1x1x160x128xi32, #tpu.memory_space<hbm>> -> memref<160x128xi32, #tpu.memory_space<hbm>>
      tpu.wait_dma2 semaphore(%run_scoped3A : memref<!tpu.dma_semaphore, #tpu.memory_space<semaphore_mem>>) src(%dma_wait3A_113 : memref<160x128xi32, #tpu.memory_space<hbm>>) dst(%arg4 : memref<160x128xi32, #tpu.memory_space<vmem>>)
      tpu.yield
    }) : () -> ()
    %broadcast_in_dim3A = arith.constant 0.000000e+00 : f32
    %broadcast_in_dim3A_0 = vector.broadcast %broadcast_in_dim3A : f32 to vector<16xf32>
    %broadcast_in_dim3A_1 = arith.constant 1.000000e+00 : f32
    %broadcast_in_dim3A_2 = vector.broadcast %broadcast_in_dim3A_1 : f32 to vector<16xf32>
    %scan3A = arith.constant 0 : i32
    %scan3A_3 = arith.constant 128 : i32
    %scan3A_4 = arith.addi %scan3A, %scan3A_3 : i32
    %scan3A_5 = arith.constant 1 : i32
    scf.for %scan3A_99 = %scan3A to %scan3A_4 step %scan3A_5  : i32 {
      %mul3A_100 = arith.constant 1 : i32
      %mul3A_101 = arith.muli %scan3A_99, %mul3A_100 : i32
      %add3A_102 = arith.constant 0 : i32
      %add3A_103 = arith.addi %add3A_102, %mul3A_101 : i32
      %swap3A = arith.index_cast %add3A_103 : i32 to index
      %swap3A_104 = arith.constant 0 : index
      %swap3A_105 = tpu.vector_load %arg5[%swap3A, %swap3A_104] {strides = array<i32>} : memref<128x16xf32, #tpu.memory_space<vmem>>, vector<1x16xf32>,
      %swap3A_106 = vector.shape_cast %swap3A_105 : vector<1x16xf32> to vector<16xf32>
      %swap3A_107 = vector.shape_cast %broadcast_in_dim3A_0 : vector<16xf32> to vector<1x16xf32>
      tpu.vector_store %arg5[%swap3A, %swap3A_104], %swap3A_107 {strides = array<i32>} : memref<128x16xf32, #tpu.memory_space<vmem>>, vector<1x16xf32>,
    }
    %scan3A_6 = arith.constant 128 : i32
    %mul3A = arith.constant 640 : i32
    %mul3A_7 = arith.muli %arg1, %mul3A : i32
    %add3A = arith.constant 0 : i32
    %add3A_8 = arith.addi %mul3A_7, %add3A : i32
    "tpu.region"() ({
      %run_scoped3A = tpu.sem_alloc : memref<!tpu.dma_semaphore, #tpu.memory_space<semaphore_mem>>
      %dma_start3A = arith.constant 0 : i32
      %dma_start3A_99 = tpu.memref_slice %arg6[%add3A_8, %dma_start3A] : memref<10240x16xf32, #tpu.memory_space<vmem_shared>> -> memref<128x16xf32, #tpu.memory_space<vmem_shared>>
      %dma_start3A_100 = arith.constant 0 : i32
      %dma_start3A_101 = tpu.memref_slice %arg6[%add3A_8, %dma_start3A_100] : memref<10240x16xf32, #tpu.memory_space<vmem_shared>> -> memref<128x16xf32, #tpu.memory_space<vmem_shared>>
      tpu.enqueue_dma source(%arg5 : memref<128x16xf32, #tpu.memory_space<vmem>>) target(%dma_start3A_101 : memref<128x16xf32, #tpu.memory_space<vmem_shared>>) target_semaphore(%run_scoped3A : memref<!tpu.dma_semaphore, #tpu.memory_space<semaphore_mem>>)
      %dma_wait3A_102 = arith.constant 0 : i32
      %dma_wait3A_103 = tpu.memref_slice %arg6[%add3A_8, %dma_wait3A_102] : memref<10240x16xf32, #tpu.memory_space<vmem_shared>> -> memref<128x16xf32, #tpu.memory_space<vmem_shared>>
      %dma_wait3A_104 = arith.constant 0 : i32
      %dma_wait3A_105 = tpu.memref_slice %arg6[%add3A_8, %dma_wait3A_104] : memref<10240x16xf32, #tpu.memory_space<vmem_shared>> -> memref<128x16xf32, #tpu.memory_space<vmem_shared>>
      tpu.wait_dma2 semaphore(%run_scoped3A : memref<!tpu.dma_semaphore, #tpu.memory_space<semaphore_mem>>) src(%arg5 : memref<128x16xf32, #tpu.memory_space<vmem>>) dst(%dma_wait3A_105 : memref<128x16xf32, #tpu.memory_space<vmem_shared>>)
      tpu.yield
    }) : () -> ()
    %add3A_9 = arith.constant 128 : i32
    %add3A_10 = arith.addi %mul3A_7, %add3A_9 : i32
    "tpu.region"() ({
      %run_scoped3A = tpu.sem_alloc : memref<!tpu.dma_semaphore, #tpu.memory_space<semaphore_mem>>
      %dma_start3A = arith.constant 0 : i32
      %dma_start3A_99 = tpu.memref_slice %arg6[%add3A_10, %dma_start3A] : memref<10240x16xf32, #tpu.memory_space<vmem_shared>> -> memref<128x16xf32, #tpu.memory_space<vmem_shared>>
      %dma_start3A_100 = arith.constant 0 : i32
      %dma_start3A_101 = tpu.memref_slice %arg6[%add3A_10, %dma_start3A_100] : memref<10240x16xf32, #tpu.memory_space<vmem_shared>> -> memref<128x16xf32, #tpu.memory_space<vmem_shared>>
      tpu.enqueue_dma source(%arg5 : memref<128x16xf32, #tpu.memory_space<vmem>>) target(%dma_start3A_101 : memref<128x16xf32, #tpu.memory_space<vmem_shared>>) target_semaphore(%run_scoped3A : memref<!tpu.dma_semaphore, #tpu.memory_space<semaphore_mem>>)
      %dma_wait3A_102 = arith.constant 0 : i32
      %dma_wait3A_103 = tpu.memref_slice %arg6[%add3A_10, %dma_wait3A_102] : memref<10240x16xf32, #tpu.memory_space<vmem_shared>> -> memref<128x16xf32, #tpu.memory_space<vmem_shared>>
      %dma_wait3A_104 = arith.constant 0 : i32
      %dma_wait3A_105 = tpu.memref_slice %arg6[%add3A_10, %dma_wait3A_104] : memref<10240x16xf32, #tpu.memory_space<vmem_shared>> -> memref<128x16xf32, #tpu.memory_space<vmem_shared>>
      tpu.wait_dma2 semaphore(%run_scoped3A : memref<!tpu.dma_semaphore, #tpu.memory_space<semaphore_mem>>) src(%arg5 : memref<128x16xf32, #tpu.memory_space<vmem>>) dst(%dma_wait3A_105 : memref<128x16xf32, #tpu.memory_space<vmem_shared>>)
      tpu.yield
    }) : () -> ()
    %add3A_11 = arith.constant 256 : i32
    %add3A_12 = arith.addi %mul3A_7, %add3A_11 : i32
    "tpu.region"() ({
      %run_scoped3A = tpu.sem_alloc : memref<!tpu.dma_semaphore, #tpu.memory_space<semaphore_mem>>
      %dma_start3A = arith.constant 0 : i32
      %dma_start3A_99 = tpu.memref_slice %arg6[%add3A_12, %dma_start3A] : memref<10240x16xf32, #tpu.memory_space<vmem_shared>> -> memref<128x16xf32, #tpu.memory_space<vmem_shared>>
      %dma_start3A_100 = arith.constant 0 : i32
      %dma_start3A_101 = tpu.memref_slice %arg6[%add3A_12, %dma_start3A_100] : memref<10240x16xf32, #tpu.memory_space<vmem_shared>> -> memref<128x16xf32, #tpu.memory_space<vmem_shared>>
      tpu.enqueue_dma source(%arg5 : memref<128x16xf32, #tpu.memory_space<vmem>>) target(%dma_start3A_101 : memref<128x16xf32, #tpu.memory_space<vmem_shared>>) target_semaphore(%run_scoped3A : memref<!tpu.dma_semaphore, #tpu.memory_space<semaphore_mem>>)
      %dma_wait3A_102 = arith.constant 0 : i32
      %dma_wait3A_103 = tpu.memref_slice %arg6[%add3A_12, %dma_wait3A_102] : memref<10240x16xf32, #tpu.memory_space<vmem_shared>> -> memref<128x16xf32, #tpu.memory_space<vmem_shared>>
      %dma_wait3A_104 = arith.constant 0 : i32
      %dma_wait3A_105 = tpu.memref_slice %arg6[%add3A_12, %dma_wait3A_104] : memref<10240x16xf32, #tpu.memory_space<vmem_shared>> -> memref<128x16xf32, #tpu.memory_space<vmem_shared>>
      tpu.wait_dma2 semaphore(%run_scoped3A : memref<!tpu.dma_semaphore, #tpu.memory_space<semaphore_mem>>) src(%arg5 : memref<128x16xf32, #tpu.memory_space<vmem>>) dst(%dma_wait3A_105 : memref<128x16xf32, #tpu.memory_space<vmem_shared>>)
      tpu.yield
    }) : () -> ()
    %add3A_13 = arith.constant 384 : i32
    %add3A_14 = arith.addi %mul3A_7, %add3A_13 : i32
    "tpu.region"() ({
      %run_scoped3A = tpu.sem_alloc : memref<!tpu.dma_semaphore, #tpu.memory_space<semaphore_mem>>
      %dma_start3A = arith.constant 0 : i32
      %dma_start3A_99 = tpu.memref_slice %arg6[%add3A_14, %dma_start3A] : memref<10240x16xf32, #tpu.memory_space<vmem_shared>> -> memref<128x16xf32, #tpu.memory_space<vmem_shared>>
      %dma_start3A_100 = arith.constant 0 : i32
      %dma_start3A_101 = tpu.memref_slice %arg6[%add3A_14, %dma_start3A_100] : memref<10240x16xf32, #tpu.memory_space<vmem_shared>> -> memref<128x16xf32, #tpu.memory_space<vmem_shared>>
      tpu.enqueue_dma source(%arg5 : memref<128x16xf32, #tpu.memory_space<vmem>>) target(%dma_start3A_101 : memref<128x16xf32, #tpu.memory_space<vmem_shared>>) target_semaphore(%run_scoped3A : memref<!tpu.dma_semaphore, #tpu.memory_space<semaphore_mem>>)
      %dma_wait3A_102 = arith.constant 0 : i32
      %dma_wait3A_103 = tpu.memref_slice %arg6[%add3A_14, %dma_wait3A_102] : memref<10240x16xf32, #tpu.memory_space<vmem_shared>> -> memref<128x16xf32, #tpu.memory_space<vmem_shared>>
      %dma_wait3A_104 = arith.constant 0 : i32
      %dma_wait3A_105 = tpu.memref_slice %arg6[%add3A_14, %dma_wait3A_104] : memref<10240x16xf32, #tpu.memory_space<vmem_shared>> -> memref<128x16xf32, #tpu.memory_space<vmem_shared>>
      tpu.wait_dma2 semaphore(%run_scoped3A : memref<!tpu.dma_semaphore, #tpu.memory_space<semaphore_mem>>) src(%arg5 : memref<128x16xf32, #tpu.memory_space<vmem>>) dst(%dma_wait3A_105 : memref<128x16xf32, #tpu.memory_space<vmem_shared>>)
      tpu.yield
    }) : () -> ()
    %add3A_15 = arith.constant 512 : i32
    %add3A_16 = arith.addi %mul3A_7, %add3A_15 : i32
    "tpu.region"() ({
      %run_scoped3A = tpu.sem_alloc : memref<!tpu.dma_semaphore, #tpu.memory_space<semaphore_mem>>
      %dma_start3A = arith.constant 0 : i32
      %dma_start3A_99 = tpu.memref_slice %arg6[%add3A_16, %dma_start3A] : memref<10240x16xf32, #tpu.memory_space<vmem_shared>> -> memref<128x16xf32, #tpu.memory_space<vmem_shared>>
      %dma_start3A_100 = arith.constant 0 : i32
      %dma_start3A_101 = tpu.memref_slice %arg6[%add3A_16, %dma_start3A_100] : memref<10240x16xf32, #tpu.memory_space<vmem_shared>> -> memref<128x16xf32, #tpu.memory_space<vmem_shared>>
      tpu.enqueue_dma source(%arg5 : memref<128x16xf32, #tpu.memory_space<vmem>>) target(%dma_start3A_101 : memref<128x16xf32, #tpu.memory_space<vmem_shared>>) target_semaphore(%run_scoped3A : memref<!tpu.dma_semaphore, #tpu.memory_space<semaphore_mem>>)
      %dma_wait3A_102 = arith.constant 0 : i32
      %dma_wait3A_103 = tpu.memref_slice %arg6[%add3A_16, %dma_wait3A_102] : memref<10240x16xf32, #tpu.memory_space<vmem_shared>> -> memref<128x16xf32, #tpu.memory_space<vmem_shared>>
      %dma_wait3A_104 = arith.constant 0 : i32
      %dma_wait3A_105 = tpu.memref_slice %arg6[%add3A_16, %dma_wait3A_104] : memref<10240x16xf32, #tpu.memory_space<vmem_shared>> -> memref<128x16xf32, #tpu.memory_space<vmem_shared>>
      tpu.wait_dma2 semaphore(%run_scoped3A : memref<!tpu.dma_semaphore, #tpu.memory_space<semaphore_mem>>) src(%arg5 : memref<128x16xf32, #tpu.memory_space<vmem>>) dst(%dma_wait3A_105 : memref<128x16xf32, #tpu.memory_space<vmem_shared>>)
      tpu.yield
    }) : () -> ()
    %scan3A_17 = arith.constant 0 : i32
    %scan3A_18 = arith.constant 128 : i32
    %scan3A_19 = arith.addi %scan3A_17, %scan3A_18 : i32
    %scan3A_20 = arith.constant 1 : i32
    scf.for %scan3A_99 = %scan3A_17 to %scan3A_19 step %scan3A_20  : i32 {
      %mul3A_100 = arith.constant 1 : i32
      %mul3A_101 = arith.muli %scan3A_99, %mul3A_100 : i32
      %add3A_102 = arith.constant 0 : i32
      %add3A_103 = arith.addi %add3A_102, %mul3A_101 : i32
      %swap3A = arith.index_cast %add3A_103 : i32 to index
      %swap3A_104 = arith.constant 0 : index
      %swap3A_105 = tpu.vector_load %arg5[%swap3A, %swap3A_104] {strides = array<i32>} : memref<128x16xf32, #tpu.memory_space<vmem>>, vector<1x16xf32>,
      %swap3A_106 = vector.shape_cast %swap3A_105 : vector<1x16xf32> to vector<16xf32>
      %swap3A_107 = vector.shape_cast %broadcast_in_dim3A_2 : vector<16xf32> to vector<1x16xf32>
      tpu.vector_store %arg5[%swap3A, %swap3A_104], %swap3A_107 {strides = array<i32>} : memref<128x16xf32, #tpu.memory_space<vmem>>, vector<1x16xf32>,
    }
    %scan3A_21 = arith.constant 128 : i32
    %barrier3A = arith.constant 0 : index
    tpu.barrier barrier_id(%barrier3A)
    %scan3A_22 = arith.constant 0 : i32
    %scan3A_23 = arith.constant 160 : i32
    %scan3A_24 = arith.addi %scan3A_22, %scan3A_23 : i32
    %scan3A_25 = arith.constant 1 : i32
    scf.for %scan3A_99 = %scan3A_22 to %scan3A_24 step %scan3A_25  : i32 {
      %mul3A_100 = arith.constant 1 : i32
      %mul3A_101 = arith.muli %scan3A_99, %mul3A_100 : i32
      %add3A_102 = arith.constant 0 : i32
      %add3A_103 = arith.addi %add3A_102, %mul3A_101 : i32
      %dma_start3A = arith.constant 0 : i32
      %dma_start3A_104 = tpu.memref_slice %arg4[%add3A_103, %dma_start3A] : memref<160x128xi32, #tpu.memory_space<vmem>> -> memref<1x128xi32, #tpu.memory_space<vmem>>
      %dma_start3A_105 = tpu.memref_squeeze %dma_start3A_104 : memref<1x128xi32, #tpu.memory_space<vmem>> -> memref<128xi32, #tpu.memory_space<vmem>>
      %dma_start3A_106 = arith.constant 0 : i32
      %dma_start3A_107 = arith.constant 0 : i32
      %dma_start3A_108 = tpu.memref_slice %arg6[%dma_start3A_106, %dma_start3A_107] : memref<10240x16xf32, #tpu.memory_space<vmem_shared>> -> memref<10240x16xf32, #tpu.memory_space<vmem_shared>>
      tpu.enqueue_indirect_dma source(%arg5 : memref<128x16xf32, #tpu.memory_space<vmem>>) target(%dma_start3A_108 : memref<10240x16xf32, #tpu.memory_space<vmem_shared>>) offsets(%dma_start3A_105 : memref<128xi32, #tpu.memory_space<vmem>>) semaphore(%arg7 : memref<!tpu.dma_semaphore, #tpu.memory_space<semaphore_mem>>) {add = true}
      %ge3A = arith.constant 8 : i32
      %ge3A_109 = arith.cmpi sge, %add3A_103, %ge3A : i32
      %convert_element_type3A = arith.extui %ge3A_109 : i1 to i32
      %cond3A = arith.constant 0 : i32
      %cond3A_110 = arith.cmpi ne, %convert_element_type3A, %cond3A : i32
      scf.if %cond3A_110 {
        %dma_wait3A_111 = arith.constant 0 : i32
        %dma_wait3A_112 = arith.constant 0 : i32
        %dma_wait3A_113 = arith.constant 0 : i32
        %dma_wait3A_114 = tpu.memref_slice %arg3[%dma_wait3A_111, %dma_wait3A_112, %dma_wait3A_113] : memref<2x10240x16xf32, #tpu.memory_space<hbm>> -> memref<1x128x16xf32, #tpu.memory_space<hbm>>
        %dma_wait3A_115 = tpu.memref_squeeze %dma_wait3A_114 : memref<1x128x16xf32, #tpu.memory_space<hbm>> -> memref<128x16xf32, #tpu.memory_space<hbm>>
        %dma_wait3A_116 = arith.constant 0 : i32
        %dma_wait3A_117 = arith.constant 0 : i32
        %dma_wait3A_118 = tpu.memref_slice %arg3[%dma_wait3A_111, %dma_wait3A_116, %dma_wait3A_117] : memref<2x10240x16xf32, #tpu.memory_space<hbm>> -> memref<1x128x16xf32, #tpu.memory_space<hbm>>
        %dma_wait3A_119 = tpu.memref_squeeze %dma_wait3A_118 : memref<1x128x16xf32, #tpu.memory_space<hbm>> -> memref<128x16xf32, #tpu.memory_space<hbm>>
        tpu.wait_dma2 semaphore(%arg7 : memref<!tpu.dma_semaphore, #tpu.memory_space<semaphore_mem>>) src(%dma_wait3A_119 : memref<128x16xf32, #tpu.memory_space<hbm>>) dst(%arg5 : memref<128x16xf32, #tpu.memory_space<vmem>>)
      } else {
      }
    }
    %scan3A_26 = arith.constant 160 : i32
    %dma_wait3A = arith.constant 0 : i32
    %dma_wait3A_27 = arith.constant 0 : i32
    %dma_wait3A_28 = arith.constant 0 : i32
    %dma_wait3A_29 = tpu.memref_slice %arg3[%dma_wait3A, %dma_wait3A_27, %dma_wait3A_28] : memref<2x10240x16xf32, #tpu.memory_space<hbm>> -> memref<1x128x16xf32, #tpu.memory_space<hbm>>
    %dma_wait3A_30 = tpu.memref_squeeze %dma_wait3A_29 : memref<1x128x16xf32, #tpu.memory_space<hbm>> -> memref<128x16xf32, #tpu.memory_space<hbm>>
    %dma_wait3A_31 = arith.constant 0 : i32
    %dma_wait3A_32 = arith.constant 0 : i32
    %dma_wait3A_33 = tpu.memref_slice %arg3[%dma_wait3A, %dma_wait3A_31, %dma_wait3A_32] : memref<2x10240x16xf32, #tpu.memory_space<hbm>> -> memref<1x128x16xf32, #tpu.memory_space<hbm>>
    %dma_wait3A_34 = tpu.memref_squeeze %dma_wait3A_33 : memref<1x128x16xf32, #tpu.memory_space<hbm>> -> memref<128x16xf32, #tpu.memory_space<hbm>>
    tpu.wait_dma2 semaphore(%arg7 : memref<!tpu.dma_semaphore, #tpu.memory_space<semaphore_mem>>) src(%dma_wait3A_34 : memref<128x16xf32, #tpu.memory_space<hbm>>) dst(%arg5 : memref<128x16xf32, #tpu.memory_space<vmem>>)
    %dma_wait3A_35 = arith.constant 0 : i32
    %dma_wait3A_36 = arith.constant 0 : i32
    %dma_wait3A_37 = arith.constant 0 : i32
    %dma_wait3A_38 = tpu.memref_slice %arg3[%dma_wait3A_35, %dma_wait3A_36, %dma_wait3A_37] : memref<2x10240x16xf32, #tpu.memory_space<hbm>> -> memref<1x128x16xf32, #tpu.memory_space<hbm>>
    %dma_wait3A_39 = tpu.memref_squeeze %dma_wait3A_38 : memref<1x128x16xf32, #tpu.memory_space<hbm>> -> memref<128x16xf32, #tpu.memory_space<hbm>>
    %dma_wait3A_40 = arith.constant 0 : i32
    %dma_wait3A_41 = arith.constant 0 : i32
    %dma_wait3A_42 = tpu.memref_slice %arg3[%dma_wait3A_35, %dma_wait3A_40, %dma_wait3A_41] : memref<2x10240x16xf32, #tpu.memory_space<hbm>> -> memref<1x128x16xf32, #tpu.memory_space<hbm>>
    %dma_wait3A_43 = tpu.memref_squeeze %dma_wait3A_42 : memref<1x128x16xf32, #tpu.memory_space<hbm>> -> memref<128x16xf32, #tpu.memory_space<hbm>>
    tpu.wait_dma2 semaphore(%arg7 : memref<!tpu.dma_semaphore, #tpu.memory_space<semaphore_mem>>) src(%dma_wait3A_43 : memref<128x16xf32, #tpu.memory_space<hbm>>) dst(%arg5 : memref<128x16xf32, #tpu.memory_space<vmem>>)
    %dma_wait3A_44 = arith.constant 0 : i32
    %dma_wait3A_45 = arith.constant 0 : i32
    %dma_wait3A_46 = arith.constant 0 : i32
    %dma_wait3A_47 = tpu.memref_slice %arg3[%dma_wait3A_44, %dma_wait3A_45, %dma_wait3A_46] : memref<2x10240x16xf32, #tpu.memory_space<hbm>> -> memref<1x128x16xf32, #tpu.memory_space<hbm>>
    %dma_wait3A_48 = tpu.memref_squeeze %dma_wait3A_47 : memref<1x128x16xf32, #tpu.memory_space<hbm>> -> memref<128x16xf32, #tpu.memory_space<hbm>>
    %dma_wait3A_49 = arith.constant 0 : i32
    %dma_wait3A_50 = arith.constant 0 : i32
    %dma_wait3A_51 = tpu.memref_slice %arg3[%dma_wait3A_44, %dma_wait3A_49, %dma_wait3A_50] : memref<2x10240x16xf32, #tpu.memory_space<hbm>> -> memref<1x128x16xf32, #tpu.memory_space<hbm>>
    %dma_wait3A_52 = tpu.memref_squeeze %dma_wait3A_51 : memref<1x128x16xf32, #tpu.memory_space<hbm>> -> memref<128x16xf32, #tpu.memory_space<hbm>>
    tpu.wait_dma2 semaphore(%arg7 : memref<!tpu.dma_semaphore, #tpu.memory_space<semaphore_mem>>) src(%dma_wait3A_52 : memref<128x16xf32, #tpu.memory_space<hbm>>) dst(%arg5 : memref<128x16xf32, #tpu.memory_space<vmem>>)
    %dma_wait3A_53 = arith.constant 0 : i32
    %dma_wait3A_54 = arith.constant 0 : i32
    %dma_wait3A_55 = arith.constant 0 : i32
    %dma_wait3A_56 = tpu.memref_slice %arg3[%dma_wait3A_53, %dma_wait3A_54, %dma_wait3A_55] : memref<2x10240x16xf32, #tpu.memory_space<hbm>> -> memref<1x128x16xf32, #tpu.memory_space<hbm>>
    %dma_wait3A_57 = tpu.memref_squeeze %dma_wait3A_56 : memref<1x128x16xf32, #tpu.memory_space<hbm>> -> memref<128x16xf32, #tpu.memory_space<hbm>>
    %dma_wait3A_58 = arith.constant 0 : i32
    %dma_wait3A_59 = arith.constant 0 : i32
    %dma_wait3A_60 = tpu.memref_slice %arg3[%dma_wait3A_53, %dma_wait3A_58, %dma_wait3A_59] : memref<2x10240x16xf32, #tpu.memory_space<hbm>> -> memref<1x128x16xf32, #tpu.memory_space<hbm>>
    %dma_wait3A_61 = tpu.memref_squeeze %dma_wait3A_60 : memref<1x128x16xf32, #tpu.memory_space<hbm>> -> memref<128x16xf32, #tpu.memory_space<hbm>>
    tpu.wait_dma2 semaphore(%arg7 : memref<!tpu.dma_semaphore, #tpu.memory_space<semaphore_mem>>) src(%dma_wait3A_61 : memref<128x16xf32, #tpu.memory_space<hbm>>) dst(%arg5 : memref<128x16xf32, #tpu.memory_space<vmem>>)
    %dma_wait3A_62 = arith.constant 0 : i32
    %dma_wait3A_63 = arith.constant 0 : i32
    %dma_wait3A_64 = arith.constant 0 : i32
    %dma_wait3A_65 = tpu.memref_slice %arg3[%dma_wait3A_62, %dma_wait3A_63, %dma_wait3A_64] : memref<2x10240x16xf32, #tpu.memory_space<hbm>> -> memref<1x128x16xf32, #tpu.memory_space<hbm>>
    %dma_wait3A_66 = tpu.memref_squeeze %dma_wait3A_65 : memref<1x128x16xf32, #tpu.memory_space<hbm>> -> memref<128x16xf32, #tpu.memory_space<hbm>>
    %dma_wait3A_67 = arith.constant 0 : i32
    %dma_wait3A_68 = arith.constant 0 : i32
    %dma_wait3A_69 = tpu.memref_slice %arg3[%dma_wait3A_62, %dma_wait3A_67, %dma_wait3A_68] : memref<2x10240x16xf32, #tpu.memory_space<hbm>> -> memref<1x128x16xf32, #tpu.memory_space<hbm>>
    %dma_wait3A_70 = tpu.memref_squeeze %dma_wait3A_69 : memref<1x128x16xf32, #tpu.memory_space<hbm>> -> memref<128x16xf32, #tpu.memory_space<hbm>>
    tpu.wait_dma2 semaphore(%arg7 : memref<!tpu.dma_semaphore, #tpu.memory_space<semaphore_mem>>) src(%dma_wait3A_70 : memref<128x16xf32, #tpu.memory_space<hbm>>) dst(%arg5 : memref<128x16xf32, #tpu.memory_space<vmem>>)
    %dma_wait3A_71 = arith.constant 0 : i32
    %dma_wait3A_72 = arith.constant 0 : i32
    %dma_wait3A_73 = arith.constant 0 : i32
    %dma_wait3A_74 = tpu.memref_slice %arg3[%dma_wait3A_71, %dma_wait3A_72, %dma_wait3A_73] : memref<2x10240x16xf32, #tpu.memory_space<hbm>> -> memref<1x128x16xf32, #tpu.memory_space<hbm>>
    %dma_wait3A_75 = tpu.memref_squeeze %dma_wait3A_74 : memref<1x128x16xf32, #tpu.memory_space<hbm>> -> memref<128x16xf32, #tpu.memory_space<hbm>>
    %dma_wait3A_76 = arith.constant 0 : i32
    %dma_wait3A_77 = arith.constant 0 : i32
    %dma_wait3A_78 = tpu.memref_slice %arg3[%dma_wait3A_71, %dma_wait3A_76, %dma_wait3A_77] : memref<2x10240x16xf32, #tpu.memory_space<hbm>> -> memref<1x128x16xf32, #tpu.memory_space<hbm>>
    %dma_wait3A_79 = tpu.memref_squeeze %dma_wait3A_78 : memref<1x128x16xf32, #tpu.memory_space<hbm>> -> memref<128x16xf32, #tpu.memory_space<hbm>>
    tpu.wait_dma2 semaphore(%arg7 : memref<!tpu.dma_semaphore, #tpu.memory_space<semaphore_mem>>) src(%dma_wait3A_79 : memref<128x16xf32, #tpu.memory_space<hbm>>) dst(%arg5 : memref<128x16xf32, #tpu.memory_space<vmem>>)
    %dma_wait3A_80 = arith.constant 0 : i32
    %dma_wait3A_81 = arith.constant 0 : i32
    %dma_wait3A_82 = arith.constant 0 : i32
    %dma_wait3A_83 = tpu.memref_slice %arg3[%dma_wait3A_80, %dma_wait3A_81, %dma_wait3A_82] : memref<2x10240x16xf32, #tpu.memory_space<hbm>> -> memref<1x128x16xf32, #tpu.memory_space<hbm>>
    %dma_wait3A_84 = tpu.memref_squeeze %dma_wait3A_83 : memref<1x128x16xf32, #tpu.memory_space<hbm>> -> memref<128x16xf32, #tpu.memory_space<hbm>>
    %dma_wait3A_85 = arith.constant 0 : i32
    %dma_wait3A_86 = arith.constant 0 : i32
    %dma_wait3A_87 = tpu.memref_slice %arg3[%dma_wait3A_80, %dma_wait3A_85, %dma_wait3A_86] : memref<2x10240x16xf32, #tpu.memory_space<hbm>> -> memref<1x128x16xf32, #tpu.memory_space<hbm>>
    %dma_wait3A_88 = tpu.memref_squeeze %dma_wait3A_87 : memref<1x128x16xf32, #tpu.memory_space<hbm>> -> memref<128x16xf32, #tpu.memory_space<hbm>>
    tpu.wait_dma2 semaphore(%arg7 : memref<!tpu.dma_semaphore, #tpu.memory_space<semaphore_mem>>) src(%dma_wait3A_88 : memref<128x16xf32, #tpu.memory_space<hbm>>) dst(%arg5 : memref<128x16xf32, #tpu.memory_space<vmem>>)
    %dma_wait3A_89 = arith.constant 0 : i32
    %dma_wait3A_90 = arith.constant 0 : i32
    %dma_wait3A_91 = arith.constant 0 : i32
    %dma_wait3A_92 = tpu.memref_slice %arg3[%dma_wait3A_89, %dma_wait3A_90, %dma_wait3A_91] : memref<2x10240x16xf32, #tpu.memory_space<hbm>> -> memref<1x128x16xf32, #tpu.memory_space<hbm>>
    %dma_wait3A_93 = tpu.memref_squeeze %dma_wait3A_92 : memref<1x128x16xf32, #tpu.memory_space<hbm>> -> memref<128x16xf32, #tpu.memory_space<hbm>>
    %dma_wait3A_94 = arith.constant 0 : i32
    %dma_wait3A_95 = arith.constant 0 : i32
    %dma_wait3A_96 = tpu.memref_slice %arg3[%dma_wait3A_89, %dma_wait3A_94, %dma_wait3A_95] : memref<2x10240x16xf32, #tpu.memory_space<hbm>> -> memref<1x128x16xf32, #tpu.memory_space<hbm>>
    %dma_wait3A_97 = tpu.memref_squeeze %dma_wait3A_96 : memref<1x128x16xf32, #tpu.memory_space<hbm>> -> memref<128x16xf32, #tpu.memory_space<hbm>>
    tpu.wait_dma2 semaphore(%arg7 : memref<!tpu.dma_semaphore, #tpu.memory_space<semaphore_mem>>) src(%dma_wait3A_97 : memref<128x16xf32, #tpu.memory_space<hbm>>) dst(%arg5 : memref<128x16xf32, #tpu.memory_space<vmem>>)
    %barrier3A_98 = arith.constant 0 : index
    tpu.barrier barrier_id(%barrier3A_98)
    "tpu.region"() ({
      %run_scoped3A = tpu.sem_alloc : memref<!tpu.dma_semaphore, #tpu.memory_space<semaphore_mem>>
      %dma_start3A = arith.constant 0 : i32
      %dma_start3A_99 = tpu.memref_slice %arg3[%arg0, %mul3A_7, %dma_start3A] : memref<2x10240x16xf32, #tpu.memory_space<hbm>> -> memref<1x640x16xf32, #tpu.memory_space<hbm>>
      %dma_start3A_100 = tpu.memref_squeeze %dma_start3A_99 : memref<1x640x16xf32, #tpu.memory_space<hbm>> -> memref<640x16xf32, #tpu.memory_space<hbm>>
      %dma_start3A_101 = arith.constant 0 : i32
      %dma_start3A_102 = tpu.memref_slice %arg6[%mul3A_7, %dma_start3A_101] : memref<10240x16xf32, #tpu.memory_space<vmem_shared>> -> memref<640x16xf32, #tpu.memory_space<vmem_shared>>
      tpu.enqueue_dma source(%dma_start3A_102 : memref<640x16xf32, #tpu.memory_space<vmem_shared>>) target(%dma_start3A_100 : memref<640x16xf32, #tpu.memory_space<hbm>>) target_semaphore(%run_scoped3A : memref<!tpu.dma_semaphore, #tpu.memory_space<semaphore_mem>>)
      %dma_wait3A_103 = arith.constant 0 : i32
      %dma_wait3A_104 = tpu.memref_slice %arg3[%arg0, %mul3A_7, %dma_wait3A_103] : memref<2x10240x16xf32, #tpu.memory_space<hbm>> -> memref<1x640x16xf32, #tpu.memory_space<hbm>>
      %dma_wait3A_105 = tpu.memref_squeeze %dma_wait3A_104 : memref<1x640x16xf32, #tpu.memory_space<hbm>> -> memref<640x16xf32, #tpu.memory_space<hbm>>
      %dma_wait3A_106 = arith.constant 0 : i32
      %dma_wait3A_107 = tpu.memref_slice %arg6[%mul3A_7, %dma_wait3A_106] : memref<10240x16xf32, #tpu.memory_space<vmem_shared>> -> memref<640x16xf32, #tpu.memory_space<vmem_shared>>
      tpu.wait_dma2 semaphore(%run_scoped3A : memref<!tpu.dma_semaphore, #tpu.memory_space<semaphore_mem>>) src(%dma_wait3A_107 : memref<640x16xf32, #tpu.memory_space<vmem_shared>>) dst(%dma_wait3A_105 : memref<640x16xf32, #tpu.memory_space<hbm>>)
      tpu.yield
    }) : () -> ()
    return
  }
}

#map = affine_map<(d0, d1) -> (0, 0, 0)>
module attributes {stable_mosaic.version = 14 : i64} {
  func.func @body(%arg0: i32, %arg1: i32, %arg2: memref<2x10240x64xf32, #tpu.memory_space<hbm>>, %arg3: memref<16x160x128xi32, #tpu.memory_space<hbm>>, %arg4: memref<16x160x128xi32, #tpu.memory_space<hbm>>, %arg5: memref<2x10240x64xf32, #tpu.memory_space<hbm>>, %arg6: memref<80x128xi32, #tpu.memory_space<vmem>>, %arg7: memref<80x128xi32, #tpu.memory_space<vmem>>, %arg8: memref<8x128x64xf32, #tpu.memory_space<vmem>>, %arg9: memref<10240x64xf32, #tpu.memory_space<vmem_shared>>, %arg10: memref<!tpu.dma_semaphore, #tpu.memory_space<semaphore_mem>>, %arg11: memref<!tpu.dma_semaphore, #tpu.memory_space<semaphore_mem>>, %arg12: memref<!tpu.dma_semaphore, #tpu.memory_space<semaphore_mem>>, %arg13: memref<!tpu.dma_semaphore, #tpu.memory_space<semaphore_mem>>, %arg14: memref<!tpu.dma_semaphore, #tpu.memory_space<semaphore_mem>>, %arg15: memref<!tpu.dma_semaphore, #tpu.memory_space<semaphore_mem>>, %arg16: memref<!tpu.dma_semaphore, #tpu.memory_space<semaphore_mem>>, %arg17: memref<!tpu.dma_semaphore, #tpu.memory_space<semaphore_mem>>) attributes {dimension_semantics = [#tpu.dimension_semantics<core_parallel>, #tpu.dimension_semantics<subcore_parallel>], iteration_bounds = array<i64: 2, 16>, scalar_prefetch = 0 : i64, scratch_operands = 12 : i64, tpu.core_type = #tpu.core_type<sc_vector_subcore>, window_params = [{transform_indices = #map}, {transform_indices = #map}, {transform_indices = #map}, {transform_indices = #map}]} {
    %broadcast_in_dim3A = arith.constant 0.000000e+00 : f32
    %broadcast_in_dim3A_0 = vector.broadcast %broadcast_in_dim3A : f32 to vector<16xf32>
    %mul3A = arith.constant 640 : i32
    %mul3A_1 = arith.muli %arg1, %mul3A : i32
    %scan3A = arith.constant 0 : i32
    %scan3A_2 = arith.constant 128 : i32
    %scan3A_3 = arith.addi %scan3A, %scan3A_2 : i32
    %scan3A_4 = arith.constant 1 : i32
    scf.for %scan3A_284 = %scan3A to %scan3A_3 step %scan3A_4  : i32 {
      %mul3A_285 = arith.constant 1 : i32
      %mul3A_286 = arith.muli %scan3A_284, %mul3A_285 : i32
      %add3A_287 = arith.constant 0 : i32
      %add3A_288 = arith.addi %add3A_287, %mul3A_286 : i32
      %swap3A = arith.constant 0 : i32
      %swap3A_289 = arith.index_cast %swap3A : i32 to index
      %swap3A_290 = arith.index_cast %add3A_288 : i32 to index
      %swap3A_291 = arith.constant 0 : index
      %swap3A_292 = tpu.vector_load %arg8[%swap3A_289, %swap3A_290, %swap3A_291] {strides = array<i32>} : memref<8x128x64xf32, #tpu.memory_space<vmem>>, vector<1x1x16xf32>,
      %swap3A_293 = vector.shape_cast %swap3A_292 : vector<1x1x16xf32> to vector<16xf32>
      %swap3A_294 = vector.shape_cast %broadcast_in_dim3A_0 : vector<16xf32> to vector<1x1x16xf32>
      tpu.vector_store %arg8[%swap3A_289, %swap3A_290, %swap3A_291], %swap3A_294 {strides = array<i32>} : memref<8x128x64xf32, #tpu.memory_space<vmem>>, vector<1x1x16xf32>,
      %swap3A_295 = arith.constant 0 : i32
      %swap3A_296 = arith.index_cast %swap3A_295 : i32 to index
      %swap3A_297 = arith.index_cast %add3A_288 : i32 to index
      %swap3A_298 = arith.constant 16 : index
      %swap3A_299 = tpu.vector_load %arg8[%swap3A_296, %swap3A_297, %swap3A_298] {strides = array<i32>} : memref<8x128x64xf32, #tpu.memory_space<vmem>>, vector<1x1x16xf32>,
      %swap3A_300 = vector.shape_cast %swap3A_299 : vector<1x1x16xf32> to vector<16xf32>
      %swap3A_301 = vector.shape_cast %broadcast_in_dim3A_0 : vector<16xf32> to vector<1x1x16xf32>
      tpu.vector_store %arg8[%swap3A_296, %swap3A_297, %swap3A_298], %swap3A_301 {strides = array<i32>} : memref<8x128x64xf32, #tpu.memory_space<vmem>>, vector<1x1x16xf32>,
      %swap3A_302 = arith.constant 0 : i32
      %swap3A_303 = arith.index_cast %swap3A_302 : i32 to index
      %swap3A_304 = arith.index_cast %add3A_288 : i32 to index
      %swap3A_305 = arith.constant 32 : index
      %swap3A_306 = tpu.vector_load %arg8[%swap3A_303, %swap3A_304, %swap3A_305] {strides = array<i32>} : memref<8x128x64xf32, #tpu.memory_space<vmem>>, vector<1x1x16xf32>,
      %swap3A_307 = vector.shape_cast %swap3A_306 : vector<1x1x16xf32> to vector<16xf32>
      %swap3A_308 = vector.shape_cast %broadcast_in_dim3A_0 : vector<16xf32> to vector<1x1x16xf32>
      tpu.vector_store %arg8[%swap3A_303, %swap3A_304, %swap3A_305], %swap3A_308 {strides = array<i32>} : memref<8x128x64xf32, #tpu.memory_space<vmem>>, vector<1x1x16xf32>,
      %swap3A_309 = arith.constant 0 : i32
      %swap3A_310 = arith.index_cast %swap3A_309 : i32 to index
      %swap3A_311 = arith.index_cast %add3A_288 : i32 to index
      %swap3A_312 = arith.constant 48 : index
      %swap3A_313 = tpu.vector_load %arg8[%swap3A_310, %swap3A_311, %swap3A_312] {strides = array<i32>} : memref<8x128x64xf32, #tpu.memory_space<vmem>>, vector<1x1x16xf32>,
      %swap3A_314 = vector.shape_cast %swap3A_313 : vector<1x1x16xf32> to vector<16xf32>
      %swap3A_315 = vector.shape_cast %broadcast_in_dim3A_0 : vector<16xf32> to vector<1x1x16xf32>
      tpu.vector_store %arg8[%swap3A_310, %swap3A_311, %swap3A_312], %swap3A_315 {strides = array<i32>} : memref<8x128x64xf32, #tpu.memory_space<vmem>>, vector<1x1x16xf32>,
    }
    %scan3A_5 = arith.constant 128 : i32
    %add3A = arith.constant 0 : i32
    %add3A_6 = arith.addi %mul3A_1, %add3A : i32
    %run_scoped3A = arith.constant 0 : i32
    "tpu.region"() ({
      %run_scoped3A_284 = tpu.sem_alloc : memref<!tpu.dma_semaphore, #tpu.memory_space<semaphore_mem>>
      %dma_start3A_285 = arith.constant 0 : i32
      %dma_start3A_286 = arith.constant 0 : i32
      %dma_start3A_287 = tpu.memref_slice %arg8[%run_scoped3A, %dma_start3A_285, %dma_start3A_286] : memref<8x128x64xf32, #tpu.memory_space<vmem>> -> memref<1x128x64xf32, #tpu.memory_space<vmem>>
      %dma_start3A_288 = tpu.memref_squeeze %dma_start3A_287 : memref<1x128x64xf32, #tpu.memory_space<vmem>> -> memref<128x64xf32, #tpu.memory_space<vmem>>
      %dma_start3A_289 = arith.constant 0 : i32
      %dma_start3A_290 = tpu.memref_slice %arg9[%add3A_6, %dma_start3A_289] : memref<10240x64xf32, #tpu.memory_space<vmem_shared>> -> memref<128x64xf32, #tpu.memory_space<vmem_shared>>
      %dma_start3A_291 = arith.constant 0 : i32
      %dma_start3A_292 = tpu.memref_slice %arg9[%add3A_6, %dma_start3A_291] : memref<10240x64xf32, #tpu.memory_space<vmem_shared>> -> memref<128x64xf32, #tpu.memory_space<vmem_shared>>
      %dma_start3A_293 = arith.constant 0 : i32
      %dma_start3A_294 = arith.constant 0 : i32
      %dma_start3A_295 = tpu.memref_slice %arg8[%run_scoped3A, %dma_start3A_293, %dma_start3A_294] : memref<8x128x64xf32, #tpu.memory_space<vmem>> -> memref<1x128x64xf32, #tpu.memory_space<vmem>>
      %dma_start3A_296 = tpu.memref_squeeze %dma_start3A_295 : memref<1x128x64xf32, #tpu.memory_space<vmem>> -> memref<128x64xf32, #tpu.memory_space<vmem>>
      tpu.enqueue_dma source(%dma_start3A_296 : memref<128x64xf32, #tpu.memory_space<vmem>>) target(%dma_start3A_292 : memref<128x64xf32, #tpu.memory_space<vmem_shared>>) target_semaphore(%run_scoped3A_284 : memref<!tpu.dma_semaphore, #tpu.memory_space<semaphore_mem>>)
      %dma_wait3A_297 = arith.constant 0 : i32
      %dma_wait3A_298 = arith.constant 0 : i32
      %dma_wait3A_299 = tpu.memref_slice %arg8[%run_scoped3A, %dma_wait3A_297, %dma_wait3A_298] : memref<8x128x64xf32, #tpu.memory_space<vmem>> -> memref<1x128x64xf32, #tpu.memory_space<vmem>>
      %dma_wait3A_300 = tpu.memref_squeeze %dma_wait3A_299 : memref<1x128x64xf32, #tpu.memory_space<vmem>> -> memref<128x64xf32, #tpu.memory_space<vmem>>
      %dma_wait3A_301 = arith.constant 0 : i32
      %dma_wait3A_302 = tpu.memref_slice %arg9[%add3A_6, %dma_wait3A_301] : memref<10240x64xf32, #tpu.memory_space<vmem_shared>> -> memref<128x64xf32, #tpu.memory_space<vmem_shared>>
      %dma_wait3A_303 = arith.constant 0 : i32
      %dma_wait3A_304 = tpu.memref_slice %arg9[%add3A_6, %dma_wait3A_303] : memref<10240x64xf32, #tpu.memory_space<vmem_shared>> -> memref<128x64xf32, #tpu.memory_space<vmem_shared>>
      %dma_wait3A_305 = arith.constant 0 : i32
      %dma_wait3A_306 = arith.constant 0 : i32
      %dma_wait3A_307 = tpu.memref_slice %arg8[%run_scoped3A, %dma_wait3A_305, %dma_wait3A_306] : memref<8x128x64xf32, #tpu.memory_space<vmem>> -> memref<1x128x64xf32, #tpu.memory_space<vmem>>
      %dma_wait3A_308 = tpu.memref_squeeze %dma_wait3A_307 : memref<1x128x64xf32, #tpu.memory_space<vmem>> -> memref<128x64xf32, #tpu.memory_space<vmem>>
      tpu.wait_dma2 semaphore(%run_scoped3A_284 : memref<!tpu.dma_semaphore, #tpu.memory_space<semaphore_mem>>) src(%dma_wait3A_308 : memref<128x64xf32, #tpu.memory_space<vmem>>) dst(%dma_wait3A_304 : memref<128x64xf32, #tpu.memory_space<vmem_shared>>)
      tpu.yield
    }) : () -> ()
    %add3A_7 = arith.constant 128 : i32
    %add3A_8 = arith.addi %mul3A_1, %add3A_7 : i32
    %run_scoped3A_9 = arith.constant 0 : i32
    "tpu.region"() ({
      %run_scoped3A_284 = tpu.sem_alloc : memref<!tpu.dma_semaphore, #tpu.memory_space<semaphore_mem>>
      %dma_start3A_285 = arith.constant 0 : i32
      %dma_start3A_286 = arith.constant 0 : i32
      %dma_start3A_287 = tpu.memref_slice %arg8[%run_scoped3A_9, %dma_start3A_285, %dma_start3A_286] : memref<8x128x64xf32, #tpu.memory_space<vmem>> -> memref<1x128x64xf32, #tpu.memory_space<vmem>>
      %dma_start3A_288 = tpu.memref_squeeze %dma_start3A_287 : memref<1x128x64xf32, #tpu.memory_space<vmem>> -> memref<128x64xf32, #tpu.memory_space<vmem>>
      %dma_start3A_289 = arith.constant 0 : i32
      %dma_start3A_290 = tpu.memref_slice %arg9[%add3A_8, %dma_start3A_289] : memref<10240x64xf32, #tpu.memory_space<vmem_shared>> -> memref<128x64xf32, #tpu.memory_space<vmem_shared>>
      %dma_start3A_291 = arith.constant 0 : i32
      %dma_start3A_292 = tpu.memref_slice %arg9[%add3A_8, %dma_start3A_291] : memref<10240x64xf32, #tpu.memory_space<vmem_shared>> -> memref<128x64xf32, #tpu.memory_space<vmem_shared>>
      %dma_start3A_293 = arith.constant 0 : i32
      %dma_start3A_294 = arith.constant 0 : i32
      %dma_start3A_295 = tpu.memref_slice %arg8[%run_scoped3A_9, %dma_start3A_293, %dma_start3A_294] : memref<8x128x64xf32, #tpu.memory_space<vmem>> -> memref<1x128x64xf32, #tpu.memory_space<vmem>>
      %dma_start3A_296 = tpu.memref_squeeze %dma_start3A_295 : memref<1x128x64xf32, #tpu.memory_space<vmem>> -> memref<128x64xf32, #tpu.memory_space<vmem>>
      tpu.enqueue_dma source(%dma_start3A_296 : memref<128x64xf32, #tpu.memory_space<vmem>>) target(%dma_start3A_292 : memref<128x64xf32, #tpu.memory_space<vmem_shared>>) target_semaphore(%run_scoped3A_284 : memref<!tpu.dma_semaphore, #tpu.memory_space<semaphore_mem>>)
      %dma_wait3A_297 = arith.constant 0 : i32
      %dma_wait3A_298 = arith.constant 0 : i32
      %dma_wait3A_299 = tpu.memref_slice %arg8[%run_scoped3A_9, %dma_wait3A_297, %dma_wait3A_298] : memref<8x128x64xf32, #tpu.memory_space<vmem>> -> memref<1x128x64xf32, #tpu.memory_space<vmem>>
      %dma_wait3A_300 = tpu.memref_squeeze %dma_wait3A_299 : memref<1x128x64xf32, #tpu.memory_space<vmem>> -> memref<128x64xf32, #tpu.memory_space<vmem>>
      %dma_wait3A_301 = arith.constant 0 : i32
      %dma_wait3A_302 = tpu.memref_slice %arg9[%add3A_8, %dma_wait3A_301] : memref<10240x64xf32, #tpu.memory_space<vmem_shared>> -> memref<128x64xf32, #tpu.memory_space<vmem_shared>>
      %dma_wait3A_303 = arith.constant 0 : i32
      %dma_wait3A_304 = tpu.memref_slice %arg9[%add3A_8, %dma_wait3A_303] : memref<10240x64xf32, #tpu.memory_space<vmem_shared>> -> memref<128x64xf32, #tpu.memory_space<vmem_shared>>
      %dma_wait3A_305 = arith.constant 0 : i32
      %dma_wait3A_306 = arith.constant 0 : i32
      %dma_wait3A_307 = tpu.memref_slice %arg8[%run_scoped3A_9, %dma_wait3A_305, %dma_wait3A_306] : memref<8x128x64xf32, #tpu.memory_space<vmem>> -> memref<1x128x64xf32, #tpu.memory_space<vmem>>
      %dma_wait3A_308 = tpu.memref_squeeze %dma_wait3A_307 : memref<1x128x64xf32, #tpu.memory_space<vmem>> -> memref<128x64xf32, #tpu.memory_space<vmem>>
      tpu.wait_dma2 semaphore(%run_scoped3A_284 : memref<!tpu.dma_semaphore, #tpu.memory_space<semaphore_mem>>) src(%dma_wait3A_308 : memref<128x64xf32, #tpu.memory_space<vmem>>) dst(%dma_wait3A_304 : memref<128x64xf32, #tpu.memory_space<vmem_shared>>)
      tpu.yield
    }) : () -> ()
    %add3A_10 = arith.constant 256 : i32
    %add3A_11 = arith.addi %mul3A_1, %add3A_10 : i32
    %run_scoped3A_12 = arith.constant 0 : i32
    "tpu.region"() ({
      %run_scoped3A_284 = tpu.sem_alloc : memref<!tpu.dma_semaphore, #tpu.memory_space<semaphore_mem>>
      %dma_start3A_285 = arith.constant 0 : i32
      %dma_start3A_286 = arith.constant 0 : i32
      %dma_start3A_287 = tpu.memref_slice %arg8[%run_scoped3A_12, %dma_start3A_285, %dma_start3A_286] : memref<8x128x64xf32, #tpu.memory_space<vmem>> -> memref<1x128x64xf32, #tpu.memory_space<vmem>>
      %dma_start3A_288 = tpu.memref_squeeze %dma_start3A_287 : memref<1x128x64xf32, #tpu.memory_space<vmem>> -> memref<128x64xf32, #tpu.memory_space<vmem>>
      %dma_start3A_289 = arith.constant 0 : i32
      %dma_start3A_290 = tpu.memref_slice %arg9[%add3A_11, %dma_start3A_289] : memref<10240x64xf32, #tpu.memory_space<vmem_shared>> -> memref<128x64xf32, #tpu.memory_space<vmem_shared>>
      %dma_start3A_291 = arith.constant 0 : i32
      %dma_start3A_292 = tpu.memref_slice %arg9[%add3A_11, %dma_start3A_291] : memref<10240x64xf32, #tpu.memory_space<vmem_shared>> -> memref<128x64xf32, #tpu.memory_space<vmem_shared>>
      %dma_start3A_293 = arith.constant 0 : i32
      %dma_start3A_294 = arith.constant 0 : i32
      %dma_start3A_295 = tpu.memref_slice %arg8[%run_scoped3A_12, %dma_start3A_293, %dma_start3A_294] : memref<8x128x64xf32, #tpu.memory_space<vmem>> -> memref<1x128x64xf32, #tpu.memory_space<vmem>>
      %dma_start3A_296 = tpu.memref_squeeze %dma_start3A_295 : memref<1x128x64xf32, #tpu.memory_space<vmem>> -> memref<128x64xf32, #tpu.memory_space<vmem>>
      tpu.enqueue_dma source(%dma_start3A_296 : memref<128x64xf32, #tpu.memory_space<vmem>>) target(%dma_start3A_292 : memref<128x64xf32, #tpu.memory_space<vmem_shared>>) target_semaphore(%run_scoped3A_284 : memref<!tpu.dma_semaphore, #tpu.memory_space<semaphore_mem>>)
      %dma_wait3A_297 = arith.constant 0 : i32
      %dma_wait3A_298 = arith.constant 0 : i32
      %dma_wait3A_299 = tpu.memref_slice %arg8[%run_scoped3A_12, %dma_wait3A_297, %dma_wait3A_298] : memref<8x128x64xf32, #tpu.memory_space<vmem>> -> memref<1x128x64xf32, #tpu.memory_space<vmem>>
      %dma_wait3A_300 = tpu.memref_squeeze %dma_wait3A_299 : memref<1x128x64xf32, #tpu.memory_space<vmem>> -> memref<128x64xf32, #tpu.memory_space<vmem>>
      %dma_wait3A_301 = arith.constant 0 : i32
      %dma_wait3A_302 = tpu.memref_slice %arg9[%add3A_11, %dma_wait3A_301] : memref<10240x64xf32, #tpu.memory_space<vmem_shared>> -> memref<128x64xf32, #tpu.memory_space<vmem_shared>>
      %dma_wait3A_303 = arith.constant 0 : i32
      %dma_wait3A_304 = tpu.memref_slice %arg9[%add3A_11, %dma_wait3A_303] : memref<10240x64xf32, #tpu.memory_space<vmem_shared>> -> memref<128x64xf32, #tpu.memory_space<vmem_shared>>
      %dma_wait3A_305 = arith.constant 0 : i32
      %dma_wait3A_306 = arith.constant 0 : i32
      %dma_wait3A_307 = tpu.memref_slice %arg8[%run_scoped3A_12, %dma_wait3A_305, %dma_wait3A_306] : memref<8x128x64xf32, #tpu.memory_space<vmem>> -> memref<1x128x64xf32, #tpu.memory_space<vmem>>
      %dma_wait3A_308 = tpu.memref_squeeze %dma_wait3A_307 : memref<1x128x64xf32, #tpu.memory_space<vmem>> -> memref<128x64xf32, #tpu.memory_space<vmem>>
      tpu.wait_dma2 semaphore(%run_scoped3A_284 : memref<!tpu.dma_semaphore, #tpu.memory_space<semaphore_mem>>) src(%dma_wait3A_308 : memref<128x64xf32, #tpu.memory_space<vmem>>) dst(%dma_wait3A_304 : memref<128x64xf32, #tpu.memory_space<vmem_shared>>)
      tpu.yield
    }) : () -> ()
    %add3A_13 = arith.constant 384 : i32
    %add3A_14 = arith.addi %mul3A_1, %add3A_13 : i32
    %run_scoped3A_15 = arith.constant 0 : i32
    "tpu.region"() ({
      %run_scoped3A_284 = tpu.sem_alloc : memref<!tpu.dma_semaphore, #tpu.memory_space<semaphore_mem>>
      %dma_start3A_285 = arith.constant 0 : i32
      %dma_start3A_286 = arith.constant 0 : i32
      %dma_start3A_287 = tpu.memref_slice %arg8[%run_scoped3A_15, %dma_start3A_285, %dma_start3A_286] : memref<8x128x64xf32, #tpu.memory_space<vmem>> -> memref<1x128x64xf32, #tpu.memory_space<vmem>>
      %dma_start3A_288 = tpu.memref_squeeze %dma_start3A_287 : memref<1x128x64xf32, #tpu.memory_space<vmem>> -> memref<128x64xf32, #tpu.memory_space<vmem>>
      %dma_start3A_289 = arith.constant 0 : i32
      %dma_start3A_290 = tpu.memref_slice %arg9[%add3A_14, %dma_start3A_289] : memref<10240x64xf32, #tpu.memory_space<vmem_shared>> -> memref<128x64xf32, #tpu.memory_space<vmem_shared>>
      %dma_start3A_291 = arith.constant 0 : i32
      %dma_start3A_292 = tpu.memref_slice %arg9[%add3A_14, %dma_start3A_291] : memref<10240x64xf32, #tpu.memory_space<vmem_shared>> -> memref<128x64xf32, #tpu.memory_space<vmem_shared>>
      %dma_start3A_293 = arith.constant 0 : i32
      %dma_start3A_294 = arith.constant 0 : i32
      %dma_start3A_295 = tpu.memref_slice %arg8[%run_scoped3A_15, %dma_start3A_293, %dma_start3A_294] : memref<8x128x64xf32, #tpu.memory_space<vmem>> -> memref<1x128x64xf32, #tpu.memory_space<vmem>>
      %dma_start3A_296 = tpu.memref_squeeze %dma_start3A_295 : memref<1x128x64xf32, #tpu.memory_space<vmem>> -> memref<128x64xf32, #tpu.memory_space<vmem>>
      tpu.enqueue_dma source(%dma_start3A_296 : memref<128x64xf32, #tpu.memory_space<vmem>>) target(%dma_start3A_292 : memref<128x64xf32, #tpu.memory_space<vmem_shared>>) target_semaphore(%run_scoped3A_284 : memref<!tpu.dma_semaphore, #tpu.memory_space<semaphore_mem>>)
      %dma_wait3A_297 = arith.constant 0 : i32
      %dma_wait3A_298 = arith.constant 0 : i32
      %dma_wait3A_299 = tpu.memref_slice %arg8[%run_scoped3A_15, %dma_wait3A_297, %dma_wait3A_298] : memref<8x128x64xf32, #tpu.memory_space<vmem>> -> memref<1x128x64xf32, #tpu.memory_space<vmem>>
      %dma_wait3A_300 = tpu.memref_squeeze %dma_wait3A_299 : memref<1x128x64xf32, #tpu.memory_space<vmem>> -> memref<128x64xf32, #tpu.memory_space<vmem>>
      %dma_wait3A_301 = arith.constant 0 : i32
      %dma_wait3A_302 = tpu.memref_slice %arg9[%add3A_14, %dma_wait3A_301] : memref<10240x64xf32, #tpu.memory_space<vmem_shared>> -> memref<128x64xf32, #tpu.memory_space<vmem_shared>>
      %dma_wait3A_303 = arith.constant 0 : i32
      %dma_wait3A_304 = tpu.memref_slice %arg9[%add3A_14, %dma_wait3A_303] : memref<10240x64xf32, #tpu.memory_space<vmem_shared>> -> memref<128x64xf32, #tpu.memory_space<vmem_shared>>
      %dma_wait3A_305 = arith.constant 0 : i32
      %dma_wait3A_306 = arith.constant 0 : i32
      %dma_wait3A_307 = tpu.memref_slice %arg8[%run_scoped3A_15, %dma_wait3A_305, %dma_wait3A_306] : memref<8x128x64xf32, #tpu.memory_space<vmem>> -> memref<1x128x64xf32, #tpu.memory_space<vmem>>
      %dma_wait3A_308 = tpu.memref_squeeze %dma_wait3A_307 : memref<1x128x64xf32, #tpu.memory_space<vmem>> -> memref<128x64xf32, #tpu.memory_space<vmem>>
      tpu.wait_dma2 semaphore(%run_scoped3A_284 : memref<!tpu.dma_semaphore, #tpu.memory_space<semaphore_mem>>) src(%dma_wait3A_308 : memref<128x64xf32, #tpu.memory_space<vmem>>) dst(%dma_wait3A_304 : memref<128x64xf32, #tpu.memory_space<vmem_shared>>)
      tpu.yield
    }) : () -> ()
    %add3A_16 = arith.constant 512 : i32
    %add3A_17 = arith.addi %mul3A_1, %add3A_16 : i32
    %run_scoped3A_18 = arith.constant 0 : i32
    "tpu.region"() ({
      %run_scoped3A_284 = tpu.sem_alloc : memref<!tpu.dma_semaphore, #tpu.memory_space<semaphore_mem>>
      %dma_start3A_285 = arith.constant 0 : i32
      %dma_start3A_286 = arith.constant 0 : i32
      %dma_start3A_287 = tpu.memref_slice %arg8[%run_scoped3A_18, %dma_start3A_285, %dma_start3A_286] : memref<8x128x64xf32, #tpu.memory_space<vmem>> -> memref<1x128x64xf32, #tpu.memory_space<vmem>>
      %dma_start3A_288 = tpu.memref_squeeze %dma_start3A_287 : memref<1x128x64xf32, #tpu.memory_space<vmem>> -> memref<128x64xf32, #tpu.memory_space<vmem>>
      %dma_start3A_289 = arith.constant 0 : i32
      %dma_start3A_290 = tpu.memref_slice %arg9[%add3A_17, %dma_start3A_289] : memref<10240x64xf32, #tpu.memory_space<vmem_shared>> -> memref<128x64xf32, #tpu.memory_space<vmem_shared>>
      %dma_start3A_291 = arith.constant 0 : i32
      %dma_start3A_292 = tpu.memref_slice %arg9[%add3A_17, %dma_start3A_291] : memref<10240x64xf32, #tpu.memory_space<vmem_shared>> -> memref<128x64xf32, #tpu.memory_space<vmem_shared>>
      %dma_start3A_293 = arith.constant 0 : i32
      %dma_start3A_294 = arith.constant 0 : i32
      %dma_start3A_295 = tpu.memref_slice %arg8[%run_scoped3A_18, %dma_start3A_293, %dma_start3A_294] : memref<8x128x64xf32, #tpu.memory_space<vmem>> -> memref<1x128x64xf32, #tpu.memory_space<vmem>>
      %dma_start3A_296 = tpu.memref_squeeze %dma_start3A_295 : memref<1x128x64xf32, #tpu.memory_space<vmem>> -> memref<128x64xf32, #tpu.memory_space<vmem>>
      tpu.enqueue_dma source(%dma_start3A_296 : memref<128x64xf32, #tpu.memory_space<vmem>>) target(%dma_start3A_292 : memref<128x64xf32, #tpu.memory_space<vmem_shared>>) target_semaphore(%run_scoped3A_284 : memref<!tpu.dma_semaphore, #tpu.memory_space<semaphore_mem>>)
      %dma_wait3A_297 = arith.constant 0 : i32
      %dma_wait3A_298 = arith.constant 0 : i32
      %dma_wait3A_299 = tpu.memref_slice %arg8[%run_scoped3A_18, %dma_wait3A_297, %dma_wait3A_298] : memref<8x128x64xf32, #tpu.memory_space<vmem>> -> memref<1x128x64xf32, #tpu.memory_space<vmem>>
      %dma_wait3A_300 = tpu.memref_squeeze %dma_wait3A_299 : memref<1x128x64xf32, #tpu.memory_space<vmem>> -> memref<128x64xf32, #tpu.memory_space<vmem>>
      %dma_wait3A_301 = arith.constant 0 : i32
      %dma_wait3A_302 = tpu.memref_slice %arg9[%add3A_17, %dma_wait3A_301] : memref<10240x64xf32, #tpu.memory_space<vmem_shared>> -> memref<128x64xf32, #tpu.memory_space<vmem_shared>>
      %dma_wait3A_303 = arith.constant 0 : i32
      %dma_wait3A_304 = tpu.memref_slice %arg9[%add3A_17, %dma_wait3A_303] : memref<10240x64xf32, #tpu.memory_space<vmem_shared>> -> memref<128x64xf32, #tpu.memory_space<vmem_shared>>
      %dma_wait3A_305 = arith.constant 0 : i32
      %dma_wait3A_306 = arith.constant 0 : i32
      %dma_wait3A_307 = tpu.memref_slice %arg8[%run_scoped3A_18, %dma_wait3A_305, %dma_wait3A_306] : memref<8x128x64xf32, #tpu.memory_space<vmem>> -> memref<1x128x64xf32, #tpu.memory_space<vmem>>
      %dma_wait3A_308 = tpu.memref_squeeze %dma_wait3A_307 : memref<1x128x64xf32, #tpu.memory_space<vmem>> -> memref<128x64xf32, #tpu.memory_space<vmem>>
      tpu.wait_dma2 semaphore(%run_scoped3A_284 : memref<!tpu.dma_semaphore, #tpu.memory_space<semaphore_mem>>) src(%dma_wait3A_308 : memref<128x64xf32, #tpu.memory_space<vmem>>) dst(%dma_wait3A_304 : memref<128x64xf32, #tpu.memory_space<vmem_shared>>)
      tpu.yield
    }) : () -> ()
    %barrier3A = arith.constant 0 : index
    tpu.barrier barrier_id(%barrier3A)
    "tpu.region"() ({
      %run_scoped3A_284 = tpu.sem_alloc : memref<!tpu.dma_semaphore, #tpu.memory_space<semaphore_mem>>
      %dma_start3A_285 = arith.constant 0 : i32
      %dma_start3A_286 = arith.constant 0 : i32
      %dma_start3A_287 = tpu.memref_slice %arg3[%arg1, %dma_start3A_285, %dma_start3A_286] : memref<16x160x128xi32, #tpu.memory_space<hbm>> -> memref<1x80x128xi32, #tpu.memory_space<hbm>>
      %dma_start3A_288 = tpu.memref_squeeze %dma_start3A_287 : memref<1x80x128xi32, #tpu.memory_space<hbm>> -> memref<80x128xi32, #tpu.memory_space<hbm>>
      %dma_start3A_289 = arith.constant 0 : i32
      %dma_start3A_290 = arith.constant 0 : i32
      %dma_start3A_291 = tpu.memref_slice %arg3[%arg1, %dma_start3A_289, %dma_start3A_290] : memref<16x160x128xi32, #tpu.memory_space<hbm>> -> memref<1x80x128xi32, #tpu.memory_space<hbm>>
      %dma_start3A_292 = tpu.memref_squeeze %dma_start3A_291 : memref<1x80x128xi32, #tpu.memory_space<hbm>> -> memref<80x128xi32, #tpu.memory_space<hbm>>
      tpu.enqueue_dma source(%dma_start3A_292 : memref<80x128xi32, #tpu.memory_space<hbm>>) target(%arg6 : memref<80x128xi32, #tpu.memory_space<vmem>>) target_semaphore(%run_scoped3A_284 : memref<!tpu.dma_semaphore, #tpu.memory_space<semaphore_mem>>)
      %dma_wait3A_293 = arith.constant 0 : i32
      %dma_wait3A_294 = arith.constant 0 : i32
      %dma_wait3A_295 = tpu.memref_slice %arg3[%arg1, %dma_wait3A_293, %dma_wait3A_294] : memref<16x160x128xi32, #tpu.memory_space<hbm>> -> memref<1x80x128xi32, #tpu.memory_space<hbm>>
      %dma_wait3A_296 = tpu.memref_squeeze %dma_wait3A_295 : memref<1x80x128xi32, #tpu.memory_space<hbm>> -> memref<80x128xi32, #tpu.memory_space<hbm>>
      %dma_wait3A_297 = arith.constant 0 : i32
      %dma_wait3A_298 = arith.constant 0 : i32
      %dma_wait3A_299 = tpu.memref_slice %arg3[%arg1, %dma_wait3A_297, %dma_wait3A_298] : memref<16x160x128xi32, #tpu.memory_space<hbm>> -> memref<1x80x128xi32, #tpu.memory_space<hbm>>
      %dma_wait3A_300 = tpu.memref_squeeze %dma_wait3A_299 : memref<1x80x128xi32, #tpu.memory_space<hbm>> -> memref<80x128xi32, #tpu.memory_space<hbm>>
      tpu.wait_dma2 semaphore(%run_scoped3A_284 : memref<!tpu.dma_semaphore, #tpu.memory_space<semaphore_mem>>) src(%dma_wait3A_300 : memref<80x128xi32, #tpu.memory_space<hbm>>) dst(%arg6 : memref<80x128xi32, #tpu.memory_space<vmem>>)
      tpu.yield
    }) : () -> ()
    "tpu.region"() ({
      %run_scoped3A_284 = tpu.sem_alloc : memref<!tpu.dma_semaphore, #tpu.memory_space<semaphore_mem>>
      %dma_start3A_285 = arith.constant 0 : i32
      %dma_start3A_286 = arith.constant 0 : i32
      %dma_start3A_287 = tpu.memref_slice %arg4[%arg1, %dma_start3A_285, %dma_start3A_286] : memref<16x160x128xi32, #tpu.memory_space<hbm>> -> memref<1x80x128xi32, #tpu.memory_space<hbm>>
      %dma_start3A_288 = tpu.memref_squeeze %dma_start3A_287 : memref<1x80x128xi32, #tpu.memory_space<hbm>> -> memref<80x128xi32, #tpu.memory_space<hbm>>
      %dma_start3A_289 = arith.constant 0 : i32
      %dma_start3A_290 = arith.constant 0 : i32
      %dma_start3A_291 = tpu.memref_slice %arg4[%arg1, %dma_start3A_289, %dma_start3A_290] : memref<16x160x128xi32, #tpu.memory_space<hbm>> -> memref<1x80x128xi32, #tpu.memory_space<hbm>>
      %dma_start3A_292 = tpu.memref_squeeze %dma_start3A_291 : memref<1x80x128xi32, #tpu.memory_space<hbm>> -> memref<80x128xi32, #tpu.memory_space<hbm>>
      tpu.enqueue_dma source(%dma_start3A_292 : memref<80x128xi32, #tpu.memory_space<hbm>>) target(%arg7 : memref<80x128xi32, #tpu.memory_space<vmem>>) target_semaphore(%run_scoped3A_284 : memref<!tpu.dma_semaphore, #tpu.memory_space<semaphore_mem>>)
      %dma_wait3A_293 = arith.constant 0 : i32
      %dma_wait3A_294 = arith.constant 0 : i32
      %dma_wait3A_295 = tpu.memref_slice %arg4[%arg1, %dma_wait3A_293, %dma_wait3A_294] : memref<16x160x128xi32, #tpu.memory_space<hbm>> -> memref<1x80x128xi32, #tpu.memory_space<hbm>>
      %dma_wait3A_296 = tpu.memref_squeeze %dma_wait3A_295 : memref<1x80x128xi32, #tpu.memory_space<hbm>> -> memref<80x128xi32, #tpu.memory_space<hbm>>
      %dma_wait3A_297 = arith.constant 0 : i32
      %dma_wait3A_298 = arith.constant 0 : i32
      %dma_wait3A_299 = tpu.memref_slice %arg4[%arg1, %dma_wait3A_297, %dma_wait3A_298] : memref<16x160x128xi32, #tpu.memory_space<hbm>> -> memref<1x80x128xi32, #tpu.memory_space<hbm>>
      %dma_wait3A_300 = tpu.memref_squeeze %dma_wait3A_299 : memref<1x80x128xi32, #tpu.memory_space<hbm>> -> memref<80x128xi32, #tpu.memory_space<hbm>>
      tpu.wait_dma2 semaphore(%run_scoped3A_284 : memref<!tpu.dma_semaphore, #tpu.memory_space<semaphore_mem>>) src(%dma_wait3A_300 : memref<80x128xi32, #tpu.memory_space<hbm>>) dst(%arg7 : memref<80x128xi32, #tpu.memory_space<vmem>>)
      tpu.yield
    }) : () -> ()
    %dma_start3A = arith.constant 0 : i32
    %dma_start3A_19 = arith.constant 0 : i32
    %dma_start3A_20 = arith.constant 0 : i32
    %dma_start3A_21 = arith.constant 0 : i32
    %dma_start3A_22 = tpu.memref_slice %arg8[%dma_start3A_19, %dma_start3A_20, %dma_start3A_21] : memref<8x128x64xf32, #tpu.memory_space<vmem>> -> memref<1x128x64xf32, #tpu.memory_space<vmem>>
    %dma_start3A_23 = tpu.memref_squeeze %dma_start3A_22 : memref<1x128x64xf32, #tpu.memory_space<vmem>> -> memref<128x64xf32, #tpu.memory_space<vmem>>
    %dma_start3A_24 = arith.constant 0 : i32
    %dma_start3A_25 = tpu.memref_slice %arg6[%dma_start3A, %dma_start3A_24] : memref<80x128xi32, #tpu.memory_space<vmem>> -> memref<1x128xi32, #tpu.memory_space<vmem>>
    %dma_start3A_26 = tpu.memref_squeeze %dma_start3A_25 : memref<1x128xi32, #tpu.memory_space<vmem>> -> memref<128xi32, #tpu.memory_space<vmem>>
    %dma_start3A_27 = arith.constant 0 : i32
    %dma_start3A_28 = arith.constant 0 : i32
    %dma_start3A_29 = tpu.memref_slice %arg2[%arg0, %dma_start3A_27, %dma_start3A_28] : memref<2x10240x64xf32, #tpu.memory_space<hbm>> -> memref<1x10240x64xf32, #tpu.memory_space<hbm>>
    %dma_start3A_30 = tpu.memref_squeeze %dma_start3A_29 : memref<1x10240x64xf32, #tpu.memory_space<hbm>> -> memref<10240x64xf32, #tpu.memory_space<hbm>>
    %dma_start3A_31 = arith.constant 0 : i32
    %dma_start3A_32 = arith.constant 0 : i32
    %dma_start3A_33 = tpu.memref_slice %dma_start3A_30[%dma_start3A_31, %dma_start3A_32] : memref<10240x64xf32, #tpu.memory_space<hbm>> -> memref<10240x64xf32, #tpu.memory_space<hbm>>
    tpu.enqueue_indirect_dma source(%dma_start3A_33 : memref<10240x64xf32, #tpu.memory_space<hbm>>) target(%dma_start3A_23 : memref<128x64xf32, #tpu.memory_space<vmem>>) offsets(%dma_start3A_26 : memref<128xi32, #tpu.memory_space<vmem>>) semaphore(%arg10 : memref<!tpu.dma_semaphore, #tpu.memory_space<semaphore_mem>>)
    %dma_start3A_34 = arith.constant 1 : i32
    %dma_start3A_35 = arith.constant 1 : i32
    %dma_start3A_36 = arith.constant 0 : i32
    %dma_start3A_37 = arith.constant 0 : i32
    %dma_start3A_38 = tpu.memref_slice %arg8[%dma_start3A_35, %dma_start3A_36, %dma_start3A_37] : memref<8x128x64xf32, #tpu.memory_space<vmem>> -> memref<1x128x64xf32, #tpu.memory_space<vmem>>
    %dma_start3A_39 = tpu.memref_squeeze %dma_start3A_38 : memref<1x128x64xf32, #tpu.memory_space<vmem>> -> memref<128x64xf32, #tpu.memory_space<vmem>>
    %dma_start3A_40 = arith.constant 0 : i32
    %dma_start3A_41 = tpu.memref_slice %arg6[%dma_start3A_34, %dma_start3A_40] : memref<80x128xi32, #tpu.memory_space<vmem>> -> memref<1x128xi32, #tpu.memory_space<vmem>>
    %dma_start3A_42 = tpu.memref_squeeze %dma_start3A_41 : memref<1x128xi32, #tpu.memory_space<vmem>> -> memref<128xi32, #tpu.memory_space<vmem>>
    %dma_start3A_43 = arith.constant 0 : i32
    %dma_start3A_44 = arith.constant 0 : i32
    %dma_start3A_45 = tpu.memref_slice %arg2[%arg0, %dma_start3A_43, %dma_start3A_44] : memref<2x10240x64xf32, #tpu.memory_space<hbm>> -> memref<1x10240x64xf32, #tpu.memory_space<hbm>>
    %dma_start3A_46 = tpu.memref_squeeze %dma_start3A_45 : memref<1x10240x64xf32, #tpu.memory_space<hbm>> -> memref<10240x64xf32, #tpu.memory_space<hbm>>
    %dma_start3A_47 = arith.constant 0 : i32
    %dma_start3A_48 = arith.constant 0 : i32
    %dma_start3A_49 = tpu.memref_slice %dma_start3A_46[%dma_start3A_47, %dma_start3A_48] : memref<10240x64xf32, #tpu.memory_space<hbm>> -> memref<10240x64xf32, #tpu.memory_space<hbm>>
    tpu.enqueue_indirect_dma source(%dma_start3A_49 : memref<10240x64xf32, #tpu.memory_space<hbm>>) target(%dma_start3A_39 : memref<128x64xf32, #tpu.memory_space<vmem>>) offsets(%dma_start3A_42 : memref<128xi32, #tpu.memory_space<vmem>>) semaphore(%arg11 : memref<!tpu.dma_semaphore, #tpu.memory_space<semaphore_mem>>)
    %dma_start3A_50 = arith.constant 2 : i32
    %dma_start3A_51 = arith.constant 2 : i32
    %dma_start3A_52 = arith.constant 0 : i32
    %dma_start3A_53 = arith.constant 0 : i32
    %dma_start3A_54 = tpu.memref_slice %arg8[%dma_start3A_51, %dma_start3A_52, %dma_start3A_53] : memref<8x128x64xf32, #tpu.memory_space<vmem>> -> memref<1x128x64xf32, #tpu.memory_space<vmem>>
    %dma_start3A_55 = tpu.memref_squeeze %dma_start3A_54 : memref<1x128x64xf32, #tpu.memory_space<vmem>> -> memref<128x64xf32, #tpu.memory_space<vmem>>
    %dma_start3A_56 = arith.constant 0 : i32
    %dma_start3A_57 = tpu.memref_slice %arg6[%dma_start3A_50, %dma_start3A_56] : memref<80x128xi32, #tpu.memory_space<vmem>> -> memref<1x128xi32, #tpu.memory_space<vmem>>
    %dma_start3A_58 = tpu.memref_squeeze %dma_start3A_57 : memref<1x128xi32, #tpu.memory_space<vmem>> -> memref<128xi32, #tpu.memory_space<vmem>>
    %dma_start3A_59 = arith.constant 0 : i32
    %dma_start3A_60 = arith.constant 0 : i32
    %dma_start3A_61 = tpu.memref_slice %arg2[%arg0, %dma_start3A_59, %dma_start3A_60] : memref<2x10240x64xf32, #tpu.memory_space<hbm>> -> memref<1x10240x64xf32, #tpu.memory_space<hbm>>
    %dma_start3A_62 = tpu.memref_squeeze %dma_start3A_61 : memref<1x10240x64xf32, #tpu.memory_space<hbm>> -> memref<10240x64xf32, #tpu.memory_space<hbm>>
    %dma_start3A_63 = arith.constant 0 : i32
    %dma_start3A_64 = arith.constant 0 : i32
    %dma_start3A_65 = tpu.memref_slice %dma_start3A_62[%dma_start3A_63, %dma_start3A_64] : memref<10240x64xf32, #tpu.memory_space<hbm>> -> memref<10240x64xf32, #tpu.memory_space<hbm>>
    tpu.enqueue_indirect_dma source(%dma_start3A_65 : memref<10240x64xf32, #tpu.memory_space<hbm>>) target(%dma_start3A_55 : memref<128x64xf32, #tpu.memory_space<vmem>>) offsets(%dma_start3A_58 : memref<128xi32, #tpu.memory_space<vmem>>) semaphore(%arg12 : memref<!tpu.dma_semaphore, #tpu.memory_space<semaphore_mem>>)
    %dma_start3A_66 = arith.constant 3 : i32
    %dma_start3A_67 = arith.constant 3 : i32
    %dma_start3A_68 = arith.constant 0 : i32
    %dma_start3A_69 = arith.constant 0 : i32
    %dma_start3A_70 = tpu.memref_slice %arg8[%dma_start3A_67, %dma_start3A_68, %dma_start3A_69] : memref<8x128x64xf32, #tpu.memory_space<vmem>> -> memref<1x128x64xf32, #tpu.memory_space<vmem>>
    %dma_start3A_71 = tpu.memref_squeeze %dma_start3A_70 : memref<1x128x64xf32, #tpu.memory_space<vmem>> -> memref<128x64xf32, #tpu.memory_space<vmem>>
    %dma_start3A_72 = arith.constant 0 : i32
    %dma_start3A_73 = tpu.memref_slice %arg6[%dma_start3A_66, %dma_start3A_72] : memref<80x128xi32, #tpu.memory_space<vmem>> -> memref<1x128xi32, #tpu.memory_space<vmem>>
    %dma_start3A_74 = tpu.memref_squeeze %dma_start3A_73 : memref<1x128xi32, #tpu.memory_space<vmem>> -> memref<128xi32, #tpu.memory_space<vmem>>
    %dma_start3A_75 = arith.constant 0 : i32
    %dma_start3A_76 = arith.constant 0 : i32
    %dma_start3A_77 = tpu.memref_slice %arg2[%arg0, %dma_start3A_75, %dma_start3A_76] : memref<2x10240x64xf32, #tpu.memory_space<hbm>> -> memref<1x10240x64xf32, #tpu.memory_space<hbm>>
    %dma_start3A_78 = tpu.memref_squeeze %dma_start3A_77 : memref<1x10240x64xf32, #tpu.memory_space<hbm>> -> memref<10240x64xf32, #tpu.memory_space<hbm>>
    %dma_start3A_79 = arith.constant 0 : i32
    %dma_start3A_80 = arith.constant 0 : i32
    %dma_start3A_81 = tpu.memref_slice %dma_start3A_78[%dma_start3A_79, %dma_start3A_80] : memref<10240x64xf32, #tpu.memory_space<hbm>> -> memref<10240x64xf32, #tpu.memory_space<hbm>>
    tpu.enqueue_indirect_dma source(%dma_start3A_81 : memref<10240x64xf32, #tpu.memory_space<hbm>>) target(%dma_start3A_71 : memref<128x64xf32, #tpu.memory_space<vmem>>) offsets(%dma_start3A_74 : memref<128xi32, #tpu.memory_space<vmem>>) semaphore(%arg13 : memref<!tpu.dma_semaphore, #tpu.memory_space<semaphore_mem>>)
    %scan3A_82 = arith.constant 0 : i32
    %scan3A_83 = arith.constant 10 : i32
    %scan3A_84 = arith.addi %scan3A_82, %scan3A_83 : i32
    %scan3A_85 = arith.constant 1 : i32
    scf.for %scan3A_284 = %scan3A_82 to %scan3A_84 step %scan3A_85  : i32 {
      %mul3A_285 = arith.constant 8 : i32
      %mul3A_286 = arith.muli %scan3A_284, %mul3A_285 : i32
      %add3A_287 = arith.constant 0 : i32
      %add3A_288 = arith.addi %add3A_287, %mul3A_286 : i32
      %add3A_289 = arith.constant 0 : i32
      %add3A_290 = arith.addi %add3A_288, %add3A_289 : i32
      %dma_wait3A_291 = arith.constant 0 : i32
      %dma_wait3A_292 = arith.constant 0 : i32
      %dma_wait3A_293 = arith.constant 0 : i32
      %dma_wait3A_294 = arith.constant 0 : i32
      %dma_wait3A_295 = tpu.memref_slice %arg8[%dma_wait3A_292, %dma_wait3A_293, %dma_wait3A_294] : memref<8x128x64xf32, #tpu.memory_space<vmem>> -> memref<1x128x64xf32, #tpu.memory_space<vmem>>
      %dma_wait3A_296 = tpu.memref_squeeze %dma_wait3A_295 : memref<1x128x64xf32, #tpu.memory_space<vmem>> -> memref<128x64xf32, #tpu.memory_space<vmem>>
      %dma_wait3A_297 = arith.constant 0 : i32
      %dma_wait3A_298 = tpu.memref_slice %arg6[%dma_wait3A_291, %dma_wait3A_297] : memref<80x128xi32, #tpu.memory_space<vmem>> -> memref<1x128xi32, #tpu.memory_space<vmem>>
      %dma_wait3A_299 = tpu.memref_squeeze %dma_wait3A_298 : memref<1x128xi32, #tpu.memory_space<vmem>> -> memref<128xi32, #tpu.memory_space<vmem>>
      %dma_wait3A_300 = arith.constant 0 : i32
      %dma_wait3A_301 = arith.constant 0 : i32
      %dma_wait3A_302 = tpu.memref_slice %arg2[%arg0, %dma_wait3A_300, %dma_wait3A_301] : memref<2x10240x64xf32, #tpu.memory_space<hbm>> -> memref<1x10240x64xf32, #tpu.memory_space<hbm>>
      %dma_wait3A_303 = tpu.memref_squeeze %dma_wait3A_302 : memref<1x10240x64xf32, #tpu.memory_space<hbm>> -> memref<10240x64xf32, #tpu.memory_space<hbm>>
      %dma_wait3A_304 = arith.constant 0 : i32
      %dma_wait3A_305 = arith.constant 0 : i32
      %dma_wait3A_306 = tpu.memref_slice %dma_wait3A_303[%dma_wait3A_304, %dma_wait3A_305] : memref<10240x64xf32, #tpu.memory_space<hbm>> -> memref<10240x64xf32, #tpu.memory_space<hbm>>
      tpu.wait_indirect_dma semaphore(%arg10 : memref<!tpu.dma_semaphore, #tpu.memory_space<semaphore_mem>>) src(%dma_wait3A_306 : memref<10240x64xf32, #tpu.memory_space<hbm>>) dst(%dma_wait3A_296 : memref<128x64xf32, #tpu.memory_space<vmem>>)
      %ge3A = arith.constant 4 : i32
      %ge3A_307 = arith.cmpi sge, %add3A_290, %ge3A : i32
      %convert_element_type3A = arith.extui %ge3A_307 : i1 to i32
      %cond3A = arith.constant 0 : i32
      %cond3A_308 = arith.cmpi ne, %convert_element_type3A, %cond3A : i32
      scf.if %cond3A_308 {
        %dma_wait3A_613 = arith.constant 0 : i32
        %dma_wait3A_614 = arith.constant 4 : i32
        %dma_wait3A_615 = arith.constant 0 : i32
        %dma_wait3A_616 = arith.constant 0 : i32
        %dma_wait3A_617 = tpu.memref_slice %arg8[%dma_wait3A_614, %dma_wait3A_615, %dma_wait3A_616] : memref<8x128x64xf32, #tpu.memory_space<vmem>> -> memref<1x128x64xf32, #tpu.memory_space<vmem>>
        %dma_wait3A_618 = tpu.memref_squeeze %dma_wait3A_617 : memref<1x128x64xf32, #tpu.memory_space<vmem>> -> memref<128x64xf32, #tpu.memory_space<vmem>>
        %dma_wait3A_619 = arith.constant 0 : i32
        %dma_wait3A_620 = tpu.memref_slice %arg6[%dma_wait3A_613, %dma_wait3A_619] : memref<80x128xi32, #tpu.memory_space<vmem>> -> memref<1x128xi32, #tpu.memory_space<vmem>>
        %dma_wait3A_621 = tpu.memref_squeeze %dma_wait3A_620 : memref<1x128xi32, #tpu.memory_space<vmem>> -> memref<128xi32, #tpu.memory_space<vmem>>
        %dma_wait3A_622 = arith.constant 0 : i32
        %dma_wait3A_623 = arith.constant 0 : i32
        %dma_wait3A_624 = tpu.memref_slice %arg2[%arg0, %dma_wait3A_622, %dma_wait3A_623] : memref<2x10240x64xf32, #tpu.memory_space<hbm>> -> memref<1x10240x64xf32, #tpu.memory_space<hbm>>
        %dma_wait3A_625 = tpu.memref_squeeze %dma_wait3A_624 : memref<1x10240x64xf32, #tpu.memory_space<hbm>> -> memref<10240x64xf32, #tpu.memory_space<hbm>>
        %dma_wait3A_626 = arith.constant 0 : i32
        %dma_wait3A_627 = arith.constant 0 : i32
        %dma_wait3A_628 = tpu.memref_slice %dma_wait3A_625[%dma_wait3A_626, %dma_wait3A_627] : memref<10240x64xf32, #tpu.memory_space<hbm>> -> memref<10240x64xf32, #tpu.memory_space<hbm>>
        tpu.wait_indirect_dma semaphore(%arg14 : memref<!tpu.dma_semaphore, #tpu.memory_space<semaphore_mem>>) src(%dma_wait3A_628 : memref<10240x64xf32, #tpu.memory_space<hbm>>) dst(%dma_wait3A_618 : memref<128x64xf32, #tpu.memory_space<vmem>>)
      } else {
      }
      %dma_start3A_309 = arith.constant 0 : i32
      %dma_start3A_310 = arith.constant 0 : i32
      %dma_start3A_311 = arith.constant 0 : i32
      %dma_start3A_312 = tpu.memref_slice %arg8[%dma_start3A_309, %dma_start3A_310, %dma_start3A_311] : memref<8x128x64xf32, #tpu.memory_space<vmem>> -> memref<1x128x64xf32, #tpu.memory_space<vmem>>
      %dma_start3A_313 = tpu.memref_squeeze %dma_start3A_312 : memref<1x128x64xf32, #tpu.memory_space<vmem>> -> memref<128x64xf32, #tpu.memory_space<vmem>>
      %dma_start3A_314 = arith.constant 0 : i32
      %dma_start3A_315 = tpu.memref_slice %arg7[%add3A_290, %dma_start3A_314] : memref<80x128xi32, #tpu.memory_space<vmem>> -> memref<1x128xi32, #tpu.memory_space<vmem>>
      %dma_start3A_316 = tpu.memref_squeeze %dma_start3A_315 : memref<1x128xi32, #tpu.memory_space<vmem>> -> memref<128xi32, #tpu.memory_space<vmem>>
      %dma_start3A_317 = arith.constant 0 : i32
      %dma_start3A_318 = arith.constant 0 : i32
      %dma_start3A_319 = tpu.memref_slice %arg9[%dma_start3A_317, %dma_start3A_318] : memref<10240x64xf32, #tpu.memory_space<vmem_shared>> -> memref<10240x64xf32, #tpu.memory_space<vmem_shared>>
      tpu.enqueue_indirect_dma source(%dma_start3A_313 : memref<128x64xf32, #tpu.memory_space<vmem>>) target(%dma_start3A_319 : memref<10240x64xf32, #tpu.memory_space<vmem_shared>>) offsets(%dma_start3A_316 : memref<128xi32, #tpu.memory_space<vmem>>) semaphore(%arg14 : memref<!tpu.dma_semaphore, #tpu.memory_space<semaphore_mem>>) {add = true}
      %add3A_320 = arith.constant 4 : i32
      %add3A_321 = arith.addi %add3A_290, %add3A_320 : i32
      %lt3A = arith.constant 80 : i32
      %lt3A_322 = arith.cmpi slt, %add3A_321, %lt3A : i32
      %convert_element_type3A_323 = arith.extui %lt3A_322 : i1 to i32
      %cond3A_324 = arith.constant 0 : i32
      %cond3A_325 = arith.cmpi ne, %convert_element_type3A_323, %cond3A_324 : i32
      scf.if %cond3A_325 {
        %add3A_613 = arith.constant 4 : i32
        %add3A_614 = arith.addi %add3A_290, %add3A_613 : i32
        %dma_start3A_615 = arith.constant 4 : i32
        %dma_start3A_616 = arith.constant 0 : i32
        %dma_start3A_617 = arith.constant 0 : i32
        %dma_start3A_618 = tpu.memref_slice %arg8[%dma_start3A_615, %dma_start3A_616, %dma_start3A_617] : memref<8x128x64xf32, #tpu.memory_space<vmem>> -> memref<1x128x64xf32, #tpu.memory_space<vmem>>
        %dma_start3A_619 = tpu.memref_squeeze %dma_start3A_618 : memref<1x128x64xf32, #tpu.memory_space<vmem>> -> memref<128x64xf32, #tpu.memory_space<vmem>>
        %dma_start3A_620 = arith.constant 0 : i32
        %dma_start3A_621 = tpu.memref_slice %arg6[%add3A_614, %dma_start3A_620] : memref<80x128xi32, #tpu.memory_space<vmem>> -> memref<1x128xi32, #tpu.memory_space<vmem>>
        %dma_start3A_622 = tpu.memref_squeeze %dma_start3A_621 : memref<1x128xi32, #tpu.memory_space<vmem>> -> memref<128xi32, #tpu.memory_space<vmem>>
        %dma_start3A_623 = arith.constant 0 : i32
        %dma_start3A_624 = arith.constant 0 : i32
        %dma_start3A_625 = tpu.memref_slice %arg2[%arg0, %dma_start3A_623, %dma_start3A_624] : memref<2x10240x64xf32, #tpu.memory_space<hbm>> -> memref<1x10240x64xf32, #tpu.memory_space<hbm>>
        %dma_start3A_626 = tpu.memref_squeeze %dma_start3A_625 : memref<1x10240x64xf32, #tpu.memory_space<hbm>> -> memref<10240x64xf32, #tpu.memory_space<hbm>>
        %dma_start3A_627 = arith.constant 0 : i32
        %dma_start3A_628 = arith.constant 0 : i32
        %dma_start3A_629 = tpu.memref_slice %dma_start3A_626[%dma_start3A_627, %dma_start3A_628] : memref<10240x64xf32, #tpu.memory_space<hbm>> -> memref<10240x64xf32, #tpu.memory_space<hbm>>
        tpu.enqueue_indirect_dma source(%dma_start3A_629 : memref<10240x64xf32, #tpu.memory_space<hbm>>) target(%dma_start3A_619 : memref<128x64xf32, #tpu.memory_space<vmem>>) offsets(%dma_start3A_622 : memref<128xi32, #tpu.memory_space<vmem>>) semaphore(%arg10 : memref<!tpu.dma_semaphore, #tpu.memory_space<semaphore_mem>>)
      } else {
      }
      %add3A_326 = arith.constant 1 : i32
      %add3A_327 = arith.addi %add3A_288, %add3A_326 : i32
      %dma_wait3A_328 = arith.constant 0 : i32
      %dma_wait3A_329 = arith.constant 1 : i32
      %dma_wait3A_330 = arith.constant 0 : i32
      %dma_wait3A_331 = arith.constant 0 : i32
      %dma_wait3A_332 = tpu.memref_slice %arg8[%dma_wait3A_329, %dma_wait3A_330, %dma_wait3A_331] : memref<8x128x64xf32, #tpu.memory_space<vmem>> -> memref<1x128x64xf32, #tpu.memory_space<vmem>>
      %dma_wait3A_333 = tpu.memref_squeeze %dma_wait3A_332 : memref<1x128x64xf32, #tpu.memory_space<vmem>> -> memref<128x64xf32, #tpu.memory_space<vmem>>
      %dma_wait3A_334 = arith.constant 0 : i32
      %dma_wait3A_335 = tpu.memref_slice %arg6[%dma_wait3A_328, %dma_wait3A_334] : memref<80x128xi32, #tpu.memory_space<vmem>> -> memref<1x128xi32, #tpu.memory_space<vmem>>
      %dma_wait3A_336 = tpu.memref_squeeze %dma_wait3A_335 : memref<1x128xi32, #tpu.memory_space<vmem>> -> memref<128xi32, #tpu.memory_space<vmem>>
      %dma_wait3A_337 = arith.constant 0 : i32
      %dma_wait3A_338 = arith.constant 0 : i32
      %dma_wait3A_339 = tpu.memref_slice %arg2[%arg0, %dma_wait3A_337, %dma_wait3A_338] : memref<2x10240x64xf32, #tpu.memory_space<hbm>> -> memref<1x10240x64xf32, #tpu.memory_space<hbm>>
      %dma_wait3A_340 = tpu.memref_squeeze %dma_wait3A_339 : memref<1x10240x64xf32, #tpu.memory_space<hbm>> -> memref<10240x64xf32, #tpu.memory_space<hbm>>
      %dma_wait3A_341 = arith.constant 0 : i32
      %dma_wait3A_342 = arith.constant 0 : i32
      %dma_wait3A_343 = tpu.memref_slice %dma_wait3A_340[%dma_wait3A_341, %dma_wait3A_342] : memref<10240x64xf32, #tpu.memory_space<hbm>> -> memref<10240x64xf32, #tpu.memory_space<hbm>>
      tpu.wait_indirect_dma semaphore(%arg11 : memref<!tpu.dma_semaphore, #tpu.memory_space<semaphore_mem>>) src(%dma_wait3A_343 : memref<10240x64xf32, #tpu.memory_space<hbm>>) dst(%dma_wait3A_333 : memref<128x64xf32, #tpu.memory_space<vmem>>)
      %ge3A_344 = arith.constant 4 : i32
      %ge3A_345 = arith.cmpi sge, %add3A_327, %ge3A_344 : i32
      %convert_element_type3A_346 = arith.extui %ge3A_345 : i1 to i32
      %cond3A_347 = arith.constant 0 : i32
      %cond3A_348 = arith.cmpi ne, %convert_element_type3A_346, %cond3A_347 : i32
      scf.if %cond3A_348 {
        %dma_wait3A_613 = arith.constant 0 : i32
        %dma_wait3A_614 = arith.constant 5 : i32
        %dma_wait3A_615 = arith.constant 0 : i32
        %dma_wait3A_616 = arith.constant 0 : i32
        %dma_wait3A_617 = tpu.memref_slice %arg8[%dma_wait3A_614, %dma_wait3A_615, %dma_wait3A_616] : memref<8x128x64xf32, #tpu.memory_space<vmem>> -> memref<1x128x64xf32, #tpu.memory_space<vmem>>
        %dma_wait3A_618 = tpu.memref_squeeze %dma_wait3A_617 : memref<1x128x64xf32, #tpu.memory_space<vmem>> -> memref<128x64xf32, #tpu.memory_space<vmem>>
        %dma_wait3A_619 = arith.constant 0 : i32
        %dma_wait3A_620 = tpu.memref_slice %arg6[%dma_wait3A_613, %dma_wait3A_619] : memref<80x128xi32, #tpu.memory_space<vmem>> -> memref<1x128xi32, #tpu.memory_space<vmem>>
        %dma_wait3A_621 = tpu.memref_squeeze %dma_wait3A_620 : memref<1x128xi32, #tpu.memory_space<vmem>> -> memref<128xi32, #tpu.memory_space<vmem>>
        %dma_wait3A_622 = arith.constant 0 : i32
        %dma_wait3A_623 = arith.constant 0 : i32
        %dma_wait3A_624 = tpu.memref_slice %arg2[%arg0, %dma_wait3A_622, %dma_wait3A_623] : memref<2x10240x64xf32, #tpu.memory_space<hbm>> -> memref<1x10240x64xf32, #tpu.memory_space<hbm>>
        %dma_wait3A_625 = tpu.memref_squeeze %dma_wait3A_624 : memref<1x10240x64xf32, #tpu.memory_space<hbm>> -> memref<10240x64xf32, #tpu.memory_space<hbm>>
        %dma_wait3A_626 = arith.constant 0 : i32
        %dma_wait3A_627 = arith.constant 0 : i32
        %dma_wait3A_628 = tpu.memref_slice %dma_wait3A_625[%dma_wait3A_626, %dma_wait3A_627] : memref<10240x64xf32, #tpu.memory_space<hbm>> -> memref<10240x64xf32, #tpu.memory_space<hbm>>
        tpu.wait_indirect_dma semaphore(%arg15 : memref<!tpu.dma_semaphore, #tpu.memory_space<semaphore_mem>>) src(%dma_wait3A_628 : memref<10240x64xf32, #tpu.memory_space<hbm>>) dst(%dma_wait3A_618 : memref<128x64xf32, #tpu.memory_space<vmem>>)
      } else {
      }
      %dma_start3A_349 = arith.constant 1 : i32
      %dma_start3A_350 = arith.constant 0 : i32
      %dma_start3A_351 = arith.constant 0 : i32
      %dma_start3A_352 = tpu.memref_slice %arg8[%dma_start3A_349, %dma_start3A_350, %dma_start3A_351] : memref<8x128x64xf32, #tpu.memory_space<vmem>> -> memref<1x128x64xf32, #tpu.memory_space<vmem>>
      %dma_start3A_353 = tpu.memref_squeeze %dma_start3A_352 : memref<1x128x64xf32, #tpu.memory_space<vmem>> -> memref<128x64xf32, #tpu.memory_space<vmem>>
      %dma_start3A_354 = arith.constant 0 : i32
      %dma_start3A_355 = tpu.memref_slice %arg7[%add3A_327, %dma_start3A_354] : memref<80x128xi32, #tpu.memory_space<vmem>> -> memref<1x128xi32, #tpu.memory_space<vmem>>
      %dma_start3A_356 = tpu.memref_squeeze %dma_start3A_355 : memref<1x128xi32, #tpu.memory_space<vmem>> -> memref<128xi32, #tpu.memory_space<vmem>>
      %dma_start3A_357 = arith.constant 0 : i32
      %dma_start3A_358 = arith.constant 0 : i32
      %dma_start3A_359 = tpu.memref_slice %arg9[%dma_start3A_357, %dma_start3A_358] : memref<10240x64xf32, #tpu.memory_space<vmem_shared>> -> memref<10240x64xf32, #tpu.memory_space<vmem_shared>>
      tpu.enqueue_indirect_dma source(%dma_start3A_353 : memref<128x64xf32, #tpu.memory_space<vmem>>) target(%dma_start3A_359 : memref<10240x64xf32, #tpu.memory_space<vmem_shared>>) offsets(%dma_start3A_356 : memref<128xi32, #tpu.memory_space<vmem>>) semaphore(%arg15 : memref<!tpu.dma_semaphore, #tpu.memory_space<semaphore_mem>>) {add = true}
      %add3A_360 = arith.constant 4 : i32
      %add3A_361 = arith.addi %add3A_327, %add3A_360 : i32
      %lt3A_362 = arith.constant 80 : i32
      %lt3A_363 = arith.cmpi slt, %add3A_361, %lt3A_362 : i32
      %convert_element_type3A_364 = arith.extui %lt3A_363 : i1 to i32
      %cond3A_365 = arith.constant 0 : i32
      %cond3A_366 = arith.cmpi ne, %convert_element_type3A_364, %cond3A_365 : i32
      scf.if %cond3A_366 {
        %add3A_613 = arith.constant 4 : i32
        %add3A_614 = arith.addi %add3A_327, %add3A_613 : i32
        %dma_start3A_615 = arith.constant 5 : i32
        %dma_start3A_616 = arith.constant 0 : i32
        %dma_start3A_617 = arith.constant 0 : i32
        %dma_start3A_618 = tpu.memref_slice %arg8[%dma_start3A_615, %dma_start3A_616, %dma_start3A_617] : memref<8x128x64xf32, #tpu.memory_space<vmem>> -> memref<1x128x64xf32, #tpu.memory_space<vmem>>
        %dma_start3A_619 = tpu.memref_squeeze %dma_start3A_618 : memref<1x128x64xf32, #tpu.memory_space<vmem>> -> memref<128x64xf32, #tpu.memory_space<vmem>>
        %dma_start3A_620 = arith.constant 0 : i32
        %dma_start3A_621 = tpu.memref_slice %arg6[%add3A_614, %dma_start3A_620] : memref<80x128xi32, #tpu.memory_space<vmem>> -> memref<1x128xi32, #tpu.memory_space<vmem>>
        %dma_start3A_622 = tpu.memref_squeeze %dma_start3A_621 : memref<1x128xi32, #tpu.memory_space<vmem>> -> memref<128xi32, #tpu.memory_space<vmem>>
        %dma_start3A_623 = arith.constant 0 : i32
        %dma_start3A_624 = arith.constant 0 : i32
        %dma_start3A_625 = tpu.memref_slice %arg2[%arg0, %dma_start3A_623, %dma_start3A_624] : memref<2x10240x64xf32, #tpu.memory_space<hbm>> -> memref<1x10240x64xf32, #tpu.memory_space<hbm>>
        %dma_start3A_626 = tpu.memref_squeeze %dma_start3A_625 : memref<1x10240x64xf32, #tpu.memory_space<hbm>> -> memref<10240x64xf32, #tpu.memory_space<hbm>>
        %dma_start3A_627 = arith.constant 0 : i32
        %dma_start3A_628 = arith.constant 0 : i32
        %dma_start3A_629 = tpu.memref_slice %dma_start3A_626[%dma_start3A_627, %dma_start3A_628] : memref<10240x64xf32, #tpu.memory_space<hbm>> -> memref<10240x64xf32, #tpu.memory_space<hbm>>
        tpu.enqueue_indirect_dma source(%dma_start3A_629 : memref<10240x64xf32, #tpu.memory_space<hbm>>) target(%dma_start3A_619 : memref<128x64xf32, #tpu.memory_space<vmem>>) offsets(%dma_start3A_622 : memref<128xi32, #tpu.memory_space<vmem>>) semaphore(%arg11 : memref<!tpu.dma_semaphore, #tpu.memory_space<semaphore_mem>>)
      } else {
      }
      %add3A_367 = arith.constant 2 : i32
      %add3A_368 = arith.addi %add3A_288, %add3A_367 : i32
      %dma_wait3A_369 = arith.constant 0 : i32
      %dma_wait3A_370 = arith.constant 2 : i32
      %dma_wait3A_371 = arith.constant 0 : i32
      %dma_wait3A_372 = arith.constant 0 : i32
      %dma_wait3A_373 = tpu.memref_slice %arg8[%dma_wait3A_370, %dma_wait3A_371, %dma_wait3A_372] : memref<8x128x64xf32, #tpu.memory_space<vmem>> -> memref<1x128x64xf32, #tpu.memory_space<vmem>>
      %dma_wait3A_374 = tpu.memref_squeeze %dma_wait3A_373 : memref<1x128x64xf32, #tpu.memory_space<vmem>> -> memref<128x64xf32, #tpu.memory_space<vmem>>
      %dma_wait3A_375 = arith.constant 0 : i32
      %dma_wait3A_376 = tpu.memref_slice %arg6[%dma_wait3A_369, %dma_wait3A_375] : memref<80x128xi32, #tpu.memory_space<vmem>> -> memref<1x128xi32, #tpu.memory_space<vmem>>
      %dma_wait3A_377 = tpu.memref_squeeze %dma_wait3A_376 : memref<1x128xi32, #tpu.memory_space<vmem>> -> memref<128xi32, #tpu.memory_space<vmem>>
      %dma_wait3A_378 = arith.constant 0 : i32
      %dma_wait3A_379 = arith.constant 0 : i32
      %dma_wait3A_380 = tpu.memref_slice %arg2[%arg0, %dma_wait3A_378, %dma_wait3A_379] : memref<2x10240x64xf32, #tpu.memory_space<hbm>> -> memref<1x10240x64xf32, #tpu.memory_space<hbm>>
      %dma_wait3A_381 = tpu.memref_squeeze %dma_wait3A_380 : memref<1x10240x64xf32, #tpu.memory_space<hbm>> -> memref<10240x64xf32, #tpu.memory_space<hbm>>
      %dma_wait3A_382 = arith.constant 0 : i32
      %dma_wait3A_383 = arith.constant 0 : i32
      %dma_wait3A_384 = tpu.memref_slice %dma_wait3A_381[%dma_wait3A_382, %dma_wait3A_383] : memref<10240x64xf32, #tpu.memory_space<hbm>> -> memref<10240x64xf32, #tpu.memory_space<hbm>>
      tpu.wait_indirect_dma semaphore(%arg12 : memref<!tpu.dma_semaphore, #tpu.memory_space<semaphore_mem>>) src(%dma_wait3A_384 : memref<10240x64xf32, #tpu.memory_space<hbm>>) dst(%dma_wait3A_374 : memref<128x64xf32, #tpu.memory_space<vmem>>)
      %ge3A_385 = arith.constant 4 : i32
      %ge3A_386 = arith.cmpi sge, %add3A_368, %ge3A_385 : i32
      %convert_element_type3A_387 = arith.extui %ge3A_386 : i1 to i32
      %cond3A_388 = arith.constant 0 : i32
      %cond3A_389 = arith.cmpi ne, %convert_element_type3A_387, %cond3A_388 : i32
      scf.if %cond3A_389 {
        %dma_wait3A_613 = arith.constant 0 : i32
        %dma_wait3A_614 = arith.constant 6 : i32
        %dma_wait3A_615 = arith.constant 0 : i32
        %dma_wait3A_616 = arith.constant 0 : i32
        %dma_wait3A_617 = tpu.memref_slice %arg8[%dma_wait3A_614, %dma_wait3A_615, %dma_wait3A_616] : memref<8x128x64xf32, #tpu.memory_space<vmem>> -> memref<1x128x64xf32, #tpu.memory_space<vmem>>
        %dma_wait3A_618 = tpu.memref_squeeze %dma_wait3A_617 : memref<1x128x64xf32, #tpu.memory_space<vmem>> -> memref<128x64xf32, #tpu.memory_space<vmem>>
        %dma_wait3A_619 = arith.constant 0 : i32
        %dma_wait3A_620 = tpu.memref_slice %arg6[%dma_wait3A_613, %dma_wait3A_619] : memref<80x128xi32, #tpu.memory_space<vmem>> -> memref<1x128xi32, #tpu.memory_space<vmem>>
        %dma_wait3A_621 = tpu.memref_squeeze %dma_wait3A_620 : memref<1x128xi32, #tpu.memory_space<vmem>> -> memref<128xi32, #tpu.memory_space<vmem>>
        %dma_wait3A_622 = arith.constant 0 : i32
        %dma_wait3A_623 = arith.constant 0 : i32
        %dma_wait3A_624 = tpu.memref_slice %arg2[%arg0, %dma_wait3A_622, %dma_wait3A_623] : memref<2x10240x64xf32, #tpu.memory_space<hbm>> -> memref<1x10240x64xf32, #tpu.memory_space<hbm>>
        %dma_wait3A_625 = tpu.memref_squeeze %dma_wait3A_624 : memref<1x10240x64xf32, #tpu.memory_space<hbm>> -> memref<10240x64xf32, #tpu.memory_space<hbm>>
        %dma_wait3A_626 = arith.constant 0 : i32
        %dma_wait3A_627 = arith.constant 0 : i32
        %dma_wait3A_628 = tpu.memref_slice %dma_wait3A_625[%dma_wait3A_626, %dma_wait3A_627] : memref<10240x64xf32, #tpu.memory_space<hbm>> -> memref<10240x64xf32, #tpu.memory_space<hbm>>
        tpu.wait_indirect_dma semaphore(%arg16 : memref<!tpu.dma_semaphore, #tpu.memory_space<semaphore_mem>>) src(%dma_wait3A_628 : memref<10240x64xf32, #tpu.memory_space<hbm>>) dst(%dma_wait3A_618 : memref<128x64xf32, #tpu.memory_space<vmem>>)
      } else {
      }
      %dma_start3A_390 = arith.constant 2 : i32
      %dma_start3A_391 = arith.constant 0 : i32
      %dma_start3A_392 = arith.constant 0 : i32
      %dma_start3A_393 = tpu.memref_slice %arg8[%dma_start3A_390, %dma_start3A_391, %dma_start3A_392] : memref<8x128x64xf32, #tpu.memory_space<vmem>> -> memref<1x128x64xf32, #tpu.memory_space<vmem>>
      %dma_start3A_394 = tpu.memref_squeeze %dma_start3A_393 : memref<1x128x64xf32, #tpu.memory_space<vmem>> -> memref<128x64xf32, #tpu.memory_space<vmem>>
      %dma_start3A_395 = arith.constant 0 : i32
      %dma_start3A_396 = tpu.memref_slice %arg7[%add3A_368, %dma_start3A_395] : memref<80x128xi32, #tpu.memory_space<vmem>> -> memref<1x128xi32, #tpu.memory_space<vmem>>
      %dma_start3A_397 = tpu.memref_squeeze %dma_start3A_396 : memref<1x128xi32, #tpu.memory_space<vmem>> -> memref<128xi32, #tpu.memory_space<vmem>>
      %dma_start3A_398 = arith.constant 0 : i32
      %dma_start3A_399 = arith.constant 0 : i32
      %dma_start3A_400 = tpu.memref_slice %arg9[%dma_start3A_398, %dma_start3A_399] : memref<10240x64xf32, #tpu.memory_space<vmem_shared>> -> memref<10240x64xf32, #tpu.memory_space<vmem_shared>>
      tpu.enqueue_indirect_dma source(%dma_start3A_394 : memref<128x64xf32, #tpu.memory_space<vmem>>) target(%dma_start3A_400 : memref<10240x64xf32, #tpu.memory_space<vmem_shared>>) offsets(%dma_start3A_397 : memref<128xi32, #tpu.memory_space<vmem>>) semaphore(%arg16 : memref<!tpu.dma_semaphore, #tpu.memory_space<semaphore_mem>>) {add = true}
      %add3A_401 = arith.constant 4 : i32
      %add3A_402 = arith.addi %add3A_368, %add3A_401 : i32
      %lt3A_403 = arith.constant 80 : i32
      %lt3A_404 = arith.cmpi slt, %add3A_402, %lt3A_403 : i32
      %convert_element_type3A_405 = arith.extui %lt3A_404 : i1 to i32
      %cond3A_406 = arith.constant 0 : i32
      %cond3A_407 = arith.cmpi ne, %convert_element_type3A_405, %cond3A_406 : i32
      scf.if %cond3A_407 {
        %add3A_613 = arith.constant 4 : i32
        %add3A_614 = arith.addi %add3A_368, %add3A_613 : i32
        %dma_start3A_615 = arith.constant 6 : i32
        %dma_start3A_616 = arith.constant 0 : i32
        %dma_start3A_617 = arith.constant 0 : i32
        %dma_start3A_618 = tpu.memref_slice %arg8[%dma_start3A_615, %dma_start3A_616, %dma_start3A_617] : memref<8x128x64xf32, #tpu.memory_space<vmem>> -> memref<1x128x64xf32, #tpu.memory_space<vmem>>
        %dma_start3A_619 = tpu.memref_squeeze %dma_start3A_618 : memref<1x128x64xf32, #tpu.memory_space<vmem>> -> memref<128x64xf32, #tpu.memory_space<vmem>>
        %dma_start3A_620 = arith.constant 0 : i32
        %dma_start3A_621 = tpu.memref_slice %arg6[%add3A_614, %dma_start3A_620] : memref<80x128xi32, #tpu.memory_space<vmem>> -> memref<1x128xi32, #tpu.memory_space<vmem>>
        %dma_start3A_622 = tpu.memref_squeeze %dma_start3A_621 : memref<1x128xi32, #tpu.memory_space<vmem>> -> memref<128xi32, #tpu.memory_space<vmem>>
        %dma_start3A_623 = arith.constant 0 : i32
        %dma_start3A_624 = arith.constant 0 : i32
        %dma_start3A_625 = tpu.memref_slice %arg2[%arg0, %dma_start3A_623, %dma_start3A_624] : memref<2x10240x64xf32, #tpu.memory_space<hbm>> -> memref<1x10240x64xf32, #tpu.memory_space<hbm>>
        %dma_start3A_626 = tpu.memref_squeeze %dma_start3A_625 : memref<1x10240x64xf32, #tpu.memory_space<hbm>> -> memref<10240x64xf32, #tpu.memory_space<hbm>>
        %dma_start3A_627 = arith.constant 0 : i32
        %dma_start3A_628 = arith.constant 0 : i32
        %dma_start3A_629 = tpu.memref_slice %dma_start3A_626[%dma_start3A_627, %dma_start3A_628] : memref<10240x64xf32, #tpu.memory_space<hbm>> -> memref<10240x64xf32, #tpu.memory_space<hbm>>
        tpu.enqueue_indirect_dma source(%dma_start3A_629 : memref<10240x64xf32, #tpu.memory_space<hbm>>) target(%dma_start3A_619 : memref<128x64xf32, #tpu.memory_space<vmem>>) offsets(%dma_start3A_622 : memref<128xi32, #tpu.memory_space<vmem>>) semaphore(%arg12 : memref<!tpu.dma_semaphore, #tpu.memory_space<semaphore_mem>>)
      } else {
      }
      %add3A_408 = arith.constant 3 : i32
      %add3A_409 = arith.addi %add3A_288, %add3A_408 : i32
      %dma_wait3A_410 = arith.constant 0 : i32
      %dma_wait3A_411 = arith.constant 3 : i32
      %dma_wait3A_412 = arith.constant 0 : i32
      %dma_wait3A_413 = arith.constant 0 : i32
      %dma_wait3A_414 = tpu.memref_slice %arg8[%dma_wait3A_411, %dma_wait3A_412, %dma_wait3A_413] : memref<8x128x64xf32, #tpu.memory_space<vmem>> -> memref<1x128x64xf32, #tpu.memory_space<vmem>>
      %dma_wait3A_415 = tpu.memref_squeeze %dma_wait3A_414 : memref<1x128x64xf32, #tpu.memory_space<vmem>> -> memref<128x64xf32, #tpu.memory_space<vmem>>
      %dma_wait3A_416 = arith.constant 0 : i32
      %dma_wait3A_417 = tpu.memref_slice %arg6[%dma_wait3A_410, %dma_wait3A_416] : memref<80x128xi32, #tpu.memory_space<vmem>> -> memref<1x128xi32, #tpu.memory_space<vmem>>
      %dma_wait3A_418 = tpu.memref_squeeze %dma_wait3A_417 : memref<1x128xi32, #tpu.memory_space<vmem>> -> memref<128xi32, #tpu.memory_space<vmem>>
      %dma_wait3A_419 = arith.constant 0 : i32
      %dma_wait3A_420 = arith.constant 0 : i32
      %dma_wait3A_421 = tpu.memref_slice %arg2[%arg0, %dma_wait3A_419, %dma_wait3A_420] : memref<2x10240x64xf32, #tpu.memory_space<hbm>> -> memref<1x10240x64xf32, #tpu.memory_space<hbm>>
      %dma_wait3A_422 = tpu.memref_squeeze %dma_wait3A_421 : memref<1x10240x64xf32, #tpu.memory_space<hbm>> -> memref<10240x64xf32, #tpu.memory_space<hbm>>
      %dma_wait3A_423 = arith.constant 0 : i32
      %dma_wait3A_424 = arith.constant 0 : i32
      %dma_wait3A_425 = tpu.memref_slice %dma_wait3A_422[%dma_wait3A_423, %dma_wait3A_424] : memref<10240x64xf32, #tpu.memory_space<hbm>> -> memref<10240x64xf32, #tpu.memory_space<hbm>>
      tpu.wait_indirect_dma semaphore(%arg13 : memref<!tpu.dma_semaphore, #tpu.memory_space<semaphore_mem>>) src(%dma_wait3A_425 : memref<10240x64xf32, #tpu.memory_space<hbm>>) dst(%dma_wait3A_415 : memref<128x64xf32, #tpu.memory_space<vmem>>)
      %ge3A_426 = arith.constant 4 : i32
      %ge3A_427 = arith.cmpi sge, %add3A_409, %ge3A_426 : i32
      %convert_element_type3A_428 = arith.extui %ge3A_427 : i1 to i32
      %cond3A_429 = arith.constant 0 : i32
      %cond3A_430 = arith.cmpi ne, %convert_element_type3A_428, %cond3A_429 : i32
      scf.if %cond3A_430 {
        %dma_wait3A_613 = arith.constant 0 : i32
        %dma_wait3A_614 = arith.constant 7 : i32
        %dma_wait3A_615 = arith.constant 0 : i32
        %dma_wait3A_616 = arith.constant 0 : i32
        %dma_wait3A_617 = tpu.memref_slice %arg8[%dma_wait3A_614, %dma_wait3A_615, %dma_wait3A_616] : memref<8x128x64xf32, #tpu.memory_space<vmem>> -> memref<1x128x64xf32, #tpu.memory_space<vmem>>
        %dma_wait3A_618 = tpu.memref_squeeze %dma_wait3A_617 : memref<1x128x64xf32, #tpu.memory_space<vmem>> -> memref<128x64xf32, #tpu.memory_space<vmem>>
        %dma_wait3A_619 = arith.constant 0 : i32
        %dma_wait3A_620 = tpu.memref_slice %arg6[%dma_wait3A_613, %dma_wait3A_619] : memref<80x128xi32, #tpu.memory_space<vmem>> -> memref<1x128xi32, #tpu.memory_space<vmem>>
        %dma_wait3A_621 = tpu.memref_squeeze %dma_wait3A_620 : memref<1x128xi32, #tpu.memory_space<vmem>> -> memref<128xi32, #tpu.memory_space<vmem>>
        %dma_wait3A_622 = arith.constant 0 : i32
        %dma_wait3A_623 = arith.constant 0 : i32
        %dma_wait3A_624 = tpu.memref_slice %arg2[%arg0, %dma_wait3A_622, %dma_wait3A_623] : memref<2x10240x64xf32, #tpu.memory_space<hbm>> -> memref<1x10240x64xf32, #tpu.memory_space<hbm>>
        %dma_wait3A_625 = tpu.memref_squeeze %dma_wait3A_624 : memref<1x10240x64xf32, #tpu.memory_space<hbm>> -> memref<10240x64xf32, #tpu.memory_space<hbm>>
        %dma_wait3A_626 = arith.constant 0 : i32
        %dma_wait3A_627 = arith.constant 0 : i32
        %dma_wait3A_628 = tpu.memref_slice %dma_wait3A_625[%dma_wait3A_626, %dma_wait3A_627] : memref<10240x64xf32, #tpu.memory_space<hbm>> -> memref<10240x64xf32, #tpu.memory_space<hbm>>
        tpu.wait_indirect_dma semaphore(%arg17 : memref<!tpu.dma_semaphore, #tpu.memory_space<semaphore_mem>>) src(%dma_wait3A_628 : memref<10240x64xf32, #tpu.memory_space<hbm>>) dst(%dma_wait3A_618 : memref<128x64xf32, #tpu.memory_space<vmem>>)
      } else {
      }
      %dma_start3A_431 = arith.constant 3 : i32
      %dma_start3A_432 = arith.constant 0 : i32
      %dma_start3A_433 = arith.constant 0 : i32
      %dma_start3A_434 = tpu.memref_slice %arg8[%dma_start3A_431, %dma_start3A_432, %dma_start3A_433] : memref<8x128x64xf32, #tpu.memory_space<vmem>> -> memref<1x128x64xf32, #tpu.memory_space<vmem>>
      %dma_start3A_435 = tpu.memref_squeeze %dma_start3A_434 : memref<1x128x64xf32, #tpu.memory_space<vmem>> -> memref<128x64xf32, #tpu.memory_space<vmem>>
      %dma_start3A_436 = arith.constant 0 : i32
      %dma_start3A_437 = tpu.memref_slice %arg7[%add3A_409, %dma_start3A_436] : memref<80x128xi32, #tpu.memory_space<vmem>> -> memref<1x128xi32, #tpu.memory_space<vmem>>
      %dma_start3A_438 = tpu.memref_squeeze %dma_start3A_437 : memref<1x128xi32, #tpu.memory_space<vmem>> -> memref<128xi32, #tpu.memory_space<vmem>>
      %dma_start3A_439 = arith.constant 0 : i32
      %dma_start3A_440 = arith.constant 0 : i32
      %dma_start3A_441 = tpu.memref_slice %arg9[%dma_start3A_439, %dma_start3A_440] : memref<10240x64xf32, #tpu.memory_space<vmem_shared>> -> memref<10240x64xf32, #tpu.memory_space<vmem_shared>>
      tpu.enqueue_indirect_dma source(%dma_start3A_435 : memref<128x64xf32, #tpu.memory_space<vmem>>) target(%dma_start3A_441 : memref<10240x64xf32, #tpu.memory_space<vmem_shared>>) offsets(%dma_start3A_438 : memref<128xi32, #tpu.memory_space<vmem>>) semaphore(%arg17 : memref<!tpu.dma_semaphore, #tpu.memory_space<semaphore_mem>>) {add = true}
      %add3A_442 = arith.constant 4 : i32
      %add3A_443 = arith.addi %add3A_409, %add3A_442 : i32
      %lt3A_444 = arith.constant 80 : i32
      %lt3A_445 = arith.cmpi slt, %add3A_443, %lt3A_444 : i32
      %convert_element_type3A_446 = arith.extui %lt3A_445 : i1 to i32
      %cond3A_447 = arith.constant 0 : i32
      %cond3A_448 = arith.cmpi ne, %convert_element_type3A_446, %cond3A_447 : i32
      scf.if %cond3A_448 {
        %add3A_613 = arith.constant 4 : i32
        %add3A_614 = arith.addi %add3A_409, %add3A_613 : i32
        %dma_start3A_615 = arith.constant 7 : i32
        %dma_start3A_616 = arith.constant 0 : i32
        %dma_start3A_617 = arith.constant 0 : i32
        %dma_start3A_618 = tpu.memref_slice %arg8[%dma_start3A_615, %dma_start3A_616, %dma_start3A_617] : memref<8x128x64xf32, #tpu.memory_space<vmem>> -> memref<1x128x64xf32, #tpu.memory_space<vmem>>
        %dma_start3A_619 = tpu.memref_squeeze %dma_start3A_618 : memref<1x128x64xf32, #tpu.memory_space<vmem>> -> memref<128x64xf32, #tpu.memory_space<vmem>>
        %dma_start3A_620 = arith.constant 0 : i32
        %dma_start3A_621 = tpu.memref_slice %arg6[%add3A_614, %dma_start3A_620] : memref<80x128xi32, #tpu.memory_space<vmem>> -> memref<1x128xi32, #tpu.memory_space<vmem>>
        %dma_start3A_622 = tpu.memref_squeeze %dma_start3A_621 : memref<1x128xi32, #tpu.memory_space<vmem>> -> memref<128xi32, #tpu.memory_space<vmem>>
        %dma_start3A_623 = arith.constant 0 : i32
        %dma_start3A_624 = arith.constant 0 : i32
        %dma_start3A_625 = tpu.memref_slice %arg2[%arg0, %dma_start3A_623, %dma_start3A_624] : memref<2x10240x64xf32, #tpu.memory_space<hbm>> -> memref<1x10240x64xf32, #tpu.memory_space<hbm>>
        %dma_start3A_626 = tpu.memref_squeeze %dma_start3A_625 : memref<1x10240x64xf32, #tpu.memory_space<hbm>> -> memref<10240x64xf32, #tpu.memory_space<hbm>>
        %dma_start3A_627 = arith.constant 0 : i32
        %dma_start3A_628 = arith.constant 0 : i32
        %dma_start3A_629 = tpu.memref_slice %dma_start3A_626[%dma_start3A_627, %dma_start3A_628] : memref<10240x64xf32, #tpu.memory_space<hbm>> -> memref<10240x64xf32, #tpu.memory_space<hbm>>
        tpu.enqueue_indirect_dma source(%dma_start3A_629 : memref<10240x64xf32, #tpu.memory_space<hbm>>) target(%dma_start3A_619 : memref<128x64xf32, #tpu.memory_space<vmem>>) offsets(%dma_start3A_622 : memref<128xi32, #tpu.memory_space<vmem>>) semaphore(%arg13 : memref<!tpu.dma_semaphore, #tpu.memory_space<semaphore_mem>>)
      } else {
      }
      %add3A_449 = arith.constant 4 : i32
      %add3A_450 = arith.addi %add3A_288, %add3A_449 : i32
      %dma_wait3A_451 = arith.constant 0 : i32
      %dma_wait3A_452 = arith.constant 4 : i32
      %dma_wait3A_453 = arith.constant 0 : i32
      %dma_wait3A_454 = arith.constant 0 : i32
      %dma_wait3A_455 = tpu.memref_slice %arg8[%dma_wait3A_452, %dma_wait3A_453, %dma_wait3A_454] : memref<8x128x64xf32, #tpu.memory_space<vmem>> -> memref<1x128x64xf32, #tpu.memory_space<vmem>>
      %dma_wait3A_456 = tpu.memref_squeeze %dma_wait3A_455 : memref<1x128x64xf32, #tpu.memory_space<vmem>> -> memref<128x64xf32, #tpu.memory_space<vmem>>
      %dma_wait3A_457 = arith.constant 0 : i32
      %dma_wait3A_458 = tpu.memref_slice %arg6[%dma_wait3A_451, %dma_wait3A_457] : memref<80x128xi32, #tpu.memory_space<vmem>> -> memref<1x128xi32, #tpu.memory_space<vmem>>
      %dma_wait3A_459 = tpu.memref_squeeze %dma_wait3A_458 : memref<1x128xi32, #tpu.memory_space<vmem>> -> memref<128xi32, #tpu.memory_space<vmem>>
      %dma_wait3A_460 = arith.constant 0 : i32
      %dma_wait3A_461 = arith.constant 0 : i32
      %dma_wait3A_462 = tpu.memref_slice %arg2[%arg0, %dma_wait3A_460, %dma_wait3A_461] : memref<2x10240x64xf32, #tpu.memory_space<hbm>> -> memref<1x10240x64xf32, #tpu.memory_space<hbm>>
      %dma_wait3A_463 = tpu.memref_squeeze %dma_wait3A_462 : memref<1x10240x64xf32, #tpu.memory_space<hbm>> -> memref<10240x64xf32, #tpu.memory_space<hbm>>
      %dma_wait3A_464 = arith.constant 0 : i32
      %dma_wait3A_465 = arith.constant 0 : i32
      %dma_wait3A_466 = tpu.memref_slice %dma_wait3A_463[%dma_wait3A_464, %dma_wait3A_465] : memref<10240x64xf32, #tpu.memory_space<hbm>> -> memref<10240x64xf32, #tpu.memory_space<hbm>>
      tpu.wait_indirect_dma semaphore(%arg10 : memref<!tpu.dma_semaphore, #tpu.memory_space<semaphore_mem>>) src(%dma_wait3A_466 : memref<10240x64xf32, #tpu.memory_space<hbm>>) dst(%dma_wait3A_456 : memref<128x64xf32, #tpu.memory_space<vmem>>)
      %ge3A_467 = arith.constant 4 : i32
      %ge3A_468 = arith.cmpi sge, %add3A_450, %ge3A_467 : i32
      %convert_element_type3A_469 = arith.extui %ge3A_468 : i1 to i32
      %cond3A_470 = arith.constant 0 : i32
      %cond3A_471 = arith.cmpi ne, %convert_element_type3A_469, %cond3A_470 : i32
      scf.if %cond3A_471 {
        %dma_wait3A_613 = arith.constant 0 : i32
        %dma_wait3A_614 = arith.constant 0 : i32
        %dma_wait3A_615 = arith.constant 0 : i32
        %dma_wait3A_616 = arith.constant 0 : i32
        %dma_wait3A_617 = tpu.memref_slice %arg8[%dma_wait3A_614, %dma_wait3A_615, %dma_wait3A_616] : memref<8x128x64xf32, #tpu.memory_space<vmem>> -> memref<1x128x64xf32, #tpu.memory_space<vmem>>
        %dma_wait3A_618 = tpu.memref_squeeze %dma_wait3A_617 : memref<1x128x64xf32, #tpu.memory_space<vmem>> -> memref<128x64xf32, #tpu.memory_space<vmem>>
        %dma_wait3A_619 = arith.constant 0 : i32
        %dma_wait3A_620 = tpu.memref_slice %arg6[%dma_wait3A_613, %dma_wait3A_619] : memref<80x128xi32, #tpu.memory_space<vmem>> -> memref<1x128xi32, #tpu.memory_space<vmem>>
        %dma_wait3A_621 = tpu.memref_squeeze %dma_wait3A_620 : memref<1x128xi32, #tpu.memory_space<vmem>> -> memref<128xi32, #tpu.memory_space<vmem>>
        %dma_wait3A_622 = arith.constant 0 : i32
        %dma_wait3A_623 = arith.constant 0 : i32
        %dma_wait3A_624 = tpu.memref_slice %arg2[%arg0, %dma_wait3A_622, %dma_wait3A_623] : memref<2x10240x64xf32, #tpu.memory_space<hbm>> -> memref<1x10240x64xf32, #tpu.memory_space<hbm>>
        %dma_wait3A_625 = tpu.memref_squeeze %dma_wait3A_624 : memref<1x10240x64xf32, #tpu.memory_space<hbm>> -> memref<10240x64xf32, #tpu.memory_space<hbm>>
        %dma_wait3A_626 = arith.constant 0 : i32
        %dma_wait3A_627 = arith.constant 0 : i32
        %dma_wait3A_628 = tpu.memref_slice %dma_wait3A_625[%dma_wait3A_626, %dma_wait3A_627] : memref<10240x64xf32, #tpu.memory_space<hbm>> -> memref<10240x64xf32, #tpu.memory_space<hbm>>
        tpu.wait_indirect_dma semaphore(%arg14 : memref<!tpu.dma_semaphore, #tpu.memory_space<semaphore_mem>>) src(%dma_wait3A_628 : memref<10240x64xf32, #tpu.memory_space<hbm>>) dst(%dma_wait3A_618 : memref<128x64xf32, #tpu.memory_space<vmem>>)
      } else {
      }
      %dma_start3A_472 = arith.constant 4 : i32
      %dma_start3A_473 = arith.constant 0 : i32
      %dma_start3A_474 = arith.constant 0 : i32
      %dma_start3A_475 = tpu.memref_slice %arg8[%dma_start3A_472, %dma_start3A_473, %dma_start3A_474] : memref<8x128x64xf32, #tpu.memory_space<vmem>> -> memref<1x128x64xf32, #tpu.memory_space<vmem>>
      %dma_start3A_476 = tpu.memref_squeeze %dma_start3A_475 : memref<1x128x64xf32, #tpu.memory_space<vmem>> -> memref<128x64xf32, #tpu.memory_space<vmem>>
      %dma_start3A_477 = arith.constant 0 : i32
      %dma_start3A_478 = tpu.memref_slice %arg7[%add3A_450, %dma_start3A_477] : memref<80x128xi32, #tpu.memory_space<vmem>> -> memref<1x128xi32, #tpu.memory_space<vmem>>
      %dma_start3A_479 = tpu.memref_squeeze %dma_start3A_478 : memref<1x128xi32, #tpu.memory_space<vmem>> -> memref<128xi32, #tpu.memory_space<vmem>>
      %dma_start3A_480 = arith.constant 0 : i32
      %dma_start3A_481 = arith.constant 0 : i32
      %dma_start3A_482 = tpu.memref_slice %arg9[%dma_start3A_480, %dma_start3A_481] : memref<10240x64xf32, #tpu.memory_space<vmem_shared>> -> memref<10240x64xf32, #tpu.memory_space<vmem_shared>>
      tpu.enqueue_indirect_dma source(%dma_start3A_476 : memref<128x64xf32, #tpu.memory_space<vmem>>) target(%dma_start3A_482 : memref<10240x64xf32, #tpu.memory_space<vmem_shared>>) offsets(%dma_start3A_479 : memref<128xi32, #tpu.memory_space<vmem>>) semaphore(%arg14 : memref<!tpu.dma_semaphore, #tpu.memory_space<semaphore_mem>>) {add = true}
      %add3A_483 = arith.constant 4 : i32
      %add3A_484 = arith.addi %add3A_450, %add3A_483 : i32
      %lt3A_485 = arith.constant 80 : i32
      %lt3A_486 = arith.cmpi slt, %add3A_484, %lt3A_485 : i32
      %convert_element_type3A_487 = arith.extui %lt3A_486 : i1 to i32
      %cond3A_488 = arith.constant 0 : i32
      %cond3A_489 = arith.cmpi ne, %convert_element_type3A_487, %cond3A_488 : i32
      scf.if %cond3A_489 {
        %add3A_613 = arith.constant 4 : i32
        %add3A_614 = arith.addi %add3A_450, %add3A_613 : i32
        %dma_start3A_615 = arith.constant 0 : i32
        %dma_start3A_616 = arith.constant 0 : i32
        %dma_start3A_617 = arith.constant 0 : i32
        %dma_start3A_618 = tpu.memref_slice %arg8[%dma_start3A_615, %dma_start3A_616, %dma_start3A_617] : memref<8x128x64xf32, #tpu.memory_space<vmem>> -> memref<1x128x64xf32, #tpu.memory_space<vmem>>
        %dma_start3A_619 = tpu.memref_squeeze %dma_start3A_618 : memref<1x128x64xf32, #tpu.memory_space<vmem>> -> memref<128x64xf32, #tpu.memory_space<vmem>>
        %dma_start3A_620 = arith.constant 0 : i32
        %dma_start3A_621 = tpu.memref_slice %arg6[%add3A_614, %dma_start3A_620] : memref<80x128xi32, #tpu.memory_space<vmem>> -> memref<1x128xi32, #tpu.memory_space<vmem>>
        %dma_start3A_622 = tpu.memref_squeeze %dma_start3A_621 : memref<1x128xi32, #tpu.memory_space<vmem>> -> memref<128xi32, #tpu.memory_space<vmem>>
        %dma_start3A_623 = arith.constant 0 : i32
        %dma_start3A_624 = arith.constant 0 : i32
        %dma_start3A_625 = tpu.memref_slice %arg2[%arg0, %dma_start3A_623, %dma_start3A_624] : memref<2x10240x64xf32, #tpu.memory_space<hbm>> -> memref<1x10240x64xf32, #tpu.memory_space<hbm>>
        %dma_start3A_626 = tpu.memref_squeeze %dma_start3A_625 : memref<1x10240x64xf32, #tpu.memory_space<hbm>> -> memref<10240x64xf32, #tpu.memory_space<hbm>>
        %dma_start3A_627 = arith.constant 0 : i32
        %dma_start3A_628 = arith.constant 0 : i32
        %dma_start3A_629 = tpu.memref_slice %dma_start3A_626[%dma_start3A_627, %dma_start3A_628] : memref<10240x64xf32, #tpu.memory_space<hbm>> -> memref<10240x64xf32, #tpu.memory_space<hbm>>
        tpu.enqueue_indirect_dma source(%dma_start3A_629 : memref<10240x64xf32, #tpu.memory_space<hbm>>) target(%dma_start3A_619 : memref<128x64xf32, #tpu.memory_space<vmem>>) offsets(%dma_start3A_622 : memref<128xi32, #tpu.memory_space<vmem>>) semaphore(%arg10 : memref<!tpu.dma_semaphore, #tpu.memory_space<semaphore_mem>>)
      } else {
      }
      %add3A_490 = arith.constant 5 : i32
      %add3A_491 = arith.addi %add3A_288, %add3A_490 : i32
      %dma_wait3A_492 = arith.constant 0 : i32
      %dma_wait3A_493 = arith.constant 5 : i32
      %dma_wait3A_494 = arith.constant 0 : i32
      %dma_wait3A_495 = arith.constant 0 : i32
      %dma_wait3A_496 = tpu.memref_slice %arg8[%dma_wait3A_493, %dma_wait3A_494, %dma_wait3A_495] : memref<8x128x64xf32, #tpu.memory_space<vmem>> -> memref<1x128x64xf32, #tpu.memory_space<vmem>>
      %dma_wait3A_497 = tpu.memref_squeeze %dma_wait3A_496 : memref<1x128x64xf32, #tpu.memory_space<vmem>> -> memref<128x64xf32, #tpu.memory_space<vmem>>
      %dma_wait3A_498 = arith.constant 0 : i32
      %dma_wait3A_499 = tpu.memref_slice %arg6[%dma_wait3A_492, %dma_wait3A_498] : memref<80x128xi32, #tpu.memory_space<vmem>> -> memref<1x128xi32, #tpu.memory_space<vmem>>
      %dma_wait3A_500 = tpu.memref_squeeze %dma_wait3A_499 : memref<1x128xi32, #tpu.memory_space<vmem>> -> memref<128xi32, #tpu.memory_space<vmem>>
      %dma_wait3A_501 = arith.constant 0 : i32
      %dma_wait3A_502 = arith.constant 0 : i32
      %dma_wait3A_503 = tpu.memref_slice %arg2[%arg0, %dma_wait3A_501, %dma_wait3A_502] : memref<2x10240x64xf32, #tpu.memory_space<hbm>> -> memref<1x10240x64xf32, #tpu.memory_space<hbm>>
      %dma_wait3A_504 = tpu.memref_squeeze %dma_wait3A_503 : memref<1x10240x64xf32, #tpu.memory_space<hbm>> -> memref<10240x64xf32, #tpu.memory_space<hbm>>
      %dma_wait3A_505 = arith.constant 0 : i32
      %dma_wait3A_506 = arith.constant 0 : i32
      %dma_wait3A_507 = tpu.memref_slice %dma_wait3A_504[%dma_wait3A_505, %dma_wait3A_506] : memref<10240x64xf32, #tpu.memory_space<hbm>> -> memref<10240x64xf32, #tpu.memory_space<hbm>>
      tpu.wait_indirect_dma semaphore(%arg11 : memref<!tpu.dma_semaphore, #tpu.memory_space<semaphore_mem>>) src(%dma_wait3A_507 : memref<10240x64xf32, #tpu.memory_space<hbm>>) dst(%dma_wait3A_497 : memref<128x64xf32, #tpu.memory_space<vmem>>)
      %ge3A_508 = arith.constant 4 : i32
      %ge3A_509 = arith.cmpi sge, %add3A_491, %ge3A_508 : i32
      %convert_element_type3A_510 = arith.extui %ge3A_509 : i1 to i32
      %cond3A_511 = arith.constant 0 : i32
      %cond3A_512 = arith.cmpi ne, %convert_element_type3A_510, %cond3A_511 : i32
      scf.if %cond3A_512 {
        %dma_wait3A_613 = arith.constant 0 : i32
        %dma_wait3A_614 = arith.constant 1 : i32
        %dma_wait3A_615 = arith.constant 0 : i32
        %dma_wait3A_616 = arith.constant 0 : i32
        %dma_wait3A_617 = tpu.memref_slice %arg8[%dma_wait3A_614, %dma_wait3A_615, %dma_wait3A_616] : memref<8x128x64xf32, #tpu.memory_space<vmem>> -> memref<1x128x64xf32, #tpu.memory_space<vmem>>
        %dma_wait3A_618 = tpu.memref_squeeze %dma_wait3A_617 : memref<1x128x64xf32, #tpu.memory_space<vmem>> -> memref<128x64xf32, #tpu.memory_space<vmem>>
        %dma_wait3A_619 = arith.constant 0 : i32
        %dma_wait3A_620 = tpu.memref_slice %arg6[%dma_wait3A_613, %dma_wait3A_619] : memref<80x128xi32, #tpu.memory_space<vmem>> -> memref<1x128xi32, #tpu.memory_space<vmem>>
        %dma_wait3A_621 = tpu.memref_squeeze %dma_wait3A_620 : memref<1x128xi32, #tpu.memory_space<vmem>> -> memref<128xi32, #tpu.memory_space<vmem>>
        %dma_wait3A_622 = arith.constant 0 : i32
        %dma_wait3A_623 = arith.constant 0 : i32
        %dma_wait3A_624 = tpu.memref_slice %arg2[%arg0, %dma_wait3A_622, %dma_wait3A_623] : memref<2x10240x64xf32, #tpu.memory_space<hbm>> -> memref<1x10240x64xf32, #tpu.memory_space<hbm>>
        %dma_wait3A_625 = tpu.memref_squeeze %dma_wait3A_624 : memref<1x10240x64xf32, #tpu.memory_space<hbm>> -> memref<10240x64xf32, #tpu.memory_space<hbm>>
        %dma_wait3A_626 = arith.constant 0 : i32
        %dma_wait3A_627 = arith.constant 0 : i32
        %dma_wait3A_628 = tpu.memref_slice %dma_wait3A_625[%dma_wait3A_626, %dma_wait3A_627] : memref<10240x64xf32, #tpu.memory_space<hbm>> -> memref<10240x64xf32, #tpu.memory_space<hbm>>
        tpu.wait_indirect_dma semaphore(%arg15 : memref<!tpu.dma_semaphore, #tpu.memory_space<semaphore_mem>>) src(%dma_wait3A_628 : memref<10240x64xf32, #tpu.memory_space<hbm>>) dst(%dma_wait3A_618 : memref<128x64xf32, #tpu.memory_space<vmem>>)
      } else {
      }
      %dma_start3A_513 = arith.constant 5 : i32
      %dma_start3A_514 = arith.constant 0 : i32
      %dma_start3A_515 = arith.constant 0 : i32
      %dma_start3A_516 = tpu.memref_slice %arg8[%dma_start3A_513, %dma_start3A_514, %dma_start3A_515] : memref<8x128x64xf32, #tpu.memory_space<vmem>> -> memref<1x128x64xf32, #tpu.memory_space<vmem>>
      %dma_start3A_517 = tpu.memref_squeeze %dma_start3A_516 : memref<1x128x64xf32, #tpu.memory_space<vmem>> -> memref<128x64xf32, #tpu.memory_space<vmem>>
      %dma_start3A_518 = arith.constant 0 : i32
      %dma_start3A_519 = tpu.memref_slice %arg7[%add3A_491, %dma_start3A_518] : memref<80x128xi32, #tpu.memory_space<vmem>> -> memref<1x128xi32, #tpu.memory_space<vmem>>
      %dma_start3A_520 = tpu.memref_squeeze %dma_start3A_519 : memref<1x128xi32, #tpu.memory_space<vmem>> -> memref<128xi32, #tpu.memory_space<vmem>>
      %dma_start3A_521 = arith.constant 0 : i32
      %dma_start3A_522 = arith.constant 0 : i32
      %dma_start3A_523 = tpu.memref_slice %arg9[%dma_start3A_521, %dma_start3A_522] : memref<10240x64xf32, #tpu.memory_space<vmem_shared>> -> memref<10240x64xf32, #tpu.memory_space<vmem_shared>>
      tpu.enqueue_indirect_dma source(%dma_start3A_517 : memref<128x64xf32, #tpu.memory_space<vmem>>) target(%dma_start3A_523 : memref<10240x64xf32, #tpu.memory_space<vmem_shared>>) offsets(%dma_start3A_520 : memref<128xi32, #tpu.memory_space<vmem>>) semaphore(%arg15 : memref<!tpu.dma_semaphore, #tpu.memory_space<semaphore_mem>>) {add = true}
      %add3A_524 = arith.constant 4 : i32
      %add3A_525 = arith.addi %add3A_491, %add3A_524 : i32
      %lt3A_526 = arith.constant 80 : i32
      %lt3A_527 = arith.cmpi slt, %add3A_525, %lt3A_526 : i32
      %convert_element_type3A_528 = arith.extui %lt3A_527 : i1 to i32
      %cond3A_529 = arith.constant 0 : i32
      %cond3A_530 = arith.cmpi ne, %convert_element_type3A_528, %cond3A_529 : i32
      scf.if %cond3A_530 {
        %add3A_613 = arith.constant 4 : i32
        %add3A_614 = arith.addi %add3A_491, %add3A_613 : i32
        %dma_start3A_615 = arith.constant 1 : i32
        %dma_start3A_616 = arith.constant 0 : i32
        %dma_start3A_617 = arith.constant 0 : i32
        %dma_start3A_618 = tpu.memref_slice %arg8[%dma_start3A_615, %dma_start3A_616, %dma_start3A_617] : memref<8x128x64xf32, #tpu.memory_space<vmem>> -> memref<1x128x64xf32, #tpu.memory_space<vmem>>
        %dma_start3A_619 = tpu.memref_squeeze %dma_start3A_618 : memref<1x128x64xf32, #tpu.memory_space<vmem>> -> memref<128x64xf32, #tpu.memory_space<vmem>>
        %dma_start3A_620 = arith.constant 0 : i32
        %dma_start3A_621 = tpu.memref_slice %arg6[%add3A_614, %dma_start3A_620] : memref<80x128xi32, #tpu.memory_space<vmem>> -> memref<1x128xi32, #tpu.memory_space<vmem>>
        %dma_start3A_622 = tpu.memref_squeeze %dma_start3A_621 : memref<1x128xi32, #tpu.memory_space<vmem>> -> memref<128xi32, #tpu.memory_space<vmem>>
        %dma_start3A_623 = arith.constant 0 : i32
        %dma_start3A_624 = arith.constant 0 : i32
        %dma_start3A_625 = tpu.memref_slice %arg2[%arg0, %dma_start3A_623, %dma_start3A_624] : memref<2x10240x64xf32, #tpu.memory_space<hbm>> -> memref<1x10240x64xf32, #tpu.memory_space<hbm>>
        %dma_start3A_626 = tpu.memref_squeeze %dma_start3A_625 : memref<1x10240x64xf32, #tpu.memory_space<hbm>> -> memref<10240x64xf32, #tpu.memory_space<hbm>>
        %dma_start3A_627 = arith.constant 0 : i32
        %dma_start3A_628 = arith.constant 0 : i32
        %dma_start3A_629 = tpu.memref_slice %dma_start3A_626[%dma_start3A_627, %dma_start3A_628] : memref<10240x64xf32, #tpu.memory_space<hbm>> -> memref<10240x64xf32, #tpu.memory_space<hbm>>
        tpu.enqueue_indirect_dma source(%dma_start3A_629 : memref<10240x64xf32, #tpu.memory_space<hbm>>) target(%dma_start3A_619 : memref<128x64xf32, #tpu.memory_space<vmem>>) offsets(%dma_start3A_622 : memref<128xi32, #tpu.memory_space<vmem>>) semaphore(%arg11 : memref<!tpu.dma_semaphore, #tpu.memory_space<semaphore_mem>>)
      } else {
      }
      %add3A_531 = arith.constant 6 : i32
      %add3A_532 = arith.addi %add3A_288, %add3A_531 : i32
      %dma_wait3A_533 = arith.constant 0 : i32
      %dma_wait3A_534 = arith.constant 6 : i32
      %dma_wait3A_535 = arith.constant 0 : i32
      %dma_wait3A_536 = arith.constant 0 : i32
      %dma_wait3A_537 = tpu.memref_slice %arg8[%dma_wait3A_534, %dma_wait3A_535, %dma_wait3A_536] : memref<8x128x64xf32, #tpu.memory_space<vmem>> -> memref<1x128x64xf32, #tpu.memory_space<vmem>>
      %dma_wait3A_538 = tpu.memref_squeeze %dma_wait3A_537 : memref<1x128x64xf32, #tpu.memory_space<vmem>> -> memref<128x64xf32, #tpu.memory_space<vmem>>
      %dma_wait3A_539 = arith.constant 0 : i32
      %dma_wait3A_540 = tpu.memref_slice %arg6[%dma_wait3A_533, %dma_wait3A_539] : memref<80x128xi32, #tpu.memory_space<vmem>> -> memref<1x128xi32, #tpu.memory_space<vmem>>
      %dma_wait3A_541 = tpu.memref_squeeze %dma_wait3A_540 : memref<1x128xi32, #tpu.memory_space<vmem>> -> memref<128xi32, #tpu.memory_space<vmem>>
      %dma_wait3A_542 = arith.constant 0 : i32
      %dma_wait3A_543 = arith.constant 0 : i32
      %dma_wait3A_544 = tpu.memref_slice %arg2[%arg0, %dma_wait3A_542, %dma_wait3A_543] : memref<2x10240x64xf32, #tpu.memory_space<hbm>> -> memref<1x10240x64xf32, #tpu.memory_space<hbm>>
      %dma_wait3A_545 = tpu.memref_squeeze %dma_wait3A_544 : memref<1x10240x64xf32, #tpu.memory_space<hbm>> -> memref<10240x64xf32, #tpu.memory_space<hbm>>
      %dma_wait3A_546 = arith.constant 0 : i32
      %dma_wait3A_547 = arith.constant 0 : i32
      %dma_wait3A_548 = tpu.memref_slice %dma_wait3A_545[%dma_wait3A_546, %dma_wait3A_547] : memref<10240x64xf32, #tpu.memory_space<hbm>> -> memref<10240x64xf32, #tpu.memory_space<hbm>>
      tpu.wait_indirect_dma semaphore(%arg12 : memref<!tpu.dma_semaphore, #tpu.memory_space<semaphore_mem>>) src(%dma_wait3A_548 : memref<10240x64xf32, #tpu.memory_space<hbm>>) dst(%dma_wait3A_538 : memref<128x64xf32, #tpu.memory_space<vmem>>)
      %ge3A_549 = arith.constant 4 : i32
      %ge3A_550 = arith.cmpi sge, %add3A_532, %ge3A_549 : i32
      %convert_element_type3A_551 = arith.extui %ge3A_550 : i1 to i32
      %cond3A_552 = arith.constant 0 : i32
      %cond3A_553 = arith.cmpi ne, %convert_element_type3A_551, %cond3A_552 : i32
      scf.if %cond3A_553 {
        %dma_wait3A_613 = arith.constant 0 : i32
        %dma_wait3A_614 = arith.constant 2 : i32
        %dma_wait3A_615 = arith.constant 0 : i32
        %dma_wait3A_616 = arith.constant 0 : i32
        %dma_wait3A_617 = tpu.memref_slice %arg8[%dma_wait3A_614, %dma_wait3A_615, %dma_wait3A_616] : memref<8x128x64xf32, #tpu.memory_space<vmem>> -> memref<1x128x64xf32, #tpu.memory_space<vmem>>
        %dma_wait3A_618 = tpu.memref_squeeze %dma_wait3A_617 : memref<1x128x64xf32, #tpu.memory_space<vmem>> -> memref<128x64xf32, #tpu.memory_space<vmem>>
        %dma_wait3A_619 = arith.constant 0 : i32
        %dma_wait3A_620 = tpu.memref_slice %arg6[%dma_wait3A_613, %dma_wait3A_619] : memref<80x128xi32, #tpu.memory_space<vmem>> -> memref<1x128xi32, #tpu.memory_space<vmem>>
        %dma_wait3A_621 = tpu.memref_squeeze %dma_wait3A_620 : memref<1x128xi32, #tpu.memory_space<vmem>> -> memref<128xi32, #tpu.memory_space<vmem>>
        %dma_wait3A_622 = arith.constant 0 : i32
        %dma_wait3A_623 = arith.constant 0 : i32
        %dma_wait3A_624 = tpu.memref_slice %arg2[%arg0, %dma_wait3A_622, %dma_wait3A_623] : memref<2x10240x64xf32, #tpu.memory_space<hbm>> -> memref<1x10240x64xf32, #tpu.memory_space<hbm>>
        %dma_wait3A_625 = tpu.memref_squeeze %dma_wait3A_624 : memref<1x10240x64xf32, #tpu.memory_space<hbm>> -> memref<10240x64xf32, #tpu.memory_space<hbm>>
        %dma_wait3A_626 = arith.constant 0 : i32
        %dma_wait3A_627 = arith.constant 0 : i32
        %dma_wait3A_628 = tpu.memref_slice %dma_wait3A_625[%dma_wait3A_626, %dma_wait3A_627] : memref<10240x64xf32, #tpu.memory_space<hbm>> -> memref<10240x64xf32, #tpu.memory_space<hbm>>
        tpu.wait_indirect_dma semaphore(%arg16 : memref<!tpu.dma_semaphore, #tpu.memory_space<semaphore_mem>>) src(%dma_wait3A_628 : memref<10240x64xf32, #tpu.memory_space<hbm>>) dst(%dma_wait3A_618 : memref<128x64xf32, #tpu.memory_space<vmem>>)
      } else {
      }
      %dma_start3A_554 = arith.constant 6 : i32
      %dma_start3A_555 = arith.constant 0 : i32
      %dma_start3A_556 = arith.constant 0 : i32
      %dma_start3A_557 = tpu.memref_slice %arg8[%dma_start3A_554, %dma_start3A_555, %dma_start3A_556] : memref<8x128x64xf32, #tpu.memory_space<vmem>> -> memref<1x128x64xf32, #tpu.memory_space<vmem>>
      %dma_start3A_558 = tpu.memref_squeeze %dma_start3A_557 : memref<1x128x64xf32, #tpu.memory_space<vmem>> -> memref<128x64xf32, #tpu.memory_space<vmem>>
      %dma_start3A_559 = arith.constant 0 : i32
      %dma_start3A_560 = tpu.memref_slice %arg7[%add3A_532, %dma_start3A_559] : memref<80x128xi32, #tpu.memory_space<vmem>> -> memref<1x128xi32, #tpu.memory_space<vmem>>
      %dma_start3A_561 = tpu.memref_squeeze %dma_start3A_560 : memref<1x128xi32, #tpu.memory_space<vmem>> -> memref<128xi32, #tpu.memory_space<vmem>>
      %dma_start3A_562 = arith.constant 0 : i32
      %dma_start3A_563 = arith.constant 0 : i32
      %dma_start3A_564 = tpu.memref_slice %arg9[%dma_start3A_562, %dma_start3A_563] : memref<10240x64xf32, #tpu.memory_space<vmem_shared>> -> memref<10240x64xf32, #tpu.memory_space<vmem_shared>>
      tpu.enqueue_indirect_dma source(%dma_start3A_558 : memref<128x64xf32, #tpu.memory_space<vmem>>) target(%dma_start3A_564 : memref<10240x64xf32, #tpu.memory_space<vmem_shared>>) offsets(%dma_start3A_561 : memref<128xi32, #tpu.memory_space<vmem>>) semaphore(%arg16 : memref<!tpu.dma_semaphore, #tpu.memory_space<semaphore_mem>>) {add = true}
      %add3A_565 = arith.constant 4 : i32
      %add3A_566 = arith.addi %add3A_532, %add3A_565 : i32
      %lt3A_567 = arith.constant 80 : i32
      %lt3A_568 = arith.cmpi slt, %add3A_566, %lt3A_567 : i32
      %convert_element_type3A_569 = arith.extui %lt3A_568 : i1 to i32
      %cond3A_570 = arith.constant 0 : i32
      %cond3A_571 = arith.cmpi ne, %convert_element_type3A_569, %cond3A_570 : i32
      scf.if %cond3A_571 {
        %add3A_613 = arith.constant 4 : i32
        %add3A_614 = arith.addi %add3A_532, %add3A_613 : i32
        %dma_start3A_615 = arith.constant 2 : i32
        %dma_start3A_616 = arith.constant 0 : i32
        %dma_start3A_617 = arith.constant 0 : i32
        %dma_start3A_618 = tpu.memref_slice %arg8[%dma_start3A_615, %dma_start3A_616, %dma_start3A_617] : memref<8x128x64xf32, #tpu.memory_space<vmem>> -> memref<1x128x64xf32, #tpu.memory_space<vmem>>
        %dma_start3A_619 = tpu.memref_squeeze %dma_start3A_618 : memref<1x128x64xf32, #tpu.memory_space<vmem>> -> memref<128x64xf32, #tpu.memory_space<vmem>>
        %dma_start3A_620 = arith.constant 0 : i32
        %dma_start3A_621 = tpu.memref_slice %arg6[%add3A_614, %dma_start3A_620] : memref<80x128xi32, #tpu.memory_space<vmem>> -> memref<1x128xi32, #tpu.memory_space<vmem>>
        %dma_start3A_622 = tpu.memref_squeeze %dma_start3A_621 : memref<1x128xi32, #tpu.memory_space<vmem>> -> memref<128xi32, #tpu.memory_space<vmem>>
        %dma_start3A_623 = arith.constant 0 : i32
        %dma_start3A_624 = arith.constant 0 : i32
        %dma_start3A_625 = tpu.memref_slice %arg2[%arg0, %dma_start3A_623, %dma_start3A_624] : memref<2x10240x64xf32, #tpu.memory_space<hbm>> -> memref<1x10240x64xf32, #tpu.memory_space<hbm>>
        %dma_start3A_626 = tpu.memref_squeeze %dma_start3A_625 : memref<1x10240x64xf32, #tpu.memory_space<hbm>> -> memref<10240x64xf32, #tpu.memory_space<hbm>>
        %dma_start3A_627 = arith.constant 0 : i32
        %dma_start3A_628 = arith.constant 0 : i32
        %dma_start3A_629 = tpu.memref_slice %dma_start3A_626[%dma_start3A_627, %dma_start3A_628] : memref<10240x64xf32, #tpu.memory_space<hbm>> -> memref<10240x64xf32, #tpu.memory_space<hbm>>
        tpu.enqueue_indirect_dma source(%dma_start3A_629 : memref<10240x64xf32, #tpu.memory_space<hbm>>) target(%dma_start3A_619 : memref<128x64xf32, #tpu.memory_space<vmem>>) offsets(%dma_start3A_622 : memref<128xi32, #tpu.memory_space<vmem>>) semaphore(%arg12 : memref<!tpu.dma_semaphore, #tpu.memory_space<semaphore_mem>>)
      } else {
      }
      %add3A_572 = arith.constant 7 : i32
      %add3A_573 = arith.addi %add3A_288, %add3A_572 : i32
      %dma_wait3A_574 = arith.constant 0 : i32
      %dma_wait3A_575 = arith.constant 7 : i32
      %dma_wait3A_576 = arith.constant 0 : i32
      %dma_wait3A_577 = arith.constant 0 : i32
      %dma_wait3A_578 = tpu.memref_slice %arg8[%dma_wait3A_575, %dma_wait3A_576, %dma_wait3A_577] : memref<8x128x64xf32, #tpu.memory_space<vmem>> -> memref<1x128x64xf32, #tpu.memory_space<vmem>>
      %dma_wait3A_579 = tpu.memref_squeeze %dma_wait3A_578 : memref<1x128x64xf32, #tpu.memory_space<vmem>> -> memref<128x64xf32, #tpu.memory_space<vmem>>
      %dma_wait3A_580 = arith.constant 0 : i32
      %dma_wait3A_581 = tpu.memref_slice %arg6[%dma_wait3A_574, %dma_wait3A_580] : memref<80x128xi32, #tpu.memory_space<vmem>> -> memref<1x128xi32, #tpu.memory_space<vmem>>
      %dma_wait3A_582 = tpu.memref_squeeze %dma_wait3A_581 : memref<1x128xi32, #tpu.memory_space<vmem>> -> memref<128xi32, #tpu.memory_space<vmem>>
      %dma_wait3A_583 = arith.constant 0 : i32
      %dma_wait3A_584 = arith.constant 0 : i32
      %dma_wait3A_585 = tpu.memref_slice %arg2[%arg0, %dma_wait3A_583, %dma_wait3A_584] : memref<2x10240x64xf32, #tpu.memory_space<hbm>> -> memref<1x10240x64xf32, #tpu.memory_space<hbm>>
      %dma_wait3A_586 = tpu.memref_squeeze %dma_wait3A_585 : memref<1x10240x64xf32, #tpu.memory_space<hbm>> -> memref<10240x64xf32, #tpu.memory_space<hbm>>
      %dma_wait3A_587 = arith.constant 0 : i32
      %dma_wait3A_588 = arith.constant 0 : i32
      %dma_wait3A_589 = tpu.memref_slice %dma_wait3A_586[%dma_wait3A_587, %dma_wait3A_588] : memref<10240x64xf32, #tpu.memory_space<hbm>> -> memref<10240x64xf32, #tpu.memory_space<hbm>>
      tpu.wait_indirect_dma semaphore(%arg13 : memref<!tpu.dma_semaphore, #tpu.memory_space<semaphore_mem>>) src(%dma_wait3A_589 : memref<10240x64xf32, #tpu.memory_space<hbm>>) dst(%dma_wait3A_579 : memref<128x64xf32, #tpu.memory_space<vmem>>)
      %ge3A_590 = arith.constant 4 : i32
      %ge3A_591 = arith.cmpi sge, %add3A_573, %ge3A_590 : i32
      %convert_element_type3A_592 = arith.extui %ge3A_591 : i1 to i32
      %cond3A_593 = arith.constant 0 : i32
      %cond3A_594 = arith.cmpi ne, %convert_element_type3A_592, %cond3A_593 : i32
      scf.if %cond3A_594 {
        %dma_wait3A_613 = arith.constant 0 : i32
        %dma_wait3A_614 = arith.constant 3 : i32
        %dma_wait3A_615 = arith.constant 0 : i32
        %dma_wait3A_616 = arith.constant 0 : i32
        %dma_wait3A_617 = tpu.memref_slice %arg8[%dma_wait3A_614, %dma_wait3A_615, %dma_wait3A_616] : memref<8x128x64xf32, #tpu.memory_space<vmem>> -> memref<1x128x64xf32, #tpu.memory_space<vmem>>
        %dma_wait3A_618 = tpu.memref_squeeze %dma_wait3A_617 : memref<1x128x64xf32, #tpu.memory_space<vmem>> -> memref<128x64xf32, #tpu.memory_space<vmem>>
        %dma_wait3A_619 = arith.constant 0 : i32
        %dma_wait3A_620 = tpu.memref_slice %arg6[%dma_wait3A_613, %dma_wait3A_619] : memref<80x128xi32, #tpu.memory_space<vmem>> -> memref<1x128xi32, #tpu.memory_space<vmem>>
        %dma_wait3A_621 = tpu.memref_squeeze %dma_wait3A_620 : memref<1x128xi32, #tpu.memory_space<vmem>> -> memref<128xi32, #tpu.memory_space<vmem>>
        %dma_wait3A_622 = arith.constant 0 : i32
        %dma_wait3A_623 = arith.constant 0 : i32
        %dma_wait3A_624 = tpu.memref_slice %arg2[%arg0, %dma_wait3A_622, %dma_wait3A_623] : memref<2x10240x64xf32, #tpu.memory_space<hbm>> -> memref<1x10240x64xf32, #tpu.memory_space<hbm>>
        %dma_wait3A_625 = tpu.memref_squeeze %dma_wait3A_624 : memref<1x10240x64xf32, #tpu.memory_space<hbm>> -> memref<10240x64xf32, #tpu.memory_space<hbm>>
        %dma_wait3A_626 = arith.constant 0 : i32
        %dma_wait3A_627 = arith.constant 0 : i32
        %dma_wait3A_628 = tpu.memref_slice %dma_wait3A_625[%dma_wait3A_626, %dma_wait3A_627] : memref<10240x64xf32, #tpu.memory_space<hbm>> -> memref<10240x64xf32, #tpu.memory_space<hbm>>
        tpu.wait_indirect_dma semaphore(%arg17 : memref<!tpu.dma_semaphore, #tpu.memory_space<semaphore_mem>>) src(%dma_wait3A_628 : memref<10240x64xf32, #tpu.memory_space<hbm>>) dst(%dma_wait3A_618 : memref<128x64xf32, #tpu.memory_space<vmem>>)
      } else {
      }
      %dma_start3A_595 = arith.constant 7 : i32
      %dma_start3A_596 = arith.constant 0 : i32
      %dma_start3A_597 = arith.constant 0 : i32
      %dma_start3A_598 = tpu.memref_slice %arg8[%dma_start3A_595, %dma_start3A_596, %dma_start3A_597] : memref<8x128x64xf32, #tpu.memory_space<vmem>> -> memref<1x128x64xf32, #tpu.memory_space<vmem>>
      %dma_start3A_599 = tpu.memref_squeeze %dma_start3A_598 : memref<1x128x64xf32, #tpu.memory_space<vmem>> -> memref<128x64xf32, #tpu.memory_space<vmem>>
      %dma_start3A_600 = arith.constant 0 : i32
      %dma_start3A_601 = tpu.memref_slice %arg7[%add3A_573, %dma_start3A_600] : memref<80x128xi32, #tpu.memory_space<vmem>> -> memref<1x128xi32, #tpu.memory_space<vmem>>
      %dma_start3A_602 = tpu.memref_squeeze %dma_start3A_601 : memref<1x128xi32, #tpu.memory_space<vmem>> -> memref<128xi32, #tpu.memory_space<vmem>>
      %dma_start3A_603 = arith.constant 0 : i32
      %dma_start3A_604 = arith.constant 0 : i32
      %dma_start3A_605 = tpu.memref_slice %arg9[%dma_start3A_603, %dma_start3A_604] : memref<10240x64xf32, #tpu.memory_space<vmem_shared>> -> memref<10240x64xf32, #tpu.memory_space<vmem_shared>>
      tpu.enqueue_indirect_dma source(%dma_start3A_599 : memref<128x64xf32, #tpu.memory_space<vmem>>) target(%dma_start3A_605 : memref<10240x64xf32, #tpu.memory_space<vmem_shared>>) offsets(%dma_start3A_602 : memref<128xi32, #tpu.memory_space<vmem>>) semaphore(%arg17 : memref<!tpu.dma_semaphore, #tpu.memory_space<semaphore_mem>>) {add = true}
      %add3A_606 = arith.constant 4 : i32
      %add3A_607 = arith.addi %add3A_573, %add3A_606 : i32
      %lt3A_608 = arith.constant 80 : i32
      %lt3A_609 = arith.cmpi slt, %add3A_607, %lt3A_608 : i32
      %convert_element_type3A_610 = arith.extui %lt3A_609 : i1 to i32
      %cond3A_611 = arith.constant 0 : i32
      %cond3A_612 = arith.cmpi ne, %convert_element_type3A_610, %cond3A_611 : i32
      scf.if %cond3A_612 {
        %add3A_613 = arith.constant 4 : i32
        %add3A_614 = arith.addi %add3A_573, %add3A_613 : i32
        %dma_start3A_615 = arith.constant 3 : i32
        %dma_start3A_616 = arith.constant 0 : i32
        %dma_start3A_617 = arith.constant 0 : i32
        %dma_start3A_618 = tpu.memref_slice %arg8[%dma_start3A_615, %dma_start3A_616, %dma_start3A_617] : memref<8x128x64xf32, #tpu.memory_space<vmem>> -> memref<1x128x64xf32, #tpu.memory_space<vmem>>
        %dma_start3A_619 = tpu.memref_squeeze %dma_start3A_618 : memref<1x128x64xf32, #tpu.memory_space<vmem>> -> memref<128x64xf32, #tpu.memory_space<vmem>>
        %dma_start3A_620 = arith.constant 0 : i32
        %dma_start3A_621 = tpu.memref_slice %arg6[%add3A_614, %dma_start3A_620] : memref<80x128xi32, #tpu.memory_space<vmem>> -> memref<1x128xi32, #tpu.memory_space<vmem>>
        %dma_start3A_622 = tpu.memref_squeeze %dma_start3A_621 : memref<1x128xi32, #tpu.memory_space<vmem>> -> memref<128xi32, #tpu.memory_space<vmem>>
        %dma_start3A_623 = arith.constant 0 : i32
        %dma_start3A_624 = arith.constant 0 : i32
        %dma_start3A_625 = tpu.memref_slice %arg2[%arg0, %dma_start3A_623, %dma_start3A_624] : memref<2x10240x64xf32, #tpu.memory_space<hbm>> -> memref<1x10240x64xf32, #tpu.memory_space<hbm>>
        %dma_start3A_626 = tpu.memref_squeeze %dma_start3A_625 : memref<1x10240x64xf32, #tpu.memory_space<hbm>> -> memref<10240x64xf32, #tpu.memory_space<hbm>>
        %dma_start3A_627 = arith.constant 0 : i32
        %dma_start3A_628 = arith.constant 0 : i32
        %dma_start3A_629 = tpu.memref_slice %dma_start3A_626[%dma_start3A_627, %dma_start3A_628] : memref<10240x64xf32, #tpu.memory_space<hbm>> -> memref<10240x64xf32, #tpu.memory_space<hbm>>
        tpu.enqueue_indirect_dma source(%dma_start3A_629 : memref<10240x64xf32, #tpu.memory_space<hbm>>) target(%dma_start3A_619 : memref<128x64xf32, #tpu.memory_space<vmem>>) offsets(%dma_start3A_622 : memref<128xi32, #tpu.memory_space<vmem>>) semaphore(%arg13 : memref<!tpu.dma_semaphore, #tpu.memory_space<semaphore_mem>>)
      } else {
      }
    }
    %scan3A_86 = arith.constant 10 : i32
    %dma_wait3A = arith.constant 0 : i32
    %dma_wait3A_87 = arith.constant 0 : i32
    %dma_wait3A_88 = arith.constant 0 : i32
    %dma_wait3A_89 = arith.constant 0 : i32
    %dma_wait3A_90 = tpu.memref_slice %arg8[%dma_wait3A_87, %dma_wait3A_88, %dma_wait3A_89] : memref<8x128x64xf32, #tpu.memory_space<vmem>> -> memref<1x128x64xf32, #tpu.memory_space<vmem>>
    %dma_wait3A_91 = tpu.memref_squeeze %dma_wait3A_90 : memref<1x128x64xf32, #tpu.memory_space<vmem>> -> memref<128x64xf32, #tpu.memory_space<vmem>>
    %dma_wait3A_92 = arith.constant 0 : i32
    %dma_wait3A_93 = tpu.memref_slice %arg6[%dma_wait3A, %dma_wait3A_92] : memref<80x128xi32, #tpu.memory_space<vmem>> -> memref<1x128xi32, #tpu.memory_space<vmem>>
    %dma_wait3A_94 = tpu.memref_squeeze %dma_wait3A_93 : memref<1x128xi32, #tpu.memory_space<vmem>> -> memref<128xi32, #tpu.memory_space<vmem>>
    %dma_wait3A_95 = arith.constant 0 : i32
    %dma_wait3A_96 = arith.constant 0 : i32
    %dma_wait3A_97 = tpu.memref_slice %arg2[%arg0, %dma_wait3A_95, %dma_wait3A_96] : memref<2x10240x64xf32, #tpu.memory_space<hbm>> -> memref<1x10240x64xf32, #tpu.memory_space<hbm>>
    %dma_wait3A_98 = tpu.memref_squeeze %dma_wait3A_97 : memref<1x10240x64xf32, #tpu.memory_space<hbm>> -> memref<10240x64xf32, #tpu.memory_space<hbm>>
    %dma_wait3A_99 = arith.constant 0 : i32
    %dma_wait3A_100 = arith.constant 0 : i32
    %dma_wait3A_101 = tpu.memref_slice %dma_wait3A_98[%dma_wait3A_99, %dma_wait3A_100] : memref<10240x64xf32, #tpu.memory_space<hbm>> -> memref<10240x64xf32, #tpu.memory_space<hbm>>
    tpu.wait_indirect_dma semaphore(%arg14 : memref<!tpu.dma_semaphore, #tpu.memory_space<semaphore_mem>>) src(%dma_wait3A_101 : memref<10240x64xf32, #tpu.memory_space<hbm>>) dst(%dma_wait3A_91 : memref<128x64xf32, #tpu.memory_space<vmem>>)
    %dma_wait3A_102 = arith.constant 0 : i32
    %dma_wait3A_103 = arith.constant 0 : i32
    %dma_wait3A_104 = arith.constant 0 : i32
    %dma_wait3A_105 = arith.constant 0 : i32
    %dma_wait3A_106 = tpu.memref_slice %arg8[%dma_wait3A_103, %dma_wait3A_104, %dma_wait3A_105] : memref<8x128x64xf32, #tpu.memory_space<vmem>> -> memref<1x128x64xf32, #tpu.memory_space<vmem>>
    %dma_wait3A_107 = tpu.memref_squeeze %dma_wait3A_106 : memref<1x128x64xf32, #tpu.memory_space<vmem>> -> memref<128x64xf32, #tpu.memory_space<vmem>>
    %dma_wait3A_108 = arith.constant 0 : i32
    %dma_wait3A_109 = tpu.memref_slice %arg6[%dma_wait3A_102, %dma_wait3A_108] : memref<80x128xi32, #tpu.memory_space<vmem>> -> memref<1x128xi32, #tpu.memory_space<vmem>>
    %dma_wait3A_110 = tpu.memref_squeeze %dma_wait3A_109 : memref<1x128xi32, #tpu.memory_space<vmem>> -> memref<128xi32, #tpu.memory_space<vmem>>
    %dma_wait3A_111 = arith.constant 0 : i32
    %dma_wait3A_112 = arith.constant 0 : i32
    %dma_wait3A_113 = tpu.memref_slice %arg2[%arg0, %dma_wait3A_111, %dma_wait3A_112] : memref<2x10240x64xf32, #tpu.memory_space<hbm>> -> memref<1x10240x64xf32, #tpu.memory_space<hbm>>
    %dma_wait3A_114 = tpu.memref_squeeze %dma_wait3A_113 : memref<1x10240x64xf32, #tpu.memory_space<hbm>> -> memref<10240x64xf32, #tpu.memory_space<hbm>>
    %dma_wait3A_115 = arith.constant 0 : i32
    %dma_wait3A_116 = arith.constant 0 : i32
    %dma_wait3A_117 = tpu.memref_slice %dma_wait3A_114[%dma_wait3A_115, %dma_wait3A_116] : memref<10240x64xf32, #tpu.memory_space<hbm>> -> memref<10240x64xf32, #tpu.memory_space<hbm>>
    tpu.wait_indirect_dma semaphore(%arg15 : memref<!tpu.dma_semaphore, #tpu.memory_space<semaphore_mem>>) src(%dma_wait3A_117 : memref<10240x64xf32, #tpu.memory_space<hbm>>) dst(%dma_wait3A_107 : memref<128x64xf32, #tpu.memory_space<vmem>>)
    %dma_wait3A_118 = arith.constant 0 : i32
    %dma_wait3A_119 = arith.constant 0 : i32
    %dma_wait3A_120 = arith.constant 0 : i32
    %dma_wait3A_121 = arith.constant 0 : i32
    %dma_wait3A_122 = tpu.memref_slice %arg8[%dma_wait3A_119, %dma_wait3A_120, %dma_wait3A_121] : memref<8x128x64xf32, #tpu.memory_space<vmem>> -> memref<1x128x64xf32, #tpu.memory_space<vmem>>
    %dma_wait3A_123 = tpu.memref_squeeze %dma_wait3A_122 : memref<1x128x64xf32, #tpu.memory_space<vmem>> -> memref<128x64xf32, #tpu.memory_space<vmem>>
    %dma_wait3A_124 = arith.constant 0 : i32
    %dma_wait3A_125 = tpu.memref_slice %arg6[%dma_wait3A_118, %dma_wait3A_124] : memref<80x128xi32, #tpu.memory_space<vmem>> -> memref<1x128xi32, #tpu.memory_space<vmem>>
    %dma_wait3A_126 = tpu.memref_squeeze %dma_wait3A_125 : memref<1x128xi32, #tpu.memory_space<vmem>> -> memref<128xi32, #tpu.memory_space<vmem>>
    %dma_wait3A_127 = arith.constant 0 : i32
    %dma_wait3A_128 = arith.constant 0 : i32
    %dma_wait3A_129 = tpu.memref_slice %arg2[%arg0, %dma_wait3A_127, %dma_wait3A_128] : memref<2x10240x64xf32, #tpu.memory_space<hbm>> -> memref<1x10240x64xf32, #tpu.memory_space<hbm>>
    %dma_wait3A_130 = tpu.memref_squeeze %dma_wait3A_129 : memref<1x10240x64xf32, #tpu.memory_space<hbm>> -> memref<10240x64xf32, #tpu.memory_space<hbm>>
    %dma_wait3A_131 = arith.constant 0 : i32
    %dma_wait3A_132 = arith.constant 0 : i32
    %dma_wait3A_133 = tpu.memref_slice %dma_wait3A_130[%dma_wait3A_131, %dma_wait3A_132] : memref<10240x64xf32, #tpu.memory_space<hbm>> -> memref<10240x64xf32, #tpu.memory_space<hbm>>
    tpu.wait_indirect_dma semaphore(%arg16 : memref<!tpu.dma_semaphore, #tpu.memory_space<semaphore_mem>>) src(%dma_wait3A_133 : memref<10240x64xf32, #tpu.memory_space<hbm>>) dst(%dma_wait3A_123 : memref<128x64xf32, #tpu.memory_space<vmem>>)
    %dma_wait3A_134 = arith.constant 0 : i32
    %dma_wait3A_135 = arith.constant 0 : i32
    %dma_wait3A_136 = arith.constant 0 : i32
    %dma_wait3A_137 = arith.constant 0 : i32
    %dma_wait3A_138 = tpu.memref_slice %arg8[%dma_wait3A_135, %dma_wait3A_136, %dma_wait3A_137] : memref<8x128x64xf32, #tpu.memory_space<vmem>> -> memref<1x128x64xf32, #tpu.memory_space<vmem>>
    %dma_wait3A_139 = tpu.memref_squeeze %dma_wait3A_138 : memref<1x128x64xf32, #tpu.memory_space<vmem>> -> memref<128x64xf32, #tpu.memory_space<vmem>>
    %dma_wait3A_140 = arith.constant 0 : i32
    %dma_wait3A_141 = tpu.memref_slice %arg6[%dma_wait3A_134, %dma_wait3A_140] : memref<80x128xi32, #tpu.memory_space<vmem>> -> memref<1x128xi32, #tpu.memory_space<vmem>>
    %dma_wait3A_142 = tpu.memref_squeeze %dma_wait3A_141 : memref<1x128xi32, #tpu.memory_space<vmem>> -> memref<128xi32, #tpu.memory_space<vmem>>
    %dma_wait3A_143 = arith.constant 0 : i32
    %dma_wait3A_144 = arith.constant 0 : i32
    %dma_wait3A_145 = tpu.memref_slice %arg2[%arg0, %dma_wait3A_143, %dma_wait3A_144] : memref<2x10240x64xf32, #tpu.memory_space<hbm>> -> memref<1x10240x64xf32, #tpu.memory_space<hbm>>
    %dma_wait3A_146 = tpu.memref_squeeze %dma_wait3A_145 : memref<1x10240x64xf32, #tpu.memory_space<hbm>> -> memref<10240x64xf32, #tpu.memory_space<hbm>>
    %dma_wait3A_147 = arith.constant 0 : i32
    %dma_wait3A_148 = arith.constant 0 : i32
    %dma_wait3A_149 = tpu.memref_slice %dma_wait3A_146[%dma_wait3A_147, %dma_wait3A_148] : memref<10240x64xf32, #tpu.memory_space<hbm>> -> memref<10240x64xf32, #tpu.memory_space<hbm>>
    tpu.wait_indirect_dma semaphore(%arg17 : memref<!tpu.dma_semaphore, #tpu.memory_space<semaphore_mem>>) src(%dma_wait3A_149 : memref<10240x64xf32, #tpu.memory_space<hbm>>) dst(%dma_wait3A_139 : memref<128x64xf32, #tpu.memory_space<vmem>>)
    "tpu.region"() ({
      %run_scoped3A_284 = tpu.sem_alloc : memref<!tpu.dma_semaphore, #tpu.memory_space<semaphore_mem>>
      %dma_start3A_285 = arith.constant 80 : i32
      %dma_start3A_286 = arith.constant 0 : i32
      %dma_start3A_287 = tpu.memref_slice %arg3[%arg1, %dma_start3A_285, %dma_start3A_286] : memref<16x160x128xi32, #tpu.memory_space<hbm>> -> memref<1x80x128xi32, #tpu.memory_space<hbm>>
      %dma_start3A_288 = tpu.memref_squeeze %dma_start3A_287 : memref<1x80x128xi32, #tpu.memory_space<hbm>> -> memref<80x128xi32, #tpu.memory_space<hbm>>
      %dma_start3A_289 = arith.constant 80 : i32
      %dma_start3A_290 = arith.constant 0 : i32
      %dma_start3A_291 = tpu.memref_slice %arg3[%arg1, %dma_start3A_289, %dma_start3A_290] : memref<16x160x128xi32, #tpu.memory_space<hbm>> -> memref<1x80x128xi32, #tpu.memory_space<hbm>>
      %dma_start3A_292 = tpu.memref_squeeze %dma_start3A_291 : memref<1x80x128xi32, #tpu.memory_space<hbm>> -> memref<80x128xi32, #tpu.memory_space<hbm>>
      tpu.enqueue_dma source(%dma_start3A_292 : memref<80x128xi32, #tpu.memory_space<hbm>>) target(%arg6 : memref<80x128xi32, #tpu.memory_space<vmem>>) target_semaphore(%run_scoped3A_284 : memref<!tpu.dma_semaphore, #tpu.memory_space<semaphore_mem>>)
      %dma_wait3A_293 = arith.constant 80 : i32
      %dma_wait3A_294 = arith.constant 0 : i32
      %dma_wait3A_295 = tpu.memref_slice %arg3[%arg1, %dma_wait3A_293, %dma_wait3A_294] : memref<16x160x128xi32, #tpu.memory_space<hbm>> -> memref<1x80x128xi32, #tpu.memory_space<hbm>>
      %dma_wait3A_296 = tpu.memref_squeeze %dma_wait3A_295 : memref<1x80x128xi32, #tpu.memory_space<hbm>> -> memref<80x128xi32, #tpu.memory_space<hbm>>
      %dma_wait3A_297 = arith.constant 80 : i32
      %dma_wait3A_298 = arith.constant 0 : i32
      %dma_wait3A_299 = tpu.memref_slice %arg3[%arg1, %dma_wait3A_297, %dma_wait3A_298] : memref<16x160x128xi32, #tpu.memory_space<hbm>> -> memref<1x80x128xi32, #tpu.memory_space<hbm>>
      %dma_wait3A_300 = tpu.memref_squeeze %dma_wait3A_299 : memref<1x80x128xi32, #tpu.memory_space<hbm>> -> memref<80x128xi32, #tpu.memory_space<hbm>>
      tpu.wait_dma2 semaphore(%run_scoped3A_284 : memref<!tpu.dma_semaphore, #tpu.memory_space<semaphore_mem>>) src(%dma_wait3A_300 : memref<80x128xi32, #tpu.memory_space<hbm>>) dst(%arg6 : memref<80x128xi32, #tpu.memory_space<vmem>>)
      tpu.yield
    }) : () -> ()
    "tpu.region"() ({
      %run_scoped3A_284 = tpu.sem_alloc : memref<!tpu.dma_semaphore, #tpu.memory_space<semaphore_mem>>
      %dma_start3A_285 = arith.constant 80 : i32
      %dma_start3A_286 = arith.constant 0 : i32
      %dma_start3A_287 = tpu.memref_slice %arg4[%arg1, %dma_start3A_285, %dma_start3A_286] : memref<16x160x128xi32, #tpu.memory_space<hbm>> -> memref<1x80x128xi32, #tpu.memory_space<hbm>>
      %dma_start3A_288 = tpu.memref_squeeze %dma_start3A_287 : memref<1x80x128xi32, #tpu.memory_space<hbm>> -> memref<80x128xi32, #tpu.memory_space<hbm>>
      %dma_start3A_289 = arith.constant 80 : i32
      %dma_start3A_290 = arith.constant 0 : i32
      %dma_start3A_291 = tpu.memref_slice %arg4[%arg1, %dma_start3A_289, %dma_start3A_290] : memref<16x160x128xi32, #tpu.memory_space<hbm>> -> memref<1x80x128xi32, #tpu.memory_space<hbm>>
      %dma_start3A_292 = tpu.memref_squeeze %dma_start3A_291 : memref<1x80x128xi32, #tpu.memory_space<hbm>> -> memref<80x128xi32, #tpu.memory_space<hbm>>
      tpu.enqueue_dma source(%dma_start3A_292 : memref<80x128xi32, #tpu.memory_space<hbm>>) target(%arg7 : memref<80x128xi32, #tpu.memory_space<vmem>>) target_semaphore(%run_scoped3A_284 : memref<!tpu.dma_semaphore, #tpu.memory_space<semaphore_mem>>)
      %dma_wait3A_293 = arith.constant 80 : i32
      %dma_wait3A_294 = arith.constant 0 : i32
      %dma_wait3A_295 = tpu.memref_slice %arg4[%arg1, %dma_wait3A_293, %dma_wait3A_294] : memref<16x160x128xi32, #tpu.memory_space<hbm>> -> memref<1x80x128xi32, #tpu.memory_space<hbm>>
      %dma_wait3A_296 = tpu.memref_squeeze %dma_wait3A_295 : memref<1x80x128xi32, #tpu.memory_space<hbm>> -> memref<80x128xi32, #tpu.memory_space<hbm>>
      %dma_wait3A_297 = arith.constant 80 : i32
      %dma_wait3A_298 = arith.constant 0 : i32
      %dma_wait3A_299 = tpu.memref_slice %arg4[%arg1, %dma_wait3A_297, %dma_wait3A_298] : memref<16x160x128xi32, #tpu.memory_space<hbm>> -> memref<1x80x128xi32, #tpu.memory_space<hbm>>
      %dma_wait3A_300 = tpu.memref_squeeze %dma_wait3A_299 : memref<1x80x128xi32, #tpu.memory_space<hbm>> -> memref<80x128xi32, #tpu.memory_space<hbm>>
      tpu.wait_dma2 semaphore(%run_scoped3A_284 : memref<!tpu.dma_semaphore, #tpu.memory_space<semaphore_mem>>) src(%dma_wait3A_300 : memref<80x128xi32, #tpu.memory_space<hbm>>) dst(%arg7 : memref<80x128xi32, #tpu.memory_space<vmem>>)
      tpu.yield
    }) : () -> ()
    %dma_start3A_150 = arith.constant 0 : i32
    %dma_start3A_151 = arith.constant 0 : i32
    %dma_start3A_152 = arith.constant 0 : i32
    %dma_start3A_153 = arith.constant 0 : i32
    %dma_start3A_154 = tpu.memref_slice %arg8[%dma_start3A_151, %dma_start3A_152, %dma_start3A_153] : memref<8x128x64xf32, #tpu.memory_space<vmem>> -> memref<1x128x64xf32, #tpu.memory_space<vmem>>
    %dma_start3A_155 = tpu.memref_squeeze %dma_start3A_154 : memref<1x128x64xf32, #tpu.memory_space<vmem>> -> memref<128x64xf32, #tpu.memory_space<vmem>>
    %dma_start3A_156 = arith.constant 0 : i32
    %dma_start3A_157 = tpu.memref_slice %arg6[%dma_start3A_150, %dma_start3A_156] : memref<80x128xi32, #tpu.memory_space<vmem>> -> memref<1x128xi32, #tpu.memory_space<vmem>>
    %dma_start3A_158 = tpu.memref_squeeze %dma_start3A_157 : memref<1x128xi32, #tpu.memory_space<vmem>> -> memref<128xi32, #tpu.memory_space<vmem>>
    %dma_start3A_159 = arith.constant 0 : i32
    %dma_start3A_160 = arith.constant 0 : i32
    %dma_start3A_161 = tpu.memref_slice %arg2[%arg0, %dma_start3A_159, %dma_start3A_160] : memref<2x10240x64xf32, #tpu.memory_space<hbm>> -> memref<1x10240x64xf32, #tpu.memory_space<hbm>>
    %dma_start3A_162 = tpu.memref_squeeze %dma_start3A_161 : memref<1x10240x64xf32, #tpu.memory_space<hbm>> -> memref<10240x64xf32, #tpu.memory_space<hbm>>
    %dma_start3A_163 = arith.constant 0 : i32
    %dma_start3A_164 = arith.constant 0 : i32
    %dma_start3A_165 = tpu.memref_slice %dma_start3A_162[%dma_start3A_163, %dma_start3A_164] : memref<10240x64xf32, #tpu.memory_space<hbm>> -> memref<10240x64xf32, #tpu.memory_space<hbm>>
    tpu.enqueue_indirect_dma source(%dma_start3A_165 : memref<10240x64xf32, #tpu.memory_space<hbm>>) target(%dma_start3A_155 : memref<128x64xf32, #tpu.memory_space<vmem>>) offsets(%dma_start3A_158 : memref<128xi32, #tpu.memory_space<vmem>>) semaphore(%arg10 : memref<!tpu.dma_semaphore, #tpu.memory_space<semaphore_mem>>)
    %dma_start3A_166 = arith.constant 1 : i32
    %dma_start3A_167 = arith.constant 1 : i32
    %dma_start3A_168 = arith.constant 0 : i32
    %dma_start3A_169 = arith.constant 0 : i32
    %dma_start3A_170 = tpu.memref_slice %arg8[%dma_start3A_167, %dma_start3A_168, %dma_start3A_169] : memref<8x128x64xf32, #tpu.memory_space<vmem>> -> memref<1x128x64xf32, #tpu.memory_space<vmem>>
    %dma_start3A_171 = tpu.memref_squeeze %dma_start3A_170 : memref<1x128x64xf32, #tpu.memory_space<vmem>> -> memref<128x64xf32, #tpu.memory_space<vmem>>
    %dma_start3A_172 = arith.constant 0 : i32
    %dma_start3A_173 = tpu.memref_slice %arg6[%dma_start3A_166, %dma_start3A_172] : memref<80x128xi32, #tpu.memory_space<vmem>> -> memref<1x128xi32, #tpu.memory_space<vmem>>
    %dma_start3A_174 = tpu.memref_squeeze %dma_start3A_173 : memref<1x128xi32, #tpu.memory_space<vmem>> -> memref<128xi32, #tpu.memory_space<vmem>>
    %dma_start3A_175 = arith.constant 0 : i32
    %dma_start3A_176 = arith.constant 0 : i32
    %dma_start3A_177 = tpu.memref_slice %arg2[%arg0, %dma_start3A_175, %dma_start3A_176] : memref<2x10240x64xf32, #tpu.memory_space<hbm>> -> memref<1x10240x64xf32, #tpu.memory_space<hbm>>
    %dma_start3A_178 = tpu.memref_squeeze %dma_start3A_177 : memref<1x10240x64xf32, #tpu.memory_space<hbm>> -> memref<10240x64xf32, #tpu.memory_space<hbm>>
    %dma_start3A_179 = arith.constant 0 : i32
    %dma_start3A_180 = arith.constant 0 : i32
    %dma_start3A_181 = tpu.memref_slice %dma_start3A_178[%dma_start3A_179, %dma_start3A_180] : memref<10240x64xf32, #tpu.memory_space<hbm>> -> memref<10240x64xf32, #tpu.memory_space<hbm>>
    tpu.enqueue_indirect_dma source(%dma_start3A_181 : memref<10240x64xf32, #tpu.memory_space<hbm>>) target(%dma_start3A_171 : memref<128x64xf32, #tpu.memory_space<vmem>>) offsets(%dma_start3A_174 : memref<128xi32, #tpu.memory_space<vmem>>) semaphore(%arg11 : memref<!tpu.dma_semaphore, #tpu.memory_space<semaphore_mem>>)
    %dma_start3A_182 = arith.constant 2 : i32
    %dma_start3A_183 = arith.constant 2 : i32
    %dma_start3A_184 = arith.constant 0 : i32
    %dma_start3A_185 = arith.constant 0 : i32
    %dma_start3A_186 = tpu.memref_slice %arg8[%dma_start3A_183, %dma_start3A_184, %dma_start3A_185] : memref<8x128x64xf32, #tpu.memory_space<vmem>> -> memref<1x128x64xf32, #tpu.memory_space<vmem>>
    %dma_start3A_187 = tpu.memref_squeeze %dma_start3A_186 : memref<1x128x64xf32, #tpu.memory_space<vmem>> -> memref<128x64xf32, #tpu.memory_space<vmem>>
    %dma_start3A_188 = arith.constant 0 : i32
    %dma_start3A_189 = tpu.memref_slice %arg6[%dma_start3A_182, %dma_start3A_188] : memref<80x128xi32, #tpu.memory_space<vmem>> -> memref<1x128xi32, #tpu.memory_space<vmem>>
    %dma_start3A_190 = tpu.memref_squeeze %dma_start3A_189 : memref<1x128xi32, #tpu.memory_space<vmem>> -> memref<128xi32, #tpu.memory_space<vmem>>
    %dma_start3A_191 = arith.constant 0 : i32
    %dma_start3A_192 = arith.constant 0 : i32
    %dma_start3A_193 = tpu.memref_slice %arg2[%arg0, %dma_start3A_191, %dma_start3A_192] : memref<2x10240x64xf32, #tpu.memory_space<hbm>> -> memref<1x10240x64xf32, #tpu.memory_space<hbm>>
    %dma_start3A_194 = tpu.memref_squeeze %dma_start3A_193 : memref<1x10240x64xf32, #tpu.memory_space<hbm>> -> memref<10240x64xf32, #tpu.memory_space<hbm>>
    %dma_start3A_195 = arith.constant 0 : i32
    %dma_start3A_196 = arith.constant 0 : i32
    %dma_start3A_197 = tpu.memref_slice %dma_start3A_194[%dma_start3A_195, %dma_start3A_196] : memref<10240x64xf32, #tpu.memory_space<hbm>> -> memref<10240x64xf32, #tpu.memory_space<hbm>>
    tpu.enqueue_indirect_dma source(%dma_start3A_197 : memref<10240x64xf32, #tpu.memory_space<hbm>>) target(%dma_start3A_187 : memref<128x64xf32, #tpu.memory_space<vmem>>) offsets(%dma_start3A_190 : memref<128xi32, #tpu.memory_space<vmem>>) semaphore(%arg12 : memref<!tpu.dma_semaphore, #tpu.memory_space<semaphore_mem>>)
    %dma_start3A_198 = arith.constant 3 : i32
    %dma_start3A_199 = arith.constant 3 : i32
    %dma_start3A_200 = arith.constant 0 : i32
    %dma_start3A_201 = arith.constant 0 : i32
    %dma_start3A_202 = tpu.memref_slice %arg8[%dma_start3A_199, %dma_start3A_200, %dma_start3A_201] : memref<8x128x64xf32, #tpu.memory_space<vmem>> -> memref<1x128x64xf32, #tpu.memory_space<vmem>>
    %dma_start3A_203 = tpu.memref_squeeze %dma_start3A_202 : memref<1x128x64xf32, #tpu.memory_space<vmem>> -> memref<128x64xf32, #tpu.memory_space<vmem>>
    %dma_start3A_204 = arith.constant 0 : i32
    %dma_start3A_205 = tpu.memref_slice %arg6[%dma_start3A_198, %dma_start3A_204] : memref<80x128xi32, #tpu.memory_space<vmem>> -> memref<1x128xi32, #tpu.memory_space<vmem>>
    %dma_start3A_206 = tpu.memref_squeeze %dma_start3A_205 : memref<1x128xi32, #tpu.memory_space<vmem>> -> memref<128xi32, #tpu.memory_space<vmem>>
    %dma_start3A_207 = arith.constant 0 : i32
    %dma_start3A_208 = arith.constant 0 : i32
    %dma_start3A_209 = tpu.memref_slice %arg2[%arg0, %dma_start3A_207, %dma_start3A_208] : memref<2x10240x64xf32, #tpu.memory_space<hbm>> -> memref<1x10240x64xf32, #tpu.memory_space<hbm>>
    %dma_start3A_210 = tpu.memref_squeeze %dma_start3A_209 : memref<1x10240x64xf32, #tpu.memory_space<hbm>> -> memref<10240x64xf32, #tpu.memory_space<hbm>>
    %dma_start3A_211 = arith.constant 0 : i32
    %dma_start3A_212 = arith.constant 0 : i32
    %dma_start3A_213 = tpu.memref_slice %dma_start3A_210[%dma_start3A_211, %dma_start3A_212] : memref<10240x64xf32, #tpu.memory_space<hbm>> -> memref<10240x64xf32, #tpu.memory_space<hbm>>
    tpu.enqueue_indirect_dma source(%dma_start3A_213 : memref<10240x64xf32, #tpu.memory_space<hbm>>) target(%dma_start3A_203 : memref<128x64xf32, #tpu.memory_space<vmem>>) offsets(%dma_start3A_206 : memref<128xi32, #tpu.memory_space<vmem>>) semaphore(%arg13 : memref<!tpu.dma_semaphore, #tpu.memory_space<semaphore_mem>>)
    %scan3A_214 = arith.constant 0 : i32
    %scan3A_215 = arith.constant 10 : i32
    %scan3A_216 = arith.addi %scan3A_214, %scan3A_215 : i32
    %scan3A_217 = arith.constant 1 : i32
    scf.for %scan3A_284 = %scan3A_214 to %scan3A_216 step %scan3A_217  : i32 {
      %mul3A_285 = arith.constant 8 : i32
      %mul3A_286 = arith.muli %scan3A_284, %mul3A_285 : i32
      %add3A_287 = arith.constant 0 : i32
      %add3A_288 = arith.addi %add3A_287, %mul3A_286 : i32
      %add3A_289 = arith.constant 0 : i32
      %add3A_290 = arith.addi %add3A_288, %add3A_289 : i32
      %dma_wait3A_291 = arith.constant 0 : i32
      %dma_wait3A_292 = arith.constant 0 : i32
      %dma_wait3A_293 = arith.constant 0 : i32
      %dma_wait3A_294 = arith.constant 0 : i32
      %dma_wait3A_295 = tpu.memref_slice %arg8[%dma_wait3A_292, %dma_wait3A_293, %dma_wait3A_294] : memref<8x128x64xf32, #tpu.memory_space<vmem>> -> memref<1x128x64xf32, #tpu.memory_space<vmem>>
      %dma_wait3A_296 = tpu.memref_squeeze %dma_wait3A_295 : memref<1x128x64xf32, #tpu.memory_space<vmem>> -> memref<128x64xf32, #tpu.memory_space<vmem>>
      %dma_wait3A_297 = arith.constant 0 : i32
      %dma_wait3A_298 = tpu.memref_slice %arg6[%dma_wait3A_291, %dma_wait3A_297] : memref<80x128xi32, #tpu.memory_space<vmem>> -> memref<1x128xi32, #tpu.memory_space<vmem>>
      %dma_wait3A_299 = tpu.memref_squeeze %dma_wait3A_298 : memref<1x128xi32, #tpu.memory_space<vmem>> -> memref<128xi32, #tpu.memory_space<vmem>>
      %dma_wait3A_300 = arith.constant 0 : i32
      %dma_wait3A_301 = arith.constant 0 : i32
      %dma_wait3A_302 = tpu.memref_slice %arg2[%arg0, %dma_wait3A_300, %dma_wait3A_301] : memref<2x10240x64xf32, #tpu.memory_space<hbm>> -> memref<1x10240x64xf32, #tpu.memory_space<hbm>>
      %dma_wait3A_303 = tpu.memref_squeeze %dma_wait3A_302 : memref<1x10240x64xf32, #tpu.memory_space<hbm>> -> memref<10240x64xf32, #tpu.memory_space<hbm>>
      %dma_wait3A_304 = arith.constant 0 : i32
      %dma_wait3A_305 = arith.constant 0 : i32
      %dma_wait3A_306 = tpu.memref_slice %dma_wait3A_303[%dma_wait3A_304, %dma_wait3A_305] : memref<10240x64xf32, #tpu.memory_space<hbm>> -> memref<10240x64xf32, #tpu.memory_space<hbm>>
      tpu.wait_indirect_dma semaphore(%arg10 : memref<!tpu.dma_semaphore, #tpu.memory_space<semaphore_mem>>) src(%dma_wait3A_306 : memref<10240x64xf32, #tpu.memory_space<hbm>>) dst(%dma_wait3A_296 : memref<128x64xf32, #tpu.memory_space<vmem>>)
      %ge3A = arith.constant 4 : i32
      %ge3A_307 = arith.cmpi sge, %add3A_290, %ge3A : i32
      %convert_element_type3A = arith.extui %ge3A_307 : i1 to i32
      %cond3A = arith.constant 0 : i32
      %cond3A_308 = arith.cmpi ne, %convert_element_type3A, %cond3A : i32
      scf.if %cond3A_308 {
        %dma_wait3A_613 = arith.constant 0 : i32
        %dma_wait3A_614 = arith.constant 4 : i32
        %dma_wait3A_615 = arith.constant 0 : i32
        %dma_wait3A_616 = arith.constant 0 : i32
        %dma_wait3A_617 = tpu.memref_slice %arg8[%dma_wait3A_614, %dma_wait3A_615, %dma_wait3A_616] : memref<8x128x64xf32, #tpu.memory_space<vmem>> -> memref<1x128x64xf32, #tpu.memory_space<vmem>>
        %dma_wait3A_618 = tpu.memref_squeeze %dma_wait3A_617 : memref<1x128x64xf32, #tpu.memory_space<vmem>> -> memref<128x64xf32, #tpu.memory_space<vmem>>
        %dma_wait3A_619 = arith.constant 0 : i32
        %dma_wait3A_620 = tpu.memref_slice %arg6[%dma_wait3A_613, %dma_wait3A_619] : memref<80x128xi32, #tpu.memory_space<vmem>> -> memref<1x128xi32, #tpu.memory_space<vmem>>
        %dma_wait3A_621 = tpu.memref_squeeze %dma_wait3A_620 : memref<1x128xi32, #tpu.memory_space<vmem>> -> memref<128xi32, #tpu.memory_space<vmem>>
        %dma_wait3A_622 = arith.constant 0 : i32
        %dma_wait3A_623 = arith.constant 0 : i32
        %dma_wait3A_624 = tpu.memref_slice %arg2[%arg0, %dma_wait3A_622, %dma_wait3A_623] : memref<2x10240x64xf32, #tpu.memory_space<hbm>> -> memref<1x10240x64xf32, #tpu.memory_space<hbm>>
        %dma_wait3A_625 = tpu.memref_squeeze %dma_wait3A_624 : memref<1x10240x64xf32, #tpu.memory_space<hbm>> -> memref<10240x64xf32, #tpu.memory_space<hbm>>
        %dma_wait3A_626 = arith.constant 0 : i32
        %dma_wait3A_627 = arith.constant 0 : i32
        %dma_wait3A_628 = tpu.memref_slice %dma_wait3A_625[%dma_wait3A_626, %dma_wait3A_627] : memref<10240x64xf32, #tpu.memory_space<hbm>> -> memref<10240x64xf32, #tpu.memory_space<hbm>>
        tpu.wait_indirect_dma semaphore(%arg14 : memref<!tpu.dma_semaphore, #tpu.memory_space<semaphore_mem>>) src(%dma_wait3A_628 : memref<10240x64xf32, #tpu.memory_space<hbm>>) dst(%dma_wait3A_618 : memref<128x64xf32, #tpu.memory_space<vmem>>)
      } else {
      }
      %dma_start3A_309 = arith.constant 0 : i32
      %dma_start3A_310 = arith.constant 0 : i32
      %dma_start3A_311 = arith.constant 0 : i32
      %dma_start3A_312 = tpu.memref_slice %arg8[%dma_start3A_309, %dma_start3A_310, %dma_start3A_311] : memref<8x128x64xf32, #tpu.memory_space<vmem>> -> memref<1x128x64xf32, #tpu.memory_space<vmem>>
      %dma_start3A_313 = tpu.memref_squeeze %dma_start3A_312 : memref<1x128x64xf32, #tpu.memory_space<vmem>> -> memref<128x64xf32, #tpu.memory_space<vmem>>
      %dma_start3A_314 = arith.constant 0 : i32
      %dma_start3A_315 = tpu.memref_slice %arg7[%add3A_290, %dma_start3A_314] : memref<80x128xi32, #tpu.memory_space<vmem>> -> memref<1x128xi32, #tpu.memory_space<vmem>>
      %dma_start3A_316 = tpu.memref_squeeze %dma_start3A_315 : memref<1x128xi32, #tpu.memory_space<vmem>> -> memref<128xi32, #tpu.memory_space<vmem>>
      %dma_start3A_317 = arith.constant 0 : i32
      %dma_start3A_318 = arith.constant 0 : i32
      %dma_start3A_319 = tpu.memref_slice %arg9[%dma_start3A_317, %dma_start3A_318] : memref<10240x64xf32, #tpu.memory_space<vmem_shared>> -> memref<10240x64xf32, #tpu.memory_space<vmem_shared>>
      tpu.enqueue_indirect_dma source(%dma_start3A_313 : memref<128x64xf32, #tpu.memory_space<vmem>>) target(%dma_start3A_319 : memref<10240x64xf32, #tpu.memory_space<vmem_shared>>) offsets(%dma_start3A_316 : memref<128xi32, #tpu.memory_space<vmem>>) semaphore(%arg14 : memref<!tpu.dma_semaphore, #tpu.memory_space<semaphore_mem>>) {add = true}
      %add3A_320 = arith.constant 4 : i32
      %add3A_321 = arith.addi %add3A_290, %add3A_320 : i32
      %lt3A = arith.constant 80 : i32
      %lt3A_322 = arith.cmpi slt, %add3A_321, %lt3A : i32
      %convert_element_type3A_323 = arith.extui %lt3A_322 : i1 to i32
      %cond3A_324 = arith.constant 0 : i32
      %cond3A_325 = arith.cmpi ne, %convert_element_type3A_323, %cond3A_324 : i32
      scf.if %cond3A_325 {
        %add3A_613 = arith.constant 4 : i32
        %add3A_614 = arith.addi %add3A_290, %add3A_613 : i32
        %dma_start3A_615 = arith.constant 4 : i32
        %dma_start3A_616 = arith.constant 0 : i32
        %dma_start3A_617 = arith.constant 0 : i32
        %dma_start3A_618 = tpu.memref_slice %arg8[%dma_start3A_615, %dma_start3A_616, %dma_start3A_617] : memref<8x128x64xf32, #tpu.memory_space<vmem>> -> memref<1x128x64xf32, #tpu.memory_space<vmem>>
        %dma_start3A_619 = tpu.memref_squeeze %dma_start3A_618 : memref<1x128x64xf32, #tpu.memory_space<vmem>> -> memref<128x64xf32, #tpu.memory_space<vmem>>
        %dma_start3A_620 = arith.constant 0 : i32
        %dma_start3A_621 = tpu.memref_slice %arg6[%add3A_614, %dma_start3A_620] : memref<80x128xi32, #tpu.memory_space<vmem>> -> memref<1x128xi32, #tpu.memory_space<vmem>>
        %dma_start3A_622 = tpu.memref_squeeze %dma_start3A_621 : memref<1x128xi32, #tpu.memory_space<vmem>> -> memref<128xi32, #tpu.memory_space<vmem>>
        %dma_start3A_623 = arith.constant 0 : i32
        %dma_start3A_624 = arith.constant 0 : i32
        %dma_start3A_625 = tpu.memref_slice %arg2[%arg0, %dma_start3A_623, %dma_start3A_624] : memref<2x10240x64xf32, #tpu.memory_space<hbm>> -> memref<1x10240x64xf32, #tpu.memory_space<hbm>>
        %dma_start3A_626 = tpu.memref_squeeze %dma_start3A_625 : memref<1x10240x64xf32, #tpu.memory_space<hbm>> -> memref<10240x64xf32, #tpu.memory_space<hbm>>
        %dma_start3A_627 = arith.constant 0 : i32
        %dma_start3A_628 = arith.constant 0 : i32
        %dma_start3A_629 = tpu.memref_slice %dma_start3A_626[%dma_start3A_627, %dma_start3A_628] : memref<10240x64xf32, #tpu.memory_space<hbm>> -> memref<10240x64xf32, #tpu.memory_space<hbm>>
        tpu.enqueue_indirect_dma source(%dma_start3A_629 : memref<10240x64xf32, #tpu.memory_space<hbm>>) target(%dma_start3A_619 : memref<128x64xf32, #tpu.memory_space<vmem>>) offsets(%dma_start3A_622 : memref<128xi32, #tpu.memory_space<vmem>>) semaphore(%arg10 : memref<!tpu.dma_semaphore, #tpu.memory_space<semaphore_mem>>)
      } else {
      }
      %add3A_326 = arith.constant 1 : i32
      %add3A_327 = arith.addi %add3A_288, %add3A_326 : i32
      %dma_wait3A_328 = arith.constant 0 : i32
      %dma_wait3A_329 = arith.constant 1 : i32
      %dma_wait3A_330 = arith.constant 0 : i32
      %dma_wait3A_331 = arith.constant 0 : i32
      %dma_wait3A_332 = tpu.memref_slice %arg8[%dma_wait3A_329, %dma_wait3A_330, %dma_wait3A_331] : memref<8x128x64xf32, #tpu.memory_space<vmem>> -> memref<1x128x64xf32, #tpu.memory_space<vmem>>
      %dma_wait3A_333 = tpu.memref_squeeze %dma_wait3A_332 : memref<1x128x64xf32, #tpu.memory_space<vmem>> -> memref<128x64xf32, #tpu.memory_space<vmem>>
      %dma_wait3A_334 = arith.constant 0 : i32
      %dma_wait3A_335 = tpu.memref_slice %arg6[%dma_wait3A_328, %dma_wait3A_334] : memref<80x128xi32, #tpu.memory_space<vmem>> -> memref<1x128xi32, #tpu.memory_space<vmem>>
      %dma_wait3A_336 = tpu.memref_squeeze %dma_wait3A_335 : memref<1x128xi32, #tpu.memory_space<vmem>> -> memref<128xi32, #tpu.memory_space<vmem>>
      %dma_wait3A_337 = arith.constant 0 : i32
      %dma_wait3A_338 = arith.constant 0 : i32
      %dma_wait3A_339 = tpu.memref_slice %arg2[%arg0, %dma_wait3A_337, %dma_wait3A_338] : memref<2x10240x64xf32, #tpu.memory_space<hbm>> -> memref<1x10240x64xf32, #tpu.memory_space<hbm>>
      %dma_wait3A_340 = tpu.memref_squeeze %dma_wait3A_339 : memref<1x10240x64xf32, #tpu.memory_space<hbm>> -> memref<10240x64xf32, #tpu.memory_space<hbm>>
      %dma_wait3A_341 = arith.constant 0 : i32
      %dma_wait3A_342 = arith.constant 0 : i32
      %dma_wait3A_343 = tpu.memref_slice %dma_wait3A_340[%dma_wait3A_341, %dma_wait3A_342] : memref<10240x64xf32, #tpu.memory_space<hbm>> -> memref<10240x64xf32, #tpu.memory_space<hbm>>
      tpu.wait_indirect_dma semaphore(%arg11 : memref<!tpu.dma_semaphore, #tpu.memory_space<semaphore_mem>>) src(%dma_wait3A_343 : memref<10240x64xf32, #tpu.memory_space<hbm>>) dst(%dma_wait3A_333 : memref<128x64xf32, #tpu.memory_space<vmem>>)
      %ge3A_344 = arith.constant 4 : i32
      %ge3A_345 = arith.cmpi sge, %add3A_327, %ge3A_344 : i32
      %convert_element_type3A_346 = arith.extui %ge3A_345 : i1 to i32
      %cond3A_347 = arith.constant 0 : i32
      %cond3A_348 = arith.cmpi ne, %convert_element_type3A_346, %cond3A_347 : i32
      scf.if %cond3A_348 {
        %dma_wait3A_613 = arith.constant 0 : i32
        %dma_wait3A_614 = arith.constant 5 : i32
        %dma_wait3A_615 = arith.constant 0 : i32
        %dma_wait3A_616 = arith.constant 0 : i32
        %dma_wait3A_617 = tpu.memref_slice %arg8[%dma_wait3A_614, %dma_wait3A_615, %dma_wait3A_616] : memref<8x128x64xf32, #tpu.memory_space<vmem>> -> memref<1x128x64xf32, #tpu.memory_space<vmem>>
        %dma_wait3A_618 = tpu.memref_squeeze %dma_wait3A_617 : memref<1x128x64xf32, #tpu.memory_space<vmem>> -> memref<128x64xf32, #tpu.memory_space<vmem>>
        %dma_wait3A_619 = arith.constant 0 : i32
        %dma_wait3A_620 = tpu.memref_slice %arg6[%dma_wait3A_613, %dma_wait3A_619] : memref<80x128xi32, #tpu.memory_space<vmem>> -> memref<1x128xi32, #tpu.memory_space<vmem>>
        %dma_wait3A_621 = tpu.memref_squeeze %dma_wait3A_620 : memref<1x128xi32, #tpu.memory_space<vmem>> -> memref<128xi32, #tpu.memory_space<vmem>>
        %dma_wait3A_622 = arith.constant 0 : i32
        %dma_wait3A_623 = arith.constant 0 : i32
        %dma_wait3A_624 = tpu.memref_slice %arg2[%arg0, %dma_wait3A_622, %dma_wait3A_623] : memref<2x10240x64xf32, #tpu.memory_space<hbm>> -> memref<1x10240x64xf32, #tpu.memory_space<hbm>>
        %dma_wait3A_625 = tpu.memref_squeeze %dma_wait3A_624 : memref<1x10240x64xf32, #tpu.memory_space<hbm>> -> memref<10240x64xf32, #tpu.memory_space<hbm>>
        %dma_wait3A_626 = arith.constant 0 : i32
        %dma_wait3A_627 = arith.constant 0 : i32
        %dma_wait3A_628 = tpu.memref_slice %dma_wait3A_625[%dma_wait3A_626, %dma_wait3A_627] : memref<10240x64xf32, #tpu.memory_space<hbm>> -> memref<10240x64xf32, #tpu.memory_space<hbm>>
        tpu.wait_indirect_dma semaphore(%arg15 : memref<!tpu.dma_semaphore, #tpu.memory_space<semaphore_mem>>) src(%dma_wait3A_628 : memref<10240x64xf32, #tpu.memory_space<hbm>>) dst(%dma_wait3A_618 : memref<128x64xf32, #tpu.memory_space<vmem>>)
      } else {
      }
      %dma_start3A_349 = arith.constant 1 : i32
      %dma_start3A_350 = arith.constant 0 : i32
      %dma_start3A_351 = arith.constant 0 : i32
      %dma_start3A_352 = tpu.memref_slice %arg8[%dma_start3A_349, %dma_start3A_350, %dma_start3A_351] : memref<8x128x64xf32, #tpu.memory_space<vmem>> -> memref<1x128x64xf32, #tpu.memory_space<vmem>>
      %dma_start3A_353 = tpu.memref_squeeze %dma_start3A_352 : memref<1x128x64xf32, #tpu.memory_space<vmem>> -> memref<128x64xf32, #tpu.memory_space<vmem>>
      %dma_start3A_354 = arith.constant 0 : i32
      %dma_start3A_355 = tpu.memref_slice %arg7[%add3A_327, %dma_start3A_354] : memref<80x128xi32, #tpu.memory_space<vmem>> -> memref<1x128xi32, #tpu.memory_space<vmem>>
      %dma_start3A_356 = tpu.memref_squeeze %dma_start3A_355 : memref<1x128xi32, #tpu.memory_space<vmem>> -> memref<128xi32, #tpu.memory_space<vmem>>
      %dma_start3A_357 = arith.constant 0 : i32
      %dma_start3A_358 = arith.constant 0 : i32
      %dma_start3A_359 = tpu.memref_slice %arg9[%dma_start3A_357, %dma_start3A_358] : memref<10240x64xf32, #tpu.memory_space<vmem_shared>> -> memref<10240x64xf32, #tpu.memory_space<vmem_shared>>
      tpu.enqueue_indirect_dma source(%dma_start3A_353 : memref<128x64xf32, #tpu.memory_space<vmem>>) target(%dma_start3A_359 : memref<10240x64xf32, #tpu.memory_space<vmem_shared>>) offsets(%dma_start3A_356 : memref<128xi32, #tpu.memory_space<vmem>>) semaphore(%arg15 : memref<!tpu.dma_semaphore, #tpu.memory_space<semaphore_mem>>) {add = true}
      %add3A_360 = arith.constant 4 : i32
      %add3A_361 = arith.addi %add3A_327, %add3A_360 : i32
      %lt3A_362 = arith.constant 80 : i32
      %lt3A_363 = arith.cmpi slt, %add3A_361, %lt3A_362 : i32
      %convert_element_type3A_364 = arith.extui %lt3A_363 : i1 to i32
      %cond3A_365 = arith.constant 0 : i32
      %cond3A_366 = arith.cmpi ne, %convert_element_type3A_364, %cond3A_365 : i32
      scf.if %cond3A_366 {
        %add3A_613 = arith.constant 4 : i32
        %add3A_614 = arith.addi %add3A_327, %add3A_613 : i32
        %dma_start3A_615 = arith.constant 5 : i32
        %dma_start3A_616 = arith.constant 0 : i32
        %dma_start3A_617 = arith.constant 0 : i32
        %dma_start3A_618 = tpu.memref_slice %arg8[%dma_start3A_615, %dma_start3A_616, %dma_start3A_617] : memref<8x128x64xf32, #tpu.memory_space<vmem>> -> memref<1x128x64xf32, #tpu.memory_space<vmem>>
        %dma_start3A_619 = tpu.memref_squeeze %dma_start3A_618 : memref<1x128x64xf32, #tpu.memory_space<vmem>> -> memref<128x64xf32, #tpu.memory_space<vmem>>
        %dma_start3A_620 = arith.constant 0 : i32
        %dma_start3A_621 = tpu.memref_slice %arg6[%add3A_614, %dma_start3A_620] : memref<80x128xi32, #tpu.memory_space<vmem>> -> memref<1x128xi32, #tpu.memory_space<vmem>>
        %dma_start3A_622 = tpu.memref_squeeze %dma_start3A_621 : memref<1x128xi32, #tpu.memory_space<vmem>> -> memref<128xi32, #tpu.memory_space<vmem>>
        %dma_start3A_623 = arith.constant 0 : i32
        %dma_start3A_624 = arith.constant 0 : i32
        %dma_start3A_625 = tpu.memref_slice %arg2[%arg0, %dma_start3A_623, %dma_start3A_624] : memref<2x10240x64xf32, #tpu.memory_space<hbm>> -> memref<1x10240x64xf32, #tpu.memory_space<hbm>>
        %dma_start3A_626 = tpu.memref_squeeze %dma_start3A_625 : memref<1x10240x64xf32, #tpu.memory_space<hbm>> -> memref<10240x64xf32, #tpu.memory_space<hbm>>
        %dma_start3A_627 = arith.constant 0 : i32
        %dma_start3A_628 = arith.constant 0 : i32
        %dma_start3A_629 = tpu.memref_slice %dma_start3A_626[%dma_start3A_627, %dma_start3A_628] : memref<10240x64xf32, #tpu.memory_space<hbm>> -> memref<10240x64xf32, #tpu.memory_space<hbm>>
        tpu.enqueue_indirect_dma source(%dma_start3A_629 : memref<10240x64xf32, #tpu.memory_space<hbm>>) target(%dma_start3A_619 : memref<128x64xf32, #tpu.memory_space<vmem>>) offsets(%dma_start3A_622 : memref<128xi32, #tpu.memory_space<vmem>>) semaphore(%arg11 : memref<!tpu.dma_semaphore, #tpu.memory_space<semaphore_mem>>)
      } else {
      }
      %add3A_367 = arith.constant 2 : i32
      %add3A_368 = arith.addi %add3A_288, %add3A_367 : i32
      %dma_wait3A_369 = arith.constant 0 : i32
      %dma_wait3A_370 = arith.constant 2 : i32
      %dma_wait3A_371 = arith.constant 0 : i32
      %dma_wait3A_372 = arith.constant 0 : i32
      %dma_wait3A_373 = tpu.memref_slice %arg8[%dma_wait3A_370, %dma_wait3A_371, %dma_wait3A_372] : memref<8x128x64xf32, #tpu.memory_space<vmem>> -> memref<1x128x64xf32, #tpu.memory_space<vmem>>
      %dma_wait3A_374 = tpu.memref_squeeze %dma_wait3A_373 : memref<1x128x64xf32, #tpu.memory_space<vmem>> -> memref<128x64xf32, #tpu.memory_space<vmem>>
      %dma_wait3A_375 = arith.constant 0 : i32
      %dma_wait3A_376 = tpu.memref_slice %arg6[%dma_wait3A_369, %dma_wait3A_375] : memref<80x128xi32, #tpu.memory_space<vmem>> -> memref<1x128xi32, #tpu.memory_space<vmem>>
      %dma_wait3A_377 = tpu.memref_squeeze %dma_wait3A_376 : memref<1x128xi32, #tpu.memory_space<vmem>> -> memref<128xi32, #tpu.memory_space<vmem>>
      %dma_wait3A_378 = arith.constant 0 : i32
      %dma_wait3A_379 = arith.constant 0 : i32
      %dma_wait3A_380 = tpu.memref_slice %arg2[%arg0, %dma_wait3A_378, %dma_wait3A_379] : memref<2x10240x64xf32, #tpu.memory_space<hbm>> -> memref<1x10240x64xf32, #tpu.memory_space<hbm>>
      %dma_wait3A_381 = tpu.memref_squeeze %dma_wait3A_380 : memref<1x10240x64xf32, #tpu.memory_space<hbm>> -> memref<10240x64xf32, #tpu.memory_space<hbm>>
      %dma_wait3A_382 = arith.constant 0 : i32
      %dma_wait3A_383 = arith.constant 0 : i32
      %dma_wait3A_384 = tpu.memref_slice %dma_wait3A_381[%dma_wait3A_382, %dma_wait3A_383] : memref<10240x64xf32, #tpu.memory_space<hbm>> -> memref<10240x64xf32, #tpu.memory_space<hbm>>
      tpu.wait_indirect_dma semaphore(%arg12 : memref<!tpu.dma_semaphore, #tpu.memory_space<semaphore_mem>>) src(%dma_wait3A_384 : memref<10240x64xf32, #tpu.memory_space<hbm>>) dst(%dma_wait3A_374 : memref<128x64xf32, #tpu.memory_space<vmem>>)
      %ge3A_385 = arith.constant 4 : i32
      %ge3A_386 = arith.cmpi sge, %add3A_368, %ge3A_385 : i32
      %convert_element_type3A_387 = arith.extui %ge3A_386 : i1 to i32
      %cond3A_388 = arith.constant 0 : i32
      %cond3A_389 = arith.cmpi ne, %convert_element_type3A_387, %cond3A_388 : i32
      scf.if %cond3A_389 {
        %dma_wait3A_613 = arith.constant 0 : i32
        %dma_wait3A_614 = arith.constant 6 : i32
        %dma_wait3A_615 = arith.constant 0 : i32
        %dma_wait3A_616 = arith.constant 0 : i32
        %dma_wait3A_617 = tpu.memref_slice %arg8[%dma_wait3A_614, %dma_wait3A_615, %dma_wait3A_616] : memref<8x128x64xf32, #tpu.memory_space<vmem>> -> memref<1x128x64xf32, #tpu.memory_space<vmem>>
        %dma_wait3A_618 = tpu.memref_squeeze %dma_wait3A_617 : memref<1x128x64xf32, #tpu.memory_space<vmem>> -> memref<128x64xf32, #tpu.memory_space<vmem>>
        %dma_wait3A_619 = arith.constant 0 : i32
        %dma_wait3A_620 = tpu.memref_slice %arg6[%dma_wait3A_613, %dma_wait3A_619] : memref<80x128xi32, #tpu.memory_space<vmem>> -> memref<1x128xi32, #tpu.memory_space<vmem>>
        %dma_wait3A_621 = tpu.memref_squeeze %dma_wait3A_620 : memref<1x128xi32, #tpu.memory_space<vmem>> -> memref<128xi32, #tpu.memory_space<vmem>>
        %dma_wait3A_622 = arith.constant 0 : i32
        %dma_wait3A_623 = arith.constant 0 : i32
        %dma_wait3A_624 = tpu.memref_slice %arg2[%arg0, %dma_wait3A_622, %dma_wait3A_623] : memref<2x10240x64xf32, #tpu.memory_space<hbm>> -> memref<1x10240x64xf32, #tpu.memory_space<hbm>>
        %dma_wait3A_625 = tpu.memref_squeeze %dma_wait3A_624 : memref<1x10240x64xf32, #tpu.memory_space<hbm>> -> memref<10240x64xf32, #tpu.memory_space<hbm>>
        %dma_wait3A_626 = arith.constant 0 : i32
        %dma_wait3A_627 = arith.constant 0 : i32
        %dma_wait3A_628 = tpu.memref_slice %dma_wait3A_625[%dma_wait3A_626, %dma_wait3A_627] : memref<10240x64xf32, #tpu.memory_space<hbm>> -> memref<10240x64xf32, #tpu.memory_space<hbm>>
        tpu.wait_indirect_dma semaphore(%arg16 : memref<!tpu.dma_semaphore, #tpu.memory_space<semaphore_mem>>) src(%dma_wait3A_628 : memref<10240x64xf32, #tpu.memory_space<hbm>>) dst(%dma_wait3A_618 : memref<128x64xf32, #tpu.memory_space<vmem>>)
      } else {
      }
      %dma_start3A_390 = arith.constant 2 : i32
      %dma_start3A_391 = arith.constant 0 : i32
      %dma_start3A_392 = arith.constant 0 : i32
      %dma_start3A_393 = tpu.memref_slice %arg8[%dma_start3A_390, %dma_start3A_391, %dma_start3A_392] : memref<8x128x64xf32, #tpu.memory_space<vmem>> -> memref<1x128x64xf32, #tpu.memory_space<vmem>>
      %dma_start3A_394 = tpu.memref_squeeze %dma_start3A_393 : memref<1x128x64xf32, #tpu.memory_space<vmem>> -> memref<128x64xf32, #tpu.memory_space<vmem>>
      %dma_start3A_395 = arith.constant 0 : i32
      %dma_start3A_396 = tpu.memref_slice %arg7[%add3A_368, %dma_start3A_395] : memref<80x128xi32, #tpu.memory_space<vmem>> -> memref<1x128xi32, #tpu.memory_space<vmem>>
      %dma_start3A_397 = tpu.memref_squeeze %dma_start3A_396 : memref<1x128xi32, #tpu.memory_space<vmem>> -> memref<128xi32, #tpu.memory_space<vmem>>
      %dma_start3A_398 = arith.constant 0 : i32
      %dma_start3A_399 = arith.constant 0 : i32
      %dma_start3A_400 = tpu.memref_slice %arg9[%dma_start3A_398, %dma_start3A_399] : memref<10240x64xf32, #tpu.memory_space<vmem_shared>> -> memref<10240x64xf32, #tpu.memory_space<vmem_shared>>
      tpu.enqueue_indirect_dma source(%dma_start3A_394 : memref<128x64xf32, #tpu.memory_space<vmem>>) target(%dma_start3A_400 : memref<10240x64xf32, #tpu.memory_space<vmem_shared>>) offsets(%dma_start3A_397 : memref<128xi32, #tpu.memory_space<vmem>>) semaphore(%arg16 : memref<!tpu.dma_semaphore, #tpu.memory_space<semaphore_mem>>) {add = true}
      %add3A_401 = arith.constant 4 : i32
      %add3A_402 = arith.addi %add3A_368, %add3A_401 : i32
      %lt3A_403 = arith.constant 80 : i32
      %lt3A_404 = arith.cmpi slt, %add3A_402, %lt3A_403 : i32
      %convert_element_type3A_405 = arith.extui %lt3A_404 : i1 to i32
      %cond3A_406 = arith.constant 0 : i32
      %cond3A_407 = arith.cmpi ne, %convert_element_type3A_405, %cond3A_406 : i32
      scf.if %cond3A_407 {
        %add3A_613 = arith.constant 4 : i32
        %add3A_614 = arith.addi %add3A_368, %add3A_613 : i32
        %dma_start3A_615 = arith.constant 6 : i32
        %dma_start3A_616 = arith.constant 0 : i32
        %dma_start3A_617 = arith.constant 0 : i32
        %dma_start3A_618 = tpu.memref_slice %arg8[%dma_start3A_615, %dma_start3A_616, %dma_start3A_617] : memref<8x128x64xf32, #tpu.memory_space<vmem>> -> memref<1x128x64xf32, #tpu.memory_space<vmem>>
        %dma_start3A_619 = tpu.memref_squeeze %dma_start3A_618 : memref<1x128x64xf32, #tpu.memory_space<vmem>> -> memref<128x64xf32, #tpu.memory_space<vmem>>
        %dma_start3A_620 = arith.constant 0 : i32
        %dma_start3A_621 = tpu.memref_slice %arg6[%add3A_614, %dma_start3A_620] : memref<80x128xi32, #tpu.memory_space<vmem>> -> memref<1x128xi32, #tpu.memory_space<vmem>>
        %dma_start3A_622 = tpu.memref_squeeze %dma_start3A_621 : memref<1x128xi32, #tpu.memory_space<vmem>> -> memref<128xi32, #tpu.memory_space<vmem>>
        %dma_start3A_623 = arith.constant 0 : i32
        %dma_start3A_624 = arith.constant 0 : i32
        %dma_start3A_625 = tpu.memref_slice %arg2[%arg0, %dma_start3A_623, %dma_start3A_624] : memref<2x10240x64xf32, #tpu.memory_space<hbm>> -> memref<1x10240x64xf32, #tpu.memory_space<hbm>>
        %dma_start3A_626 = tpu.memref_squeeze %dma_start3A_625 : memref<1x10240x64xf32, #tpu.memory_space<hbm>> -> memref<10240x64xf32, #tpu.memory_space<hbm>>
        %dma_start3A_627 = arith.constant 0 : i32
        %dma_start3A_628 = arith.constant 0 : i32
        %dma_start3A_629 = tpu.memref_slice %dma_start3A_626[%dma_start3A_627, %dma_start3A_628] : memref<10240x64xf32, #tpu.memory_space<hbm>> -> memref<10240x64xf32, #tpu.memory_space<hbm>>
        tpu.enqueue_indirect_dma source(%dma_start3A_629 : memref<10240x64xf32, #tpu.memory_space<hbm>>) target(%dma_start3A_619 : memref<128x64xf32, #tpu.memory_space<vmem>>) offsets(%dma_start3A_622 : memref<128xi32, #tpu.memory_space<vmem>>) semaphore(%arg12 : memref<!tpu.dma_semaphore, #tpu.memory_space<semaphore_mem>>)
      } else {
      }
      %add3A_408 = arith.constant 3 : i32
      %add3A_409 = arith.addi %add3A_288, %add3A_408 : i32
      %dma_wait3A_410 = arith.constant 0 : i32
      %dma_wait3A_411 = arith.constant 3 : i32
      %dma_wait3A_412 = arith.constant 0 : i32
      %dma_wait3A_413 = arith.constant 0 : i32
      %dma_wait3A_414 = tpu.memref_slice %arg8[%dma_wait3A_411, %dma_wait3A_412, %dma_wait3A_413] : memref<8x128x64xf32, #tpu.memory_space<vmem>> -> memref<1x128x64xf32, #tpu.memory_space<vmem>>
      %dma_wait3A_415 = tpu.memref_squeeze %dma_wait3A_414 : memref<1x128x64xf32, #tpu.memory_space<vmem>> -> memref<128x64xf32, #tpu.memory_space<vmem>>
      %dma_wait3A_416 = arith.constant 0 : i32
      %dma_wait3A_417 = tpu.memref_slice %arg6[%dma_wait3A_410, %dma_wait3A_416] : memref<80x128xi32, #tpu.memory_space<vmem>> -> memref<1x128xi32, #tpu.memory_space<vmem>>
      %dma_wait3A_418 = tpu.memref_squeeze %dma_wait3A_417 : memref<1x128xi32, #tpu.memory_space<vmem>> -> memref<128xi32, #tpu.memory_space<vmem>>
      %dma_wait3A_419 = arith.constant 0 : i32
      %dma_wait3A_420 = arith.constant 0 : i32
      %dma_wait3A_421 = tpu.memref_slice %arg2[%arg0, %dma_wait3A_419, %dma_wait3A_420] : memref<2x10240x64xf32, #tpu.memory_space<hbm>> -> memref<1x10240x64xf32, #tpu.memory_space<hbm>>
      %dma_wait3A_422 = tpu.memref_squeeze %dma_wait3A_421 : memref<1x10240x64xf32, #tpu.memory_space<hbm>> -> memref<10240x64xf32, #tpu.memory_space<hbm>>
      %dma_wait3A_423 = arith.constant 0 : i32
      %dma_wait3A_424 = arith.constant 0 : i32
      %dma_wait3A_425 = tpu.memref_slice %dma_wait3A_422[%dma_wait3A_423, %dma_wait3A_424] : memref<10240x64xf32, #tpu.memory_space<hbm>> -> memref<10240x64xf32, #tpu.memory_space<hbm>>
      tpu.wait_indirect_dma semaphore(%arg13 : memref<!tpu.dma_semaphore, #tpu.memory_space<semaphore_mem>>) src(%dma_wait3A_425 : memref<10240x64xf32, #tpu.memory_space<hbm>>) dst(%dma_wait3A_415 : memref<128x64xf32, #tpu.memory_space<vmem>>)
      %ge3A_426 = arith.constant 4 : i32
      %ge3A_427 = arith.cmpi sge, %add3A_409, %ge3A_426 : i32
      %convert_element_type3A_428 = arith.extui %ge3A_427 : i1 to i32
      %cond3A_429 = arith.constant 0 : i32
      %cond3A_430 = arith.cmpi ne, %convert_element_type3A_428, %cond3A_429 : i32
      scf.if %cond3A_430 {
        %dma_wait3A_613 = arith.constant 0 : i32
        %dma_wait3A_614 = arith.constant 7 : i32
        %dma_wait3A_615 = arith.constant 0 : i32
        %dma_wait3A_616 = arith.constant 0 : i32
        %dma_wait3A_617 = tpu.memref_slice %arg8[%dma_wait3A_614, %dma_wait3A_615, %dma_wait3A_616] : memref<8x128x64xf32, #tpu.memory_space<vmem>> -> memref<1x128x64xf32, #tpu.memory_space<vmem>>
        %dma_wait3A_618 = tpu.memref_squeeze %dma_wait3A_617 : memref<1x128x64xf32, #tpu.memory_space<vmem>> -> memref<128x64xf32, #tpu.memory_space<vmem>>
        %dma_wait3A_619 = arith.constant 0 : i32
        %dma_wait3A_620 = tpu.memref_slice %arg6[%dma_wait3A_613, %dma_wait3A_619] : memref<80x128xi32, #tpu.memory_space<vmem>> -> memref<1x128xi32, #tpu.memory_space<vmem>>
        %dma_wait3A_621 = tpu.memref_squeeze %dma_wait3A_620 : memref<1x128xi32, #tpu.memory_space<vmem>> -> memref<128xi32, #tpu.memory_space<vmem>>
        %dma_wait3A_622 = arith.constant 0 : i32
        %dma_wait3A_623 = arith.constant 0 : i32
        %dma_wait3A_624 = tpu.memref_slice %arg2[%arg0, %dma_wait3A_622, %dma_wait3A_623] : memref<2x10240x64xf32, #tpu.memory_space<hbm>> -> memref<1x10240x64xf32, #tpu.memory_space<hbm>>
        %dma_wait3A_625 = tpu.memref_squeeze %dma_wait3A_624 : memref<1x10240x64xf32, #tpu.memory_space<hbm>> -> memref<10240x64xf32, #tpu.memory_space<hbm>>
        %dma_wait3A_626 = arith.constant 0 : i32
        %dma_wait3A_627 = arith.constant 0 : i32
        %dma_wait3A_628 = tpu.memref_slice %dma_wait3A_625[%dma_wait3A_626, %dma_wait3A_627] : memref<10240x64xf32, #tpu.memory_space<hbm>> -> memref<10240x64xf32, #tpu.memory_space<hbm>>
        tpu.wait_indirect_dma semaphore(%arg17 : memref<!tpu.dma_semaphore, #tpu.memory_space<semaphore_mem>>) src(%dma_wait3A_628 : memref<10240x64xf32, #tpu.memory_space<hbm>>) dst(%dma_wait3A_618 : memref<128x64xf32, #tpu.memory_space<vmem>>)
      } else {
      }
      %dma_start3A_431 = arith.constant 3 : i32
      %dma_start3A_432 = arith.constant 0 : i32
      %dma_start3A_433 = arith.constant 0 : i32
      %dma_start3A_434 = tpu.memref_slice %arg8[%dma_start3A_431, %dma_start3A_432, %dma_start3A_433] : memref<8x128x64xf32, #tpu.memory_space<vmem>> -> memref<1x128x64xf32, #tpu.memory_space<vmem>>
      %dma_start3A_435 = tpu.memref_squeeze %dma_start3A_434 : memref<1x128x64xf32, #tpu.memory_space<vmem>> -> memref<128x64xf32, #tpu.memory_space<vmem>>
      %dma_start3A_436 = arith.constant 0 : i32
      %dma_start3A_437 = tpu.memref_slice %arg7[%add3A_409, %dma_start3A_436] : memref<80x128xi32, #tpu.memory_space<vmem>> -> memref<1x128xi32, #tpu.memory_space<vmem>>
      %dma_start3A_438 = tpu.memref_squeeze %dma_start3A_437 : memref<1x128xi32, #tpu.memory_space<vmem>> -> memref<128xi32, #tpu.memory_space<vmem>>
      %dma_start3A_439 = arith.constant 0 : i32
      %dma_start3A_440 = arith.constant 0 : i32
      %dma_start3A_441 = tpu.memref_slice %arg9[%dma_start3A_439, %dma_start3A_440] : memref<10240x64xf32, #tpu.memory_space<vmem_shared>> -> memref<10240x64xf32, #tpu.memory_space<vmem_shared>>
      tpu.enqueue_indirect_dma source(%dma_start3A_435 : memref<128x64xf32, #tpu.memory_space<vmem>>) target(%dma_start3A_441 : memref<10240x64xf32, #tpu.memory_space<vmem_shared>>) offsets(%dma_start3A_438 : memref<128xi32, #tpu.memory_space<vmem>>) semaphore(%arg17 : memref<!tpu.dma_semaphore, #tpu.memory_space<semaphore_mem>>) {add = true}
      %add3A_442 = arith.constant 4 : i32
      %add3A_443 = arith.addi %add3A_409, %add3A_442 : i32
      %lt3A_444 = arith.constant 80 : i32
      %lt3A_445 = arith.cmpi slt, %add3A_443, %lt3A_444 : i32
      %convert_element_type3A_446 = arith.extui %lt3A_445 : i1 to i32
      %cond3A_447 = arith.constant 0 : i32
      %cond3A_448 = arith.cmpi ne, %convert_element_type3A_446, %cond3A_447 : i32
      scf.if %cond3A_448 {
        %add3A_613 = arith.constant 4 : i32
        %add3A_614 = arith.addi %add3A_409, %add3A_613 : i32
        %dma_start3A_615 = arith.constant 7 : i32
        %dma_start3A_616 = arith.constant 0 : i32
        %dma_start3A_617 = arith.constant 0 : i32
        %dma_start3A_618 = tpu.memref_slice %arg8[%dma_start3A_615, %dma_start3A_616, %dma_start3A_617] : memref<8x128x64xf32, #tpu.memory_space<vmem>> -> memref<1x128x64xf32, #tpu.memory_space<vmem>>
        %dma_start3A_619 = tpu.memref_squeeze %dma_start3A_618 : memref<1x128x64xf32, #tpu.memory_space<vmem>> -> memref<128x64xf32, #tpu.memory_space<vmem>>
        %dma_start3A_620 = arith.constant 0 : i32
        %dma_start3A_621 = tpu.memref_slice %arg6[%add3A_614, %dma_start3A_620] : memref<80x128xi32, #tpu.memory_space<vmem>> -> memref<1x128xi32, #tpu.memory_space<vmem>>
        %dma_start3A_622 = tpu.memref_squeeze %dma_start3A_621 : memref<1x128xi32, #tpu.memory_space<vmem>> -> memref<128xi32, #tpu.memory_space<vmem>>
        %dma_start3A_623 = arith.constant 0 : i32
        %dma_start3A_624 = arith.constant 0 : i32
        %dma_start3A_625 = tpu.memref_slice %arg2[%arg0, %dma_start3A_623, %dma_start3A_624] : memref<2x10240x64xf32, #tpu.memory_space<hbm>> -> memref<1x10240x64xf32, #tpu.memory_space<hbm>>
        %dma_start3A_626 = tpu.memref_squeeze %dma_start3A_625 : memref<1x10240x64xf32, #tpu.memory_space<hbm>> -> memref<10240x64xf32, #tpu.memory_space<hbm>>
        %dma_start3A_627 = arith.constant 0 : i32
        %dma_start3A_628 = arith.constant 0 : i32
        %dma_start3A_629 = tpu.memref_slice %dma_start3A_626[%dma_start3A_627, %dma_start3A_628] : memref<10240x64xf32, #tpu.memory_space<hbm>> -> memref<10240x64xf32, #tpu.memory_space<hbm>>
        tpu.enqueue_indirect_dma source(%dma_start3A_629 : memref<10240x64xf32, #tpu.memory_space<hbm>>) target(%dma_start3A_619 : memref<128x64xf32, #tpu.memory_space<vmem>>) offsets(%dma_start3A_622 : memref<128xi32, #tpu.memory_space<vmem>>) semaphore(%arg13 : memref<!tpu.dma_semaphore, #tpu.memory_space<semaphore_mem>>)
      } else {
      }
      %add3A_449 = arith.constant 4 : i32
      %add3A_450 = arith.addi %add3A_288, %add3A_449 : i32
      %dma_wait3A_451 = arith.constant 0 : i32
      %dma_wait3A_452 = arith.constant 4 : i32
      %dma_wait3A_453 = arith.constant 0 : i32
      %dma_wait3A_454 = arith.constant 0 : i32
      %dma_wait3A_455 = tpu.memref_slice %arg8[%dma_wait3A_452, %dma_wait3A_453, %dma_wait3A_454] : memref<8x128x64xf32, #tpu.memory_space<vmem>> -> memref<1x128x64xf32, #tpu.memory_space<vmem>>
      %dma_wait3A_456 = tpu.memref_squeeze %dma_wait3A_455 : memref<1x128x64xf32, #tpu.memory_space<vmem>> -> memref<128x64xf32, #tpu.memory_space<vmem>>
      %dma_wait3A_457 = arith.constant 0 : i32
      %dma_wait3A_458 = tpu.memref_slice %arg6[%dma_wait3A_451, %dma_wait3A_457] : memref<80x128xi32, #tpu.memory_space<vmem>> -> memref<1x128xi32, #tpu.memory_space<vmem>>
      %dma_wait3A_459 = tpu.memref_squeeze %dma_wait3A_458 : memref<1x128xi32, #tpu.memory_space<vmem>> -> memref<128xi32, #tpu.memory_space<vmem>>
      %dma_wait3A_460 = arith.constant 0 : i32
      %dma_wait3A_461 = arith.constant 0 : i32
      %dma_wait3A_462 = tpu.memref_slice %arg2[%arg0, %dma_wait3A_460, %dma_wait3A_461] : memref<2x10240x64xf32, #tpu.memory_space<hbm>> -> memref<1x10240x64xf32, #tpu.memory_space<hbm>>
      %dma_wait3A_463 = tpu.memref_squeeze %dma_wait3A_462 : memref<1x10240x64xf32, #tpu.memory_space<hbm>> -> memref<10240x64xf32, #tpu.memory_space<hbm>>
      %dma_wait3A_464 = arith.constant 0 : i32
      %dma_wait3A_465 = arith.constant 0 : i32
      %dma_wait3A_466 = tpu.memref_slice %dma_wait3A_463[%dma_wait3A_464, %dma_wait3A_465] : memref<10240x64xf32, #tpu.memory_space<hbm>> -> memref<10240x64xf32, #tpu.memory_space<hbm>>
      tpu.wait_indirect_dma semaphore(%arg10 : memref<!tpu.dma_semaphore, #tpu.memory_space<semaphore_mem>>) src(%dma_wait3A_466 : memref<10240x64xf32, #tpu.memory_space<hbm>>) dst(%dma_wait3A_456 : memref<128x64xf32, #tpu.memory_space<vmem>>)
      %ge3A_467 = arith.constant 4 : i32
      %ge3A_468 = arith.cmpi sge, %add3A_450, %ge3A_467 : i32
      %convert_element_type3A_469 = arith.extui %ge3A_468 : i1 to i32
      %cond3A_470 = arith.constant 0 : i32
      %cond3A_471 = arith.cmpi ne, %convert_element_type3A_469, %cond3A_470 : i32
      scf.if %cond3A_471 {
        %dma_wait3A_613 = arith.constant 0 : i32
        %dma_wait3A_614 = arith.constant 0 : i32
        %dma_wait3A_615 = arith.constant 0 : i32
        %dma_wait3A_616 = arith.constant 0 : i32
        %dma_wait3A_617 = tpu.memref_slice %arg8[%dma_wait3A_614, %dma_wait3A_615, %dma_wait3A_616] : memref<8x128x64xf32, #tpu.memory_space<vmem>> -> memref<1x128x64xf32, #tpu.memory_space<vmem>>
        %dma_wait3A_618 = tpu.memref_squeeze %dma_wait3A_617 : memref<1x128x64xf32, #tpu.memory_space<vmem>> -> memref<128x64xf32, #tpu.memory_space<vmem>>
        %dma_wait3A_619 = arith.constant 0 : i32
        %dma_wait3A_620 = tpu.memref_slice %arg6[%dma_wait3A_613, %dma_wait3A_619] : memref<80x128xi32, #tpu.memory_space<vmem>> -> memref<1x128xi32, #tpu.memory_space<vmem>>
        %dma_wait3A_621 = tpu.memref_squeeze %dma_wait3A_620 : memref<1x128xi32, #tpu.memory_space<vmem>> -> memref<128xi32, #tpu.memory_space<vmem>>
        %dma_wait3A_622 = arith.constant 0 : i32
        %dma_wait3A_623 = arith.constant 0 : i32
        %dma_wait3A_624 = tpu.memref_slice %arg2[%arg0, %dma_wait3A_622, %dma_wait3A_623] : memref<2x10240x64xf32, #tpu.memory_space<hbm>> -> memref<1x10240x64xf32, #tpu.memory_space<hbm>>
        %dma_wait3A_625 = tpu.memref_squeeze %dma_wait3A_624 : memref<1x10240x64xf32, #tpu.memory_space<hbm>> -> memref<10240x64xf32, #tpu.memory_space<hbm>>
        %dma_wait3A_626 = arith.constant 0 : i32
        %dma_wait3A_627 = arith.constant 0 : i32
        %dma_wait3A_628 = tpu.memref_slice %dma_wait3A_625[%dma_wait3A_626, %dma_wait3A_627] : memref<10240x64xf32, #tpu.memory_space<hbm>> -> memref<10240x64xf32, #tpu.memory_space<hbm>>
        tpu.wait_indirect_dma semaphore(%arg14 : memref<!tpu.dma_semaphore, #tpu.memory_space<semaphore_mem>>) src(%dma_wait3A_628 : memref<10240x64xf32, #tpu.memory_space<hbm>>) dst(%dma_wait3A_618 : memref<128x64xf32, #tpu.memory_space<vmem>>)
      } else {
      }
      %dma_start3A_472 = arith.constant 4 : i32
      %dma_start3A_473 = arith.constant 0 : i32
      %dma_start3A_474 = arith.constant 0 : i32
      %dma_start3A_475 = tpu.memref_slice %arg8[%dma_start3A_472, %dma_start3A_473, %dma_start3A_474] : memref<8x128x64xf32, #tpu.memory_space<vmem>> -> memref<1x128x64xf32, #tpu.memory_space<vmem>>
      %dma_start3A_476 = tpu.memref_squeeze %dma_start3A_475 : memref<1x128x64xf32, #tpu.memory_space<vmem>> -> memref<128x64xf32, #tpu.memory_space<vmem>>
      %dma_start3A_477 = arith.constant 0 : i32
      %dma_start3A_478 = tpu.memref_slice %arg7[%add3A_450, %dma_start3A_477] : memref<80x128xi32, #tpu.memory_space<vmem>> -> memref<1x128xi32, #tpu.memory_space<vmem>>
      %dma_start3A_479 = tpu.memref_squeeze %dma_start3A_478 : memref<1x128xi32, #tpu.memory_space<vmem>> -> memref<128xi32, #tpu.memory_space<vmem>>
      %dma_start3A_480 = arith.constant 0 : i32
      %dma_start3A_481 = arith.constant 0 : i32
      %dma_start3A_482 = tpu.memref_slice %arg9[%dma_start3A_480, %dma_start3A_481] : memref<10240x64xf32, #tpu.memory_space<vmem_shared>> -> memref<10240x64xf32, #tpu.memory_space<vmem_shared>>
      tpu.enqueue_indirect_dma source(%dma_start3A_476 : memref<128x64xf32, #tpu.memory_space<vmem>>) target(%dma_start3A_482 : memref<10240x64xf32, #tpu.memory_space<vmem_shared>>) offsets(%dma_start3A_479 : memref<128xi32, #tpu.memory_space<vmem>>) semaphore(%arg14 : memref<!tpu.dma_semaphore, #tpu.memory_space<semaphore_mem>>) {add = true}
      %add3A_483 = arith.constant 4 : i32
      %add3A_484 = arith.addi %add3A_450, %add3A_483 : i32
      %lt3A_485 = arith.constant 80 : i32
      %lt3A_486 = arith.cmpi slt, %add3A_484, %lt3A_485 : i32
      %convert_element_type3A_487 = arith.extui %lt3A_486 : i1 to i32
      %cond3A_488 = arith.constant 0 : i32
      %cond3A_489 = arith.cmpi ne, %convert_element_type3A_487, %cond3A_488 : i32
      scf.if %cond3A_489 {
        %add3A_613 = arith.constant 4 : i32
        %add3A_614 = arith.addi %add3A_450, %add3A_613 : i32
        %dma_start3A_615 = arith.constant 0 : i32
        %dma_start3A_616 = arith.constant 0 : i32
        %dma_start3A_617 = arith.constant 0 : i32
        %dma_start3A_618 = tpu.memref_slice %arg8[%dma_start3A_615, %dma_start3A_616, %dma_start3A_617] : memref<8x128x64xf32, #tpu.memory_space<vmem>> -> memref<1x128x64xf32, #tpu.memory_space<vmem>>
        %dma_start3A_619 = tpu.memref_squeeze %dma_start3A_618 : memref<1x128x64xf32, #tpu.memory_space<vmem>> -> memref<128x64xf32, #tpu.memory_space<vmem>>
        %dma_start3A_620 = arith.constant 0 : i32
        %dma_start3A_621 = tpu.memref_slice %arg6[%add3A_614, %dma_start3A_620] : memref<80x128xi32, #tpu.memory_space<vmem>> -> memref<1x128xi32, #tpu.memory_space<vmem>>
        %dma_start3A_622 = tpu.memref_squeeze %dma_start3A_621 : memref<1x128xi32, #tpu.memory_space<vmem>> -> memref<128xi32, #tpu.memory_space<vmem>>
        %dma_start3A_623 = arith.constant 0 : i32
        %dma_start3A_624 = arith.constant 0 : i32
        %dma_start3A_625 = tpu.memref_slice %arg2[%arg0, %dma_start3A_623, %dma_start3A_624] : memref<2x10240x64xf32, #tpu.memory_space<hbm>> -> memref<1x10240x64xf32, #tpu.memory_space<hbm>>
        %dma_start3A_626 = tpu.memref_squeeze %dma_start3A_625 : memref<1x10240x64xf32, #tpu.memory_space<hbm>> -> memref<10240x64xf32, #tpu.memory_space<hbm>>
        %dma_start3A_627 = arith.constant 0 : i32
        %dma_start3A_628 = arith.constant 0 : i32
        %dma_start3A_629 = tpu.memref_slice %dma_start3A_626[%dma_start3A_627, %dma_start3A_628] : memref<10240x64xf32, #tpu.memory_space<hbm>> -> memref<10240x64xf32, #tpu.memory_space<hbm>>
        tpu.enqueue_indirect_dma source(%dma_start3A_629 : memref<10240x64xf32, #tpu.memory_space<hbm>>) target(%dma_start3A_619 : memref<128x64xf32, #tpu.memory_space<vmem>>) offsets(%dma_start3A_622 : memref<128xi32, #tpu.memory_space<vmem>>) semaphore(%arg10 : memref<!tpu.dma_semaphore, #tpu.memory_space<semaphore_mem>>)
      } else {
      }
      %add3A_490 = arith.constant 5 : i32
      %add3A_491 = arith.addi %add3A_288, %add3A_490 : i32
      %dma_wait3A_492 = arith.constant 0 : i32
      %dma_wait3A_493 = arith.constant 5 : i32
      %dma_wait3A_494 = arith.constant 0 : i32
      %dma_wait3A_495 = arith.constant 0 : i32
      %dma_wait3A_496 = tpu.memref_slice %arg8[%dma_wait3A_493, %dma_wait3A_494, %dma_wait3A_495] : memref<8x128x64xf32, #tpu.memory_space<vmem>> -> memref<1x128x64xf32, #tpu.memory_space<vmem>>
      %dma_wait3A_497 = tpu.memref_squeeze %dma_wait3A_496 : memref<1x128x64xf32, #tpu.memory_space<vmem>> -> memref<128x64xf32, #tpu.memory_space<vmem>>
      %dma_wait3A_498 = arith.constant 0 : i32
      %dma_wait3A_499 = tpu.memref_slice %arg6[%dma_wait3A_492, %dma_wait3A_498] : memref<80x128xi32, #tpu.memory_space<vmem>> -> memref<1x128xi32, #tpu.memory_space<vmem>>
      %dma_wait3A_500 = tpu.memref_squeeze %dma_wait3A_499 : memref<1x128xi32, #tpu.memory_space<vmem>> -> memref<128xi32, #tpu.memory_space<vmem>>
      %dma_wait3A_501 = arith.constant 0 : i32
      %dma_wait3A_502 = arith.constant 0 : i32
      %dma_wait3A_503 = tpu.memref_slice %arg2[%arg0, %dma_wait3A_501, %dma_wait3A_502] : memref<2x10240x64xf32, #tpu.memory_space<hbm>> -> memref<1x10240x64xf32, #tpu.memory_space<hbm>>
      %dma_wait3A_504 = tpu.memref_squeeze %dma_wait3A_503 : memref<1x10240x64xf32, #tpu.memory_space<hbm>> -> memref<10240x64xf32, #tpu.memory_space<hbm>>
      %dma_wait3A_505 = arith.constant 0 : i32
      %dma_wait3A_506 = arith.constant 0 : i32
      %dma_wait3A_507 = tpu.memref_slice %dma_wait3A_504[%dma_wait3A_505, %dma_wait3A_506] : memref<10240x64xf32, #tpu.memory_space<hbm>> -> memref<10240x64xf32, #tpu.memory_space<hbm>>
      tpu.wait_indirect_dma semaphore(%arg11 : memref<!tpu.dma_semaphore, #tpu.memory_space<semaphore_mem>>) src(%dma_wait3A_507 : memref<10240x64xf32, #tpu.memory_space<hbm>>) dst(%dma_wait3A_497 : memref<128x64xf32, #tpu.memory_space<vmem>>)
      %ge3A_508 = arith.constant 4 : i32
      %ge3A_509 = arith.cmpi sge, %add3A_491, %ge3A_508 : i32
      %convert_element_type3A_510 = arith.extui %ge3A_509 : i1 to i32
      %cond3A_511 = arith.constant 0 : i32
      %cond3A_512 = arith.cmpi ne, %convert_element_type3A_510, %cond3A_511 : i32
      scf.if %cond3A_512 {
        %dma_wait3A_613 = arith.constant 0 : i32
        %dma_wait3A_614 = arith.constant 1 : i32
        %dma_wait3A_615 = arith.constant 0 : i32
        %dma_wait3A_616 = arith.constant 0 : i32
        %dma_wait3A_617 = tpu.memref_slice %arg8[%dma_wait3A_614, %dma_wait3A_615, %dma_wait3A_616] : memref<8x128x64xf32, #tpu.memory_space<vmem>> -> memref<1x128x64xf32, #tpu.memory_space<vmem>>
        %dma_wait3A_618 = tpu.memref_squeeze %dma_wait3A_617 : memref<1x128x64xf32, #tpu.memory_space<vmem>> -> memref<128x64xf32, #tpu.memory_space<vmem>>
        %dma_wait3A_619 = arith.constant 0 : i32
        %dma_wait3A_620 = tpu.memref_slice %arg6[%dma_wait3A_613, %dma_wait3A_619] : memref<80x128xi32, #tpu.memory_space<vmem>> -> memref<1x128xi32, #tpu.memory_space<vmem>>
        %dma_wait3A_621 = tpu.memref_squeeze %dma_wait3A_620 : memref<1x128xi32, #tpu.memory_space<vmem>> -> memref<128xi32, #tpu.memory_space<vmem>>
        %dma_wait3A_622 = arith.constant 0 : i32
        %dma_wait3A_623 = arith.constant 0 : i32
        %dma_wait3A_624 = tpu.memref_slice %arg2[%arg0, %dma_wait3A_622, %dma_wait3A_623] : memref<2x10240x64xf32, #tpu.memory_space<hbm>> -> memref<1x10240x64xf32, #tpu.memory_space<hbm>>
        %dma_wait3A_625 = tpu.memref_squeeze %dma_wait3A_624 : memref<1x10240x64xf32, #tpu.memory_space<hbm>> -> memref<10240x64xf32, #tpu.memory_space<hbm>>
        %dma_wait3A_626 = arith.constant 0 : i32
        %dma_wait3A_627 = arith.constant 0 : i32
        %dma_wait3A_628 = tpu.memref_slice %dma_wait3A_625[%dma_wait3A_626, %dma_wait3A_627] : memref<10240x64xf32, #tpu.memory_space<hbm>> -> memref<10240x64xf32, #tpu.memory_space<hbm>>
        tpu.wait_indirect_dma semaphore(%arg15 : memref<!tpu.dma_semaphore, #tpu.memory_space<semaphore_mem>>) src(%dma_wait3A_628 : memref<10240x64xf32, #tpu.memory_space<hbm>>) dst(%dma_wait3A_618 : memref<128x64xf32, #tpu.memory_space<vmem>>)
      } else {
      }
      %dma_start3A_513 = arith.constant 5 : i32
      %dma_start3A_514 = arith.constant 0 : i32
      %dma_start3A_515 = arith.constant 0 : i32
      %dma_start3A_516 = tpu.memref_slice %arg8[%dma_start3A_513, %dma_start3A_514, %dma_start3A_515] : memref<8x128x64xf32, #tpu.memory_space<vmem>> -> memref<1x128x64xf32, #tpu.memory_space<vmem>>
      %dma_start3A_517 = tpu.memref_squeeze %dma_start3A_516 : memref<1x128x64xf32, #tpu.memory_space<vmem>> -> memref<128x64xf32, #tpu.memory_space<vmem>>
      %dma_start3A_518 = arith.constant 0 : i32
      %dma_start3A_519 = tpu.memref_slice %arg7[%add3A_491, %dma_start3A_518] : memref<80x128xi32, #tpu.memory_space<vmem>> -> memref<1x128xi32, #tpu.memory_space<vmem>>
      %dma_start3A_520 = tpu.memref_squeeze %dma_start3A_519 : memref<1x128xi32, #tpu.memory_space<vmem>> -> memref<128xi32, #tpu.memory_space<vmem>>
      %dma_start3A_521 = arith.constant 0 : i32
      %dma_start3A_522 = arith.constant 0 : i32
      %dma_start3A_523 = tpu.memref_slice %arg9[%dma_start3A_521, %dma_start3A_522] : memref<10240x64xf32, #tpu.memory_space<vmem_shared>> -> memref<10240x64xf32, #tpu.memory_space<vmem_shared>>
      tpu.enqueue_indirect_dma source(%dma_start3A_517 : memref<128x64xf32, #tpu.memory_space<vmem>>) target(%dma_start3A_523 : memref<10240x64xf32, #tpu.memory_space<vmem_shared>>) offsets(%dma_start3A_520 : memref<128xi32, #tpu.memory_space<vmem>>) semaphore(%arg15 : memref<!tpu.dma_semaphore, #tpu.memory_space<semaphore_mem>>) {add = true}
      %add3A_524 = arith.constant 4 : i32
      %add3A_525 = arith.addi %add3A_491, %add3A_524 : i32
      %lt3A_526 = arith.constant 80 : i32
      %lt3A_527 = arith.cmpi slt, %add3A_525, %lt3A_526 : i32
      %convert_element_type3A_528 = arith.extui %lt3A_527 : i1 to i32
      %cond3A_529 = arith.constant 0 : i32
      %cond3A_530 = arith.cmpi ne, %convert_element_type3A_528, %cond3A_529 : i32
      scf.if %cond3A_530 {
        %add3A_613 = arith.constant 4 : i32
        %add3A_614 = arith.addi %add3A_491, %add3A_613 : i32
        %dma_start3A_615 = arith.constant 1 : i32
        %dma_start3A_616 = arith.constant 0 : i32
        %dma_start3A_617 = arith.constant 0 : i32
        %dma_start3A_618 = tpu.memref_slice %arg8[%dma_start3A_615, %dma_start3A_616, %dma_start3A_617] : memref<8x128x64xf32, #tpu.memory_space<vmem>> -> memref<1x128x64xf32, #tpu.memory_space<vmem>>
        %dma_start3A_619 = tpu.memref_squeeze %dma_start3A_618 : memref<1x128x64xf32, #tpu.memory_space<vmem>> -> memref<128x64xf32, #tpu.memory_space<vmem>>
        %dma_start3A_620 = arith.constant 0 : i32
        %dma_start3A_621 = tpu.memref_slice %arg6[%add3A_614, %dma_start3A_620] : memref<80x128xi32, #tpu.memory_space<vmem>> -> memref<1x128xi32, #tpu.memory_space<vmem>>
        %dma_start3A_622 = tpu.memref_squeeze %dma_start3A_621 : memref<1x128xi32, #tpu.memory_space<vmem>> -> memref<128xi32, #tpu.memory_space<vmem>>
        %dma_start3A_623 = arith.constant 0 : i32
        %dma_start3A_624 = arith.constant 0 : i32
        %dma_start3A_625 = tpu.memref_slice %arg2[%arg0, %dma_start3A_623, %dma_start3A_624] : memref<2x10240x64xf32, #tpu.memory_space<hbm>> -> memref<1x10240x64xf32, #tpu.memory_space<hbm>>
        %dma_start3A_626 = tpu.memref_squeeze %dma_start3A_625 : memref<1x10240x64xf32, #tpu.memory_space<hbm>> -> memref<10240x64xf32, #tpu.memory_space<hbm>>
        %dma_start3A_627 = arith.constant 0 : i32
        %dma_start3A_628 = arith.constant 0 : i32
        %dma_start3A_629 = tpu.memref_slice %dma_start3A_626[%dma_start3A_627, %dma_start3A_628] : memref<10240x64xf32, #tpu.memory_space<hbm>> -> memref<10240x64xf32, #tpu.memory_space<hbm>>
        tpu.enqueue_indirect_dma source(%dma_start3A_629 : memref<10240x64xf32, #tpu.memory_space<hbm>>) target(%dma_start3A_619 : memref<128x64xf32, #tpu.memory_space<vmem>>) offsets(%dma_start3A_622 : memref<128xi32, #tpu.memory_space<vmem>>) semaphore(%arg11 : memref<!tpu.dma_semaphore, #tpu.memory_space<semaphore_mem>>)
      } else {
      }
      %add3A_531 = arith.constant 6 : i32
      %add3A_532 = arith.addi %add3A_288, %add3A_531 : i32
      %dma_wait3A_533 = arith.constant 0 : i32
      %dma_wait3A_534 = arith.constant 6 : i32
      %dma_wait3A_535 = arith.constant 0 : i32
      %dma_wait3A_536 = arith.constant 0 : i32
      %dma_wait3A_537 = tpu.memref_slice %arg8[%dma_wait3A_534, %dma_wait3A_535, %dma_wait3A_536] : memref<8x128x64xf32, #tpu.memory_space<vmem>> -> memref<1x128x64xf32, #tpu.memory_space<vmem>>
      %dma_wait3A_538 = tpu.memref_squeeze %dma_wait3A_537 : memref<1x128x64xf32, #tpu.memory_space<vmem>> -> memref<128x64xf32, #tpu.memory_space<vmem>>
      %dma_wait3A_539 = arith.constant 0 : i32
      %dma_wait3A_540 = tpu.memref_slice %arg6[%dma_wait3A_533, %dma_wait3A_539] : memref<80x128xi32, #tpu.memory_space<vmem>> -> memref<1x128xi32, #tpu.memory_space<vmem>>
      %dma_wait3A_541 = tpu.memref_squeeze %dma_wait3A_540 : memref<1x128xi32, #tpu.memory_space<vmem>> -> memref<128xi32, #tpu.memory_space<vmem>>
      %dma_wait3A_542 = arith.constant 0 : i32
      %dma_wait3A_543 = arith.constant 0 : i32
      %dma_wait3A_544 = tpu.memref_slice %arg2[%arg0, %dma_wait3A_542, %dma_wait3A_543] : memref<2x10240x64xf32, #tpu.memory_space<hbm>> -> memref<1x10240x64xf32, #tpu.memory_space<hbm>>
      %dma_wait3A_545 = tpu.memref_squeeze %dma_wait3A_544 : memref<1x10240x64xf32, #tpu.memory_space<hbm>> -> memref<10240x64xf32, #tpu.memory_space<hbm>>
      %dma_wait3A_546 = arith.constant 0 : i32
      %dma_wait3A_547 = arith.constant 0 : i32
      %dma_wait3A_548 = tpu.memref_slice %dma_wait3A_545[%dma_wait3A_546, %dma_wait3A_547] : memref<10240x64xf32, #tpu.memory_space<hbm>> -> memref<10240x64xf32, #tpu.memory_space<hbm>>
      tpu.wait_indirect_dma semaphore(%arg12 : memref<!tpu.dma_semaphore, #tpu.memory_space<semaphore_mem>>) src(%dma_wait3A_548 : memref<10240x64xf32, #tpu.memory_space<hbm>>) dst(%dma_wait3A_538 : memref<128x64xf32, #tpu.memory_space<vmem>>)
      %ge3A_549 = arith.constant 4 : i32
      %ge3A_550 = arith.cmpi sge, %add3A_532, %ge3A_549 : i32
      %convert_element_type3A_551 = arith.extui %ge3A_550 : i1 to i32
      %cond3A_552 = arith.constant 0 : i32
      %cond3A_553 = arith.cmpi ne, %convert_element_type3A_551, %cond3A_552 : i32
      scf.if %cond3A_553 {
        %dma_wait3A_613 = arith.constant 0 : i32
        %dma_wait3A_614 = arith.constant 2 : i32
        %dma_wait3A_615 = arith.constant 0 : i32
        %dma_wait3A_616 = arith.constant 0 : i32
        %dma_wait3A_617 = tpu.memref_slice %arg8[%dma_wait3A_614, %dma_wait3A_615, %dma_wait3A_616] : memref<8x128x64xf32, #tpu.memory_space<vmem>> -> memref<1x128x64xf32, #tpu.memory_space<vmem>>
        %dma_wait3A_618 = tpu.memref_squeeze %dma_wait3A_617 : memref<1x128x64xf32, #tpu.memory_space<vmem>> -> memref<128x64xf32, #tpu.memory_space<vmem>>
        %dma_wait3A_619 = arith.constant 0 : i32
        %dma_wait3A_620 = tpu.memref_slice %arg6[%dma_wait3A_613, %dma_wait3A_619] : memref<80x128xi32, #tpu.memory_space<vmem>> -> memref<1x128xi32, #tpu.memory_space<vmem>>
        %dma_wait3A_621 = tpu.memref_squeeze %dma_wait3A_620 : memref<1x128xi32, #tpu.memory_space<vmem>> -> memref<128xi32, #tpu.memory_space<vmem>>
        %dma_wait3A_622 = arith.constant 0 : i32
        %dma_wait3A_623 = arith.constant 0 : i32
        %dma_wait3A_624 = tpu.memref_slice %arg2[%arg0, %dma_wait3A_622, %dma_wait3A_623] : memref<2x10240x64xf32, #tpu.memory_space<hbm>> -> memref<1x10240x64xf32, #tpu.memory_space<hbm>>
        %dma_wait3A_625 = tpu.memref_squeeze %dma_wait3A_624 : memref<1x10240x64xf32, #tpu.memory_space<hbm>> -> memref<10240x64xf32, #tpu.memory_space<hbm>>
        %dma_wait3A_626 = arith.constant 0 : i32
        %dma_wait3A_627 = arith.constant 0 : i32
        %dma_wait3A_628 = tpu.memref_slice %dma_wait3A_625[%dma_wait3A_626, %dma_wait3A_627] : memref<10240x64xf32, #tpu.memory_space<hbm>> -> memref<10240x64xf32, #tpu.memory_space<hbm>>
        tpu.wait_indirect_dma semaphore(%arg16 : memref<!tpu.dma_semaphore, #tpu.memory_space<semaphore_mem>>) src(%dma_wait3A_628 : memref<10240x64xf32, #tpu.memory_space<hbm>>) dst(%dma_wait3A_618 : memref<128x64xf32, #tpu.memory_space<vmem>>)
      } else {
      }
      %dma_start3A_554 = arith.constant 6 : i32
      %dma_start3A_555 = arith.constant 0 : i32
      %dma_start3A_556 = arith.constant 0 : i32
      %dma_start3A_557 = tpu.memref_slice %arg8[%dma_start3A_554, %dma_start3A_555, %dma_start3A_556] : memref<8x128x64xf32, #tpu.memory_space<vmem>> -> memref<1x128x64xf32, #tpu.memory_space<vmem>>
      %dma_start3A_558 = tpu.memref_squeeze %dma_start3A_557 : memref<1x128x64xf32, #tpu.memory_space<vmem>> -> memref<128x64xf32, #tpu.memory_space<vmem>>
      %dma_start3A_559 = arith.constant 0 : i32
      %dma_start3A_560 = tpu.memref_slice %arg7[%add3A_532, %dma_start3A_559] : memref<80x128xi32, #tpu.memory_space<vmem>> -> memref<1x128xi32, #tpu.memory_space<vmem>>
      %dma_start3A_561 = tpu.memref_squeeze %dma_start3A_560 : memref<1x128xi32, #tpu.memory_space<vmem>> -> memref<128xi32, #tpu.memory_space<vmem>>
      %dma_start3A_562 = arith.constant 0 : i32
      %dma_start3A_563 = arith.constant 0 : i32
      %dma_start3A_564 = tpu.memref_slice %arg9[%dma_start3A_562, %dma_start3A_563] : memref<10240x64xf32, #tpu.memory_space<vmem_shared>> -> memref<10240x64xf32, #tpu.memory_space<vmem_shared>>
      tpu.enqueue_indirect_dma source(%dma_start3A_558 : memref<128x64xf32, #tpu.memory_space<vmem>>) target(%dma_start3A_564 : memref<10240x64xf32, #tpu.memory_space<vmem_shared>>) offsets(%dma_start3A_561 : memref<128xi32, #tpu.memory_space<vmem>>) semaphore(%arg16 : memref<!tpu.dma_semaphore, #tpu.memory_space<semaphore_mem>>) {add = true}
      %add3A_565 = arith.constant 4 : i32
      %add3A_566 = arith.addi %add3A_532, %add3A_565 : i32
      %lt3A_567 = arith.constant 80 : i32
      %lt3A_568 = arith.cmpi slt, %add3A_566, %lt3A_567 : i32
      %convert_element_type3A_569 = arith.extui %lt3A_568 : i1 to i32
      %cond3A_570 = arith.constant 0 : i32
      %cond3A_571 = arith.cmpi ne, %convert_element_type3A_569, %cond3A_570 : i32
      scf.if %cond3A_571 {
        %add3A_613 = arith.constant 4 : i32
        %add3A_614 = arith.addi %add3A_532, %add3A_613 : i32
        %dma_start3A_615 = arith.constant 2 : i32
        %dma_start3A_616 = arith.constant 0 : i32
        %dma_start3A_617 = arith.constant 0 : i32
        %dma_start3A_618 = tpu.memref_slice %arg8[%dma_start3A_615, %dma_start3A_616, %dma_start3A_617] : memref<8x128x64xf32, #tpu.memory_space<vmem>> -> memref<1x128x64xf32, #tpu.memory_space<vmem>>
        %dma_start3A_619 = tpu.memref_squeeze %dma_start3A_618 : memref<1x128x64xf32, #tpu.memory_space<vmem>> -> memref<128x64xf32, #tpu.memory_space<vmem>>
        %dma_start3A_620 = arith.constant 0 : i32
        %dma_start3A_621 = tpu.memref_slice %arg6[%add3A_614, %dma_start3A_620] : memref<80x128xi32, #tpu.memory_space<vmem>> -> memref<1x128xi32, #tpu.memory_space<vmem>>
        %dma_start3A_622 = tpu.memref_squeeze %dma_start3A_621 : memref<1x128xi32, #tpu.memory_space<vmem>> -> memref<128xi32, #tpu.memory_space<vmem>>
        %dma_start3A_623 = arith.constant 0 : i32
        %dma_start3A_624 = arith.constant 0 : i32
        %dma_start3A_625 = tpu.memref_slice %arg2[%arg0, %dma_start3A_623, %dma_start3A_624] : memref<2x10240x64xf32, #tpu.memory_space<hbm>> -> memref<1x10240x64xf32, #tpu.memory_space<hbm>>
        %dma_start3A_626 = tpu.memref_squeeze %dma_start3A_625 : memref<1x10240x64xf32, #tpu.memory_space<hbm>> -> memref<10240x64xf32, #tpu.memory_space<hbm>>
        %dma_start3A_627 = arith.constant 0 : i32
        %dma_start3A_628 = arith.constant 0 : i32
        %dma_start3A_629 = tpu.memref_slice %dma_start3A_626[%dma_start3A_627, %dma_start3A_628] : memref<10240x64xf32, #tpu.memory_space<hbm>> -> memref<10240x64xf32, #tpu.memory_space<hbm>>
        tpu.enqueue_indirect_dma source(%dma_start3A_629 : memref<10240x64xf32, #tpu.memory_space<hbm>>) target(%dma_start3A_619 : memref<128x64xf32, #tpu.memory_space<vmem>>) offsets(%dma_start3A_622 : memref<128xi32, #tpu.memory_space<vmem>>) semaphore(%arg12 : memref<!tpu.dma_semaphore, #tpu.memory_space<semaphore_mem>>)
      } else {
      }
      %add3A_572 = arith.constant 7 : i32
      %add3A_573 = arith.addi %add3A_288, %add3A_572 : i32
      %dma_wait3A_574 = arith.constant 0 : i32
      %dma_wait3A_575 = arith.constant 7 : i32
      %dma_wait3A_576 = arith.constant 0 : i32
      %dma_wait3A_577 = arith.constant 0 : i32
      %dma_wait3A_578 = tpu.memref_slice %arg8[%dma_wait3A_575, %dma_wait3A_576, %dma_wait3A_577] : memref<8x128x64xf32, #tpu.memory_space<vmem>> -> memref<1x128x64xf32, #tpu.memory_space<vmem>>
      %dma_wait3A_579 = tpu.memref_squeeze %dma_wait3A_578 : memref<1x128x64xf32, #tpu.memory_space<vmem>> -> memref<128x64xf32, #tpu.memory_space<vmem>>
      %dma_wait3A_580 = arith.constant 0 : i32
      %dma_wait3A_581 = tpu.memref_slice %arg6[%dma_wait3A_574, %dma_wait3A_580] : memref<80x128xi32, #tpu.memory_space<vmem>> -> memref<1x128xi32, #tpu.memory_space<vmem>>
      %dma_wait3A_582 = tpu.memref_squeeze %dma_wait3A_581 : memref<1x128xi32, #tpu.memory_space<vmem>> -> memref<128xi32, #tpu.memory_space<vmem>>
      %dma_wait3A_583 = arith.constant 0 : i32
      %dma_wait3A_584 = arith.constant 0 : i32
      %dma_wait3A_585 = tpu.memref_slice %arg2[%arg0, %dma_wait3A_583, %dma_wait3A_584] : memref<2x10240x64xf32, #tpu.memory_space<hbm>> -> memref<1x10240x64xf32, #tpu.memory_space<hbm>>
      %dma_wait3A_586 = tpu.memref_squeeze %dma_wait3A_585 : memref<1x10240x64xf32, #tpu.memory_space<hbm>> -> memref<10240x64xf32, #tpu.memory_space<hbm>>
      %dma_wait3A_587 = arith.constant 0 : i32
      %dma_wait3A_588 = arith.constant 0 : i32
      %dma_wait3A_589 = tpu.memref_slice %dma_wait3A_586[%dma_wait3A_587, %dma_wait3A_588] : memref<10240x64xf32, #tpu.memory_space<hbm>> -> memref<10240x64xf32, #tpu.memory_space<hbm>>
      tpu.wait_indirect_dma semaphore(%arg13 : memref<!tpu.dma_semaphore, #tpu.memory_space<semaphore_mem>>) src(%dma_wait3A_589 : memref<10240x64xf32, #tpu.memory_space<hbm>>) dst(%dma_wait3A_579 : memref<128x64xf32, #tpu.memory_space<vmem>>)
      %ge3A_590 = arith.constant 4 : i32
      %ge3A_591 = arith.cmpi sge, %add3A_573, %ge3A_590 : i32
      %convert_element_type3A_592 = arith.extui %ge3A_591 : i1 to i32
      %cond3A_593 = arith.constant 0 : i32
      %cond3A_594 = arith.cmpi ne, %convert_element_type3A_592, %cond3A_593 : i32
      scf.if %cond3A_594 {
        %dma_wait3A_613 = arith.constant 0 : i32
        %dma_wait3A_614 = arith.constant 3 : i32
        %dma_wait3A_615 = arith.constant 0 : i32
        %dma_wait3A_616 = arith.constant 0 : i32
        %dma_wait3A_617 = tpu.memref_slice %arg8[%dma_wait3A_614, %dma_wait3A_615, %dma_wait3A_616] : memref<8x128x64xf32, #tpu.memory_space<vmem>> -> memref<1x128x64xf32, #tpu.memory_space<vmem>>
        %dma_wait3A_618 = tpu.memref_squeeze %dma_wait3A_617 : memref<1x128x64xf32, #tpu.memory_space<vmem>> -> memref<128x64xf32, #tpu.memory_space<vmem>>
        %dma_wait3A_619 = arith.constant 0 : i32
        %dma_wait3A_620 = tpu.memref_slice %arg6[%dma_wait3A_613, %dma_wait3A_619] : memref<80x128xi32, #tpu.memory_space<vmem>> -> memref<1x128xi32, #tpu.memory_space<vmem>>
        %dma_wait3A_621 = tpu.memref_squeeze %dma_wait3A_620 : memref<1x128xi32, #tpu.memory_space<vmem>> -> memref<128xi32, #tpu.memory_space<vmem>>
        %dma_wait3A_622 = arith.constant 0 : i32
        %dma_wait3A_623 = arith.constant 0 : i32
        %dma_wait3A_624 = tpu.memref_slice %arg2[%arg0, %dma_wait3A_622, %dma_wait3A_623] : memref<2x10240x64xf32, #tpu.memory_space<hbm>> -> memref<1x10240x64xf32, #tpu.memory_space<hbm>>
        %dma_wait3A_625 = tpu.memref_squeeze %dma_wait3A_624 : memref<1x10240x64xf32, #tpu.memory_space<hbm>> -> memref<10240x64xf32, #tpu.memory_space<hbm>>
        %dma_wait3A_626 = arith.constant 0 : i32
        %dma_wait3A_627 = arith.constant 0 : i32
        %dma_wait3A_628 = tpu.memref_slice %dma_wait3A_625[%dma_wait3A_626, %dma_wait3A_627] : memref<10240x64xf32, #tpu.memory_space<hbm>> -> memref<10240x64xf32, #tpu.memory_space<hbm>>
        tpu.wait_indirect_dma semaphore(%arg17 : memref<!tpu.dma_semaphore, #tpu.memory_space<semaphore_mem>>) src(%dma_wait3A_628 : memref<10240x64xf32, #tpu.memory_space<hbm>>) dst(%dma_wait3A_618 : memref<128x64xf32, #tpu.memory_space<vmem>>)
      } else {
      }
      %dma_start3A_595 = arith.constant 7 : i32
      %dma_start3A_596 = arith.constant 0 : i32
      %dma_start3A_597 = arith.constant 0 : i32
      %dma_start3A_598 = tpu.memref_slice %arg8[%dma_start3A_595, %dma_start3A_596, %dma_start3A_597] : memref<8x128x64xf32, #tpu.memory_space<vmem>> -> memref<1x128x64xf32, #tpu.memory_space<vmem>>
      %dma_start3A_599 = tpu.memref_squeeze %dma_start3A_598 : memref<1x128x64xf32, #tpu.memory_space<vmem>> -> memref<128x64xf32, #tpu.memory_space<vmem>>
      %dma_start3A_600 = arith.constant 0 : i32
      %dma_start3A_601 = tpu.memref_slice %arg7[%add3A_573, %dma_start3A_600] : memref<80x128xi32, #tpu.memory_space<vmem>> -> memref<1x128xi32, #tpu.memory_space<vmem>>
      %dma_start3A_602 = tpu.memref_squeeze %dma_start3A_601 : memref<1x128xi32, #tpu.memory_space<vmem>> -> memref<128xi32, #tpu.memory_space<vmem>>
      %dma_start3A_603 = arith.constant 0 : i32
      %dma_start3A_604 = arith.constant 0 : i32
      %dma_start3A_605 = tpu.memref_slice %arg9[%dma_start3A_603, %dma_start3A_604] : memref<10240x64xf32, #tpu.memory_space<vmem_shared>> -> memref<10240x64xf32, #tpu.memory_space<vmem_shared>>
      tpu.enqueue_indirect_dma source(%dma_start3A_599 : memref<128x64xf32, #tpu.memory_space<vmem>>) target(%dma_start3A_605 : memref<10240x64xf32, #tpu.memory_space<vmem_shared>>) offsets(%dma_start3A_602 : memref<128xi32, #tpu.memory_space<vmem>>) semaphore(%arg17 : memref<!tpu.dma_semaphore, #tpu.memory_space<semaphore_mem>>) {add = true}
      %add3A_606 = arith.constant 4 : i32
      %add3A_607 = arith.addi %add3A_573, %add3A_606 : i32
      %lt3A_608 = arith.constant 80 : i32
      %lt3A_609 = arith.cmpi slt, %add3A_607, %lt3A_608 : i32
      %convert_element_type3A_610 = arith.extui %lt3A_609 : i1 to i32
      %cond3A_611 = arith.constant 0 : i32
      %cond3A_612 = arith.cmpi ne, %convert_element_type3A_610, %cond3A_611 : i32
      scf.if %cond3A_612 {
        %add3A_613 = arith.constant 4 : i32
        %add3A_614 = arith.addi %add3A_573, %add3A_613 : i32
        %dma_start3A_615 = arith.constant 3 : i32
        %dma_start3A_616 = arith.constant 0 : i32
        %dma_start3A_617 = arith.constant 0 : i32
        %dma_start3A_618 = tpu.memref_slice %arg8[%dma_start3A_615, %dma_start3A_616, %dma_start3A_617] : memref<8x128x64xf32, #tpu.memory_space<vmem>> -> memref<1x128x64xf32, #tpu.memory_space<vmem>>
        %dma_start3A_619 = tpu.memref_squeeze %dma_start3A_618 : memref<1x128x64xf32, #tpu.memory_space<vmem>> -> memref<128x64xf32, #tpu.memory_space<vmem>>
        %dma_start3A_620 = arith.constant 0 : i32
        %dma_start3A_621 = tpu.memref_slice %arg6[%add3A_614, %dma_start3A_620] : memref<80x128xi32, #tpu.memory_space<vmem>> -> memref<1x128xi32, #tpu.memory_space<vmem>>
        %dma_start3A_622 = tpu.memref_squeeze %dma_start3A_621 : memref<1x128xi32, #tpu.memory_space<vmem>> -> memref<128xi32, #tpu.memory_space<vmem>>
        %dma_start3A_623 = arith.constant 0 : i32
        %dma_start3A_624 = arith.constant 0 : i32
        %dma_start3A_625 = tpu.memref_slice %arg2[%arg0, %dma_start3A_623, %dma_start3A_624] : memref<2x10240x64xf32, #tpu.memory_space<hbm>> -> memref<1x10240x64xf32, #tpu.memory_space<hbm>>
        %dma_start3A_626 = tpu.memref_squeeze %dma_start3A_625 : memref<1x10240x64xf32, #tpu.memory_space<hbm>> -> memref<10240x64xf32, #tpu.memory_space<hbm>>
        %dma_start3A_627 = arith.constant 0 : i32
        %dma_start3A_628 = arith.constant 0 : i32
        %dma_start3A_629 = tpu.memref_slice %dma_start3A_626[%dma_start3A_627, %dma_start3A_628] : memref<10240x64xf32, #tpu.memory_space<hbm>> -> memref<10240x64xf32, #tpu.memory_space<hbm>>
        tpu.enqueue_indirect_dma source(%dma_start3A_629 : memref<10240x64xf32, #tpu.memory_space<hbm>>) target(%dma_start3A_619 : memref<128x64xf32, #tpu.memory_space<vmem>>) offsets(%dma_start3A_622 : memref<128xi32, #tpu.memory_space<vmem>>) semaphore(%arg13 : memref<!tpu.dma_semaphore, #tpu.memory_space<semaphore_mem>>)
      } else {
      }
    }
    %scan3A_218 = arith.constant 10 : i32
    %dma_wait3A_219 = arith.constant 0 : i32
    %dma_wait3A_220 = arith.constant 0 : i32
    %dma_wait3A_221 = arith.constant 0 : i32
    %dma_wait3A_222 = arith.constant 0 : i32
    %dma_wait3A_223 = tpu.memref_slice %arg8[%dma_wait3A_220, %dma_wait3A_221, %dma_wait3A_222] : memref<8x128x64xf32, #tpu.memory_space<vmem>> -> memref<1x128x64xf32, #tpu.memory_space<vmem>>
    %dma_wait3A_224 = tpu.memref_squeeze %dma_wait3A_223 : memref<1x128x64xf32, #tpu.memory_space<vmem>> -> memref<128x64xf32, #tpu.memory_space<vmem>>
    %dma_wait3A_225 = arith.constant 0 : i32
    %dma_wait3A_226 = tpu.memref_slice %arg6[%dma_wait3A_219, %dma_wait3A_225] : memref<80x128xi32, #tpu.memory_space<vmem>> -> memref<1x128xi32, #tpu.memory_space<vmem>>
    %dma_wait3A_227 = tpu.memref_squeeze %dma_wait3A_226 : memref<1x128xi32, #tpu.memory_space<vmem>> -> memref<128xi32, #tpu.memory_space<vmem>>
    %dma_wait3A_228 = arith.constant 0 : i32
    %dma_wait3A_229 = arith.constant 0 : i32
    %dma_wait3A_230 = tpu.memref_slice %arg2[%arg0, %dma_wait3A_228, %dma_wait3A_229] : memref<2x10240x64xf32, #tpu.memory_space<hbm>> -> memref<1x10240x64xf32, #tpu.memory_space<hbm>>
    %dma_wait3A_231 = tpu.memref_squeeze %dma_wait3A_230 : memref<1x10240x64xf32, #tpu.memory_space<hbm>> -> memref<10240x64xf32, #tpu.memory_space<hbm>>
    %dma_wait3A_232 = arith.constant 0 : i32
    %dma_wait3A_233 = arith.constant 0 : i32
    %dma_wait3A_234 = tpu.memref_slice %dma_wait3A_231[%dma_wait3A_232, %dma_wait3A_233] : memref<10240x64xf32, #tpu.memory_space<hbm>> -> memref<10240x64xf32, #tpu.memory_space<hbm>>
    tpu.wait_indirect_dma semaphore(%arg14 : memref<!tpu.dma_semaphore, #tpu.memory_space<semaphore_mem>>) src(%dma_wait3A_234 : memref<10240x64xf32, #tpu.memory_space<hbm>>) dst(%dma_wait3A_224 : memref<128x64xf32, #tpu.memory_space<vmem>>)
    %dma_wait3A_235 = arith.constant 0 : i32
    %dma_wait3A_236 = arith.constant 0 : i32
    %dma_wait3A_237 = arith.constant 0 : i32
    %dma_wait3A_238 = arith.constant 0 : i32
    %dma_wait3A_239 = tpu.memref_slice %arg8[%dma_wait3A_236, %dma_wait3A_237, %dma_wait3A_238] : memref<8x128x64xf32, #tpu.memory_space<vmem>> -> memref<1x128x64xf32, #tpu.memory_space<vmem>>
    %dma_wait3A_240 = tpu.memref_squeeze %dma_wait3A_239 : memref<1x128x64xf32, #tpu.memory_space<vmem>> -> memref<128x64xf32, #tpu.memory_space<vmem>>
    %dma_wait3A_241 = arith.constant 0 : i32
    %dma_wait3A_242 = tpu.memref_slice %arg6[%dma_wait3A_235, %dma_wait3A_241] : memref<80x128xi32, #tpu.memory_space<vmem>> -> memref<1x128xi32, #tpu.memory_space<vmem>>
    %dma_wait3A_243 = tpu.memref_squeeze %dma_wait3A_242 : memref<1x128xi32, #tpu.memory_space<vmem>> -> memref<128xi32, #tpu.memory_space<vmem>>
    %dma_wait3A_244 = arith.constant 0 : i32
    %dma_wait3A_245 = arith.constant 0 : i32
    %dma_wait3A_246 = tpu.memref_slice %arg2[%arg0, %dma_wait3A_244, %dma_wait3A_245] : memref<2x10240x64xf32, #tpu.memory_space<hbm>> -> memref<1x10240x64xf32, #tpu.memory_space<hbm>>
    %dma_wait3A_247 = tpu.memref_squeeze %dma_wait3A_246 : memref<1x10240x64xf32, #tpu.memory_space<hbm>> -> memref<10240x64xf32, #tpu.memory_space<hbm>>
    %dma_wait3A_248 = arith.constant 0 : i32
    %dma_wait3A_249 = arith.constant 0 : i32
    %dma_wait3A_250 = tpu.memref_slice %dma_wait3A_247[%dma_wait3A_248, %dma_wait3A_249] : memref<10240x64xf32, #tpu.memory_space<hbm>> -> memref<10240x64xf32, #tpu.memory_space<hbm>>
    tpu.wait_indirect_dma semaphore(%arg15 : memref<!tpu.dma_semaphore, #tpu.memory_space<semaphore_mem>>) src(%dma_wait3A_250 : memref<10240x64xf32, #tpu.memory_space<hbm>>) dst(%dma_wait3A_240 : memref<128x64xf32, #tpu.memory_space<vmem>>)
    %dma_wait3A_251 = arith.constant 0 : i32
    %dma_wait3A_252 = arith.constant 0 : i32
    %dma_wait3A_253 = arith.constant 0 : i32
    %dma_wait3A_254 = arith.constant 0 : i32
    %dma_wait3A_255 = tpu.memref_slice %arg8[%dma_wait3A_252, %dma_wait3A_253, %dma_wait3A_254] : memref<8x128x64xf32, #tpu.memory_space<vmem>> -> memref<1x128x64xf32, #tpu.memory_space<vmem>>
    %dma_wait3A_256 = tpu.memref_squeeze %dma_wait3A_255 : memref<1x128x64xf32, #tpu.memory_space<vmem>> -> memref<128x64xf32, #tpu.memory_space<vmem>>
    %dma_wait3A_257 = arith.constant 0 : i32
    %dma_wait3A_258 = tpu.memref_slice %arg6[%dma_wait3A_251, %dma_wait3A_257] : memref<80x128xi32, #tpu.memory_space<vmem>> -> memref<1x128xi32, #tpu.memory_space<vmem>>
    %dma_wait3A_259 = tpu.memref_squeeze %dma_wait3A_258 : memref<1x128xi32, #tpu.memory_space<vmem>> -> memref<128xi32, #tpu.memory_space<vmem>>
    %dma_wait3A_260 = arith.constant 0 : i32
    %dma_wait3A_261 = arith.constant 0 : i32
    %dma_wait3A_262 = tpu.memref_slice %arg2[%arg0, %dma_wait3A_260, %dma_wait3A_261] : memref<2x10240x64xf32, #tpu.memory_space<hbm>> -> memref<1x10240x64xf32, #tpu.memory_space<hbm>>
    %dma_wait3A_263 = tpu.memref_squeeze %dma_wait3A_262 : memref<1x10240x64xf32, #tpu.memory_space<hbm>> -> memref<10240x64xf32, #tpu.memory_space<hbm>>
    %dma_wait3A_264 = arith.constant 0 : i32
    %dma_wait3A_265 = arith.constant 0 : i32
    %dma_wait3A_266 = tpu.memref_slice %dma_wait3A_263[%dma_wait3A_264, %dma_wait3A_265] : memref<10240x64xf32, #tpu.memory_space<hbm>> -> memref<10240x64xf32, #tpu.memory_space<hbm>>
    tpu.wait_indirect_dma semaphore(%arg16 : memref<!tpu.dma_semaphore, #tpu.memory_space<semaphore_mem>>) src(%dma_wait3A_266 : memref<10240x64xf32, #tpu.memory_space<hbm>>) dst(%dma_wait3A_256 : memref<128x64xf32, #tpu.memory_space<vmem>>)
    %dma_wait3A_267 = arith.constant 0 : i32
    %dma_wait3A_268 = arith.constant 0 : i32
    %dma_wait3A_269 = arith.constant 0 : i32
    %dma_wait3A_270 = arith.constant 0 : i32
    %dma_wait3A_271 = tpu.memref_slice %arg8[%dma_wait3A_268, %dma_wait3A_269, %dma_wait3A_270] : memref<8x128x64xf32, #tpu.memory_space<vmem>> -> memref<1x128x64xf32, #tpu.memory_space<vmem>>
    %dma_wait3A_272 = tpu.memref_squeeze %dma_wait3A_271 : memref<1x128x64xf32, #tpu.memory_space<vmem>> -> memref<128x64xf32, #tpu.memory_space<vmem>>
    %dma_wait3A_273 = arith.constant 0 : i32
    %dma_wait3A_274 = tpu.memref_slice %arg6[%dma_wait3A_267, %dma_wait3A_273] : memref<80x128xi32, #tpu.memory_space<vmem>> -> memref<1x128xi32, #tpu.memory_space<vmem>>
    %dma_wait3A_275 = tpu.memref_squeeze %dma_wait3A_274 : memref<1x128xi32, #tpu.memory_space<vmem>> -> memref<128xi32, #tpu.memory_space<vmem>>
    %dma_wait3A_276 = arith.constant 0 : i32
    %dma_wait3A_277 = arith.constant 0 : i32
    %dma_wait3A_278 = tpu.memref_slice %arg2[%arg0, %dma_wait3A_276, %dma_wait3A_277] : memref<2x10240x64xf32, #tpu.memory_space<hbm>> -> memref<1x10240x64xf32, #tpu.memory_space<hbm>>
    %dma_wait3A_279 = tpu.memref_squeeze %dma_wait3A_278 : memref<1x10240x64xf32, #tpu.memory_space<hbm>> -> memref<10240x64xf32, #tpu.memory_space<hbm>>
    %dma_wait3A_280 = arith.constant 0 : i32
    %dma_wait3A_281 = arith.constant 0 : i32
    %dma_wait3A_282 = tpu.memref_slice %dma_wait3A_279[%dma_wait3A_280, %dma_wait3A_281] : memref<10240x64xf32, #tpu.memory_space<hbm>> -> memref<10240x64xf32, #tpu.memory_space<hbm>>
    tpu.wait_indirect_dma semaphore(%arg17 : memref<!tpu.dma_semaphore, #tpu.memory_space<semaphore_mem>>) src(%dma_wait3A_282 : memref<10240x64xf32, #tpu.memory_space<hbm>>) dst(%dma_wait3A_272 : memref<128x64xf32, #tpu.memory_space<vmem>>)
    %barrier3A_283 = arith.constant 0 : index
    tpu.barrier barrier_id(%barrier3A_283)
    "tpu.region"() ({
      %run_scoped3A_284 = tpu.sem_alloc : memref<!tpu.dma_semaphore, #tpu.memory_space<semaphore_mem>>
      %dma_start3A_285 = arith.constant 0 : i32
      %dma_start3A_286 = tpu.memref_slice %arg5[%arg0, %mul3A_1, %dma_start3A_285] : memref<2x10240x64xf32, #tpu.memory_space<hbm>> -> memref<1x640x64xf32, #tpu.memory_space<hbm>>
      %dma_start3A_287 = tpu.memref_squeeze %dma_start3A_286 : memref<1x640x64xf32, #tpu.memory_space<hbm>> -> memref<640x64xf32, #tpu.memory_space<hbm>>
      %dma_start3A_288 = arith.constant 0 : i32
      %dma_start3A_289 = tpu.memref_slice %arg9[%mul3A_1, %dma_start3A_288] : memref<10240x64xf32, #tpu.memory_space<vmem_shared>> -> memref<640x64xf32, #tpu.memory_space<vmem_shared>>
      tpu.enqueue_dma source(%dma_start3A_289 : memref<640x64xf32, #tpu.memory_space<vmem_shared>>) target(%dma_start3A_287 : memref<640x64xf32, #tpu.memory_space<hbm>>) target_semaphore(%run_scoped3A_284 : memref<!tpu.dma_semaphore, #tpu.memory_space<semaphore_mem>>)
      %dma_wait3A_290 = arith.constant 0 : i32
      %dma_wait3A_291 = tpu.memref_slice %arg5[%arg0, %mul3A_1, %dma_wait3A_290] : memref<2x10240x64xf32, #tpu.memory_space<hbm>> -> memref<1x640x64xf32, #tpu.memory_space<hbm>>
      %dma_wait3A_292 = tpu.memref_squeeze %dma_wait3A_291 : memref<1x640x64xf32, #tpu.memory_space<hbm>> -> memref<640x64xf32, #tpu.memory_space<hbm>>
      %dma_wait3A_293 = arith.constant 0 : i32
      %dma_wait3A_294 = tpu.memref_slice %arg9[%mul3A_1, %dma_wait3A_293] : memref<10240x64xf32, #tpu.memory_space<vmem_shared>> -> memref<640x64xf32, #tpu.memory_space<vmem_shared>>
      tpu.wait_dma2 semaphore(%run_scoped3A_284 : memref<!tpu.dma_semaphore, #tpu.memory_space<semaphore_mem>>) src(%dma_wait3A_294 : memref<640x64xf32, #tpu.memory_space<vmem_shared>>) dst(%dma_wait3A_292 : memref<640x64xf32, #tpu.memory_space<hbm>>)
      tpu.yield
    }) : () -> ()
    return
  }
}

#map = affine_map<(d0, d1) -> (0, 0, 0)>
module attributes {stable_mosaic.version = 14 : i64} {
  func.func @body(%arg0: i32, %arg1: i32, %arg2: memref<2x10240x64xf32, #tpu.memory_space<hbm>>, %arg3: memref<16x160x128xi32, #tpu.memory_space<hbm>>, %arg4: memref<16x160x128xi32, #tpu.memory_space<hbm>>, %arg5: memref<2x10240x64xf32, #tpu.memory_space<hbm>>, %arg6: memref<80x128xi32, #tpu.memory_space<vmem>>, %arg7: memref<80x128xi32, #tpu.memory_space<vmem>>, %arg8: memref<8x128x64xf32, #tpu.memory_space<vmem>>, %arg9: memref<10240x64xf32, #tpu.memory_space<vmem_shared>>, %arg10: memref<!tpu.dma_semaphore, #tpu.memory_space<semaphore_mem>>, %arg11: memref<!tpu.dma_semaphore, #tpu.memory_space<semaphore_mem>>, %arg12: memref<!tpu.dma_semaphore, #tpu.memory_space<semaphore_mem>>, %arg13: memref<!tpu.dma_semaphore, #tpu.memory_space<semaphore_mem>>, %arg14: memref<!tpu.dma_semaphore, #tpu.memory_space<semaphore_mem>>, %arg15: memref<!tpu.dma_semaphore, #tpu.memory_space<semaphore_mem>>, %arg16: memref<!tpu.dma_semaphore, #tpu.memory_space<semaphore_mem>>, %arg17: memref<!tpu.dma_semaphore, #tpu.memory_space<semaphore_mem>>) attributes {dimension_semantics = [#tpu.dimension_semantics<core_parallel>, #tpu.dimension_semantics<subcore_parallel>], iteration_bounds = array<i64: 2, 16>, scalar_prefetch = 0 : i64, scratch_operands = 12 : i64, tpu.core_type = #tpu.core_type<sc_vector_subcore>, window_params = [{transform_indices = #map}, {transform_indices = #map}, {transform_indices = #map}, {transform_indices = #map}]} {
    %broadcast_in_dim3A = arith.constant 0.000000e+00 : f32
    %broadcast_in_dim3A_0 = vector.broadcast %broadcast_in_dim3A : f32 to vector<16xf32>
    %mul3A = arith.constant 640 : i32
    %mul3A_1 = arith.muli %arg1, %mul3A : i32
    %scan3A = arith.constant 0 : i32
    %scan3A_2 = arith.constant 128 : i32
    %scan3A_3 = arith.addi %scan3A, %scan3A_2 : i32
    %scan3A_4 = arith.constant 1 : i32
    scf.for %scan3A_284 = %scan3A to %scan3A_3 step %scan3A_4  : i32 {
      %mul3A_285 = arith.constant 1 : i32
      %mul3A_286 = arith.muli %scan3A_284, %mul3A_285 : i32
      %add3A_287 = arith.constant 0 : i32
      %add3A_288 = arith.addi %add3A_287, %mul3A_286 : i32
      %swap3A = arith.constant 0 : i32
      %swap3A_289 = arith.index_cast %swap3A : i32 to index
      %swap3A_290 = arith.index_cast %add3A_288 : i32 to index
      %swap3A_291 = arith.constant 0 : index
      %swap3A_292 = tpu.vector_load %arg8[%swap3A_289, %swap3A_290, %swap3A_291] {strides = array<i32>} : memref<8x128x64xf32, #tpu.memory_space<vmem>>, vector<1x1x16xf32>,
      %swap3A_293 = vector.shape_cast %swap3A_292 : vector<1x1x16xf32> to vector<16xf32>
      %swap3A_294 = vector.shape_cast %broadcast_in_dim3A_0 : vector<16xf32> to vector<1x1x16xf32>
      tpu.vector_store %arg8[%swap3A_289, %swap3A_290, %swap3A_291], %swap3A_294 {strides = array<i32>} : memref<8x128x64xf32, #tpu.memory_space<vmem>>, vector<1x1x16xf32>,
      %swap3A_295 = arith.constant 0 : i32
      %swap3A_296 = arith.index_cast %swap3A_295 : i32 to index
      %swap3A_297 = arith.index_cast %add3A_288 : i32 to index
      %swap3A_298 = arith.constant 16 : index
      %swap3A_299 = tpu.vector_load %arg8[%swap3A_296, %swap3A_297, %swap3A_298] {strides = array<i32>} : memref<8x128x64xf32, #tpu.memory_space<vmem>>, vector<1x1x16xf32>,
      %swap3A_300 = vector.shape_cast %swap3A_299 : vector<1x1x16xf32> to vector<16xf32>
      %swap3A_301 = vector.shape_cast %broadcast_in_dim3A_0 : vector<16xf32> to vector<1x1x16xf32>
      tpu.vector_store %arg8[%swap3A_296, %swap3A_297, %swap3A_298], %swap3A_301 {strides = array<i32>} : memref<8x128x64xf32, #tpu.memory_space<vmem>>, vector<1x1x16xf32>,
      %swap3A_302 = arith.constant 0 : i32
      %swap3A_303 = arith.index_cast %swap3A_302 : i32 to index
      %swap3A_304 = arith.index_cast %add3A_288 : i32 to index
      %swap3A_305 = arith.constant 32 : index
      %swap3A_306 = tpu.vector_load %arg8[%swap3A_303, %swap3A_304, %swap3A_305] {strides = array<i32>} : memref<8x128x64xf32, #tpu.memory_space<vmem>>, vector<1x1x16xf32>,
      %swap3A_307 = vector.shape_cast %swap3A_306 : vector<1x1x16xf32> to vector<16xf32>
      %swap3A_308 = vector.shape_cast %broadcast_in_dim3A_0 : vector<16xf32> to vector<1x1x16xf32>
      tpu.vector_store %arg8[%swap3A_303, %swap3A_304, %swap3A_305], %swap3A_308 {strides = array<i32>} : memref<8x128x64xf32, #tpu.memory_space<vmem>>, vector<1x1x16xf32>,
      %swap3A_309 = arith.constant 0 : i32
      %swap3A_310 = arith.index_cast %swap3A_309 : i32 to index
      %swap3A_311 = arith.index_cast %add3A_288 : i32 to index
      %swap3A_312 = arith.constant 48 : index
      %swap3A_313 = tpu.vector_load %arg8[%swap3A_310, %swap3A_311, %swap3A_312] {strides = array<i32>} : memref<8x128x64xf32, #tpu.memory_space<vmem>>, vector<1x1x16xf32>,
      %swap3A_314 = vector.shape_cast %swap3A_313 : vector<1x1x16xf32> to vector<16xf32>
      %swap3A_315 = vector.shape_cast %broadcast_in_dim3A_0 : vector<16xf32> to vector<1x1x16xf32>
      tpu.vector_store %arg8[%swap3A_310, %swap3A_311, %swap3A_312], %swap3A_315 {strides = array<i32>} : memref<8x128x64xf32, #tpu.memory_space<vmem>>, vector<1x1x16xf32>,
    }
    %scan3A_5 = arith.constant 128 : i32
    %add3A = arith.constant 0 : i32
    %add3A_6 = arith.addi %mul3A_1, %add3A : i32
    %run_scoped3A = arith.constant 0 : i32
    "tpu.region"() ({
      %run_scoped3A_284 = tpu.sem_alloc : memref<!tpu.dma_semaphore, #tpu.memory_space<semaphore_mem>>
      %dma_start3A_285 = arith.constant 0 : i32
      %dma_start3A_286 = arith.constant 0 : i32
      %dma_start3A_287 = tpu.memref_slice %arg8[%run_scoped3A, %dma_start3A_285, %dma_start3A_286] : memref<8x128x64xf32, #tpu.memory_space<vmem>> -> memref<1x128x64xf32, #tpu.memory_space<vmem>>
      %dma_start3A_288 = tpu.memref_squeeze %dma_start3A_287 : memref<1x128x64xf32, #tpu.memory_space<vmem>> -> memref<128x64xf32, #tpu.memory_space<vmem>>
      %dma_start3A_289 = arith.constant 0 : i32
      %dma_start3A_290 = tpu.memref_slice %arg9[%add3A_6, %dma_start3A_289] : memref<10240x64xf32, #tpu.memory_space<vmem_shared>> -> memref<128x64xf32, #tpu.memory_space<vmem_shared>>
      %dma_start3A_291 = arith.constant 0 : i32
      %dma_start3A_292 = tpu.memref_slice %arg9[%add3A_6, %dma_start3A_291] : memref<10240x64xf32, #tpu.memory_space<vmem_shared>> -> memref<128x64xf32, #tpu.memory_space<vmem_shared>>
      %dma_start3A_293 = arith.constant 0 : i32
      %dma_start3A_294 = arith.constant 0 : i32
      %dma_start3A_295 = tpu.memref_slice %arg8[%run_scoped3A, %dma_start3A_293, %dma_start3A_294] : memref<8x128x64xf32, #tpu.memory_space<vmem>> -> memref<1x128x64xf32, #tpu.memory_space<vmem>>
      %dma_start3A_296 = tpu.memref_squeeze %dma_start3A_295 : memref<1x128x64xf32, #tpu.memory_space<vmem>> -> memref<128x64xf32, #tpu.memory_space<vmem>>
      tpu.enqueue_dma source(%dma_start3A_296 : memref<128x64xf32, #tpu.memory_space<vmem>>) target(%dma_start3A_292 : memref<128x64xf32, #tpu.memory_space<vmem_shared>>) target_semaphore(%run_scoped3A_284 : memref<!tpu.dma_semaphore, #tpu.memory_space<semaphore_mem>>)
      %dma_wait3A_297 = arith.constant 0 : i32
      %dma_wait3A_298 = arith.constant 0 : i32
      %dma_wait3A_299 = tpu.memref_slice %arg8[%run_scoped3A, %dma_wait3A_297, %dma_wait3A_298] : memref<8x128x64xf32, #tpu.memory_space<vmem>> -> memref<1x128x64xf32, #tpu.memory_space<vmem>>
      %dma_wait3A_300 = tpu.memref_squeeze %dma_wait3A_299 : memref<1x128x64xf32, #tpu.memory_space<vmem>> -> memref<128x64xf32, #tpu.memory_space<vmem>>
      %dma_wait3A_301 = arith.constant 0 : i32
      %dma_wait3A_302 = tpu.memref_slice %arg9[%add3A_6, %dma_wait3A_301] : memref<10240x64xf32, #tpu.memory_space<vmem_shared>> -> memref<128x64xf32, #tpu.memory_space<vmem_shared>>
      %dma_wait3A_303 = arith.constant 0 : i32
      %dma_wait3A_304 = tpu.memref_slice %arg9[%add3A_6, %dma_wait3A_303] : memref<10240x64xf32, #tpu.memory_space<vmem_shared>> -> memref<128x64xf32, #tpu.memory_space<vmem_shared>>
      %dma_wait3A_305 = arith.constant 0 : i32
      %dma_wait3A_306 = arith.constant 0 : i32
      %dma_wait3A_307 = tpu.memref_slice %arg8[%run_scoped3A, %dma_wait3A_305, %dma_wait3A_306] : memref<8x128x64xf32, #tpu.memory_space<vmem>> -> memref<1x128x64xf32, #tpu.memory_space<vmem>>
      %dma_wait3A_308 = tpu.memref_squeeze %dma_wait3A_307 : memref<1x128x64xf32, #tpu.memory_space<vmem>> -> memref<128x64xf32, #tpu.memory_space<vmem>>
      tpu.wait_dma2 semaphore(%run_scoped3A_284 : memref<!tpu.dma_semaphore, #tpu.memory_space<semaphore_mem>>) src(%dma_wait3A_308 : memref<128x64xf32, #tpu.memory_space<vmem>>) dst(%dma_wait3A_304 : memref<128x64xf32, #tpu.memory_space<vmem_shared>>)
      tpu.yield
    }) : () -> ()
    %add3A_7 = arith.constant 128 : i32
    %add3A_8 = arith.addi %mul3A_1, %add3A_7 : i32
    %run_scoped3A_9 = arith.constant 0 : i32
    "tpu.region"() ({
      %run_scoped3A_284 = tpu.sem_alloc : memref<!tpu.dma_semaphore, #tpu.memory_space<semaphore_mem>>
      %dma_start3A_285 = arith.constant 0 : i32
      %dma_start3A_286 = arith.constant 0 : i32
      %dma_start3A_287 = tpu.memref_slice %arg8[%run_scoped3A_9, %dma_start3A_285, %dma_start3A_286] : memref<8x128x64xf32, #tpu.memory_space<vmem>> -> memref<1x128x64xf32, #tpu.memory_space<vmem>>
      %dma_start3A_288 = tpu.memref_squeeze %dma_start3A_287 : memref<1x128x64xf32, #tpu.memory_space<vmem>> -> memref<128x64xf32, #tpu.memory_space<vmem>>
      %dma_start3A_289 = arith.constant 0 : i32
      %dma_start3A_290 = tpu.memref_slice %arg9[%add3A_8, %dma_start3A_289] : memref<10240x64xf32, #tpu.memory_space<vmem_shared>> -> memref<128x64xf32, #tpu.memory_space<vmem_shared>>
      %dma_start3A_291 = arith.constant 0 : i32
      %dma_start3A_292 = tpu.memref_slice %arg9[%add3A_8, %dma_start3A_291] : memref<10240x64xf32, #tpu.memory_space<vmem_shared>> -> memref<128x64xf32, #tpu.memory_space<vmem_shared>>
      %dma_start3A_293 = arith.constant 0 : i32
      %dma_start3A_294 = arith.constant 0 : i32
      %dma_start3A_295 = tpu.memref_slice %arg8[%run_scoped3A_9, %dma_start3A_293, %dma_start3A_294] : memref<8x128x64xf32, #tpu.memory_space<vmem>> -> memref<1x128x64xf32, #tpu.memory_space<vmem>>
      %dma_start3A_296 = tpu.memref_squeeze %dma_start3A_295 : memref<1x128x64xf32, #tpu.memory_space<vmem>> -> memref<128x64xf32, #tpu.memory_space<vmem>>
      tpu.enqueue_dma source(%dma_start3A_296 : memref<128x64xf32, #tpu.memory_space<vmem>>) target(%dma_start3A_292 : memref<128x64xf32, #tpu.memory_space<vmem_shared>>) target_semaphore(%run_scoped3A_284 : memref<!tpu.dma_semaphore, #tpu.memory_space<semaphore_mem>>)
      %dma_wait3A_297 = arith.constant 0 : i32
      %dma_wait3A_298 = arith.constant 0 : i32
      %dma_wait3A_299 = tpu.memref_slice %arg8[%run_scoped3A_9, %dma_wait3A_297, %dma_wait3A_298] : memref<8x128x64xf32, #tpu.memory_space<vmem>> -> memref<1x128x64xf32, #tpu.memory_space<vmem>>
      %dma_wait3A_300 = tpu.memref_squeeze %dma_wait3A_299 : memref<1x128x64xf32, #tpu.memory_space<vmem>> -> memref<128x64xf32, #tpu.memory_space<vmem>>
      %dma_wait3A_301 = arith.constant 0 : i32
      %dma_wait3A_302 = tpu.memref_slice %arg9[%add3A_8, %dma_wait3A_301] : memref<10240x64xf32, #tpu.memory_space<vmem_shared>> -> memref<128x64xf32, #tpu.memory_space<vmem_shared>>
      %dma_wait3A_303 = arith.constant 0 : i32
      %dma_wait3A_304 = tpu.memref_slice %arg9[%add3A_8, %dma_wait3A_303] : memref<10240x64xf32, #tpu.memory_space<vmem_shared>> -> memref<128x64xf32, #tpu.memory_space<vmem_shared>>
      %dma_wait3A_305 = arith.constant 0 : i32
      %dma_wait3A_306 = arith.constant 0 : i32
      %dma_wait3A_307 = tpu.memref_slice %arg8[%run_scoped3A_9, %dma_wait3A_305, %dma_wait3A_306] : memref<8x128x64xf32, #tpu.memory_space<vmem>> -> memref<1x128x64xf32, #tpu.memory_space<vmem>>
      %dma_wait3A_308 = tpu.memref_squeeze %dma_wait3A_307 : memref<1x128x64xf32, #tpu.memory_space<vmem>> -> memref<128x64xf32, #tpu.memory_space<vmem>>
      tpu.wait_dma2 semaphore(%run_scoped3A_284 : memref<!tpu.dma_semaphore, #tpu.memory_space<semaphore_mem>>) src(%dma_wait3A_308 : memref<128x64xf32, #tpu.memory_space<vmem>>) dst(%dma_wait3A_304 : memref<128x64xf32, #tpu.memory_space<vmem_shared>>)
      tpu.yield
    }) : () -> ()
    %add3A_10 = arith.constant 256 : i32
    %add3A_11 = arith.addi %mul3A_1, %add3A_10 : i32
    %run_scoped3A_12 = arith.constant 0 : i32
    "tpu.region"() ({
      %run_scoped3A_284 = tpu.sem_alloc : memref<!tpu.dma_semaphore, #tpu.memory_space<semaphore_mem>>
      %dma_start3A_285 = arith.constant 0 : i32
      %dma_start3A_286 = arith.constant 0 : i32
      %dma_start3A_287 = tpu.memref_slice %arg8[%run_scoped3A_12, %dma_start3A_285, %dma_start3A_286] : memref<8x128x64xf32, #tpu.memory_space<vmem>> -> memref<1x128x64xf32, #tpu.memory_space<vmem>>
      %dma_start3A_288 = tpu.memref_squeeze %dma_start3A_287 : memref<1x128x64xf32, #tpu.memory_space<vmem>> -> memref<128x64xf32, #tpu.memory_space<vmem>>
      %dma_start3A_289 = arith.constant 0 : i32
      %dma_start3A_290 = tpu.memref_slice %arg9[%add3A_11, %dma_start3A_289] : memref<10240x64xf32, #tpu.memory_space<vmem_shared>> -> memref<128x64xf32, #tpu.memory_space<vmem_shared>>
      %dma_start3A_291 = arith.constant 0 : i32
      %dma_start3A_292 = tpu.memref_slice %arg9[%add3A_11, %dma_start3A_291] : memref<10240x64xf32, #tpu.memory_space<vmem_shared>> -> memref<128x64xf32, #tpu.memory_space<vmem_shared>>
      %dma_start3A_293 = arith.constant 0 : i32
      %dma_start3A_294 = arith.constant 0 : i32
      %dma_start3A_295 = tpu.memref_slice %arg8[%run_scoped3A_12, %dma_start3A_293, %dma_start3A_294] : memref<8x128x64xf32, #tpu.memory_space<vmem>> -> memref<1x128x64xf32, #tpu.memory_space<vmem>>
      %dma_start3A_296 = tpu.memref_squeeze %dma_start3A_295 : memref<1x128x64xf32, #tpu.memory_space<vmem>> -> memref<128x64xf32, #tpu.memory_space<vmem>>
      tpu.enqueue_dma source(%dma_start3A_296 : memref<128x64xf32, #tpu.memory_space<vmem>>) target(%dma_start3A_292 : memref<128x64xf32, #tpu.memory_space<vmem_shared>>) target_semaphore(%run_scoped3A_284 : memref<!tpu.dma_semaphore, #tpu.memory_space<semaphore_mem>>)
      %dma_wait3A_297 = arith.constant 0 : i32
      %dma_wait3A_298 = arith.constant 0 : i32
      %dma_wait3A_299 = tpu.memref_slice %arg8[%run_scoped3A_12, %dma_wait3A_297, %dma_wait3A_298] : memref<8x128x64xf32, #tpu.memory_space<vmem>> -> memref<1x128x64xf32, #tpu.memory_space<vmem>>
      %dma_wait3A_300 = tpu.memref_squeeze %dma_wait3A_299 : memref<1x128x64xf32, #tpu.memory_space<vmem>> -> memref<128x64xf32, #tpu.memory_space<vmem>>
      %dma_wait3A_301 = arith.constant 0 : i32
      %dma_wait3A_302 = tpu.memref_slice %arg9[%add3A_11, %dma_wait3A_301] : memref<10240x64xf32, #tpu.memory_space<vmem_shared>> -> memref<128x64xf32, #tpu.memory_space<vmem_shared>>
      %dma_wait3A_303 = arith.constant 0 : i32
      %dma_wait3A_304 = tpu.memref_slice %arg9[%add3A_11, %dma_wait3A_303] : memref<10240x64xf32, #tpu.memory_space<vmem_shared>> -> memref<128x64xf32, #tpu.memory_space<vmem_shared>>
      %dma_wait3A_305 = arith.constant 0 : i32
      %dma_wait3A_306 = arith.constant 0 : i32
      %dma_wait3A_307 = tpu.memref_slice %arg8[%run_scoped3A_12, %dma_wait3A_305, %dma_wait3A_306] : memref<8x128x64xf32, #tpu.memory_space<vmem>> -> memref<1x128x64xf32, #tpu.memory_space<vmem>>
      %dma_wait3A_308 = tpu.memref_squeeze %dma_wait3A_307 : memref<1x128x64xf32, #tpu.memory_space<vmem>> -> memref<128x64xf32, #tpu.memory_space<vmem>>
      tpu.wait_dma2 semaphore(%run_scoped3A_284 : memref<!tpu.dma_semaphore, #tpu.memory_space<semaphore_mem>>) src(%dma_wait3A_308 : memref<128x64xf32, #tpu.memory_space<vmem>>) dst(%dma_wait3A_304 : memref<128x64xf32, #tpu.memory_space<vmem_shared>>)
      tpu.yield
    }) : () -> ()
    %add3A_13 = arith.constant 384 : i32
    %add3A_14 = arith.addi %mul3A_1, %add3A_13 : i32
    %run_scoped3A_15 = arith.constant 0 : i32
    "tpu.region"() ({
      %run_scoped3A_284 = tpu.sem_alloc : memref<!tpu.dma_semaphore, #tpu.memory_space<semaphore_mem>>
      %dma_start3A_285 = arith.constant 0 : i32
      %dma_start3A_286 = arith.constant 0 : i32
      %dma_start3A_287 = tpu.memref_slice %arg8[%run_scoped3A_15, %dma_start3A_285, %dma_start3A_286] : memref<8x128x64xf32, #tpu.memory_space<vmem>> -> memref<1x128x64xf32, #tpu.memory_space<vmem>>
      %dma_start3A_288 = tpu.memref_squeeze %dma_start3A_287 : memref<1x128x64xf32, #tpu.memory_space<vmem>> -> memref<128x64xf32, #tpu.memory_space<vmem>>
      %dma_start3A_289 = arith.constant 0 : i32
      %dma_start3A_290 = tpu.memref_slice %arg9[%add3A_14, %dma_start3A_289] : memref<10240x64xf32, #tpu.memory_space<vmem_shared>> -> memref<128x64xf32, #tpu.memory_space<vmem_shared>>
      %dma_start3A_291 = arith.constant 0 : i32
      %dma_start3A_292 = tpu.memref_slice %arg9[%add3A_14, %dma_start3A_291] : memref<10240x64xf32, #tpu.memory_space<vmem_shared>> -> memref<128x64xf32, #tpu.memory_space<vmem_shared>>
      %dma_start3A_293 = arith.constant 0 : i32
      %dma_start3A_294 = arith.constant 0 : i32
      %dma_start3A_295 = tpu.memref_slice %arg8[%run_scoped3A_15, %dma_start3A_293, %dma_start3A_294] : memref<8x128x64xf32, #tpu.memory_space<vmem>> -> memref<1x128x64xf32, #tpu.memory_space<vmem>>
      %dma_start3A_296 = tpu.memref_squeeze %dma_start3A_295 : memref<1x128x64xf32, #tpu.memory_space<vmem>> -> memref<128x64xf32, #tpu.memory_space<vmem>>
      tpu.enqueue_dma source(%dma_start3A_296 : memref<128x64xf32, #tpu.memory_space<vmem>>) target(%dma_start3A_292 : memref<128x64xf32, #tpu.memory_space<vmem_shared>>) target_semaphore(%run_scoped3A_284 : memref<!tpu.dma_semaphore, #tpu.memory_space<semaphore_mem>>)
      %dma_wait3A_297 = arith.constant 0 : i32
      %dma_wait3A_298 = arith.constant 0 : i32
      %dma_wait3A_299 = tpu.memref_slice %arg8[%run_scoped3A_15, %dma_wait3A_297, %dma_wait3A_298] : memref<8x128x64xf32, #tpu.memory_space<vmem>> -> memref<1x128x64xf32, #tpu.memory_space<vmem>>
      %dma_wait3A_300 = tpu.memref_squeeze %dma_wait3A_299 : memref<1x128x64xf32, #tpu.memory_space<vmem>> -> memref<128x64xf32, #tpu.memory_space<vmem>>
      %dma_wait3A_301 = arith.constant 0 : i32
      %dma_wait3A_302 = tpu.memref_slice %arg9[%add3A_14, %dma_wait3A_301] : memref<10240x64xf32, #tpu.memory_space<vmem_shared>> -> memref<128x64xf32, #tpu.memory_space<vmem_shared>>
      %dma_wait3A_303 = arith.constant 0 : i32
      %dma_wait3A_304 = tpu.memref_slice %arg9[%add3A_14, %dma_wait3A_303] : memref<10240x64xf32, #tpu.memory_space<vmem_shared>> -> memref<128x64xf32, #tpu.memory_space<vmem_shared>>
      %dma_wait3A_305 = arith.constant 0 : i32
      %dma_wait3A_306 = arith.constant 0 : i32
      %dma_wait3A_307 = tpu.memref_slice %arg8[%run_scoped3A_15, %dma_wait3A_305, %dma_wait3A_306] : memref<8x128x64xf32, #tpu.memory_space<vmem>> -> memref<1x128x64xf32, #tpu.memory_space<vmem>>
      %dma_wait3A_308 = tpu.memref_squeeze %dma_wait3A_307 : memref<1x128x64xf32, #tpu.memory_space<vmem>> -> memref<128x64xf32, #tpu.memory_space<vmem>>
      tpu.wait_dma2 semaphore(%run_scoped3A_284 : memref<!tpu.dma_semaphore, #tpu.memory_space<semaphore_mem>>) src(%dma_wait3A_308 : memref<128x64xf32, #tpu.memory_space<vmem>>) dst(%dma_wait3A_304 : memref<128x64xf32, #tpu.memory_space<vmem_shared>>)
      tpu.yield
    }) : () -> ()
    %add3A_16 = arith.constant 512 : i32
    %add3A_17 = arith.addi %mul3A_1, %add3A_16 : i32
    %run_scoped3A_18 = arith.constant 0 : i32
    "tpu.region"() ({
      %run_scoped3A_284 = tpu.sem_alloc : memref<!tpu.dma_semaphore, #tpu.memory_space<semaphore_mem>>
      %dma_start3A_285 = arith.constant 0 : i32
      %dma_start3A_286 = arith.constant 0 : i32
      %dma_start3A_287 = tpu.memref_slice %arg8[%run_scoped3A_18, %dma_start3A_285, %dma_start3A_286] : memref<8x128x64xf32, #tpu.memory_space<vmem>> -> memref<1x128x64xf32, #tpu.memory_space<vmem>>
      %dma_start3A_288 = tpu.memref_squeeze %dma_start3A_287 : memref<1x128x64xf32, #tpu.memory_space<vmem>> -> memref<128x64xf32, #tpu.memory_space<vmem>>
      %dma_start3A_289 = arith.constant 0 : i32
      %dma_start3A_290 = tpu.memref_slice %arg9[%add3A_17, %dma_start3A_289] : memref<10240x64xf32, #tpu.memory_space<vmem_shared>> -> memref<128x64xf32, #tpu.memory_space<vmem_shared>>
      %dma_start3A_291 = arith.constant 0 : i32
      %dma_start3A_292 = tpu.memref_slice %arg9[%add3A_17, %dma_start3A_291] : memref<10240x64xf32, #tpu.memory_space<vmem_shared>> -> memref<128x64xf32, #tpu.memory_space<vmem_shared>>
      %dma_start3A_293 = arith.constant 0 : i32
      %dma_start3A_294 = arith.constant 0 : i32
      %dma_start3A_295 = tpu.memref_slice %arg8[%run_scoped3A_18, %dma_start3A_293, %dma_start3A_294] : memref<8x128x64xf32, #tpu.memory_space<vmem>> -> memref<1x128x64xf32, #tpu.memory_space<vmem>>
      %dma_start3A_296 = tpu.memref_squeeze %dma_start3A_295 : memref<1x128x64xf32, #tpu.memory_space<vmem>> -> memref<128x64xf32, #tpu.memory_space<vmem>>
      tpu.enqueue_dma source(%dma_start3A_296 : memref<128x64xf32, #tpu.memory_space<vmem>>) target(%dma_start3A_292 : memref<128x64xf32, #tpu.memory_space<vmem_shared>>) target_semaphore(%run_scoped3A_284 : memref<!tpu.dma_semaphore, #tpu.memory_space<semaphore_mem>>)
      %dma_wait3A_297 = arith.constant 0 : i32
      %dma_wait3A_298 = arith.constant 0 : i32
      %dma_wait3A_299 = tpu.memref_slice %arg8[%run_scoped3A_18, %dma_wait3A_297, %dma_wait3A_298] : memref<8x128x64xf32, #tpu.memory_space<vmem>> -> memref<1x128x64xf32, #tpu.memory_space<vmem>>
      %dma_wait3A_300 = tpu.memref_squeeze %dma_wait3A_299 : memref<1x128x64xf32, #tpu.memory_space<vmem>> -> memref<128x64xf32, #tpu.memory_space<vmem>>
      %dma_wait3A_301 = arith.constant 0 : i32
      %dma_wait3A_302 = tpu.memref_slice %arg9[%add3A_17, %dma_wait3A_301] : memref<10240x64xf32, #tpu.memory_space<vmem_shared>> -> memref<128x64xf32, #tpu.memory_space<vmem_shared>>
      %dma_wait3A_303 = arith.constant 0 : i32
      %dma_wait3A_304 = tpu.memref_slice %arg9[%add3A_17, %dma_wait3A_303] : memref<10240x64xf32, #tpu.memory_space<vmem_shared>> -> memref<128x64xf32, #tpu.memory_space<vmem_shared>>
      %dma_wait3A_305 = arith.constant 0 : i32
      %dma_wait3A_306 = arith.constant 0 : i32
      %dma_wait3A_307 = tpu.memref_slice %arg8[%run_scoped3A_18, %dma_wait3A_305, %dma_wait3A_306] : memref<8x128x64xf32, #tpu.memory_space<vmem>> -> memref<1x128x64xf32, #tpu.memory_space<vmem>>
      %dma_wait3A_308 = tpu.memref_squeeze %dma_wait3A_307 : memref<1x128x64xf32, #tpu.memory_space<vmem>> -> memref<128x64xf32, #tpu.memory_space<vmem>>
      tpu.wait_dma2 semaphore(%run_scoped3A_284 : memref<!tpu.dma_semaphore, #tpu.memory_space<semaphore_mem>>) src(%dma_wait3A_308 : memref<128x64xf32, #tpu.memory_space<vmem>>) dst(%dma_wait3A_304 : memref<128x64xf32, #tpu.memory_space<vmem_shared>>)
      tpu.yield
    }) : () -> ()
    %barrier3A = arith.constant 0 : index
    tpu.barrier barrier_id(%barrier3A)
    "tpu.region"() ({
      %run_scoped3A_284 = tpu.sem_alloc : memref<!tpu.dma_semaphore, #tpu.memory_space<semaphore_mem>>
      %dma_start3A_285 = arith.constant 0 : i32
      %dma_start3A_286 = arith.constant 0 : i32
      %dma_start3A_287 = tpu.memref_slice %arg3[%arg1, %dma_start3A_285, %dma_start3A_286] : memref<16x160x128xi32, #tpu.memory_space<hbm>> -> memref<1x80x128xi32, #tpu.memory_space<hbm>>
      %dma_start3A_288 = tpu.memref_squeeze %dma_start3A_287 : memref<1x80x128xi32, #tpu.memory_space<hbm>> -> memref<80x128xi32, #tpu.memory_space<hbm>>
      %dma_start3A_289 = arith.constant 0 : i32
      %dma_start3A_290 = arith.constant 0 : i32
      %dma_start3A_291 = tpu.memref_slice %arg3[%arg1, %dma_start3A_289, %dma_start3A_290] : memref<16x160x128xi32, #tpu.memory_space<hbm>> -> memref<1x80x128xi32, #tpu.memory_space<hbm>>
      %dma_start3A_292 = tpu.memref_squeeze %dma_start3A_291 : memref<1x80x128xi32, #tpu.memory_space<hbm>> -> memref<80x128xi32, #tpu.memory_space<hbm>>
      tpu.enqueue_dma source(%dma_start3A_292 : memref<80x128xi32, #tpu.memory_space<hbm>>) target(%arg6 : memref<80x128xi32, #tpu.memory_space<vmem>>) target_semaphore(%run_scoped3A_284 : memref<!tpu.dma_semaphore, #tpu.memory_space<semaphore_mem>>)
      %dma_wait3A_293 = arith.constant 0 : i32
      %dma_wait3A_294 = arith.constant 0 : i32
      %dma_wait3A_295 = tpu.memref_slice %arg3[%arg1, %dma_wait3A_293, %dma_wait3A_294] : memref<16x160x128xi32, #tpu.memory_space<hbm>> -> memref<1x80x128xi32, #tpu.memory_space<hbm>>
      %dma_wait3A_296 = tpu.memref_squeeze %dma_wait3A_295 : memref<1x80x128xi32, #tpu.memory_space<hbm>> -> memref<80x128xi32, #tpu.memory_space<hbm>>
      %dma_wait3A_297 = arith.constant 0 : i32
      %dma_wait3A_298 = arith.constant 0 : i32
      %dma_wait3A_299 = tpu.memref_slice %arg3[%arg1, %dma_wait3A_297, %dma_wait3A_298] : memref<16x160x128xi32, #tpu.memory_space<hbm>> -> memref<1x80x128xi32, #tpu.memory_space<hbm>>
      %dma_wait3A_300 = tpu.memref_squeeze %dma_wait3A_299 : memref<1x80x128xi32, #tpu.memory_space<hbm>> -> memref<80x128xi32, #tpu.memory_space<hbm>>
      tpu.wait_dma2 semaphore(%run_scoped3A_284 : memref<!tpu.dma_semaphore, #tpu.memory_space<semaphore_mem>>) src(%dma_wait3A_300 : memref<80x128xi32, #tpu.memory_space<hbm>>) dst(%arg6 : memref<80x128xi32, #tpu.memory_space<vmem>>)
      tpu.yield
    }) : () -> ()
    "tpu.region"() ({
      %run_scoped3A_284 = tpu.sem_alloc : memref<!tpu.dma_semaphore, #tpu.memory_space<semaphore_mem>>
      %dma_start3A_285 = arith.constant 0 : i32
      %dma_start3A_286 = arith.constant 0 : i32
      %dma_start3A_287 = tpu.memref_slice %arg4[%arg1, %dma_start3A_285, %dma_start3A_286] : memref<16x160x128xi32, #tpu.memory_space<hbm>> -> memref<1x80x128xi32, #tpu.memory_space<hbm>>
      %dma_start3A_288 = tpu.memref_squeeze %dma_start3A_287 : memref<1x80x128xi32, #tpu.memory_space<hbm>> -> memref<80x128xi32, #tpu.memory_space<hbm>>
      %dma_start3A_289 = arith.constant 0 : i32
      %dma_start3A_290 = arith.constant 0 : i32
      %dma_start3A_291 = tpu.memref_slice %arg4[%arg1, %dma_start3A_289, %dma_start3A_290] : memref<16x160x128xi32, #tpu.memory_space<hbm>> -> memref<1x80x128xi32, #tpu.memory_space<hbm>>
      %dma_start3A_292 = tpu.memref_squeeze %dma_start3A_291 : memref<1x80x128xi32, #tpu.memory_space<hbm>> -> memref<80x128xi32, #tpu.memory_space<hbm>>
      tpu.enqueue_dma source(%dma_start3A_292 : memref<80x128xi32, #tpu.memory_space<hbm>>) target(%arg7 : memref<80x128xi32, #tpu.memory_space<vmem>>) target_semaphore(%run_scoped3A_284 : memref<!tpu.dma_semaphore, #tpu.memory_space<semaphore_mem>>)
      %dma_wait3A_293 = arith.constant 0 : i32
      %dma_wait3A_294 = arith.constant 0 : i32
      %dma_wait3A_295 = tpu.memref_slice %arg4[%arg1, %dma_wait3A_293, %dma_wait3A_294] : memref<16x160x128xi32, #tpu.memory_space<hbm>> -> memref<1x80x128xi32, #tpu.memory_space<hbm>>
      %dma_wait3A_296 = tpu.memref_squeeze %dma_wait3A_295 : memref<1x80x128xi32, #tpu.memory_space<hbm>> -> memref<80x128xi32, #tpu.memory_space<hbm>>
      %dma_wait3A_297 = arith.constant 0 : i32
      %dma_wait3A_298 = arith.constant 0 : i32
      %dma_wait3A_299 = tpu.memref_slice %arg4[%arg1, %dma_wait3A_297, %dma_wait3A_298] : memref<16x160x128xi32, #tpu.memory_space<hbm>> -> memref<1x80x128xi32, #tpu.memory_space<hbm>>
      %dma_wait3A_300 = tpu.memref_squeeze %dma_wait3A_299 : memref<1x80x128xi32, #tpu.memory_space<hbm>> -> memref<80x128xi32, #tpu.memory_space<hbm>>
      tpu.wait_dma2 semaphore(%run_scoped3A_284 : memref<!tpu.dma_semaphore, #tpu.memory_space<semaphore_mem>>) src(%dma_wait3A_300 : memref<80x128xi32, #tpu.memory_space<hbm>>) dst(%arg7 : memref<80x128xi32, #tpu.memory_space<vmem>>)
      tpu.yield
    }) : () -> ()
    %dma_start3A = arith.constant 0 : i32
    %dma_start3A_19 = arith.constant 0 : i32
    %dma_start3A_20 = arith.constant 0 : i32
    %dma_start3A_21 = arith.constant 0 : i32
    %dma_start3A_22 = tpu.memref_slice %arg8[%dma_start3A_19, %dma_start3A_20, %dma_start3A_21] : memref<8x128x64xf32, #tpu.memory_space<vmem>> -> memref<1x128x64xf32, #tpu.memory_space<vmem>>
    %dma_start3A_23 = tpu.memref_squeeze %dma_start3A_22 : memref<1x128x64xf32, #tpu.memory_space<vmem>> -> memref<128x64xf32, #tpu.memory_space<vmem>>
    %dma_start3A_24 = arith.constant 0 : i32
    %dma_start3A_25 = tpu.memref_slice %arg6[%dma_start3A, %dma_start3A_24] : memref<80x128xi32, #tpu.memory_space<vmem>> -> memref<1x128xi32, #tpu.memory_space<vmem>>
    %dma_start3A_26 = tpu.memref_squeeze %dma_start3A_25 : memref<1x128xi32, #tpu.memory_space<vmem>> -> memref<128xi32, #tpu.memory_space<vmem>>
    %dma_start3A_27 = arith.constant 0 : i32
    %dma_start3A_28 = arith.constant 0 : i32
    %dma_start3A_29 = tpu.memref_slice %arg2[%arg0, %dma_start3A_27, %dma_start3A_28] : memref<2x10240x64xf32, #tpu.memory_space<hbm>> -> memref<1x10240x64xf32, #tpu.memory_space<hbm>>
    %dma_start3A_30 = tpu.memref_squeeze %dma_start3A_29 : memref<1x10240x64xf32, #tpu.memory_space<hbm>> -> memref<10240x64xf32, #tpu.memory_space<hbm>>
    %dma_start3A_31 = arith.constant 0 : i32
    %dma_start3A_32 = arith.constant 0 : i32
    %dma_start3A_33 = tpu.memref_slice %dma_start3A_30[%dma_start3A_31, %dma_start3A_32] : memref<10240x64xf32, #tpu.memory_space<hbm>> -> memref<10240x64xf32, #tpu.memory_space<hbm>>
    tpu.enqueue_indirect_dma source(%dma_start3A_33 : memref<10240x64xf32, #tpu.memory_space<hbm>>) target(%dma_start3A_23 : memref<128x64xf32, #tpu.memory_space<vmem>>) offsets(%dma_start3A_26 : memref<128xi32, #tpu.memory_space<vmem>>) semaphore(%arg10 : memref<!tpu.dma_semaphore, #tpu.memory_space<semaphore_mem>>)
    %dma_start3A_34 = arith.constant 1 : i32
    %dma_start3A_35 = arith.constant 1 : i32
    %dma_start3A_36 = arith.constant 0 : i32
    %dma_start3A_37 = arith.constant 0 : i32
    %dma_start3A_38 = tpu.memref_slice %arg8[%dma_start3A_35, %dma_start3A_36, %dma_start3A_37] : memref<8x128x64xf32, #tpu.memory_space<vmem>> -> memref<1x128x64xf32, #tpu.memory_space<vmem>>
    %dma_start3A_39 = tpu.memref_squeeze %dma_start3A_38 : memref<1x128x64xf32, #tpu.memory_space<vmem>> -> memref<128x64xf32, #tpu.memory_space<vmem>>
    %dma_start3A_40 = arith.constant 0 : i32
    %dma_start3A_41 = tpu.memref_slice %arg6[%dma_start3A_34, %dma_start3A_40] : memref<80x128xi32, #tpu.memory_space<vmem>> -> memref<1x128xi32, #tpu.memory_space<vmem>>
    %dma_start3A_42 = tpu.memref_squeeze %dma_start3A_41 : memref<1x128xi32, #tpu.memory_space<vmem>> -> memref<128xi32, #tpu.memory_space<vmem>>
    %dma_start3A_43 = arith.constant 0 : i32
    %dma_start3A_44 = arith.constant 0 : i32
    %dma_start3A_45 = tpu.memref_slice %arg2[%arg0, %dma_start3A_43, %dma_start3A_44] : memref<2x10240x64xf32, #tpu.memory_space<hbm>> -> memref<1x10240x64xf32, #tpu.memory_space<hbm>>
    %dma_start3A_46 = tpu.memref_squeeze %dma_start3A_45 : memref<1x10240x64xf32, #tpu.memory_space<hbm>> -> memref<10240x64xf32, #tpu.memory_space<hbm>>
    %dma_start3A_47 = arith.constant 0 : i32
    %dma_start3A_48 = arith.constant 0 : i32
    %dma_start3A_49 = tpu.memref_slice %dma_start3A_46[%dma_start3A_47, %dma_start3A_48] : memref<10240x64xf32, #tpu.memory_space<hbm>> -> memref<10240x64xf32, #tpu.memory_space<hbm>>
    tpu.enqueue_indirect_dma source(%dma_start3A_49 : memref<10240x64xf32, #tpu.memory_space<hbm>>) target(%dma_start3A_39 : memref<128x64xf32, #tpu.memory_space<vmem>>) offsets(%dma_start3A_42 : memref<128xi32, #tpu.memory_space<vmem>>) semaphore(%arg11 : memref<!tpu.dma_semaphore, #tpu.memory_space<semaphore_mem>>)
    %dma_start3A_50 = arith.constant 2 : i32
    %dma_start3A_51 = arith.constant 2 : i32
    %dma_start3A_52 = arith.constant 0 : i32
    %dma_start3A_53 = arith.constant 0 : i32
    %dma_start3A_54 = tpu.memref_slice %arg8[%dma_start3A_51, %dma_start3A_52, %dma_start3A_53] : memref<8x128x64xf32, #tpu.memory_space<vmem>> -> memref<1x128x64xf32, #tpu.memory_space<vmem>>
    %dma_start3A_55 = tpu.memref_squeeze %dma_start3A_54 : memref<1x128x64xf32, #tpu.memory_space<vmem>> -> memref<128x64xf32, #tpu.memory_space<vmem>>
    %dma_start3A_56 = arith.constant 0 : i32
    %dma_start3A_57 = tpu.memref_slice %arg6[%dma_start3A_50, %dma_start3A_56] : memref<80x128xi32, #tpu.memory_space<vmem>> -> memref<1x128xi32, #tpu.memory_space<vmem>>
    %dma_start3A_58 = tpu.memref_squeeze %dma_start3A_57 : memref<1x128xi32, #tpu.memory_space<vmem>> -> memref<128xi32, #tpu.memory_space<vmem>>
    %dma_start3A_59 = arith.constant 0 : i32
    %dma_start3A_60 = arith.constant 0 : i32
    %dma_start3A_61 = tpu.memref_slice %arg2[%arg0, %dma_start3A_59, %dma_start3A_60] : memref<2x10240x64xf32, #tpu.memory_space<hbm>> -> memref<1x10240x64xf32, #tpu.memory_space<hbm>>
    %dma_start3A_62 = tpu.memref_squeeze %dma_start3A_61 : memref<1x10240x64xf32, #tpu.memory_space<hbm>> -> memref<10240x64xf32, #tpu.memory_space<hbm>>
    %dma_start3A_63 = arith.constant 0 : i32
    %dma_start3A_64 = arith.constant 0 : i32
    %dma_start3A_65 = tpu.memref_slice %dma_start3A_62[%dma_start3A_63, %dma_start3A_64] : memref<10240x64xf32, #tpu.memory_space<hbm>> -> memref<10240x64xf32, #tpu.memory_space<hbm>>
    tpu.enqueue_indirect_dma source(%dma_start3A_65 : memref<10240x64xf32, #tpu.memory_space<hbm>>) target(%dma_start3A_55 : memref<128x64xf32, #tpu.memory_space<vmem>>) offsets(%dma_start3A_58 : memref<128xi32, #tpu.memory_space<vmem>>) semaphore(%arg12 : memref<!tpu.dma_semaphore, #tpu.memory_space<semaphore_mem>>)
    %dma_start3A_66 = arith.constant 3 : i32
    %dma_start3A_67 = arith.constant 3 : i32
    %dma_start3A_68 = arith.constant 0 : i32
    %dma_start3A_69 = arith.constant 0 : i32
    %dma_start3A_70 = tpu.memref_slice %arg8[%dma_start3A_67, %dma_start3A_68, %dma_start3A_69] : memref<8x128x64xf32, #tpu.memory_space<vmem>> -> memref<1x128x64xf32, #tpu.memory_space<vmem>>
    %dma_start3A_71 = tpu.memref_squeeze %dma_start3A_70 : memref<1x128x64xf32, #tpu.memory_space<vmem>> -> memref<128x64xf32, #tpu.memory_space<vmem>>
    %dma_start3A_72 = arith.constant 0 : i32
    %dma_start3A_73 = tpu.memref_slice %arg6[%dma_start3A_66, %dma_start3A_72] : memref<80x128xi32, #tpu.memory_space<vmem>> -> memref<1x128xi32, #tpu.memory_space<vmem>>
    %dma_start3A_74 = tpu.memref_squeeze %dma_start3A_73 : memref<1x128xi32, #tpu.memory_space<vmem>> -> memref<128xi32, #tpu.memory_space<vmem>>
    %dma_start3A_75 = arith.constant 0 : i32
    %dma_start3A_76 = arith.constant 0 : i32
    %dma_start3A_77 = tpu.memref_slice %arg2[%arg0, %dma_start3A_75, %dma_start3A_76] : memref<2x10240x64xf32, #tpu.memory_space<hbm>> -> memref<1x10240x64xf32, #tpu.memory_space<hbm>>
    %dma_start3A_78 = tpu.memref_squeeze %dma_start3A_77 : memref<1x10240x64xf32, #tpu.memory_space<hbm>> -> memref<10240x64xf32, #tpu.memory_space<hbm>>
    %dma_start3A_79 = arith.constant 0 : i32
    %dma_start3A_80 = arith.constant 0 : i32
    %dma_start3A_81 = tpu.memref_slice %dma_start3A_78[%dma_start3A_79, %dma_start3A_80] : memref<10240x64xf32, #tpu.memory_space<hbm>> -> memref<10240x64xf32, #tpu.memory_space<hbm>>
    tpu.enqueue_indirect_dma source(%dma_start3A_81 : memref<10240x64xf32, #tpu.memory_space<hbm>>) target(%dma_start3A_71 : memref<128x64xf32, #tpu.memory_space<vmem>>) offsets(%dma_start3A_74 : memref<128xi32, #tpu.memory_space<vmem>>) semaphore(%arg13 : memref<!tpu.dma_semaphore, #tpu.memory_space<semaphore_mem>>)
    %scan3A_82 = arith.constant 0 : i32
    %scan3A_83 = arith.constant 10 : i32
    %scan3A_84 = arith.addi %scan3A_82, %scan3A_83 : i32
    %scan3A_85 = arith.constant 1 : i32
    scf.for %scan3A_284 = %scan3A_82 to %scan3A_84 step %scan3A_85  : i32 {
      %mul3A_285 = arith.constant 8 : i32
      %mul3A_286 = arith.muli %scan3A_284, %mul3A_285 : i32
      %add3A_287 = arith.constant 0 : i32
      %add3A_288 = arith.addi %add3A_287, %mul3A_286 : i32
      %add3A_289 = arith.constant 0 : i32
      %add3A_290 = arith.addi %add3A_288, %add3A_289 : i32
      %dma_wait3A_291 = arith.constant 0 : i32
      %dma_wait3A_292 = arith.constant 0 : i32
      %dma_wait3A_293 = arith.constant 0 : i32
      %dma_wait3A_294 = arith.constant 0 : i32
      %dma_wait3A_295 = tpu.memref_slice %arg8[%dma_wait3A_292, %dma_wait3A_293, %dma_wait3A_294] : memref<8x128x64xf32, #tpu.memory_space<vmem>> -> memref<1x128x64xf32, #tpu.memory_space<vmem>>
      %dma_wait3A_296 = tpu.memref_squeeze %dma_wait3A_295 : memref<1x128x64xf32, #tpu.memory_space<vmem>> -> memref<128x64xf32, #tpu.memory_space<vmem>>
      %dma_wait3A_297 = arith.constant 0 : i32
      %dma_wait3A_298 = tpu.memref_slice %arg6[%dma_wait3A_291, %dma_wait3A_297] : memref<80x128xi32, #tpu.memory_space<vmem>> -> memref<1x128xi32, #tpu.memory_space<vmem>>
      %dma_wait3A_299 = tpu.memref_squeeze %dma_wait3A_298 : memref<1x128xi32, #tpu.memory_space<vmem>> -> memref<128xi32, #tpu.memory_space<vmem>>
      %dma_wait3A_300 = arith.constant 0 : i32
      %dma_wait3A_301 = arith.constant 0 : i32
      %dma_wait3A_302 = tpu.memref_slice %arg2[%arg0, %dma_wait3A_300, %dma_wait3A_301] : memref<2x10240x64xf32, #tpu.memory_space<hbm>> -> memref<1x10240x64xf32, #tpu.memory_space<hbm>>
      %dma_wait3A_303 = tpu.memref_squeeze %dma_wait3A_302 : memref<1x10240x64xf32, #tpu.memory_space<hbm>> -> memref<10240x64xf32, #tpu.memory_space<hbm>>
      %dma_wait3A_304 = arith.constant 0 : i32
      %dma_wait3A_305 = arith.constant 0 : i32
      %dma_wait3A_306 = tpu.memref_slice %dma_wait3A_303[%dma_wait3A_304, %dma_wait3A_305] : memref<10240x64xf32, #tpu.memory_space<hbm>> -> memref<10240x64xf32, #tpu.memory_space<hbm>>
      tpu.wait_indirect_dma semaphore(%arg10 : memref<!tpu.dma_semaphore, #tpu.memory_space<semaphore_mem>>) src(%dma_wait3A_306 : memref<10240x64xf32, #tpu.memory_space<hbm>>) dst(%dma_wait3A_296 : memref<128x64xf32, #tpu.memory_space<vmem>>)
      %ge3A = arith.constant 4 : i32
      %ge3A_307 = arith.cmpi sge, %add3A_290, %ge3A : i32
      %convert_element_type3A = arith.extui %ge3A_307 : i1 to i32
      %cond3A = arith.constant 0 : i32
      %cond3A_308 = arith.cmpi ne, %convert_element_type3A, %cond3A : i32
      scf.if %cond3A_308 {
        %dma_wait3A_613 = arith.constant 0 : i32
        %dma_wait3A_614 = arith.constant 4 : i32
        %dma_wait3A_615 = arith.constant 0 : i32
        %dma_wait3A_616 = arith.constant 0 : i32
        %dma_wait3A_617 = tpu.memref_slice %arg8[%dma_wait3A_614, %dma_wait3A_615, %dma_wait3A_616] : memref<8x128x64xf32, #tpu.memory_space<vmem>> -> memref<1x128x64xf32, #tpu.memory_space<vmem>>
        %dma_wait3A_618 = tpu.memref_squeeze %dma_wait3A_617 : memref<1x128x64xf32, #tpu.memory_space<vmem>> -> memref<128x64xf32, #tpu.memory_space<vmem>>
        %dma_wait3A_619 = arith.constant 0 : i32
        %dma_wait3A_620 = tpu.memref_slice %arg6[%dma_wait3A_613, %dma_wait3A_619] : memref<80x128xi32, #tpu.memory_space<vmem>> -> memref<1x128xi32, #tpu.memory_space<vmem>>
        %dma_wait3A_621 = tpu.memref_squeeze %dma_wait3A_620 : memref<1x128xi32, #tpu.memory_space<vmem>> -> memref<128xi32, #tpu.memory_space<vmem>>
        %dma_wait3A_622 = arith.constant 0 : i32
        %dma_wait3A_623 = arith.constant 0 : i32
        %dma_wait3A_624 = tpu.memref_slice %arg2[%arg0, %dma_wait3A_622, %dma_wait3A_623] : memref<2x10240x64xf32, #tpu.memory_space<hbm>> -> memref<1x10240x64xf32, #tpu.memory_space<hbm>>
        %dma_wait3A_625 = tpu.memref_squeeze %dma_wait3A_624 : memref<1x10240x64xf32, #tpu.memory_space<hbm>> -> memref<10240x64xf32, #tpu.memory_space<hbm>>
        %dma_wait3A_626 = arith.constant 0 : i32
        %dma_wait3A_627 = arith.constant 0 : i32
        %dma_wait3A_628 = tpu.memref_slice %dma_wait3A_625[%dma_wait3A_626, %dma_wait3A_627] : memref<10240x64xf32, #tpu.memory_space<hbm>> -> memref<10240x64xf32, #tpu.memory_space<hbm>>
        tpu.wait_indirect_dma semaphore(%arg14 : memref<!tpu.dma_semaphore, #tpu.memory_space<semaphore_mem>>) src(%dma_wait3A_628 : memref<10240x64xf32, #tpu.memory_space<hbm>>) dst(%dma_wait3A_618 : memref<128x64xf32, #tpu.memory_space<vmem>>)
      } else {
      }
      %dma_start3A_309 = arith.constant 0 : i32
      %dma_start3A_310 = arith.constant 0 : i32
      %dma_start3A_311 = arith.constant 0 : i32
      %dma_start3A_312 = tpu.memref_slice %arg8[%dma_start3A_309, %dma_start3A_310, %dma_start3A_311] : memref<8x128x64xf32, #tpu.memory_space<vmem>> -> memref<1x128x64xf32, #tpu.memory_space<vmem>>
      %dma_start3A_313 = tpu.memref_squeeze %dma_start3A_312 : memref<1x128x64xf32, #tpu.memory_space<vmem>> -> memref<128x64xf32, #tpu.memory_space<vmem>>
      %dma_start3A_314 = arith.constant 0 : i32
      %dma_start3A_315 = tpu.memref_slice %arg7[%add3A_290, %dma_start3A_314] : memref<80x128xi32, #tpu.memory_space<vmem>> -> memref<1x128xi32, #tpu.memory_space<vmem>>
      %dma_start3A_316 = tpu.memref_squeeze %dma_start3A_315 : memref<1x128xi32, #tpu.memory_space<vmem>> -> memref<128xi32, #tpu.memory_space<vmem>>
      %dma_start3A_317 = arith.constant 0 : i32
      %dma_start3A_318 = arith.constant 0 : i32
      %dma_start3A_319 = tpu.memref_slice %arg9[%dma_start3A_317, %dma_start3A_318] : memref<10240x64xf32, #tpu.memory_space<vmem_shared>> -> memref<10240x64xf32, #tpu.memory_space<vmem_shared>>
      tpu.enqueue_indirect_dma source(%dma_start3A_313 : memref<128x64xf32, #tpu.memory_space<vmem>>) target(%dma_start3A_319 : memref<10240x64xf32, #tpu.memory_space<vmem_shared>>) offsets(%dma_start3A_316 : memref<128xi32, #tpu.memory_space<vmem>>) semaphore(%arg14 : memref<!tpu.dma_semaphore, #tpu.memory_space<semaphore_mem>>) {add = true}
      %add3A_320 = arith.constant 4 : i32
      %add3A_321 = arith.addi %add3A_290, %add3A_320 : i32
      %lt3A = arith.constant 80 : i32
      %lt3A_322 = arith.cmpi slt, %add3A_321, %lt3A : i32
      %convert_element_type3A_323 = arith.extui %lt3A_322 : i1 to i32
      %cond3A_324 = arith.constant 0 : i32
      %cond3A_325 = arith.cmpi ne, %convert_element_type3A_323, %cond3A_324 : i32
      scf.if %cond3A_325 {
        %add3A_613 = arith.constant 4 : i32
        %add3A_614 = arith.addi %add3A_290, %add3A_613 : i32
        %dma_start3A_615 = arith.constant 4 : i32
        %dma_start3A_616 = arith.constant 0 : i32
        %dma_start3A_617 = arith.constant 0 : i32
        %dma_start3A_618 = tpu.memref_slice %arg8[%dma_start3A_615, %dma_start3A_616, %dma_start3A_617] : memref<8x128x64xf32, #tpu.memory_space<vmem>> -> memref<1x128x64xf32, #tpu.memory_space<vmem>>
        %dma_start3A_619 = tpu.memref_squeeze %dma_start3A_618 : memref<1x128x64xf32, #tpu.memory_space<vmem>> -> memref<128x64xf32, #tpu.memory_space<vmem>>
        %dma_start3A_620 = arith.constant 0 : i32
        %dma_start3A_621 = tpu.memref_slice %arg6[%add3A_614, %dma_start3A_620] : memref<80x128xi32, #tpu.memory_space<vmem>> -> memref<1x128xi32, #tpu.memory_space<vmem>>
        %dma_start3A_622 = tpu.memref_squeeze %dma_start3A_621 : memref<1x128xi32, #tpu.memory_space<vmem>> -> memref<128xi32, #tpu.memory_space<vmem>>
        %dma_start3A_623 = arith.constant 0 : i32
        %dma_start3A_624 = arith.constant 0 : i32
        %dma_start3A_625 = tpu.memref_slice %arg2[%arg0, %dma_start3A_623, %dma_start3A_624] : memref<2x10240x64xf32, #tpu.memory_space<hbm>> -> memref<1x10240x64xf32, #tpu.memory_space<hbm>>
        %dma_start3A_626 = tpu.memref_squeeze %dma_start3A_625 : memref<1x10240x64xf32, #tpu.memory_space<hbm>> -> memref<10240x64xf32, #tpu.memory_space<hbm>>
        %dma_start3A_627 = arith.constant 0 : i32
        %dma_start3A_628 = arith.constant 0 : i32
        %dma_start3A_629 = tpu.memref_slice %dma_start3A_626[%dma_start3A_627, %dma_start3A_628] : memref<10240x64xf32, #tpu.memory_space<hbm>> -> memref<10240x64xf32, #tpu.memory_space<hbm>>
        tpu.enqueue_indirect_dma source(%dma_start3A_629 : memref<10240x64xf32, #tpu.memory_space<hbm>>) target(%dma_start3A_619 : memref<128x64xf32, #tpu.memory_space<vmem>>) offsets(%dma_start3A_622 : memref<128xi32, #tpu.memory_space<vmem>>) semaphore(%arg10 : memref<!tpu.dma_semaphore, #tpu.memory_space<semaphore_mem>>)
      } else {
      }
      %add3A_326 = arith.constant 1 : i32
      %add3A_327 = arith.addi %add3A_288, %add3A_326 : i32
      %dma_wait3A_328 = arith.constant 0 : i32
      %dma_wait3A_329 = arith.constant 1 : i32
      %dma_wait3A_330 = arith.constant 0 : i32
      %dma_wait3A_331 = arith.constant 0 : i32
      %dma_wait3A_332 = tpu.memref_slice %arg8[%dma_wait3A_329, %dma_wait3A_330, %dma_wait3A_331] : memref<8x128x64xf32, #tpu.memory_space<vmem>> -> memref<1x128x64xf32, #tpu.memory_space<vmem>>
      %dma_wait3A_333 = tpu.memref_squeeze %dma_wait3A_332 : memref<1x128x64xf32, #tpu.memory_space<vmem>> -> memref<128x64xf32, #tpu.memory_space<vmem>>
      %dma_wait3A_334 = arith.constant 0 : i32
      %dma_wait3A_335 = tpu.memref_slice %arg6[%dma_wait3A_328, %dma_wait3A_334] : memref<80x128xi32, #tpu.memory_space<vmem>> -> memref<1x128xi32, #tpu.memory_space<vmem>>
      %dma_wait3A_336 = tpu.memref_squeeze %dma_wait3A_335 : memref<1x128xi32, #tpu.memory_space<vmem>> -> memref<128xi32, #tpu.memory_space<vmem>>
      %dma_wait3A_337 = arith.constant 0 : i32
      %dma_wait3A_338 = arith.constant 0 : i32
      %dma_wait3A_339 = tpu.memref_slice %arg2[%arg0, %dma_wait3A_337, %dma_wait3A_338] : memref<2x10240x64xf32, #tpu.memory_space<hbm>> -> memref<1x10240x64xf32, #tpu.memory_space<hbm>>
      %dma_wait3A_340 = tpu.memref_squeeze %dma_wait3A_339 : memref<1x10240x64xf32, #tpu.memory_space<hbm>> -> memref<10240x64xf32, #tpu.memory_space<hbm>>
      %dma_wait3A_341 = arith.constant 0 : i32
      %dma_wait3A_342 = arith.constant 0 : i32
      %dma_wait3A_343 = tpu.memref_slice %dma_wait3A_340[%dma_wait3A_341, %dma_wait3A_342] : memref<10240x64xf32, #tpu.memory_space<hbm>> -> memref<10240x64xf32, #tpu.memory_space<hbm>>
      tpu.wait_indirect_dma semaphore(%arg11 : memref<!tpu.dma_semaphore, #tpu.memory_space<semaphore_mem>>) src(%dma_wait3A_343 : memref<10240x64xf32, #tpu.memory_space<hbm>>) dst(%dma_wait3A_333 : memref<128x64xf32, #tpu.memory_space<vmem>>)
      %ge3A_344 = arith.constant 4 : i32
      %ge3A_345 = arith.cmpi sge, %add3A_327, %ge3A_344 : i32
      %convert_element_type3A_346 = arith.extui %ge3A_345 : i1 to i32
      %cond3A_347 = arith.constant 0 : i32
      %cond3A_348 = arith.cmpi ne, %convert_element_type3A_346, %cond3A_347 : i32
      scf.if %cond3A_348 {
        %dma_wait3A_613 = arith.constant 0 : i32
        %dma_wait3A_614 = arith.constant 5 : i32
        %dma_wait3A_615 = arith.constant 0 : i32
        %dma_wait3A_616 = arith.constant 0 : i32
        %dma_wait3A_617 = tpu.memref_slice %arg8[%dma_wait3A_614, %dma_wait3A_615, %dma_wait3A_616] : memref<8x128x64xf32, #tpu.memory_space<vmem>> -> memref<1x128x64xf32, #tpu.memory_space<vmem>>
        %dma_wait3A_618 = tpu.memref_squeeze %dma_wait3A_617 : memref<1x128x64xf32, #tpu.memory_space<vmem>> -> memref<128x64xf32, #tpu.memory_space<vmem>>
        %dma_wait3A_619 = arith.constant 0 : i32
        %dma_wait3A_620 = tpu.memref_slice %arg6[%dma_wait3A_613, %dma_wait3A_619] : memref<80x128xi32, #tpu.memory_space<vmem>> -> memref<1x128xi32, #tpu.memory_space<vmem>>
        %dma_wait3A_621 = tpu.memref_squeeze %dma_wait3A_620 : memref<1x128xi32, #tpu.memory_space<vmem>> -> memref<128xi32, #tpu.memory_space<vmem>>
        %dma_wait3A_622 = arith.constant 0 : i32
        %dma_wait3A_623 = arith.constant 0 : i32
        %dma_wait3A_624 = tpu.memref_slice %arg2[%arg0, %dma_wait3A_622, %dma_wait3A_623] : memref<2x10240x64xf32, #tpu.memory_space<hbm>> -> memref<1x10240x64xf32, #tpu.memory_space<hbm>>
        %dma_wait3A_625 = tpu.memref_squeeze %dma_wait3A_624 : memref<1x10240x64xf32, #tpu.memory_space<hbm>> -> memref<10240x64xf32, #tpu.memory_space<hbm>>
        %dma_wait3A_626 = arith.constant 0 : i32
        %dma_wait3A_627 = arith.constant 0 : i32
        %dma_wait3A_628 = tpu.memref_slice %dma_wait3A_625[%dma_wait3A_626, %dma_wait3A_627] : memref<10240x64xf32, #tpu.memory_space<hbm>> -> memref<10240x64xf32, #tpu.memory_space<hbm>>
        tpu.wait_indirect_dma semaphore(%arg15 : memref<!tpu.dma_semaphore, #tpu.memory_space<semaphore_mem>>) src(%dma_wait3A_628 : memref<10240x64xf32, #tpu.memory_space<hbm>>) dst(%dma_wait3A_618 : memref<128x64xf32, #tpu.memory_space<vmem>>)
      } else {
      }
      %dma_start3A_349 = arith.constant 1 : i32
      %dma_start3A_350 = arith.constant 0 : i32
      %dma_start3A_351 = arith.constant 0 : i32
      %dma_start3A_352 = tpu.memref_slice %arg8[%dma_start3A_349, %dma_start3A_350, %dma_start3A_351] : memref<8x128x64xf32, #tpu.memory_space<vmem>> -> memref<1x128x64xf32, #tpu.memory_space<vmem>>
      %dma_start3A_353 = tpu.memref_squeeze %dma_start3A_352 : memref<1x128x64xf32, #tpu.memory_space<vmem>> -> memref<128x64xf32, #tpu.memory_space<vmem>>
      %dma_start3A_354 = arith.constant 0 : i32
      %dma_start3A_355 = tpu.memref_slice %arg7[%add3A_327, %dma_start3A_354] : memref<80x128xi32, #tpu.memory_space<vmem>> -> memref<1x128xi32, #tpu.memory_space<vmem>>
      %dma_start3A_356 = tpu.memref_squeeze %dma_start3A_355 : memref<1x128xi32, #tpu.memory_space<vmem>> -> memref<128xi32, #tpu.memory_space<vmem>>
      %dma_start3A_357 = arith.constant 0 : i32
      %dma_start3A_358 = arith.constant 0 : i32
      %dma_start3A_359 = tpu.memref_slice %arg9[%dma_start3A_357, %dma_start3A_358] : memref<10240x64xf32, #tpu.memory_space<vmem_shared>> -> memref<10240x64xf32, #tpu.memory_space<vmem_shared>>
      tpu.enqueue_indirect_dma source(%dma_start3A_353 : memref<128x64xf32, #tpu.memory_space<vmem>>) target(%dma_start3A_359 : memref<10240x64xf32, #tpu.memory_space<vmem_shared>>) offsets(%dma_start3A_356 : memref<128xi32, #tpu.memory_space<vmem>>) semaphore(%arg15 : memref<!tpu.dma_semaphore, #tpu.memory_space<semaphore_mem>>) {add = true}
      %add3A_360 = arith.constant 4 : i32
      %add3A_361 = arith.addi %add3A_327, %add3A_360 : i32
      %lt3A_362 = arith.constant 80 : i32
      %lt3A_363 = arith.cmpi slt, %add3A_361, %lt3A_362 : i32
      %convert_element_type3A_364 = arith.extui %lt3A_363 : i1 to i32
      %cond3A_365 = arith.constant 0 : i32
      %cond3A_366 = arith.cmpi ne, %convert_element_type3A_364, %cond3A_365 : i32
      scf.if %cond3A_366 {
        %add3A_613 = arith.constant 4 : i32
        %add3A_614 = arith.addi %add3A_327, %add3A_613 : i32
        %dma_start3A_615 = arith.constant 5 : i32
        %dma_start3A_616 = arith.constant 0 : i32
        %dma_start3A_617 = arith.constant 0 : i32
        %dma_start3A_618 = tpu.memref_slice %arg8[%dma_start3A_615, %dma_start3A_616, %dma_start3A_617] : memref<8x128x64xf32, #tpu.memory_space<vmem>> -> memref<1x128x64xf32, #tpu.memory_space<vmem>>
        %dma_start3A_619 = tpu.memref_squeeze %dma_start3A_618 : memref<1x128x64xf32, #tpu.memory_space<vmem>> -> memref<128x64xf32, #tpu.memory_space<vmem>>
        %dma_start3A_620 = arith.constant 0 : i32
        %dma_start3A_621 = tpu.memref_slice %arg6[%add3A_614, %dma_start3A_620] : memref<80x128xi32, #tpu.memory_space<vmem>> -> memref<1x128xi32, #tpu.memory_space<vmem>>
        %dma_start3A_622 = tpu.memref_squeeze %dma_start3A_621 : memref<1x128xi32, #tpu.memory_space<vmem>> -> memref<128xi32, #tpu.memory_space<vmem>>
        %dma_start3A_623 = arith.constant 0 : i32
        %dma_start3A_624 = arith.constant 0 : i32
        %dma_start3A_625 = tpu.memref_slice %arg2[%arg0, %dma_start3A_623, %dma_start3A_624] : memref<2x10240x64xf32, #tpu.memory_space<hbm>> -> memref<1x10240x64xf32, #tpu.memory_space<hbm>>
        %dma_start3A_626 = tpu.memref_squeeze %dma_start3A_625 : memref<1x10240x64xf32, #tpu.memory_space<hbm>> -> memref<10240x64xf32, #tpu.memory_space<hbm>>
        %dma_start3A_627 = arith.constant 0 : i32
        %dma_start3A_628 = arith.constant 0 : i32
        %dma_start3A_629 = tpu.memref_slice %dma_start3A_626[%dma_start3A_627, %dma_start3A_628] : memref<10240x64xf32, #tpu.memory_space<hbm>> -> memref<10240x64xf32, #tpu.memory_space<hbm>>
        tpu.enqueue_indirect_dma source(%dma_start3A_629 : memref<10240x64xf32, #tpu.memory_space<hbm>>) target(%dma_start3A_619 : memref<128x64xf32, #tpu.memory_space<vmem>>) offsets(%dma_start3A_622 : memref<128xi32, #tpu.memory_space<vmem>>) semaphore(%arg11 : memref<!tpu.dma_semaphore, #tpu.memory_space<semaphore_mem>>)
      } else {
      }
      %add3A_367 = arith.constant 2 : i32
      %add3A_368 = arith.addi %add3A_288, %add3A_367 : i32
      %dma_wait3A_369 = arith.constant 0 : i32
      %dma_wait3A_370 = arith.constant 2 : i32
      %dma_wait3A_371 = arith.constant 0 : i32
      %dma_wait3A_372 = arith.constant 0 : i32
      %dma_wait3A_373 = tpu.memref_slice %arg8[%dma_wait3A_370, %dma_wait3A_371, %dma_wait3A_372] : memref<8x128x64xf32, #tpu.memory_space<vmem>> -> memref<1x128x64xf32, #tpu.memory_space<vmem>>
      %dma_wait3A_374 = tpu.memref_squeeze %dma_wait3A_373 : memref<1x128x64xf32, #tpu.memory_space<vmem>> -> memref<128x64xf32, #tpu.memory_space<vmem>>
      %dma_wait3A_375 = arith.constant 0 : i32
      %dma_wait3A_376 = tpu.memref_slice %arg6[%dma_wait3A_369, %dma_wait3A_375] : memref<80x128xi32, #tpu.memory_space<vmem>> -> memref<1x128xi32, #tpu.memory_space<vmem>>
      %dma_wait3A_377 = tpu.memref_squeeze %dma_wait3A_376 : memref<1x128xi32, #tpu.memory_space<vmem>> -> memref<128xi32, #tpu.memory_space<vmem>>
      %dma_wait3A_378 = arith.constant 0 : i32
      %dma_wait3A_379 = arith.constant 0 : i32
      %dma_wait3A_380 = tpu.memref_slice %arg2[%arg0, %dma_wait3A_378, %dma_wait3A_379] : memref<2x10240x64xf32, #tpu.memory_space<hbm>> -> memref<1x10240x64xf32, #tpu.memory_space<hbm>>
      %dma_wait3A_381 = tpu.memref_squeeze %dma_wait3A_380 : memref<1x10240x64xf32, #tpu.memory_space<hbm>> -> memref<10240x64xf32, #tpu.memory_space<hbm>>
      %dma_wait3A_382 = arith.constant 0 : i32
      %dma_wait3A_383 = arith.constant 0 : i32
      %dma_wait3A_384 = tpu.memref_slice %dma_wait3A_381[%dma_wait3A_382, %dma_wait3A_383] : memref<10240x64xf32, #tpu.memory_space<hbm>> -> memref<10240x64xf32, #tpu.memory_space<hbm>>
      tpu.wait_indirect_dma semaphore(%arg12 : memref<!tpu.dma_semaphore, #tpu.memory_space<semaphore_mem>>) src(%dma_wait3A_384 : memref<10240x64xf32, #tpu.memory_space<hbm>>) dst(%dma_wait3A_374 : memref<128x64xf32, #tpu.memory_space<vmem>>)
      %ge3A_385 = arith.constant 4 : i32
      %ge3A_386 = arith.cmpi sge, %add3A_368, %ge3A_385 : i32
      %convert_element_type3A_387 = arith.extui %ge3A_386 : i1 to i32
      %cond3A_388 = arith.constant 0 : i32
      %cond3A_389 = arith.cmpi ne, %convert_element_type3A_387, %cond3A_388 : i32
      scf.if %cond3A_389 {
        %dma_wait3A_613 = arith.constant 0 : i32
        %dma_wait3A_614 = arith.constant 6 : i32
        %dma_wait3A_615 = arith.constant 0 : i32
        %dma_wait3A_616 = arith.constant 0 : i32
        %dma_wait3A_617 = tpu.memref_slice %arg8[%dma_wait3A_614, %dma_wait3A_615, %dma_wait3A_616] : memref<8x128x64xf32, #tpu.memory_space<vmem>> -> memref<1x128x64xf32, #tpu.memory_space<vmem>>
        %dma_wait3A_618 = tpu.memref_squeeze %dma_wait3A_617 : memref<1x128x64xf32, #tpu.memory_space<vmem>> -> memref<128x64xf32, #tpu.memory_space<vmem>>
        %dma_wait3A_619 = arith.constant 0 : i32
        %dma_wait3A_620 = tpu.memref_slice %arg6[%dma_wait3A_613, %dma_wait3A_619] : memref<80x128xi32, #tpu.memory_space<vmem>> -> memref<1x128xi32, #tpu.memory_space<vmem>>
        %dma_wait3A_621 = tpu.memref_squeeze %dma_wait3A_620 : memref<1x128xi32, #tpu.memory_space<vmem>> -> memref<128xi32, #tpu.memory_space<vmem>>
        %dma_wait3A_622 = arith.constant 0 : i32
        %dma_wait3A_623 = arith.constant 0 : i32
        %dma_wait3A_624 = tpu.memref_slice %arg2[%arg0, %dma_wait3A_622, %dma_wait3A_623] : memref<2x10240x64xf32, #tpu.memory_space<hbm>> -> memref<1x10240x64xf32, #tpu.memory_space<hbm>>
        %dma_wait3A_625 = tpu.memref_squeeze %dma_wait3A_624 : memref<1x10240x64xf32, #tpu.memory_space<hbm>> -> memref<10240x64xf32, #tpu.memory_space<hbm>>
        %dma_wait3A_626 = arith.constant 0 : i32
        %dma_wait3A_627 = arith.constant 0 : i32
        %dma_wait3A_628 = tpu.memref_slice %dma_wait3A_625[%dma_wait3A_626, %dma_wait3A_627] : memref<10240x64xf32, #tpu.memory_space<hbm>> -> memref<10240x64xf32, #tpu.memory_space<hbm>>
        tpu.wait_indirect_dma semaphore(%arg16 : memref<!tpu.dma_semaphore, #tpu.memory_space<semaphore_mem>>) src(%dma_wait3A_628 : memref<10240x64xf32, #tpu.memory_space<hbm>>) dst(%dma_wait3A_618 : memref<128x64xf32, #tpu.memory_space<vmem>>)
      } else {
      }
      %dma_start3A_390 = arith.constant 2 : i32
      %dma_start3A_391 = arith.constant 0 : i32
      %dma_start3A_392 = arith.constant 0 : i32
      %dma_start3A_393 = tpu.memref_slice %arg8[%dma_start3A_390, %dma_start3A_391, %dma_start3A_392] : memref<8x128x64xf32, #tpu.memory_space<vmem>> -> memref<1x128x64xf32, #tpu.memory_space<vmem>>
      %dma_start3A_394 = tpu.memref_squeeze %dma_start3A_393 : memref<1x128x64xf32, #tpu.memory_space<vmem>> -> memref<128x64xf32, #tpu.memory_space<vmem>>
      %dma_start3A_395 = arith.constant 0 : i32
      %dma_start3A_396 = tpu.memref_slice %arg7[%add3A_368, %dma_start3A_395] : memref<80x128xi32, #tpu.memory_space<vmem>> -> memref<1x128xi32, #tpu.memory_space<vmem>>
      %dma_start3A_397 = tpu.memref_squeeze %dma_start3A_396 : memref<1x128xi32, #tpu.memory_space<vmem>> -> memref<128xi32, #tpu.memory_space<vmem>>
      %dma_start3A_398 = arith.constant 0 : i32
      %dma_start3A_399 = arith.constant 0 : i32
      %dma_start3A_400 = tpu.memref_slice %arg9[%dma_start3A_398, %dma_start3A_399] : memref<10240x64xf32, #tpu.memory_space<vmem_shared>> -> memref<10240x64xf32, #tpu.memory_space<vmem_shared>>
      tpu.enqueue_indirect_dma source(%dma_start3A_394 : memref<128x64xf32, #tpu.memory_space<vmem>>) target(%dma_start3A_400 : memref<10240x64xf32, #tpu.memory_space<vmem_shared>>) offsets(%dma_start3A_397 : memref<128xi32, #tpu.memory_space<vmem>>) semaphore(%arg16 : memref<!tpu.dma_semaphore, #tpu.memory_space<semaphore_mem>>) {add = true}
      %add3A_401 = arith.constant 4 : i32
      %add3A_402 = arith.addi %add3A_368, %add3A_401 : i32
      %lt3A_403 = arith.constant 80 : i32
      %lt3A_404 = arith.cmpi slt, %add3A_402, %lt3A_403 : i32
      %convert_element_type3A_405 = arith.extui %lt3A_404 : i1 to i32
      %cond3A_406 = arith.constant 0 : i32
      %cond3A_407 = arith.cmpi ne, %convert_element_type3A_405, %cond3A_406 : i32
      scf.if %cond3A_407 {
        %add3A_613 = arith.constant 4 : i32
        %add3A_614 = arith.addi %add3A_368, %add3A_613 : i32
        %dma_start3A_615 = arith.constant 6 : i32
        %dma_start3A_616 = arith.constant 0 : i32
        %dma_start3A_617 = arith.constant 0 : i32
        %dma_start3A_618 = tpu.memref_slice %arg8[%dma_start3A_615, %dma_start3A_616, %dma_start3A_617] : memref<8x128x64xf32, #tpu.memory_space<vmem>> -> memref<1x128x64xf32, #tpu.memory_space<vmem>>
        %dma_start3A_619 = tpu.memref_squeeze %dma_start3A_618 : memref<1x128x64xf32, #tpu.memory_space<vmem>> -> memref<128x64xf32, #tpu.memory_space<vmem>>
        %dma_start3A_620 = arith.constant 0 : i32
        %dma_start3A_621 = tpu.memref_slice %arg6[%add3A_614, %dma_start3A_620] : memref<80x128xi32, #tpu.memory_space<vmem>> -> memref<1x128xi32, #tpu.memory_space<vmem>>
        %dma_start3A_622 = tpu.memref_squeeze %dma_start3A_621 : memref<1x128xi32, #tpu.memory_space<vmem>> -> memref<128xi32, #tpu.memory_space<vmem>>
        %dma_start3A_623 = arith.constant 0 : i32
        %dma_start3A_624 = arith.constant 0 : i32
        %dma_start3A_625 = tpu.memref_slice %arg2[%arg0, %dma_start3A_623, %dma_start3A_624] : memref<2x10240x64xf32, #tpu.memory_space<hbm>> -> memref<1x10240x64xf32, #tpu.memory_space<hbm>>
        %dma_start3A_626 = tpu.memref_squeeze %dma_start3A_625 : memref<1x10240x64xf32, #tpu.memory_space<hbm>> -> memref<10240x64xf32, #tpu.memory_space<hbm>>
        %dma_start3A_627 = arith.constant 0 : i32
        %dma_start3A_628 = arith.constant 0 : i32
        %dma_start3A_629 = tpu.memref_slice %dma_start3A_626[%dma_start3A_627, %dma_start3A_628] : memref<10240x64xf32, #tpu.memory_space<hbm>> -> memref<10240x64xf32, #tpu.memory_space<hbm>>
        tpu.enqueue_indirect_dma source(%dma_start3A_629 : memref<10240x64xf32, #tpu.memory_space<hbm>>) target(%dma_start3A_619 : memref<128x64xf32, #tpu.memory_space<vmem>>) offsets(%dma_start3A_622 : memref<128xi32, #tpu.memory_space<vmem>>) semaphore(%arg12 : memref<!tpu.dma_semaphore, #tpu.memory_space<semaphore_mem>>)
      } else {
      }
      %add3A_408 = arith.constant 3 : i32
      %add3A_409 = arith.addi %add3A_288, %add3A_408 : i32
      %dma_wait3A_410 = arith.constant 0 : i32
      %dma_wait3A_411 = arith.constant 3 : i32
      %dma_wait3A_412 = arith.constant 0 : i32
      %dma_wait3A_413 = arith.constant 0 : i32
      %dma_wait3A_414 = tpu.memref_slice %arg8[%dma_wait3A_411, %dma_wait3A_412, %dma_wait3A_413] : memref<8x128x64xf32, #tpu.memory_space<vmem>> -> memref<1x128x64xf32, #tpu.memory_space<vmem>>
      %dma_wait3A_415 = tpu.memref_squeeze %dma_wait3A_414 : memref<1x128x64xf32, #tpu.memory_space<vmem>> -> memref<128x64xf32, #tpu.memory_space<vmem>>
      %dma_wait3A_416 = arith.constant 0 : i32
      %dma_wait3A_417 = tpu.memref_slice %arg6[%dma_wait3A_410, %dma_wait3A_416] : memref<80x128xi32, #tpu.memory_space<vmem>> -> memref<1x128xi32, #tpu.memory_space<vmem>>
      %dma_wait3A_418 = tpu.memref_squeeze %dma_wait3A_417 : memref<1x128xi32, #tpu.memory_space<vmem>> -> memref<128xi32, #tpu.memory_space<vmem>>
      %dma_wait3A_419 = arith.constant 0 : i32
      %dma_wait3A_420 = arith.constant 0 : i32
      %dma_wait3A_421 = tpu.memref_slice %arg2[%arg0, %dma_wait3A_419, %dma_wait3A_420] : memref<2x10240x64xf32, #tpu.memory_space<hbm>> -> memref<1x10240x64xf32, #tpu.memory_space<hbm>>
      %dma_wait3A_422 = tpu.memref_squeeze %dma_wait3A_421 : memref<1x10240x64xf32, #tpu.memory_space<hbm>> -> memref<10240x64xf32, #tpu.memory_space<hbm>>
      %dma_wait3A_423 = arith.constant 0 : i32
      %dma_wait3A_424 = arith.constant 0 : i32
      %dma_wait3A_425 = tpu.memref_slice %dma_wait3A_422[%dma_wait3A_423, %dma_wait3A_424] : memref<10240x64xf32, #tpu.memory_space<hbm>> -> memref<10240x64xf32, #tpu.memory_space<hbm>>
      tpu.wait_indirect_dma semaphore(%arg13 : memref<!tpu.dma_semaphore, #tpu.memory_space<semaphore_mem>>) src(%dma_wait3A_425 : memref<10240x64xf32, #tpu.memory_space<hbm>>) dst(%dma_wait3A_415 : memref<128x64xf32, #tpu.memory_space<vmem>>)
      %ge3A_426 = arith.constant 4 : i32
      %ge3A_427 = arith.cmpi sge, %add3A_409, %ge3A_426 : i32
      %convert_element_type3A_428 = arith.extui %ge3A_427 : i1 to i32
      %cond3A_429 = arith.constant 0 : i32
      %cond3A_430 = arith.cmpi ne, %convert_element_type3A_428, %cond3A_429 : i32
      scf.if %cond3A_430 {
        %dma_wait3A_613 = arith.constant 0 : i32
        %dma_wait3A_614 = arith.constant 7 : i32
        %dma_wait3A_615 = arith.constant 0 : i32
        %dma_wait3A_616 = arith.constant 0 : i32
        %dma_wait3A_617 = tpu.memref_slice %arg8[%dma_wait3A_614, %dma_wait3A_615, %dma_wait3A_616] : memref<8x128x64xf32, #tpu.memory_space<vmem>> -> memref<1x128x64xf32, #tpu.memory_space<vmem>>
        %dma_wait3A_618 = tpu.memref_squeeze %dma_wait3A_617 : memref<1x128x64xf32, #tpu.memory_space<vmem>> -> memref<128x64xf32, #tpu.memory_space<vmem>>
        %dma_wait3A_619 = arith.constant 0 : i32
        %dma_wait3A_620 = tpu.memref_slice %arg6[%dma_wait3A_613, %dma_wait3A_619] : memref<80x128xi32, #tpu.memory_space<vmem>> -> memref<1x128xi32, #tpu.memory_space<vmem>>
        %dma_wait3A_621 = tpu.memref_squeeze %dma_wait3A_620 : memref<1x128xi32, #tpu.memory_space<vmem>> -> memref<128xi32, #tpu.memory_space<vmem>>
        %dma_wait3A_622 = arith.constant 0 : i32
        %dma_wait3A_623 = arith.constant 0 : i32
        %dma_wait3A_624 = tpu.memref_slice %arg2[%arg0, %dma_wait3A_622, %dma_wait3A_623] : memref<2x10240x64xf32, #tpu.memory_space<hbm>> -> memref<1x10240x64xf32, #tpu.memory_space<hbm>>
        %dma_wait3A_625 = tpu.memref_squeeze %dma_wait3A_624 : memref<1x10240x64xf32, #tpu.memory_space<hbm>> -> memref<10240x64xf32, #tpu.memory_space<hbm>>
        %dma_wait3A_626 = arith.constant 0 : i32
        %dma_wait3A_627 = arith.constant 0 : i32
        %dma_wait3A_628 = tpu.memref_slice %dma_wait3A_625[%dma_wait3A_626, %dma_wait3A_627] : memref<10240x64xf32, #tpu.memory_space<hbm>> -> memref<10240x64xf32, #tpu.memory_space<hbm>>
        tpu.wait_indirect_dma semaphore(%arg17 : memref<!tpu.dma_semaphore, #tpu.memory_space<semaphore_mem>>) src(%dma_wait3A_628 : memref<10240x64xf32, #tpu.memory_space<hbm>>) dst(%dma_wait3A_618 : memref<128x64xf32, #tpu.memory_space<vmem>>)
      } else {
      }
      %dma_start3A_431 = arith.constant 3 : i32
      %dma_start3A_432 = arith.constant 0 : i32
      %dma_start3A_433 = arith.constant 0 : i32
      %dma_start3A_434 = tpu.memref_slice %arg8[%dma_start3A_431, %dma_start3A_432, %dma_start3A_433] : memref<8x128x64xf32, #tpu.memory_space<vmem>> -> memref<1x128x64xf32, #tpu.memory_space<vmem>>
      %dma_start3A_435 = tpu.memref_squeeze %dma_start3A_434 : memref<1x128x64xf32, #tpu.memory_space<vmem>> -> memref<128x64xf32, #tpu.memory_space<vmem>>
      %dma_start3A_436 = arith.constant 0 : i32
      %dma_start3A_437 = tpu.memref_slice %arg7[%add3A_409, %dma_start3A_436] : memref<80x128xi32, #tpu.memory_space<vmem>> -> memref<1x128xi32, #tpu.memory_space<vmem>>
      %dma_start3A_438 = tpu.memref_squeeze %dma_start3A_437 : memref<1x128xi32, #tpu.memory_space<vmem>> -> memref<128xi32, #tpu.memory_space<vmem>>
      %dma_start3A_439 = arith.constant 0 : i32
      %dma_start3A_440 = arith.constant 0 : i32
      %dma_start3A_441 = tpu.memref_slice %arg9[%dma_start3A_439, %dma_start3A_440] : memref<10240x64xf32, #tpu.memory_space<vmem_shared>> -> memref<10240x64xf32, #tpu.memory_space<vmem_shared>>
      tpu.enqueue_indirect_dma source(%dma_start3A_435 : memref<128x64xf32, #tpu.memory_space<vmem>>) target(%dma_start3A_441 : memref<10240x64xf32, #tpu.memory_space<vmem_shared>>) offsets(%dma_start3A_438 : memref<128xi32, #tpu.memory_space<vmem>>) semaphore(%arg17 : memref<!tpu.dma_semaphore, #tpu.memory_space<semaphore_mem>>) {add = true}
      %add3A_442 = arith.constant 4 : i32
      %add3A_443 = arith.addi %add3A_409, %add3A_442 : i32
      %lt3A_444 = arith.constant 80 : i32
      %lt3A_445 = arith.cmpi slt, %add3A_443, %lt3A_444 : i32
      %convert_element_type3A_446 = arith.extui %lt3A_445 : i1 to i32
      %cond3A_447 = arith.constant 0 : i32
      %cond3A_448 = arith.cmpi ne, %convert_element_type3A_446, %cond3A_447 : i32
      scf.if %cond3A_448 {
        %add3A_613 = arith.constant 4 : i32
        %add3A_614 = arith.addi %add3A_409, %add3A_613 : i32
        %dma_start3A_615 = arith.constant 7 : i32
        %dma_start3A_616 = arith.constant 0 : i32
        %dma_start3A_617 = arith.constant 0 : i32
        %dma_start3A_618 = tpu.memref_slice %arg8[%dma_start3A_615, %dma_start3A_616, %dma_start3A_617] : memref<8x128x64xf32, #tpu.memory_space<vmem>> -> memref<1x128x64xf32, #tpu.memory_space<vmem>>
        %dma_start3A_619 = tpu.memref_squeeze %dma_start3A_618 : memref<1x128x64xf32, #tpu.memory_space<vmem>> -> memref<128x64xf32, #tpu.memory_space<vmem>>
        %dma_start3A_620 = arith.constant 0 : i32
        %dma_start3A_621 = tpu.memref_slice %arg6[%add3A_614, %dma_start3A_620] : memref<80x128xi32, #tpu.memory_space<vmem>> -> memref<1x128xi32, #tpu.memory_space<vmem>>
        %dma_start3A_622 = tpu.memref_squeeze %dma_start3A_621 : memref<1x128xi32, #tpu.memory_space<vmem>> -> memref<128xi32, #tpu.memory_space<vmem>>
        %dma_start3A_623 = arith.constant 0 : i32
        %dma_start3A_624 = arith.constant 0 : i32
        %dma_start3A_625 = tpu.memref_slice %arg2[%arg0, %dma_start3A_623, %dma_start3A_624] : memref<2x10240x64xf32, #tpu.memory_space<hbm>> -> memref<1x10240x64xf32, #tpu.memory_space<hbm>>
        %dma_start3A_626 = tpu.memref_squeeze %dma_start3A_625 : memref<1x10240x64xf32, #tpu.memory_space<hbm>> -> memref<10240x64xf32, #tpu.memory_space<hbm>>
        %dma_start3A_627 = arith.constant 0 : i32
        %dma_start3A_628 = arith.constant 0 : i32
        %dma_start3A_629 = tpu.memref_slice %dma_start3A_626[%dma_start3A_627, %dma_start3A_628] : memref<10240x64xf32, #tpu.memory_space<hbm>> -> memref<10240x64xf32, #tpu.memory_space<hbm>>
        tpu.enqueue_indirect_dma source(%dma_start3A_629 : memref<10240x64xf32, #tpu.memory_space<hbm>>) target(%dma_start3A_619 : memref<128x64xf32, #tpu.memory_space<vmem>>) offsets(%dma_start3A_622 : memref<128xi32, #tpu.memory_space<vmem>>) semaphore(%arg13 : memref<!tpu.dma_semaphore, #tpu.memory_space<semaphore_mem>>)
      } else {
      }
      %add3A_449 = arith.constant 4 : i32
      %add3A_450 = arith.addi %add3A_288, %add3A_449 : i32
      %dma_wait3A_451 = arith.constant 0 : i32
      %dma_wait3A_452 = arith.constant 4 : i32
      %dma_wait3A_453 = arith.constant 0 : i32
      %dma_wait3A_454 = arith.constant 0 : i32
      %dma_wait3A_455 = tpu.memref_slice %arg8[%dma_wait3A_452, %dma_wait3A_453, %dma_wait3A_454] : memref<8x128x64xf32, #tpu.memory_space<vmem>> -> memref<1x128x64xf32, #tpu.memory_space<vmem>>
      %dma_wait3A_456 = tpu.memref_squeeze %dma_wait3A_455 : memref<1x128x64xf32, #tpu.memory_space<vmem>> -> memref<128x64xf32, #tpu.memory_space<vmem>>
      %dma_wait3A_457 = arith.constant 0 : i32
      %dma_wait3A_458 = tpu.memref_slice %arg6[%dma_wait3A_451, %dma_wait3A_457] : memref<80x128xi32, #tpu.memory_space<vmem>> -> memref<1x128xi32, #tpu.memory_space<vmem>>
      %dma_wait3A_459 = tpu.memref_squeeze %dma_wait3A_458 : memref<1x128xi32, #tpu.memory_space<vmem>> -> memref<128xi32, #tpu.memory_space<vmem>>
      %dma_wait3A_460 = arith.constant 0 : i32
      %dma_wait3A_461 = arith.constant 0 : i32
      %dma_wait3A_462 = tpu.memref_slice %arg2[%arg0, %dma_wait3A_460, %dma_wait3A_461] : memref<2x10240x64xf32, #tpu.memory_space<hbm>> -> memref<1x10240x64xf32, #tpu.memory_space<hbm>>
      %dma_wait3A_463 = tpu.memref_squeeze %dma_wait3A_462 : memref<1x10240x64xf32, #tpu.memory_space<hbm>> -> memref<10240x64xf32, #tpu.memory_space<hbm>>
      %dma_wait3A_464 = arith.constant 0 : i32
      %dma_wait3A_465 = arith.constant 0 : i32
      %dma_wait3A_466 = tpu.memref_slice %dma_wait3A_463[%dma_wait3A_464, %dma_wait3A_465] : memref<10240x64xf32, #tpu.memory_space<hbm>> -> memref<10240x64xf32, #tpu.memory_space<hbm>>
      tpu.wait_indirect_dma semaphore(%arg10 : memref<!tpu.dma_semaphore, #tpu.memory_space<semaphore_mem>>) src(%dma_wait3A_466 : memref<10240x64xf32, #tpu.memory_space<hbm>>) dst(%dma_wait3A_456 : memref<128x64xf32, #tpu.memory_space<vmem>>)
      %ge3A_467 = arith.constant 4 : i32
      %ge3A_468 = arith.cmpi sge, %add3A_450, %ge3A_467 : i32
      %convert_element_type3A_469 = arith.extui %ge3A_468 : i1 to i32
      %cond3A_470 = arith.constant 0 : i32
      %cond3A_471 = arith.cmpi ne, %convert_element_type3A_469, %cond3A_470 : i32
      scf.if %cond3A_471 {
        %dma_wait3A_613 = arith.constant 0 : i32
        %dma_wait3A_614 = arith.constant 0 : i32
        %dma_wait3A_615 = arith.constant 0 : i32
        %dma_wait3A_616 = arith.constant 0 : i32
        %dma_wait3A_617 = tpu.memref_slice %arg8[%dma_wait3A_614, %dma_wait3A_615, %dma_wait3A_616] : memref<8x128x64xf32, #tpu.memory_space<vmem>> -> memref<1x128x64xf32, #tpu.memory_space<vmem>>
        %dma_wait3A_618 = tpu.memref_squeeze %dma_wait3A_617 : memref<1x128x64xf32, #tpu.memory_space<vmem>> -> memref<128x64xf32, #tpu.memory_space<vmem>>
        %dma_wait3A_619 = arith.constant 0 : i32
        %dma_wait3A_620 = tpu.memref_slice %arg6[%dma_wait3A_613, %dma_wait3A_619] : memref<80x128xi32, #tpu.memory_space<vmem>> -> memref<1x128xi32, #tpu.memory_space<vmem>>
        %dma_wait3A_621 = tpu.memref_squeeze %dma_wait3A_620 : memref<1x128xi32, #tpu.memory_space<vmem>> -> memref<128xi32, #tpu.memory_space<vmem>>
        %dma_wait3A_622 = arith.constant 0 : i32
        %dma_wait3A_623 = arith.constant 0 : i32
        %dma_wait3A_624 = tpu.memref_slice %arg2[%arg0, %dma_wait3A_622, %dma_wait3A_623] : memref<2x10240x64xf32, #tpu.memory_space<hbm>> -> memref<1x10240x64xf32, #tpu.memory_space<hbm>>
        %dma_wait3A_625 = tpu.memref_squeeze %dma_wait3A_624 : memref<1x10240x64xf32, #tpu.memory_space<hbm>> -> memref<10240x64xf32, #tpu.memory_space<hbm>>
        %dma_wait3A_626 = arith.constant 0 : i32
        %dma_wait3A_627 = arith.constant 0 : i32
        %dma_wait3A_628 = tpu.memref_slice %dma_wait3A_625[%dma_wait3A_626, %dma_wait3A_627] : memref<10240x64xf32, #tpu.memory_space<hbm>> -> memref<10240x64xf32, #tpu.memory_space<hbm>>
        tpu.wait_indirect_dma semaphore(%arg14 : memref<!tpu.dma_semaphore, #tpu.memory_space<semaphore_mem>>) src(%dma_wait3A_628 : memref<10240x64xf32, #tpu.memory_space<hbm>>) dst(%dma_wait3A_618 : memref<128x64xf32, #tpu.memory_space<vmem>>)
      } else {
      }
      %dma_start3A_472 = arith.constant 4 : i32
      %dma_start3A_473 = arith.constant 0 : i32
      %dma_start3A_474 = arith.constant 0 : i32
      %dma_start3A_475 = tpu.memref_slice %arg8[%dma_start3A_472, %dma_start3A_473, %dma_start3A_474] : memref<8x128x64xf32, #tpu.memory_space<vmem>> -> memref<1x128x64xf32, #tpu.memory_space<vmem>>
      %dma_start3A_476 = tpu.memref_squeeze %dma_start3A_475 : memref<1x128x64xf32, #tpu.memory_space<vmem>> -> memref<128x64xf32, #tpu.memory_space<vmem>>
      %dma_start3A_477 = arith.constant 0 : i32
      %dma_start3A_478 = tpu.memref_slice %arg7[%add3A_450, %dma_start3A_477] : memref<80x128xi32, #tpu.memory_space<vmem>> -> memref<1x128xi32, #tpu.memory_space<vmem>>
      %dma_start3A_479 = tpu.memref_squeeze %dma_start3A_478 : memref<1x128xi32, #tpu.memory_space<vmem>> -> memref<128xi32, #tpu.memory_space<vmem>>
      %dma_start3A_480 = arith.constant 0 : i32
      %dma_start3A_481 = arith.constant 0 : i32
      %dma_start3A_482 = tpu.memref_slice %arg9[%dma_start3A_480, %dma_start3A_481] : memref<10240x64xf32, #tpu.memory_space<vmem_shared>> -> memref<10240x64xf32, #tpu.memory_space<vmem_shared>>
      tpu.enqueue_indirect_dma source(%dma_start3A_476 : memref<128x64xf32, #tpu.memory_space<vmem>>) target(%dma_start3A_482 : memref<10240x64xf32, #tpu.memory_space<vmem_shared>>) offsets(%dma_start3A_479 : memref<128xi32, #tpu.memory_space<vmem>>) semaphore(%arg14 : memref<!tpu.dma_semaphore, #tpu.memory_space<semaphore_mem>>) {add = true}
      %add3A_483 = arith.constant 4 : i32
      %add3A_484 = arith.addi %add3A_450, %add3A_483 : i32
      %lt3A_485 = arith.constant 80 : i32
      %lt3A_486 = arith.cmpi slt, %add3A_484, %lt3A_485 : i32
      %convert_element_type3A_487 = arith.extui %lt3A_486 : i1 to i32
      %cond3A_488 = arith.constant 0 : i32
      %cond3A_489 = arith.cmpi ne, %convert_element_type3A_487, %cond3A_488 : i32
      scf.if %cond3A_489 {
        %add3A_613 = arith.constant 4 : i32
        %add3A_614 = arith.addi %add3A_450, %add3A_613 : i32
        %dma_start3A_615 = arith.constant 0 : i32
        %dma_start3A_616 = arith.constant 0 : i32
        %dma_start3A_617 = arith.constant 0 : i32
        %dma_start3A_618 = tpu.memref_slice %arg8[%dma_start3A_615, %dma_start3A_616, %dma_start3A_617] : memref<8x128x64xf32, #tpu.memory_space<vmem>> -> memref<1x128x64xf32, #tpu.memory_space<vmem>>
        %dma_start3A_619 = tpu.memref_squeeze %dma_start3A_618 : memref<1x128x64xf32, #tpu.memory_space<vmem>> -> memref<128x64xf32, #tpu.memory_space<vmem>>
        %dma_start3A_620 = arith.constant 0 : i32
        %dma_start3A_621 = tpu.memref_slice %arg6[%add3A_614, %dma_start3A_620] : memref<80x128xi32, #tpu.memory_space<vmem>> -> memref<1x128xi32, #tpu.memory_space<vmem>>
        %dma_start3A_622 = tpu.memref_squeeze %dma_start3A_621 : memref<1x128xi32, #tpu.memory_space<vmem>> -> memref<128xi32, #tpu.memory_space<vmem>>
        %dma_start3A_623 = arith.constant 0 : i32
        %dma_start3A_624 = arith.constant 0 : i32
        %dma_start3A_625 = tpu.memref_slice %arg2[%arg0, %dma_start3A_623, %dma_start3A_624] : memref<2x10240x64xf32, #tpu.memory_space<hbm>> -> memref<1x10240x64xf32, #tpu.memory_space<hbm>>
        %dma_start3A_626 = tpu.memref_squeeze %dma_start3A_625 : memref<1x10240x64xf32, #tpu.memory_space<hbm>> -> memref<10240x64xf32, #tpu.memory_space<hbm>>
        %dma_start3A_627 = arith.constant 0 : i32
        %dma_start3A_628 = arith.constant 0 : i32
        %dma_start3A_629 = tpu.memref_slice %dma_start3A_626[%dma_start3A_627, %dma_start3A_628] : memref<10240x64xf32, #tpu.memory_space<hbm>> -> memref<10240x64xf32, #tpu.memory_space<hbm>>
        tpu.enqueue_indirect_dma source(%dma_start3A_629 : memref<10240x64xf32, #tpu.memory_space<hbm>>) target(%dma_start3A_619 : memref<128x64xf32, #tpu.memory_space<vmem>>) offsets(%dma_start3A_622 : memref<128xi32, #tpu.memory_space<vmem>>) semaphore(%arg10 : memref<!tpu.dma_semaphore, #tpu.memory_space<semaphore_mem>>)
      } else {
      }
      %add3A_490 = arith.constant 5 : i32
      %add3A_491 = arith.addi %add3A_288, %add3A_490 : i32
      %dma_wait3A_492 = arith.constant 0 : i32
      %dma_wait3A_493 = arith.constant 5 : i32
      %dma_wait3A_494 = arith.constant 0 : i32
      %dma_wait3A_495 = arith.constant 0 : i32
      %dma_wait3A_496 = tpu.memref_slice %arg8[%dma_wait3A_493, %dma_wait3A_494, %dma_wait3A_495] : memref<8x128x64xf32, #tpu.memory_space<vmem>> -> memref<1x128x64xf32, #tpu.memory_space<vmem>>
      %dma_wait3A_497 = tpu.memref_squeeze %dma_wait3A_496 : memref<1x128x64xf32, #tpu.memory_space<vmem>> -> memref<128x64xf32, #tpu.memory_space<vmem>>
      %dma_wait3A_498 = arith.constant 0 : i32
      %dma_wait3A_499 = tpu.memref_slice %arg6[%dma_wait3A_492, %dma_wait3A_498] : memref<80x128xi32, #tpu.memory_space<vmem>> -> memref<1x128xi32, #tpu.memory_space<vmem>>
      %dma_wait3A_500 = tpu.memref_squeeze %dma_wait3A_499 : memref<1x128xi32, #tpu.memory_space<vmem>> -> memref<128xi32, #tpu.memory_space<vmem>>
      %dma_wait3A_501 = arith.constant 0 : i32
      %dma_wait3A_502 = arith.constant 0 : i32
      %dma_wait3A_503 = tpu.memref_slice %arg2[%arg0, %dma_wait3A_501, %dma_wait3A_502] : memref<2x10240x64xf32, #tpu.memory_space<hbm>> -> memref<1x10240x64xf32, #tpu.memory_space<hbm>>
      %dma_wait3A_504 = tpu.memref_squeeze %dma_wait3A_503 : memref<1x10240x64xf32, #tpu.memory_space<hbm>> -> memref<10240x64xf32, #tpu.memory_space<hbm>>
      %dma_wait3A_505 = arith.constant 0 : i32
      %dma_wait3A_506 = arith.constant 0 : i32
      %dma_wait3A_507 = tpu.memref_slice %dma_wait3A_504[%dma_wait3A_505, %dma_wait3A_506] : memref<10240x64xf32, #tpu.memory_space<hbm>> -> memref<10240x64xf32, #tpu.memory_space<hbm>>
      tpu.wait_indirect_dma semaphore(%arg11 : memref<!tpu.dma_semaphore, #tpu.memory_space<semaphore_mem>>) src(%dma_wait3A_507 : memref<10240x64xf32, #tpu.memory_space<hbm>>) dst(%dma_wait3A_497 : memref<128x64xf32, #tpu.memory_space<vmem>>)
      %ge3A_508 = arith.constant 4 : i32
      %ge3A_509 = arith.cmpi sge, %add3A_491, %ge3A_508 : i32
      %convert_element_type3A_510 = arith.extui %ge3A_509 : i1 to i32
      %cond3A_511 = arith.constant 0 : i32
      %cond3A_512 = arith.cmpi ne, %convert_element_type3A_510, %cond3A_511 : i32
      scf.if %cond3A_512 {
        %dma_wait3A_613 = arith.constant 0 : i32
        %dma_wait3A_614 = arith.constant 1 : i32
        %dma_wait3A_615 = arith.constant 0 : i32
        %dma_wait3A_616 = arith.constant 0 : i32
        %dma_wait3A_617 = tpu.memref_slice %arg8[%dma_wait3A_614, %dma_wait3A_615, %dma_wait3A_616] : memref<8x128x64xf32, #tpu.memory_space<vmem>> -> memref<1x128x64xf32, #tpu.memory_space<vmem>>
        %dma_wait3A_618 = tpu.memref_squeeze %dma_wait3A_617 : memref<1x128x64xf32, #tpu.memory_space<vmem>> -> memref<128x64xf32, #tpu.memory_space<vmem>>
        %dma_wait3A_619 = arith.constant 0 : i32
        %dma_wait3A_620 = tpu.memref_slice %arg6[%dma_wait3A_613, %dma_wait3A_619] : memref<80x128xi32, #tpu.memory_space<vmem>> -> memref<1x128xi32, #tpu.memory_space<vmem>>
        %dma_wait3A_621 = tpu.memref_squeeze %dma_wait3A_620 : memref<1x128xi32, #tpu.memory_space<vmem>> -> memref<128xi32, #tpu.memory_space<vmem>>
        %dma_wait3A_622 = arith.constant 0 : i32
        %dma_wait3A_623 = arith.constant 0 : i32
        %dma_wait3A_624 = tpu.memref_slice %arg2[%arg0, %dma_wait3A_622, %dma_wait3A_623] : memref<2x10240x64xf32, #tpu.memory_space<hbm>> -> memref<1x10240x64xf32, #tpu.memory_space<hbm>>
        %dma_wait3A_625 = tpu.memref_squeeze %dma_wait3A_624 : memref<1x10240x64xf32, #tpu.memory_space<hbm>> -> memref<10240x64xf32, #tpu.memory_space<hbm>>
        %dma_wait3A_626 = arith.constant 0 : i32
        %dma_wait3A_627 = arith.constant 0 : i32
        %dma_wait3A_628 = tpu.memref_slice %dma_wait3A_625[%dma_wait3A_626, %dma_wait3A_627] : memref<10240x64xf32, #tpu.memory_space<hbm>> -> memref<10240x64xf32, #tpu.memory_space<hbm>>
        tpu.wait_indirect_dma semaphore(%arg15 : memref<!tpu.dma_semaphore, #tpu.memory_space<semaphore_mem>>) src(%dma_wait3A_628 : memref<10240x64xf32, #tpu.memory_space<hbm>>) dst(%dma_wait3A_618 : memref<128x64xf32, #tpu.memory_space<vmem>>)
      } else {
      }
      %dma_start3A_513 = arith.constant 5 : i32
      %dma_start3A_514 = arith.constant 0 : i32
      %dma_start3A_515 = arith.constant 0 : i32
      %dma_start3A_516 = tpu.memref_slice %arg8[%dma_start3A_513, %dma_start3A_514, %dma_start3A_515] : memref<8x128x64xf32, #tpu.memory_space<vmem>> -> memref<1x128x64xf32, #tpu.memory_space<vmem>>
      %dma_start3A_517 = tpu.memref_squeeze %dma_start3A_516 : memref<1x128x64xf32, #tpu.memory_space<vmem>> -> memref<128x64xf32, #tpu.memory_space<vmem>>
      %dma_start3A_518 = arith.constant 0 : i32
      %dma_start3A_519 = tpu.memref_slice %arg7[%add3A_491, %dma_start3A_518] : memref<80x128xi32, #tpu.memory_space<vmem>> -> memref<1x128xi32, #tpu.memory_space<vmem>>
      %dma_start3A_520 = tpu.memref_squeeze %dma_start3A_519 : memref<1x128xi32, #tpu.memory_space<vmem>> -> memref<128xi32, #tpu.memory_space<vmem>>
      %dma_start3A_521 = arith.constant 0 : i32
      %dma_start3A_522 = arith.constant 0 : i32
      %dma_start3A_523 = tpu.memref_slice %arg9[%dma_start3A_521, %dma_start3A_522] : memref<10240x64xf32, #tpu.memory_space<vmem_shared>> -> memref<10240x64xf32, #tpu.memory_space<vmem_shared>>
      tpu.enqueue_indirect_dma source(%dma_start3A_517 : memref<128x64xf32, #tpu.memory_space<vmem>>) target(%dma_start3A_523 : memref<10240x64xf32, #tpu.memory_space<vmem_shared>>) offsets(%dma_start3A_520 : memref<128xi32, #tpu.memory_space<vmem>>) semaphore(%arg15 : memref<!tpu.dma_semaphore, #tpu.memory_space<semaphore_mem>>) {add = true}
      %add3A_524 = arith.constant 4 : i32
      %add3A_525 = arith.addi %add3A_491, %add3A_524 : i32
      %lt3A_526 = arith.constant 80 : i32
      %lt3A_527 = arith.cmpi slt, %add3A_525, %lt3A_526 : i32
      %convert_element_type3A_528 = arith.extui %lt3A_527 : i1 to i32
      %cond3A_529 = arith.constant 0 : i32
      %cond3A_530 = arith.cmpi ne, %convert_element_type3A_528, %cond3A_529 : i32
      scf.if %cond3A_530 {
        %add3A_613 = arith.constant 4 : i32
        %add3A_614 = arith.addi %add3A_491, %add3A_613 : i32
        %dma_start3A_615 = arith.constant 1 : i32
        %dma_start3A_616 = arith.constant 0 : i32
        %dma_start3A_617 = arith.constant 0 : i32
        %dma_start3A_618 = tpu.memref_slice %arg8[%dma_start3A_615, %dma_start3A_616, %dma_start3A_617] : memref<8x128x64xf32, #tpu.memory_space<vmem>> -> memref<1x128x64xf32, #tpu.memory_space<vmem>>
        %dma_start3A_619 = tpu.memref_squeeze %dma_start3A_618 : memref<1x128x64xf32, #tpu.memory_space<vmem>> -> memref<128x64xf32, #tpu.memory_space<vmem>>
        %dma_start3A_620 = arith.constant 0 : i32
        %dma_start3A_621 = tpu.memref_slice %arg6[%add3A_614, %dma_start3A_620] : memref<80x128xi32, #tpu.memory_space<vmem>> -> memref<1x128xi32, #tpu.memory_space<vmem>>
        %dma_start3A_622 = tpu.memref_squeeze %dma_start3A_621 : memref<1x128xi32, #tpu.memory_space<vmem>> -> memref<128xi32, #tpu.memory_space<vmem>>
        %dma_start3A_623 = arith.constant 0 : i32
        %dma_start3A_624 = arith.constant 0 : i32
        %dma_start3A_625 = tpu.memref_slice %arg2[%arg0, %dma_start3A_623, %dma_start3A_624] : memref<2x10240x64xf32, #tpu.memory_space<hbm>> -> memref<1x10240x64xf32, #tpu.memory_space<hbm>>
        %dma_start3A_626 = tpu.memref_squeeze %dma_start3A_625 : memref<1x10240x64xf32, #tpu.memory_space<hbm>> -> memref<10240x64xf32, #tpu.memory_space<hbm>>
        %dma_start3A_627 = arith.constant 0 : i32
        %dma_start3A_628 = arith.constant 0 : i32
        %dma_start3A_629 = tpu.memref_slice %dma_start3A_626[%dma_start3A_627, %dma_start3A_628] : memref<10240x64xf32, #tpu.memory_space<hbm>> -> memref<10240x64xf32, #tpu.memory_space<hbm>>
        tpu.enqueue_indirect_dma source(%dma_start3A_629 : memref<10240x64xf32, #tpu.memory_space<hbm>>) target(%dma_start3A_619 : memref<128x64xf32, #tpu.memory_space<vmem>>) offsets(%dma_start3A_622 : memref<128xi32, #tpu.memory_space<vmem>>) semaphore(%arg11 : memref<!tpu.dma_semaphore, #tpu.memory_space<semaphore_mem>>)
      } else {
      }
      %add3A_531 = arith.constant 6 : i32
      %add3A_532 = arith.addi %add3A_288, %add3A_531 : i32
      %dma_wait3A_533 = arith.constant 0 : i32
      %dma_wait3A_534 = arith.constant 6 : i32
      %dma_wait3A_535 = arith.constant 0 : i32
      %dma_wait3A_536 = arith.constant 0 : i32
      %dma_wait3A_537 = tpu.memref_slice %arg8[%dma_wait3A_534, %dma_wait3A_535, %dma_wait3A_536] : memref<8x128x64xf32, #tpu.memory_space<vmem>> -> memref<1x128x64xf32, #tpu.memory_space<vmem>>
      %dma_wait3A_538 = tpu.memref_squeeze %dma_wait3A_537 : memref<1x128x64xf32, #tpu.memory_space<vmem>> -> memref<128x64xf32, #tpu.memory_space<vmem>>
      %dma_wait3A_539 = arith.constant 0 : i32
      %dma_wait3A_540 = tpu.memref_slice %arg6[%dma_wait3A_533, %dma_wait3A_539] : memref<80x128xi32, #tpu.memory_space<vmem>> -> memref<1x128xi32, #tpu.memory_space<vmem>>
      %dma_wait3A_541 = tpu.memref_squeeze %dma_wait3A_540 : memref<1x128xi32, #tpu.memory_space<vmem>> -> memref<128xi32, #tpu.memory_space<vmem>>
      %dma_wait3A_542 = arith.constant 0 : i32
      %dma_wait3A_543 = arith.constant 0 : i32
      %dma_wait3A_544 = tpu.memref_slice %arg2[%arg0, %dma_wait3A_542, %dma_wait3A_543] : memref<2x10240x64xf32, #tpu.memory_space<hbm>> -> memref<1x10240x64xf32, #tpu.memory_space<hbm>>
      %dma_wait3A_545 = tpu.memref_squeeze %dma_wait3A_544 : memref<1x10240x64xf32, #tpu.memory_space<hbm>> -> memref<10240x64xf32, #tpu.memory_space<hbm>>
      %dma_wait3A_546 = arith.constant 0 : i32
      %dma_wait3A_547 = arith.constant 0 : i32
      %dma_wait3A_548 = tpu.memref_slice %dma_wait3A_545[%dma_wait3A_546, %dma_wait3A_547] : memref<10240x64xf32, #tpu.memory_space<hbm>> -> memref<10240x64xf32, #tpu.memory_space<hbm>>
      tpu.wait_indirect_dma semaphore(%arg12 : memref<!tpu.dma_semaphore, #tpu.memory_space<semaphore_mem>>) src(%dma_wait3A_548 : memref<10240x64xf32, #tpu.memory_space<hbm>>) dst(%dma_wait3A_538 : memref<128x64xf32, #tpu.memory_space<vmem>>)
      %ge3A_549 = arith.constant 4 : i32
      %ge3A_550 = arith.cmpi sge, %add3A_532, %ge3A_549 : i32
      %convert_element_type3A_551 = arith.extui %ge3A_550 : i1 to i32
      %cond3A_552 = arith.constant 0 : i32
      %cond3A_553 = arith.cmpi ne, %convert_element_type3A_551, %cond3A_552 : i32
      scf.if %cond3A_553 {
        %dma_wait3A_613 = arith.constant 0 : i32
        %dma_wait3A_614 = arith.constant 2 : i32
        %dma_wait3A_615 = arith.constant 0 : i32
        %dma_wait3A_616 = arith.constant 0 : i32
        %dma_wait3A_617 = tpu.memref_slice %arg8[%dma_wait3A_614, %dma_wait3A_615, %dma_wait3A_616] : memref<8x128x64xf32, #tpu.memory_space<vmem>> -> memref<1x128x64xf32, #tpu.memory_space<vmem>>
        %dma_wait3A_618 = tpu.memref_squeeze %dma_wait3A_617 : memref<1x128x64xf32, #tpu.memory_space<vmem>> -> memref<128x64xf32, #tpu.memory_space<vmem>>
        %dma_wait3A_619 = arith.constant 0 : i32
        %dma_wait3A_620 = tpu.memref_slice %arg6[%dma_wait3A_613, %dma_wait3A_619] : memref<80x128xi32, #tpu.memory_space<vmem>> -> memref<1x128xi32, #tpu.memory_space<vmem>>
        %dma_wait3A_621 = tpu.memref_squeeze %dma_wait3A_620 : memref<1x128xi32, #tpu.memory_space<vmem>> -> memref<128xi32, #tpu.memory_space<vmem>>
        %dma_wait3A_622 = arith.constant 0 : i32
        %dma_wait3A_623 = arith.constant 0 : i32
        %dma_wait3A_624 = tpu.memref_slice %arg2[%arg0, %dma_wait3A_622, %dma_wait3A_623] : memref<2x10240x64xf32, #tpu.memory_space<hbm>> -> memref<1x10240x64xf32, #tpu.memory_space<hbm>>
        %dma_wait3A_625 = tpu.memref_squeeze %dma_wait3A_624 : memref<1x10240x64xf32, #tpu.memory_space<hbm>> -> memref<10240x64xf32, #tpu.memory_space<hbm>>
        %dma_wait3A_626 = arith.constant 0 : i32
        %dma_wait3A_627 = arith.constant 0 : i32
        %dma_wait3A_628 = tpu.memref_slice %dma_wait3A_625[%dma_wait3A_626, %dma_wait3A_627] : memref<10240x64xf32, #tpu.memory_space<hbm>> -> memref<10240x64xf32, #tpu.memory_space<hbm>>
        tpu.wait_indirect_dma semaphore(%arg16 : memref<!tpu.dma_semaphore, #tpu.memory_space<semaphore_mem>>) src(%dma_wait3A_628 : memref<10240x64xf32, #tpu.memory_space<hbm>>) dst(%dma_wait3A_618 : memref<128x64xf32, #tpu.memory_space<vmem>>)
      } else {
      }
      %dma_start3A_554 = arith.constant 6 : i32
      %dma_start3A_555 = arith.constant 0 : i32
      %dma_start3A_556 = arith.constant 0 : i32
      %dma_start3A_557 = tpu.memref_slice %arg8[%dma_start3A_554, %dma_start3A_555, %dma_start3A_556] : memref<8x128x64xf32, #tpu.memory_space<vmem>> -> memref<1x128x64xf32, #tpu.memory_space<vmem>>
      %dma_start3A_558 = tpu.memref_squeeze %dma_start3A_557 : memref<1x128x64xf32, #tpu.memory_space<vmem>> -> memref<128x64xf32, #tpu.memory_space<vmem>>
      %dma_start3A_559 = arith.constant 0 : i32
      %dma_start3A_560 = tpu.memref_slice %arg7[%add3A_532, %dma_start3A_559] : memref<80x128xi32, #tpu.memory_space<vmem>> -> memref<1x128xi32, #tpu.memory_space<vmem>>
      %dma_start3A_561 = tpu.memref_squeeze %dma_start3A_560 : memref<1x128xi32, #tpu.memory_space<vmem>> -> memref<128xi32, #tpu.memory_space<vmem>>
      %dma_start3A_562 = arith.constant 0 : i32
      %dma_start3A_563 = arith.constant 0 : i32
      %dma_start3A_564 = tpu.memref_slice %arg9[%dma_start3A_562, %dma_start3A_563] : memref<10240x64xf32, #tpu.memory_space<vmem_shared>> -> memref<10240x64xf32, #tpu.memory_space<vmem_shared>>
      tpu.enqueue_indirect_dma source(%dma_start3A_558 : memref<128x64xf32, #tpu.memory_space<vmem>>) target(%dma_start3A_564 : memref<10240x64xf32, #tpu.memory_space<vmem_shared>>) offsets(%dma_start3A_561 : memref<128xi32, #tpu.memory_space<vmem>>) semaphore(%arg16 : memref<!tpu.dma_semaphore, #tpu.memory_space<semaphore_mem>>) {add = true}
      %add3A_565 = arith.constant 4 : i32
      %add3A_566 = arith.addi %add3A_532, %add3A_565 : i32
      %lt3A_567 = arith.constant 80 : i32
      %lt3A_568 = arith.cmpi slt, %add3A_566, %lt3A_567 : i32
      %convert_element_type3A_569 = arith.extui %lt3A_568 : i1 to i32
      %cond3A_570 = arith.constant 0 : i32
      %cond3A_571 = arith.cmpi ne, %convert_element_type3A_569, %cond3A_570 : i32
      scf.if %cond3A_571 {
        %add3A_613 = arith.constant 4 : i32
        %add3A_614 = arith.addi %add3A_532, %add3A_613 : i32
        %dma_start3A_615 = arith.constant 2 : i32
        %dma_start3A_616 = arith.constant 0 : i32
        %dma_start3A_617 = arith.constant 0 : i32
        %dma_start3A_618 = tpu.memref_slice %arg8[%dma_start3A_615, %dma_start3A_616, %dma_start3A_617] : memref<8x128x64xf32, #tpu.memory_space<vmem>> -> memref<1x128x64xf32, #tpu.memory_space<vmem>>
        %dma_start3A_619 = tpu.memref_squeeze %dma_start3A_618 : memref<1x128x64xf32, #tpu.memory_space<vmem>> -> memref<128x64xf32, #tpu.memory_space<vmem>>
        %dma_start3A_620 = arith.constant 0 : i32
        %dma_start3A_621 = tpu.memref_slice %arg6[%add3A_614, %dma_start3A_620] : memref<80x128xi32, #tpu.memory_space<vmem>> -> memref<1x128xi32, #tpu.memory_space<vmem>>
        %dma_start3A_622 = tpu.memref_squeeze %dma_start3A_621 : memref<1x128xi32, #tpu.memory_space<vmem>> -> memref<128xi32, #tpu.memory_space<vmem>>
        %dma_start3A_623 = arith.constant 0 : i32
        %dma_start3A_624 = arith.constant 0 : i32
        %dma_start3A_625 = tpu.memref_slice %arg2[%arg0, %dma_start3A_623, %dma_start3A_624] : memref<2x10240x64xf32, #tpu.memory_space<hbm>> -> memref<1x10240x64xf32, #tpu.memory_space<hbm>>
        %dma_start3A_626 = tpu.memref_squeeze %dma_start3A_625 : memref<1x10240x64xf32, #tpu.memory_space<hbm>> -> memref<10240x64xf32, #tpu.memory_space<hbm>>
        %dma_start3A_627 = arith.constant 0 : i32
        %dma_start3A_628 = arith.constant 0 : i32
        %dma_start3A_629 = tpu.memref_slice %dma_start3A_626[%dma_start3A_627, %dma_start3A_628] : memref<10240x64xf32, #tpu.memory_space<hbm>> -> memref<10240x64xf32, #tpu.memory_space<hbm>>
        tpu.enqueue_indirect_dma source(%dma_start3A_629 : memref<10240x64xf32, #tpu.memory_space<hbm>>) target(%dma_start3A_619 : memref<128x64xf32, #tpu.memory_space<vmem>>) offsets(%dma_start3A_622 : memref<128xi32, #tpu.memory_space<vmem>>) semaphore(%arg12 : memref<!tpu.dma_semaphore, #tpu.memory_space<semaphore_mem>>)
      } else {
      }
      %add3A_572 = arith.constant 7 : i32
      %add3A_573 = arith.addi %add3A_288, %add3A_572 : i32
      %dma_wait3A_574 = arith.constant 0 : i32
      %dma_wait3A_575 = arith.constant 7 : i32
      %dma_wait3A_576 = arith.constant 0 : i32
      %dma_wait3A_577 = arith.constant 0 : i32
      %dma_wait3A_578 = tpu.memref_slice %arg8[%dma_wait3A_575, %dma_wait3A_576, %dma_wait3A_577] : memref<8x128x64xf32, #tpu.memory_space<vmem>> -> memref<1x128x64xf32, #tpu.memory_space<vmem>>
      %dma_wait3A_579 = tpu.memref_squeeze %dma_wait3A_578 : memref<1x128x64xf32, #tpu.memory_space<vmem>> -> memref<128x64xf32, #tpu.memory_space<vmem>>
      %dma_wait3A_580 = arith.constant 0 : i32
      %dma_wait3A_581 = tpu.memref_slice %arg6[%dma_wait3A_574, %dma_wait3A_580] : memref<80x128xi32, #tpu.memory_space<vmem>> -> memref<1x128xi32, #tpu.memory_space<vmem>>
      %dma_wait3A_582 = tpu.memref_squeeze %dma_wait3A_581 : memref<1x128xi32, #tpu.memory_space<vmem>> -> memref<128xi32, #tpu.memory_space<vmem>>
      %dma_wait3A_583 = arith.constant 0 : i32
      %dma_wait3A_584 = arith.constant 0 : i32
      %dma_wait3A_585 = tpu.memref_slice %arg2[%arg0, %dma_wait3A_583, %dma_wait3A_584] : memref<2x10240x64xf32, #tpu.memory_space<hbm>> -> memref<1x10240x64xf32, #tpu.memory_space<hbm>>
      %dma_wait3A_586 = tpu.memref_squeeze %dma_wait3A_585 : memref<1x10240x64xf32, #tpu.memory_space<hbm>> -> memref<10240x64xf32, #tpu.memory_space<hbm>>
      %dma_wait3A_587 = arith.constant 0 : i32
      %dma_wait3A_588 = arith.constant 0 : i32
      %dma_wait3A_589 = tpu.memref_slice %dma_wait3A_586[%dma_wait3A_587, %dma_wait3A_588] : memref<10240x64xf32, #tpu.memory_space<hbm>> -> memref<10240x64xf32, #tpu.memory_space<hbm>>
      tpu.wait_indirect_dma semaphore(%arg13 : memref<!tpu.dma_semaphore, #tpu.memory_space<semaphore_mem>>) src(%dma_wait3A_589 : memref<10240x64xf32, #tpu.memory_space<hbm>>) dst(%dma_wait3A_579 : memref<128x64xf32, #tpu.memory_space<vmem>>)
      %ge3A_590 = arith.constant 4 : i32
      %ge3A_591 = arith.cmpi sge, %add3A_573, %ge3A_590 : i32
      %convert_element_type3A_592 = arith.extui %ge3A_591 : i1 to i32
      %cond3A_593 = arith.constant 0 : i32
      %cond3A_594 = arith.cmpi ne, %convert_element_type3A_592, %cond3A_593 : i32
      scf.if %cond3A_594 {
        %dma_wait3A_613 = arith.constant 0 : i32
        %dma_wait3A_614 = arith.constant 3 : i32
        %dma_wait3A_615 = arith.constant 0 : i32
        %dma_wait3A_616 = arith.constant 0 : i32
        %dma_wait3A_617 = tpu.memref_slice %arg8[%dma_wait3A_614, %dma_wait3A_615, %dma_wait3A_616] : memref<8x128x64xf32, #tpu.memory_space<vmem>> -> memref<1x128x64xf32, #tpu.memory_space<vmem>>
        %dma_wait3A_618 = tpu.memref_squeeze %dma_wait3A_617 : memref<1x128x64xf32, #tpu.memory_space<vmem>> -> memref<128x64xf32, #tpu.memory_space<vmem>>
        %dma_wait3A_619 = arith.constant 0 : i32
        %dma_wait3A_620 = tpu.memref_slice %arg6[%dma_wait3A_613, %dma_wait3A_619] : memref<80x128xi32, #tpu.memory_space<vmem>> -> memref<1x128xi32, #tpu.memory_space<vmem>>
        %dma_wait3A_621 = tpu.memref_squeeze %dma_wait3A_620 : memref<1x128xi32, #tpu.memory_space<vmem>> -> memref<128xi32, #tpu.memory_space<vmem>>
        %dma_wait3A_622 = arith.constant 0 : i32
        %dma_wait3A_623 = arith.constant 0 : i32
        %dma_wait3A_624 = tpu.memref_slice %arg2[%arg0, %dma_wait3A_622, %dma_wait3A_623] : memref<2x10240x64xf32, #tpu.memory_space<hbm>> -> memref<1x10240x64xf32, #tpu.memory_space<hbm>>
        %dma_wait3A_625 = tpu.memref_squeeze %dma_wait3A_624 : memref<1x10240x64xf32, #tpu.memory_space<hbm>> -> memref<10240x64xf32, #tpu.memory_space<hbm>>
        %dma_wait3A_626 = arith.constant 0 : i32
        %dma_wait3A_627 = arith.constant 0 : i32
        %dma_wait3A_628 = tpu.memref_slice %dma_wait3A_625[%dma_wait3A_626, %dma_wait3A_627] : memref<10240x64xf32, #tpu.memory_space<hbm>> -> memref<10240x64xf32, #tpu.memory_space<hbm>>
        tpu.wait_indirect_dma semaphore(%arg17 : memref<!tpu.dma_semaphore, #tpu.memory_space<semaphore_mem>>) src(%dma_wait3A_628 : memref<10240x64xf32, #tpu.memory_space<hbm>>) dst(%dma_wait3A_618 : memref<128x64xf32, #tpu.memory_space<vmem>>)
      } else {
      }
      %dma_start3A_595 = arith.constant 7 : i32
      %dma_start3A_596 = arith.constant 0 : i32
      %dma_start3A_597 = arith.constant 0 : i32
      %dma_start3A_598 = tpu.memref_slice %arg8[%dma_start3A_595, %dma_start3A_596, %dma_start3A_597] : memref<8x128x64xf32, #tpu.memory_space<vmem>> -> memref<1x128x64xf32, #tpu.memory_space<vmem>>
      %dma_start3A_599 = tpu.memref_squeeze %dma_start3A_598 : memref<1x128x64xf32, #tpu.memory_space<vmem>> -> memref<128x64xf32, #tpu.memory_space<vmem>>
      %dma_start3A_600 = arith.constant 0 : i32
      %dma_start3A_601 = tpu.memref_slice %arg7[%add3A_573, %dma_start3A_600] : memref<80x128xi32, #tpu.memory_space<vmem>> -> memref<1x128xi32, #tpu.memory_space<vmem>>
      %dma_start3A_602 = tpu.memref_squeeze %dma_start3A_601 : memref<1x128xi32, #tpu.memory_space<vmem>> -> memref<128xi32, #tpu.memory_space<vmem>>
      %dma_start3A_603 = arith.constant 0 : i32
      %dma_start3A_604 = arith.constant 0 : i32
      %dma_start3A_605 = tpu.memref_slice %arg9[%dma_start3A_603, %dma_start3A_604] : memref<10240x64xf32, #tpu.memory_space<vmem_shared>> -> memref<10240x64xf32, #tpu.memory_space<vmem_shared>>
      tpu.enqueue_indirect_dma source(%dma_start3A_599 : memref<128x64xf32, #tpu.memory_space<vmem>>) target(%dma_start3A_605 : memref<10240x64xf32, #tpu.memory_space<vmem_shared>>) offsets(%dma_start3A_602 : memref<128xi32, #tpu.memory_space<vmem>>) semaphore(%arg17 : memref<!tpu.dma_semaphore, #tpu.memory_space<semaphore_mem>>) {add = true}
      %add3A_606 = arith.constant 4 : i32
      %add3A_607 = arith.addi %add3A_573, %add3A_606 : i32
      %lt3A_608 = arith.constant 80 : i32
      %lt3A_609 = arith.cmpi slt, %add3A_607, %lt3A_608 : i32
      %convert_element_type3A_610 = arith.extui %lt3A_609 : i1 to i32
      %cond3A_611 = arith.constant 0 : i32
      %cond3A_612 = arith.cmpi ne, %convert_element_type3A_610, %cond3A_611 : i32
      scf.if %cond3A_612 {
        %add3A_613 = arith.constant 4 : i32
        %add3A_614 = arith.addi %add3A_573, %add3A_613 : i32
        %dma_start3A_615 = arith.constant 3 : i32
        %dma_start3A_616 = arith.constant 0 : i32
        %dma_start3A_617 = arith.constant 0 : i32
        %dma_start3A_618 = tpu.memref_slice %arg8[%dma_start3A_615, %dma_start3A_616, %dma_start3A_617] : memref<8x128x64xf32, #tpu.memory_space<vmem>> -> memref<1x128x64xf32, #tpu.memory_space<vmem>>
        %dma_start3A_619 = tpu.memref_squeeze %dma_start3A_618 : memref<1x128x64xf32, #tpu.memory_space<vmem>> -> memref<128x64xf32, #tpu.memory_space<vmem>>
        %dma_start3A_620 = arith.constant 0 : i32
        %dma_start3A_621 = tpu.memref_slice %arg6[%add3A_614, %dma_start3A_620] : memref<80x128xi32, #tpu.memory_space<vmem>> -> memref<1x128xi32, #tpu.memory_space<vmem>>
        %dma_start3A_622 = tpu.memref_squeeze %dma_start3A_621 : memref<1x128xi32, #tpu.memory_space<vmem>> -> memref<128xi32, #tpu.memory_space<vmem>>
        %dma_start3A_623 = arith.constant 0 : i32
        %dma_start3A_624 = arith.constant 0 : i32
        %dma_start3A_625 = tpu.memref_slice %arg2[%arg0, %dma_start3A_623, %dma_start3A_624] : memref<2x10240x64xf32, #tpu.memory_space<hbm>> -> memref<1x10240x64xf32, #tpu.memory_space<hbm>>
        %dma_start3A_626 = tpu.memref_squeeze %dma_start3A_625 : memref<1x10240x64xf32, #tpu.memory_space<hbm>> -> memref<10240x64xf32, #tpu.memory_space<hbm>>
        %dma_start3A_627 = arith.constant 0 : i32
        %dma_start3A_628 = arith.constant 0 : i32
        %dma_start3A_629 = tpu.memref_slice %dma_start3A_626[%dma_start3A_627, %dma_start3A_628] : memref<10240x64xf32, #tpu.memory_space<hbm>> -> memref<10240x64xf32, #tpu.memory_space<hbm>>
        tpu.enqueue_indirect_dma source(%dma_start3A_629 : memref<10240x64xf32, #tpu.memory_space<hbm>>) target(%dma_start3A_619 : memref<128x64xf32, #tpu.memory_space<vmem>>) offsets(%dma_start3A_622 : memref<128xi32, #tpu.memory_space<vmem>>) semaphore(%arg13 : memref<!tpu.dma_semaphore, #tpu.memory_space<semaphore_mem>>)
      } else {
      }
    }
    %scan3A_86 = arith.constant 10 : i32
    %dma_wait3A = arith.constant 0 : i32
    %dma_wait3A_87 = arith.constant 0 : i32
    %dma_wait3A_88 = arith.constant 0 : i32
    %dma_wait3A_89 = arith.constant 0 : i32
    %dma_wait3A_90 = tpu.memref_slice %arg8[%dma_wait3A_87, %dma_wait3A_88, %dma_wait3A_89] : memref<8x128x64xf32, #tpu.memory_space<vmem>> -> memref<1x128x64xf32, #tpu.memory_space<vmem>>
    %dma_wait3A_91 = tpu.memref_squeeze %dma_wait3A_90 : memref<1x128x64xf32, #tpu.memory_space<vmem>> -> memref<128x64xf32, #tpu.memory_space<vmem>>
    %dma_wait3A_92 = arith.constant 0 : i32
    %dma_wait3A_93 = tpu.memref_slice %arg6[%dma_wait3A, %dma_wait3A_92] : memref<80x128xi32, #tpu.memory_space<vmem>> -> memref<1x128xi32, #tpu.memory_space<vmem>>
    %dma_wait3A_94 = tpu.memref_squeeze %dma_wait3A_93 : memref<1x128xi32, #tpu.memory_space<vmem>> -> memref<128xi32, #tpu.memory_space<vmem>>
    %dma_wait3A_95 = arith.constant 0 : i32
    %dma_wait3A_96 = arith.constant 0 : i32
    %dma_wait3A_97 = tpu.memref_slice %arg2[%arg0, %dma_wait3A_95, %dma_wait3A_96] : memref<2x10240x64xf32, #tpu.memory_space<hbm>> -> memref<1x10240x64xf32, #tpu.memory_space<hbm>>
    %dma_wait3A_98 = tpu.memref_squeeze %dma_wait3A_97 : memref<1x10240x64xf32, #tpu.memory_space<hbm>> -> memref<10240x64xf32, #tpu.memory_space<hbm>>
    %dma_wait3A_99 = arith.constant 0 : i32
    %dma_wait3A_100 = arith.constant 0 : i32
    %dma_wait3A_101 = tpu.memref_slice %dma_wait3A_98[%dma_wait3A_99, %dma_wait3A_100] : memref<10240x64xf32, #tpu.memory_space<hbm>> -> memref<10240x64xf32, #tpu.memory_space<hbm>>
    tpu.wait_indirect_dma semaphore(%arg14 : memref<!tpu.dma_semaphore, #tpu.memory_space<semaphore_mem>>) src(%dma_wait3A_101 : memref<10240x64xf32, #tpu.memory_space<hbm>>) dst(%dma_wait3A_91 : memref<128x64xf32, #tpu.memory_space<vmem>>)
    %dma_wait3A_102 = arith.constant 0 : i32
    %dma_wait3A_103 = arith.constant 0 : i32
    %dma_wait3A_104 = arith.constant 0 : i32
    %dma_wait3A_105 = arith.constant 0 : i32
    %dma_wait3A_106 = tpu.memref_slice %arg8[%dma_wait3A_103, %dma_wait3A_104, %dma_wait3A_105] : memref<8x128x64xf32, #tpu.memory_space<vmem>> -> memref<1x128x64xf32, #tpu.memory_space<vmem>>
    %dma_wait3A_107 = tpu.memref_squeeze %dma_wait3A_106 : memref<1x128x64xf32, #tpu.memory_space<vmem>> -> memref<128x64xf32, #tpu.memory_space<vmem>>
    %dma_wait3A_108 = arith.constant 0 : i32
    %dma_wait3A_109 = tpu.memref_slice %arg6[%dma_wait3A_102, %dma_wait3A_108] : memref<80x128xi32, #tpu.memory_space<vmem>> -> memref<1x128xi32, #tpu.memory_space<vmem>>
    %dma_wait3A_110 = tpu.memref_squeeze %dma_wait3A_109 : memref<1x128xi32, #tpu.memory_space<vmem>> -> memref<128xi32, #tpu.memory_space<vmem>>
    %dma_wait3A_111 = arith.constant 0 : i32
    %dma_wait3A_112 = arith.constant 0 : i32
    %dma_wait3A_113 = tpu.memref_slice %arg2[%arg0, %dma_wait3A_111, %dma_wait3A_112] : memref<2x10240x64xf32, #tpu.memory_space<hbm>> -> memref<1x10240x64xf32, #tpu.memory_space<hbm>>
    %dma_wait3A_114 = tpu.memref_squeeze %dma_wait3A_113 : memref<1x10240x64xf32, #tpu.memory_space<hbm>> -> memref<10240x64xf32, #tpu.memory_space<hbm>>
    %dma_wait3A_115 = arith.constant 0 : i32
    %dma_wait3A_116 = arith.constant 0 : i32
    %dma_wait3A_117 = tpu.memref_slice %dma_wait3A_114[%dma_wait3A_115, %dma_wait3A_116] : memref<10240x64xf32, #tpu.memory_space<hbm>> -> memref<10240x64xf32, #tpu.memory_space<hbm>>
    tpu.wait_indirect_dma semaphore(%arg15 : memref<!tpu.dma_semaphore, #tpu.memory_space<semaphore_mem>>) src(%dma_wait3A_117 : memref<10240x64xf32, #tpu.memory_space<hbm>>) dst(%dma_wait3A_107 : memref<128x64xf32, #tpu.memory_space<vmem>>)
    %dma_wait3A_118 = arith.constant 0 : i32
    %dma_wait3A_119 = arith.constant 0 : i32
    %dma_wait3A_120 = arith.constant 0 : i32
    %dma_wait3A_121 = arith.constant 0 : i32
    %dma_wait3A_122 = tpu.memref_slice %arg8[%dma_wait3A_119, %dma_wait3A_120, %dma_wait3A_121] : memref<8x128x64xf32, #tpu.memory_space<vmem>> -> memref<1x128x64xf32, #tpu.memory_space<vmem>>
    %dma_wait3A_123 = tpu.memref_squeeze %dma_wait3A_122 : memref<1x128x64xf32, #tpu.memory_space<vmem>> -> memref<128x64xf32, #tpu.memory_space<vmem>>
    %dma_wait3A_124 = arith.constant 0 : i32
    %dma_wait3A_125 = tpu.memref_slice %arg6[%dma_wait3A_118, %dma_wait3A_124] : memref<80x128xi32, #tpu.memory_space<vmem>> -> memref<1x128xi32, #tpu.memory_space<vmem>>
    %dma_wait3A_126 = tpu.memref_squeeze %dma_wait3A_125 : memref<1x128xi32, #tpu.memory_space<vmem>> -> memref<128xi32, #tpu.memory_space<vmem>>
    %dma_wait3A_127 = arith.constant 0 : i32
    %dma_wait3A_128 = arith.constant 0 : i32
    %dma_wait3A_129 = tpu.memref_slice %arg2[%arg0, %dma_wait3A_127, %dma_wait3A_128] : memref<2x10240x64xf32, #tpu.memory_space<hbm>> -> memref<1x10240x64xf32, #tpu.memory_space<hbm>>
    %dma_wait3A_130 = tpu.memref_squeeze %dma_wait3A_129 : memref<1x10240x64xf32, #tpu.memory_space<hbm>> -> memref<10240x64xf32, #tpu.memory_space<hbm>>
    %dma_wait3A_131 = arith.constant 0 : i32
    %dma_wait3A_132 = arith.constant 0 : i32
    %dma_wait3A_133 = tpu.memref_slice %dma_wait3A_130[%dma_wait3A_131, %dma_wait3A_132] : memref<10240x64xf32, #tpu.memory_space<hbm>> -> memref<10240x64xf32, #tpu.memory_space<hbm>>
    tpu.wait_indirect_dma semaphore(%arg16 : memref<!tpu.dma_semaphore, #tpu.memory_space<semaphore_mem>>) src(%dma_wait3A_133 : memref<10240x64xf32, #tpu.memory_space<hbm>>) dst(%dma_wait3A_123 : memref<128x64xf32, #tpu.memory_space<vmem>>)
    %dma_wait3A_134 = arith.constant 0 : i32
    %dma_wait3A_135 = arith.constant 0 : i32
    %dma_wait3A_136 = arith.constant 0 : i32
    %dma_wait3A_137 = arith.constant 0 : i32
    %dma_wait3A_138 = tpu.memref_slice %arg8[%dma_wait3A_135, %dma_wait3A_136, %dma_wait3A_137] : memref<8x128x64xf32, #tpu.memory_space<vmem>> -> memref<1x128x64xf32, #tpu.memory_space<vmem>>
    %dma_wait3A_139 = tpu.memref_squeeze %dma_wait3A_138 : memref<1x128x64xf32, #tpu.memory_space<vmem>> -> memref<128x64xf32, #tpu.memory_space<vmem>>
    %dma_wait3A_140 = arith.constant 0 : i32
    %dma_wait3A_141 = tpu.memref_slice %arg6[%dma_wait3A_134, %dma_wait3A_140] : memref<80x128xi32, #tpu.memory_space<vmem>> -> memref<1x128xi32, #tpu.memory_space<vmem>>
    %dma_wait3A_142 = tpu.memref_squeeze %dma_wait3A_141 : memref<1x128xi32, #tpu.memory_space<vmem>> -> memref<128xi32, #tpu.memory_space<vmem>>
    %dma_wait3A_143 = arith.constant 0 : i32
    %dma_wait3A_144 = arith.constant 0 : i32
    %dma_wait3A_145 = tpu.memref_slice %arg2[%arg0, %dma_wait3A_143, %dma_wait3A_144] : memref<2x10240x64xf32, #tpu.memory_space<hbm>> -> memref<1x10240x64xf32, #tpu.memory_space<hbm>>
    %dma_wait3A_146 = tpu.memref_squeeze %dma_wait3A_145 : memref<1x10240x64xf32, #tpu.memory_space<hbm>> -> memref<10240x64xf32, #tpu.memory_space<hbm>>
    %dma_wait3A_147 = arith.constant 0 : i32
    %dma_wait3A_148 = arith.constant 0 : i32
    %dma_wait3A_149 = tpu.memref_slice %dma_wait3A_146[%dma_wait3A_147, %dma_wait3A_148] : memref<10240x64xf32, #tpu.memory_space<hbm>> -> memref<10240x64xf32, #tpu.memory_space<hbm>>
    tpu.wait_indirect_dma semaphore(%arg17 : memref<!tpu.dma_semaphore, #tpu.memory_space<semaphore_mem>>) src(%dma_wait3A_149 : memref<10240x64xf32, #tpu.memory_space<hbm>>) dst(%dma_wait3A_139 : memref<128x64xf32, #tpu.memory_space<vmem>>)
    "tpu.region"() ({
      %run_scoped3A_284 = tpu.sem_alloc : memref<!tpu.dma_semaphore, #tpu.memory_space<semaphore_mem>>
      %dma_start3A_285 = arith.constant 80 : i32
      %dma_start3A_286 = arith.constant 0 : i32
      %dma_start3A_287 = tpu.memref_slice %arg3[%arg1, %dma_start3A_285, %dma_start3A_286] : memref<16x160x128xi32, #tpu.memory_space<hbm>> -> memref<1x80x128xi32, #tpu.memory_space<hbm>>
      %dma_start3A_288 = tpu.memref_squeeze %dma_start3A_287 : memref<1x80x128xi32, #tpu.memory_space<hbm>> -> memref<80x128xi32, #tpu.memory_space<hbm>>
      %dma_start3A_289 = arith.constant 80 : i32
      %dma_start3A_290 = arith.constant 0 : i32
      %dma_start3A_291 = tpu.memref_slice %arg3[%arg1, %dma_start3A_289, %dma_start3A_290] : memref<16x160x128xi32, #tpu.memory_space<hbm>> -> memref<1x80x128xi32, #tpu.memory_space<hbm>>
      %dma_start3A_292 = tpu.memref_squeeze %dma_start3A_291 : memref<1x80x128xi32, #tpu.memory_space<hbm>> -> memref<80x128xi32, #tpu.memory_space<hbm>>
      tpu.enqueue_dma source(%dma_start3A_292 : memref<80x128xi32, #tpu.memory_space<hbm>>) target(%arg6 : memref<80x128xi32, #tpu.memory_space<vmem>>) target_semaphore(%run_scoped3A_284 : memref<!tpu.dma_semaphore, #tpu.memory_space<semaphore_mem>>)
      %dma_wait3A_293 = arith.constant 80 : i32
      %dma_wait3A_294 = arith.constant 0 : i32
      %dma_wait3A_295 = tpu.memref_slice %arg3[%arg1, %dma_wait3A_293, %dma_wait3A_294] : memref<16x160x128xi32, #tpu.memory_space<hbm>> -> memref<1x80x128xi32, #tpu.memory_space<hbm>>
      %dma_wait3A_296 = tpu.memref_squeeze %dma_wait3A_295 : memref<1x80x128xi32, #tpu.memory_space<hbm>> -> memref<80x128xi32, #tpu.memory_space<hbm>>
      %dma_wait3A_297 = arith.constant 80 : i32
      %dma_wait3A_298 = arith.constant 0 : i32
      %dma_wait3A_299 = tpu.memref_slice %arg3[%arg1, %dma_wait3A_297, %dma_wait3A_298] : memref<16x160x128xi32, #tpu.memory_space<hbm>> -> memref<1x80x128xi32, #tpu.memory_space<hbm>>
      %dma_wait3A_300 = tpu.memref_squeeze %dma_wait3A_299 : memref<1x80x128xi32, #tpu.memory_space<hbm>> -> memref<80x128xi32, #tpu.memory_space<hbm>>
      tpu.wait_dma2 semaphore(%run_scoped3A_284 : memref<!tpu.dma_semaphore, #tpu.memory_space<semaphore_mem>>) src(%dma_wait3A_300 : memref<80x128xi32, #tpu.memory_space<hbm>>) dst(%arg6 : memref<80x128xi32, #tpu.memory_space<vmem>>)
      tpu.yield
    }) : () -> ()
    "tpu.region"() ({
      %run_scoped3A_284 = tpu.sem_alloc : memref<!tpu.dma_semaphore, #tpu.memory_space<semaphore_mem>>
      %dma_start3A_285 = arith.constant 80 : i32
      %dma_start3A_286 = arith.constant 0 : i32
      %dma_start3A_287 = tpu.memref_slice %arg4[%arg1, %dma_start3A_285, %dma_start3A_286] : memref<16x160x128xi32, #tpu.memory_space<hbm>> -> memref<1x80x128xi32, #tpu.memory_space<hbm>>
      %dma_start3A_288 = tpu.memref_squeeze %dma_start3A_287 : memref<1x80x128xi32, #tpu.memory_space<hbm>> -> memref<80x128xi32, #tpu.memory_space<hbm>>
      %dma_start3A_289 = arith.constant 80 : i32
      %dma_start3A_290 = arith.constant 0 : i32
      %dma_start3A_291 = tpu.memref_slice %arg4[%arg1, %dma_start3A_289, %dma_start3A_290] : memref<16x160x128xi32, #tpu.memory_space<hbm>> -> memref<1x80x128xi32, #tpu.memory_space<hbm>>
      %dma_start3A_292 = tpu.memref_squeeze %dma_start3A_291 : memref<1x80x128xi32, #tpu.memory_space<hbm>> -> memref<80x128xi32, #tpu.memory_space<hbm>>
      tpu.enqueue_dma source(%dma_start3A_292 : memref<80x128xi32, #tpu.memory_space<hbm>>) target(%arg7 : memref<80x128xi32, #tpu.memory_space<vmem>>) target_semaphore(%run_scoped3A_284 : memref<!tpu.dma_semaphore, #tpu.memory_space<semaphore_mem>>)
      %dma_wait3A_293 = arith.constant 80 : i32
      %dma_wait3A_294 = arith.constant 0 : i32
      %dma_wait3A_295 = tpu.memref_slice %arg4[%arg1, %dma_wait3A_293, %dma_wait3A_294] : memref<16x160x128xi32, #tpu.memory_space<hbm>> -> memref<1x80x128xi32, #tpu.memory_space<hbm>>
      %dma_wait3A_296 = tpu.memref_squeeze %dma_wait3A_295 : memref<1x80x128xi32, #tpu.memory_space<hbm>> -> memref<80x128xi32, #tpu.memory_space<hbm>>
      %dma_wait3A_297 = arith.constant 80 : i32
      %dma_wait3A_298 = arith.constant 0 : i32
      %dma_wait3A_299 = tpu.memref_slice %arg4[%arg1, %dma_wait3A_297, %dma_wait3A_298] : memref<16x160x128xi32, #tpu.memory_space<hbm>> -> memref<1x80x128xi32, #tpu.memory_space<hbm>>
      %dma_wait3A_300 = tpu.memref_squeeze %dma_wait3A_299 : memref<1x80x128xi32, #tpu.memory_space<hbm>> -> memref<80x128xi32, #tpu.memory_space<hbm>>
      tpu.wait_dma2 semaphore(%run_scoped3A_284 : memref<!tpu.dma_semaphore, #tpu.memory_space<semaphore_mem>>) src(%dma_wait3A_300 : memref<80x128xi32, #tpu.memory_space<hbm>>) dst(%arg7 : memref<80x128xi32, #tpu.memory_space<vmem>>)
      tpu.yield
    }) : () -> ()
    %dma_start3A_150 = arith.constant 0 : i32
    %dma_start3A_151 = arith.constant 0 : i32
    %dma_start3A_152 = arith.constant 0 : i32
    %dma_start3A_153 = arith.constant 0 : i32
    %dma_start3A_154 = tpu.memref_slice %arg8[%dma_start3A_151, %dma_start3A_152, %dma_start3A_153] : memref<8x128x64xf32, #tpu.memory_space<vmem>> -> memref<1x128x64xf32, #tpu.memory_space<vmem>>
    %dma_start3A_155 = tpu.memref_squeeze %dma_start3A_154 : memref<1x128x64xf32, #tpu.memory_space<vmem>> -> memref<128x64xf32, #tpu.memory_space<vmem>>
    %dma_start3A_156 = arith.constant 0 : i32
    %dma_start3A_157 = tpu.memref_slice %arg6[%dma_start3A_150, %dma_start3A_156] : memref<80x128xi32, #tpu.memory_space<vmem>> -> memref<1x128xi32, #tpu.memory_space<vmem>>
    %dma_start3A_158 = tpu.memref_squeeze %dma_start3A_157 : memref<1x128xi32, #tpu.memory_space<vmem>> -> memref<128xi32, #tpu.memory_space<vmem>>
    %dma_start3A_159 = arith.constant 0 : i32
    %dma_start3A_160 = arith.constant 0 : i32
    %dma_start3A_161 = tpu.memref_slice %arg2[%arg0, %dma_start3A_159, %dma_start3A_160] : memref<2x10240x64xf32, #tpu.memory_space<hbm>> -> memref<1x10240x64xf32, #tpu.memory_space<hbm>>
    %dma_start3A_162 = tpu.memref_squeeze %dma_start3A_161 : memref<1x10240x64xf32, #tpu.memory_space<hbm>> -> memref<10240x64xf32, #tpu.memory_space<hbm>>
    %dma_start3A_163 = arith.constant 0 : i32
    %dma_start3A_164 = arith.constant 0 : i32
    %dma_start3A_165 = tpu.memref_slice %dma_start3A_162[%dma_start3A_163, %dma_start3A_164] : memref<10240x64xf32, #tpu.memory_space<hbm>> -> memref<10240x64xf32, #tpu.memory_space<hbm>>
    tpu.enqueue_indirect_dma source(%dma_start3A_165 : memref<10240x64xf32, #tpu.memory_space<hbm>>) target(%dma_start3A_155 : memref<128x64xf32, #tpu.memory_space<vmem>>) offsets(%dma_start3A_158 : memref<128xi32, #tpu.memory_space<vmem>>) semaphore(%arg10 : memref<!tpu.dma_semaphore, #tpu.memory_space<semaphore_mem>>)
    %dma_start3A_166 = arith.constant 1 : i32
    %dma_start3A_167 = arith.constant 1 : i32
    %dma_start3A_168 = arith.constant 0 : i32
    %dma_start3A_169 = arith.constant 0 : i32
    %dma_start3A_170 = tpu.memref_slice %arg8[%dma_start3A_167, %dma_start3A_168, %dma_start3A_169] : memref<8x128x64xf32, #tpu.memory_space<vmem>> -> memref<1x128x64xf32, #tpu.memory_space<vmem>>
    %dma_start3A_171 = tpu.memref_squeeze %dma_start3A_170 : memref<1x128x64xf32, #tpu.memory_space<vmem>> -> memref<128x64xf32, #tpu.memory_space<vmem>>
    %dma_start3A_172 = arith.constant 0 : i32
    %dma_start3A_173 = tpu.memref_slice %arg6[%dma_start3A_166, %dma_start3A_172] : memref<80x128xi32, #tpu.memory_space<vmem>> -> memref<1x128xi32, #tpu.memory_space<vmem>>
    %dma_start3A_174 = tpu.memref_squeeze %dma_start3A_173 : memref<1x128xi32, #tpu.memory_space<vmem>> -> memref<128xi32, #tpu.memory_space<vmem>>
    %dma_start3A_175 = arith.constant 0 : i32
    %dma_start3A_176 = arith.constant 0 : i32
    %dma_start3A_177 = tpu.memref_slice %arg2[%arg0, %dma_start3A_175, %dma_start3A_176] : memref<2x10240x64xf32, #tpu.memory_space<hbm>> -> memref<1x10240x64xf32, #tpu.memory_space<hbm>>
    %dma_start3A_178 = tpu.memref_squeeze %dma_start3A_177 : memref<1x10240x64xf32, #tpu.memory_space<hbm>> -> memref<10240x64xf32, #tpu.memory_space<hbm>>
    %dma_start3A_179 = arith.constant 0 : i32
    %dma_start3A_180 = arith.constant 0 : i32
    %dma_start3A_181 = tpu.memref_slice %dma_start3A_178[%dma_start3A_179, %dma_start3A_180] : memref<10240x64xf32, #tpu.memory_space<hbm>> -> memref<10240x64xf32, #tpu.memory_space<hbm>>
    tpu.enqueue_indirect_dma source(%dma_start3A_181 : memref<10240x64xf32, #tpu.memory_space<hbm>>) target(%dma_start3A_171 : memref<128x64xf32, #tpu.memory_space<vmem>>) offsets(%dma_start3A_174 : memref<128xi32, #tpu.memory_space<vmem>>) semaphore(%arg11 : memref<!tpu.dma_semaphore, #tpu.memory_space<semaphore_mem>>)
    %dma_start3A_182 = arith.constant 2 : i32
    %dma_start3A_183 = arith.constant 2 : i32
    %dma_start3A_184 = arith.constant 0 : i32
    %dma_start3A_185 = arith.constant 0 : i32
    %dma_start3A_186 = tpu.memref_slice %arg8[%dma_start3A_183, %dma_start3A_184, %dma_start3A_185] : memref<8x128x64xf32, #tpu.memory_space<vmem>> -> memref<1x128x64xf32, #tpu.memory_space<vmem>>
    %dma_start3A_187 = tpu.memref_squeeze %dma_start3A_186 : memref<1x128x64xf32, #tpu.memory_space<vmem>> -> memref<128x64xf32, #tpu.memory_space<vmem>>
    %dma_start3A_188 = arith.constant 0 : i32
    %dma_start3A_189 = tpu.memref_slice %arg6[%dma_start3A_182, %dma_start3A_188] : memref<80x128xi32, #tpu.memory_space<vmem>> -> memref<1x128xi32, #tpu.memory_space<vmem>>
    %dma_start3A_190 = tpu.memref_squeeze %dma_start3A_189 : memref<1x128xi32, #tpu.memory_space<vmem>> -> memref<128xi32, #tpu.memory_space<vmem>>
    %dma_start3A_191 = arith.constant 0 : i32
    %dma_start3A_192 = arith.constant 0 : i32
    %dma_start3A_193 = tpu.memref_slice %arg2[%arg0, %dma_start3A_191, %dma_start3A_192] : memref<2x10240x64xf32, #tpu.memory_space<hbm>> -> memref<1x10240x64xf32, #tpu.memory_space<hbm>>
    %dma_start3A_194 = tpu.memref_squeeze %dma_start3A_193 : memref<1x10240x64xf32, #tpu.memory_space<hbm>> -> memref<10240x64xf32, #tpu.memory_space<hbm>>
    %dma_start3A_195 = arith.constant 0 : i32
    %dma_start3A_196 = arith.constant 0 : i32
    %dma_start3A_197 = tpu.memref_slice %dma_start3A_194[%dma_start3A_195, %dma_start3A_196] : memref<10240x64xf32, #tpu.memory_space<hbm>> -> memref<10240x64xf32, #tpu.memory_space<hbm>>
    tpu.enqueue_indirect_dma source(%dma_start3A_197 : memref<10240x64xf32, #tpu.memory_space<hbm>>) target(%dma_start3A_187 : memref<128x64xf32, #tpu.memory_space<vmem>>) offsets(%dma_start3A_190 : memref<128xi32, #tpu.memory_space<vmem>>) semaphore(%arg12 : memref<!tpu.dma_semaphore, #tpu.memory_space<semaphore_mem>>)
    %dma_start3A_198 = arith.constant 3 : i32
    %dma_start3A_199 = arith.constant 3 : i32
    %dma_start3A_200 = arith.constant 0 : i32
    %dma_start3A_201 = arith.constant 0 : i32
    %dma_start3A_202 = tpu.memref_slice %arg8[%dma_start3A_199, %dma_start3A_200, %dma_start3A_201] : memref<8x128x64xf32, #tpu.memory_space<vmem>> -> memref<1x128x64xf32, #tpu.memory_space<vmem>>
    %dma_start3A_203 = tpu.memref_squeeze %dma_start3A_202 : memref<1x128x64xf32, #tpu.memory_space<vmem>> -> memref<128x64xf32, #tpu.memory_space<vmem>>
    %dma_start3A_204 = arith.constant 0 : i32
    %dma_start3A_205 = tpu.memref_slice %arg6[%dma_start3A_198, %dma_start3A_204] : memref<80x128xi32, #tpu.memory_space<vmem>> -> memref<1x128xi32, #tpu.memory_space<vmem>>
    %dma_start3A_206 = tpu.memref_squeeze %dma_start3A_205 : memref<1x128xi32, #tpu.memory_space<vmem>> -> memref<128xi32, #tpu.memory_space<vmem>>
    %dma_start3A_207 = arith.constant 0 : i32
    %dma_start3A_208 = arith.constant 0 : i32
    %dma_start3A_209 = tpu.memref_slice %arg2[%arg0, %dma_start3A_207, %dma_start3A_208] : memref<2x10240x64xf32, #tpu.memory_space<hbm>> -> memref<1x10240x64xf32, #tpu.memory_space<hbm>>
    %dma_start3A_210 = tpu.memref_squeeze %dma_start3A_209 : memref<1x10240x64xf32, #tpu.memory_space<hbm>> -> memref<10240x64xf32, #tpu.memory_space<hbm>>
    %dma_start3A_211 = arith.constant 0 : i32
    %dma_start3A_212 = arith.constant 0 : i32
    %dma_start3A_213 = tpu.memref_slice %dma_start3A_210[%dma_start3A_211, %dma_start3A_212] : memref<10240x64xf32, #tpu.memory_space<hbm>> -> memref<10240x64xf32, #tpu.memory_space<hbm>>
    tpu.enqueue_indirect_dma source(%dma_start3A_213 : memref<10240x64xf32, #tpu.memory_space<hbm>>) target(%dma_start3A_203 : memref<128x64xf32, #tpu.memory_space<vmem>>) offsets(%dma_start3A_206 : memref<128xi32, #tpu.memory_space<vmem>>) semaphore(%arg13 : memref<!tpu.dma_semaphore, #tpu.memory_space<semaphore_mem>>)
    %scan3A_214 = arith.constant 0 : i32
    %scan3A_215 = arith.constant 10 : i32
    %scan3A_216 = arith.addi %scan3A_214, %scan3A_215 : i32
    %scan3A_217 = arith.constant 1 : i32
    scf.for %scan3A_284 = %scan3A_214 to %scan3A_216 step %scan3A_217  : i32 {
      %mul3A_285 = arith.constant 8 : i32
      %mul3A_286 = arith.muli %scan3A_284, %mul3A_285 : i32
      %add3A_287 = arith.constant 0 : i32
      %add3A_288 = arith.addi %add3A_287, %mul3A_286 : i32
      %add3A_289 = arith.constant 0 : i32
      %add3A_290 = arith.addi %add3A_288, %add3A_289 : i32
      %dma_wait3A_291 = arith.constant 0 : i32
      %dma_wait3A_292 = arith.constant 0 : i32
      %dma_wait3A_293 = arith.constant 0 : i32
      %dma_wait3A_294 = arith.constant 0 : i32
      %dma_wait3A_295 = tpu.memref_slice %arg8[%dma_wait3A_292, %dma_wait3A_293, %dma_wait3A_294] : memref<8x128x64xf32, #tpu.memory_space<vmem>> -> memref<1x128x64xf32, #tpu.memory_space<vmem>>
      %dma_wait3A_296 = tpu.memref_squeeze %dma_wait3A_295 : memref<1x128x64xf32, #tpu.memory_space<vmem>> -> memref<128x64xf32, #tpu.memory_space<vmem>>
      %dma_wait3A_297 = arith.constant 0 : i32
      %dma_wait3A_298 = tpu.memref_slice %arg6[%dma_wait3A_291, %dma_wait3A_297] : memref<80x128xi32, #tpu.memory_space<vmem>> -> memref<1x128xi32, #tpu.memory_space<vmem>>
      %dma_wait3A_299 = tpu.memref_squeeze %dma_wait3A_298 : memref<1x128xi32, #tpu.memory_space<vmem>> -> memref<128xi32, #tpu.memory_space<vmem>>
      %dma_wait3A_300 = arith.constant 0 : i32
      %dma_wait3A_301 = arith.constant 0 : i32
      %dma_wait3A_302 = tpu.memref_slice %arg2[%arg0, %dma_wait3A_300, %dma_wait3A_301] : memref<2x10240x64xf32, #tpu.memory_space<hbm>> -> memref<1x10240x64xf32, #tpu.memory_space<hbm>>
      %dma_wait3A_303 = tpu.memref_squeeze %dma_wait3A_302 : memref<1x10240x64xf32, #tpu.memory_space<hbm>> -> memref<10240x64xf32, #tpu.memory_space<hbm>>
      %dma_wait3A_304 = arith.constant 0 : i32
      %dma_wait3A_305 = arith.constant 0 : i32
      %dma_wait3A_306 = tpu.memref_slice %dma_wait3A_303[%dma_wait3A_304, %dma_wait3A_305] : memref<10240x64xf32, #tpu.memory_space<hbm>> -> memref<10240x64xf32, #tpu.memory_space<hbm>>
      tpu.wait_indirect_dma semaphore(%arg10 : memref<!tpu.dma_semaphore, #tpu.memory_space<semaphore_mem>>) src(%dma_wait3A_306 : memref<10240x64xf32, #tpu.memory_space<hbm>>) dst(%dma_wait3A_296 : memref<128x64xf32, #tpu.memory_space<vmem>>)
      %ge3A = arith.constant 4 : i32
      %ge3A_307 = arith.cmpi sge, %add3A_290, %ge3A : i32
      %convert_element_type3A = arith.extui %ge3A_307 : i1 to i32
      %cond3A = arith.constant 0 : i32
      %cond3A_308 = arith.cmpi ne, %convert_element_type3A, %cond3A : i32
      scf.if %cond3A_308 {
        %dma_wait3A_613 = arith.constant 0 : i32
        %dma_wait3A_614 = arith.constant 4 : i32
        %dma_wait3A_615 = arith.constant 0 : i32
        %dma_wait3A_616 = arith.constant 0 : i32
        %dma_wait3A_617 = tpu.memref_slice %arg8[%dma_wait3A_614, %dma_wait3A_615, %dma_wait3A_616] : memref<8x128x64xf32, #tpu.memory_space<vmem>> -> memref<1x128x64xf32, #tpu.memory_space<vmem>>
        %dma_wait3A_618 = tpu.memref_squeeze %dma_wait3A_617 : memref<1x128x64xf32, #tpu.memory_space<vmem>> -> memref<128x64xf32, #tpu.memory_space<vmem>>
        %dma_wait3A_619 = arith.constant 0 : i32
        %dma_wait3A_620 = tpu.memref_slice %arg6[%dma_wait3A_613, %dma_wait3A_619] : memref<80x128xi32, #tpu.memory_space<vmem>> -> memref<1x128xi32, #tpu.memory_space<vmem>>
        %dma_wait3A_621 = tpu.memref_squeeze %dma_wait3A_620 : memref<1x128xi32, #tpu.memory_space<vmem>> -> memref<128xi32, #tpu.memory_space<vmem>>
        %dma_wait3A_622 = arith.constant 0 : i32
        %dma_wait3A_623 = arith.constant 0 : i32
        %dma_wait3A_624 = tpu.memref_slice %arg2[%arg0, %dma_wait3A_622, %dma_wait3A_623] : memref<2x10240x64xf32, #tpu.memory_space<hbm>> -> memref<1x10240x64xf32, #tpu.memory_space<hbm>>
        %dma_wait3A_625 = tpu.memref_squeeze %dma_wait3A_624 : memref<1x10240x64xf32, #tpu.memory_space<hbm>> -> memref<10240x64xf32, #tpu.memory_space<hbm>>
        %dma_wait3A_626 = arith.constant 0 : i32
        %dma_wait3A_627 = arith.constant 0 : i32
        %dma_wait3A_628 = tpu.memref_slice %dma_wait3A_625[%dma_wait3A_626, %dma_wait3A_627] : memref<10240x64xf32, #tpu.memory_space<hbm>> -> memref<10240x64xf32, #tpu.memory_space<hbm>>
        tpu.wait_indirect_dma semaphore(%arg14 : memref<!tpu.dma_semaphore, #tpu.memory_space<semaphore_mem>>) src(%dma_wait3A_628 : memref<10240x64xf32, #tpu.memory_space<hbm>>) dst(%dma_wait3A_618 : memref<128x64xf32, #tpu.memory_space<vmem>>)
      } else {
      }
      %dma_start3A_309 = arith.constant 0 : i32
      %dma_start3A_310 = arith.constant 0 : i32
      %dma_start3A_311 = arith.constant 0 : i32
      %dma_start3A_312 = tpu.memref_slice %arg8[%dma_start3A_309, %dma_start3A_310, %dma_start3A_311] : memref<8x128x64xf32, #tpu.memory_space<vmem>> -> memref<1x128x64xf32, #tpu.memory_space<vmem>>
      %dma_start3A_313 = tpu.memref_squeeze %dma_start3A_312 : memref<1x128x64xf32, #tpu.memory_space<vmem>> -> memref<128x64xf32, #tpu.memory_space<vmem>>
      %dma_start3A_314 = arith.constant 0 : i32
      %dma_start3A_315 = tpu.memref_slice %arg7[%add3A_290, %dma_start3A_314] : memref<80x128xi32, #tpu.memory_space<vmem>> -> memref<1x128xi32, #tpu.memory_space<vmem>>
      %dma_start3A_316 = tpu.memref_squeeze %dma_start3A_315 : memref<1x128xi32, #tpu.memory_space<vmem>> -> memref<128xi32, #tpu.memory_space<vmem>>
      %dma_start3A_317 = arith.constant 0 : i32
      %dma_start3A_318 = arith.constant 0 : i32
      %dma_start3A_319 = tpu.memref_slice %arg9[%dma_start3A_317, %dma_start3A_318] : memref<10240x64xf32, #tpu.memory_space<vmem_shared>> -> memref<10240x64xf32, #tpu.memory_space<vmem_shared>>
      tpu.enqueue_indirect_dma source(%dma_start3A_313 : memref<128x64xf32, #tpu.memory_space<vmem>>) target(%dma_start3A_319 : memref<10240x64xf32, #tpu.memory_space<vmem_shared>>) offsets(%dma_start3A_316 : memref<128xi32, #tpu.memory_space<vmem>>) semaphore(%arg14 : memref<!tpu.dma_semaphore, #tpu.memory_space<semaphore_mem>>) {add = true}
      %add3A_320 = arith.constant 4 : i32
      %add3A_321 = arith.addi %add3A_290, %add3A_320 : i32
      %lt3A = arith.constant 80 : i32
      %lt3A_322 = arith.cmpi slt, %add3A_321, %lt3A : i32
      %convert_element_type3A_323 = arith.extui %lt3A_322 : i1 to i32
      %cond3A_324 = arith.constant 0 : i32
      %cond3A_325 = arith.cmpi ne, %convert_element_type3A_323, %cond3A_324 : i32
      scf.if %cond3A_325 {
        %add3A_613 = arith.constant 4 : i32
        %add3A_614 = arith.addi %add3A_290, %add3A_613 : i32
        %dma_start3A_615 = arith.constant 4 : i32
        %dma_start3A_616 = arith.constant 0 : i32
        %dma_start3A_617 = arith.constant 0 : i32
        %dma_start3A_618 = tpu.memref_slice %arg8[%dma_start3A_615, %dma_start3A_616, %dma_start3A_617] : memref<8x128x64xf32, #tpu.memory_space<vmem>> -> memref<1x128x64xf32, #tpu.memory_space<vmem>>
        %dma_start3A_619 = tpu.memref_squeeze %dma_start3A_618 : memref<1x128x64xf32, #tpu.memory_space<vmem>> -> memref<128x64xf32, #tpu.memory_space<vmem>>
        %dma_start3A_620 = arith.constant 0 : i32
        %dma_start3A_621 = tpu.memref_slice %arg6[%add3A_614, %dma_start3A_620] : memref<80x128xi32, #tpu.memory_space<vmem>> -> memref<1x128xi32, #tpu.memory_space<vmem>>
        %dma_start3A_622 = tpu.memref_squeeze %dma_start3A_621 : memref<1x128xi32, #tpu.memory_space<vmem>> -> memref<128xi32, #tpu.memory_space<vmem>>
        %dma_start3A_623 = arith.constant 0 : i32
        %dma_start3A_624 = arith.constant 0 : i32
        %dma_start3A_625 = tpu.memref_slice %arg2[%arg0, %dma_start3A_623, %dma_start3A_624] : memref<2x10240x64xf32, #tpu.memory_space<hbm>> -> memref<1x10240x64xf32, #tpu.memory_space<hbm>>
        %dma_start3A_626 = tpu.memref_squeeze %dma_start3A_625 : memref<1x10240x64xf32, #tpu.memory_space<hbm>> -> memref<10240x64xf32, #tpu.memory_space<hbm>>
        %dma_start3A_627 = arith.constant 0 : i32
        %dma_start3A_628 = arith.constant 0 : i32
        %dma_start3A_629 = tpu.memref_slice %dma_start3A_626[%dma_start3A_627, %dma_start3A_628] : memref<10240x64xf32, #tpu.memory_space<hbm>> -> memref<10240x64xf32, #tpu.memory_space<hbm>>
        tpu.enqueue_indirect_dma source(%dma_start3A_629 : memref<10240x64xf32, #tpu.memory_space<hbm>>) target(%dma_start3A_619 : memref<128x64xf32, #tpu.memory_space<vmem>>) offsets(%dma_start3A_622 : memref<128xi32, #tpu.memory_space<vmem>>) semaphore(%arg10 : memref<!tpu.dma_semaphore, #tpu.memory_space<semaphore_mem>>)
      } else {
      }
      %add3A_326 = arith.constant 1 : i32
      %add3A_327 = arith.addi %add3A_288, %add3A_326 : i32
      %dma_wait3A_328 = arith.constant 0 : i32
      %dma_wait3A_329 = arith.constant 1 : i32
      %dma_wait3A_330 = arith.constant 0 : i32
      %dma_wait3A_331 = arith.constant 0 : i32
      %dma_wait3A_332 = tpu.memref_slice %arg8[%dma_wait3A_329, %dma_wait3A_330, %dma_wait3A_331] : memref<8x128x64xf32, #tpu.memory_space<vmem>> -> memref<1x128x64xf32, #tpu.memory_space<vmem>>
      %dma_wait3A_333 = tpu.memref_squeeze %dma_wait3A_332 : memref<1x128x64xf32, #tpu.memory_space<vmem>> -> memref<128x64xf32, #tpu.memory_space<vmem>>
      %dma_wait3A_334 = arith.constant 0 : i32
      %dma_wait3A_335 = tpu.memref_slice %arg6[%dma_wait3A_328, %dma_wait3A_334] : memref<80x128xi32, #tpu.memory_space<vmem>> -> memref<1x128xi32, #tpu.memory_space<vmem>>
      %dma_wait3A_336 = tpu.memref_squeeze %dma_wait3A_335 : memref<1x128xi32, #tpu.memory_space<vmem>> -> memref<128xi32, #tpu.memory_space<vmem>>
      %dma_wait3A_337 = arith.constant 0 : i32
      %dma_wait3A_338 = arith.constant 0 : i32
      %dma_wait3A_339 = tpu.memref_slice %arg2[%arg0, %dma_wait3A_337, %dma_wait3A_338] : memref<2x10240x64xf32, #tpu.memory_space<hbm>> -> memref<1x10240x64xf32, #tpu.memory_space<hbm>>
      %dma_wait3A_340 = tpu.memref_squeeze %dma_wait3A_339 : memref<1x10240x64xf32, #tpu.memory_space<hbm>> -> memref<10240x64xf32, #tpu.memory_space<hbm>>
      %dma_wait3A_341 = arith.constant 0 : i32
      %dma_wait3A_342 = arith.constant 0 : i32
      %dma_wait3A_343 = tpu.memref_slice %dma_wait3A_340[%dma_wait3A_341, %dma_wait3A_342] : memref<10240x64xf32, #tpu.memory_space<hbm>> -> memref<10240x64xf32, #tpu.memory_space<hbm>>
      tpu.wait_indirect_dma semaphore(%arg11 : memref<!tpu.dma_semaphore, #tpu.memory_space<semaphore_mem>>) src(%dma_wait3A_343 : memref<10240x64xf32, #tpu.memory_space<hbm>>) dst(%dma_wait3A_333 : memref<128x64xf32, #tpu.memory_space<vmem>>)
      %ge3A_344 = arith.constant 4 : i32
      %ge3A_345 = arith.cmpi sge, %add3A_327, %ge3A_344 : i32
      %convert_element_type3A_346 = arith.extui %ge3A_345 : i1 to i32
      %cond3A_347 = arith.constant 0 : i32
      %cond3A_348 = arith.cmpi ne, %convert_element_type3A_346, %cond3A_347 : i32
      scf.if %cond3A_348 {
        %dma_wait3A_613 = arith.constant 0 : i32
        %dma_wait3A_614 = arith.constant 5 : i32
        %dma_wait3A_615 = arith.constant 0 : i32
        %dma_wait3A_616 = arith.constant 0 : i32
        %dma_wait3A_617 = tpu.memref_slice %arg8[%dma_wait3A_614, %dma_wait3A_615, %dma_wait3A_616] : memref<8x128x64xf32, #tpu.memory_space<vmem>> -> memref<1x128x64xf32, #tpu.memory_space<vmem>>
        %dma_wait3A_618 = tpu.memref_squeeze %dma_wait3A_617 : memref<1x128x64xf32, #tpu.memory_space<vmem>> -> memref<128x64xf32, #tpu.memory_space<vmem>>
        %dma_wait3A_619 = arith.constant 0 : i32
        %dma_wait3A_620 = tpu.memref_slice %arg6[%dma_wait3A_613, %dma_wait3A_619] : memref<80x128xi32, #tpu.memory_space<vmem>> -> memref<1x128xi32, #tpu.memory_space<vmem>>
        %dma_wait3A_621 = tpu.memref_squeeze %dma_wait3A_620 : memref<1x128xi32, #tpu.memory_space<vmem>> -> memref<128xi32, #tpu.memory_space<vmem>>
        %dma_wait3A_622 = arith.constant 0 : i32
        %dma_wait3A_623 = arith.constant 0 : i32
        %dma_wait3A_624 = tpu.memref_slice %arg2[%arg0, %dma_wait3A_622, %dma_wait3A_623] : memref<2x10240x64xf32, #tpu.memory_space<hbm>> -> memref<1x10240x64xf32, #tpu.memory_space<hbm>>
        %dma_wait3A_625 = tpu.memref_squeeze %dma_wait3A_624 : memref<1x10240x64xf32, #tpu.memory_space<hbm>> -> memref<10240x64xf32, #tpu.memory_space<hbm>>
        %dma_wait3A_626 = arith.constant 0 : i32
        %dma_wait3A_627 = arith.constant 0 : i32
        %dma_wait3A_628 = tpu.memref_slice %dma_wait3A_625[%dma_wait3A_626, %dma_wait3A_627] : memref<10240x64xf32, #tpu.memory_space<hbm>> -> memref<10240x64xf32, #tpu.memory_space<hbm>>
        tpu.wait_indirect_dma semaphore(%arg15 : memref<!tpu.dma_semaphore, #tpu.memory_space<semaphore_mem>>) src(%dma_wait3A_628 : memref<10240x64xf32, #tpu.memory_space<hbm>>) dst(%dma_wait3A_618 : memref<128x64xf32, #tpu.memory_space<vmem>>)
      } else {
      }
      %dma_start3A_349 = arith.constant 1 : i32
      %dma_start3A_350 = arith.constant 0 : i32
      %dma_start3A_351 = arith.constant 0 : i32
      %dma_start3A_352 = tpu.memref_slice %arg8[%dma_start3A_349, %dma_start3A_350, %dma_start3A_351] : memref<8x128x64xf32, #tpu.memory_space<vmem>> -> memref<1x128x64xf32, #tpu.memory_space<vmem>>
      %dma_start3A_353 = tpu.memref_squeeze %dma_start3A_352 : memref<1x128x64xf32, #tpu.memory_space<vmem>> -> memref<128x64xf32, #tpu.memory_space<vmem>>
      %dma_start3A_354 = arith.constant 0 : i32
      %dma_start3A_355 = tpu.memref_slice %arg7[%add3A_327, %dma_start3A_354] : memref<80x128xi32, #tpu.memory_space<vmem>> -> memref<1x128xi32, #tpu.memory_space<vmem>>
      %dma_start3A_356 = tpu.memref_squeeze %dma_start3A_355 : memref<1x128xi32, #tpu.memory_space<vmem>> -> memref<128xi32, #tpu.memory_space<vmem>>
      %dma_start3A_357 = arith.constant 0 : i32
      %dma_start3A_358 = arith.constant 0 : i32
      %dma_start3A_359 = tpu.memref_slice %arg9[%dma_start3A_357, %dma_start3A_358] : memref<10240x64xf32, #tpu.memory_space<vmem_shared>> -> memref<10240x64xf32, #tpu.memory_space<vmem_shared>>
      tpu.enqueue_indirect_dma source(%dma_start3A_353 : memref<128x64xf32, #tpu.memory_space<vmem>>) target(%dma_start3A_359 : memref<10240x64xf32, #tpu.memory_space<vmem_shared>>) offsets(%dma_start3A_356 : memref<128xi32, #tpu.memory_space<vmem>>) semaphore(%arg15 : memref<!tpu.dma_semaphore, #tpu.memory_space<semaphore_mem>>) {add = true}
      %add3A_360 = arith.constant 4 : i32
      %add3A_361 = arith.addi %add3A_327, %add3A_360 : i32
      %lt3A_362 = arith.constant 80 : i32
      %lt3A_363 = arith.cmpi slt, %add3A_361, %lt3A_362 : i32
      %convert_element_type3A_364 = arith.extui %lt3A_363 : i1 to i32
      %cond3A_365 = arith.constant 0 : i32
      %cond3A_366 = arith.cmpi ne, %convert_element_type3A_364, %cond3A_365 : i32
      scf.if %cond3A_366 {
        %add3A_613 = arith.constant 4 : i32
        %add3A_614 = arith.addi %add3A_327, %add3A_613 : i32
        %dma_start3A_615 = arith.constant 5 : i32
        %dma_start3A_616 = arith.constant 0 : i32
        %dma_start3A_617 = arith.constant 0 : i32
        %dma_start3A_618 = tpu.memref_slice %arg8[%dma_start3A_615, %dma_start3A_616, %dma_start3A_617] : memref<8x128x64xf32, #tpu.memory_space<vmem>> -> memref<1x128x64xf32, #tpu.memory_space<vmem>>
        %dma_start3A_619 = tpu.memref_squeeze %dma_start3A_618 : memref<1x128x64xf32, #tpu.memory_space<vmem>> -> memref<128x64xf32, #tpu.memory_space<vmem>>
        %dma_start3A_620 = arith.constant 0 : i32
        %dma_start3A_621 = tpu.memref_slice %arg6[%add3A_614, %dma_start3A_620] : memref<80x128xi32, #tpu.memory_space<vmem>> -> memref<1x128xi32, #tpu.memory_space<vmem>>
        %dma_start3A_622 = tpu.memref_squeeze %dma_start3A_621 : memref<1x128xi32, #tpu.memory_space<vmem>> -> memref<128xi32, #tpu.memory_space<vmem>>
        %dma_start3A_623 = arith.constant 0 : i32
        %dma_start3A_624 = arith.constant 0 : i32
        %dma_start3A_625 = tpu.memref_slice %arg2[%arg0, %dma_start3A_623, %dma_start3A_624] : memref<2x10240x64xf32, #tpu.memory_space<hbm>> -> memref<1x10240x64xf32, #tpu.memory_space<hbm>>
        %dma_start3A_626 = tpu.memref_squeeze %dma_start3A_625 : memref<1x10240x64xf32, #tpu.memory_space<hbm>> -> memref<10240x64xf32, #tpu.memory_space<hbm>>
        %dma_start3A_627 = arith.constant 0 : i32
        %dma_start3A_628 = arith.constant 0 : i32
        %dma_start3A_629 = tpu.memref_slice %dma_start3A_626[%dma_start3A_627, %dma_start3A_628] : memref<10240x64xf32, #tpu.memory_space<hbm>> -> memref<10240x64xf32, #tpu.memory_space<hbm>>
        tpu.enqueue_indirect_dma source(%dma_start3A_629 : memref<10240x64xf32, #tpu.memory_space<hbm>>) target(%dma_start3A_619 : memref<128x64xf32, #tpu.memory_space<vmem>>) offsets(%dma_start3A_622 : memref<128xi32, #tpu.memory_space<vmem>>) semaphore(%arg11 : memref<!tpu.dma_semaphore, #tpu.memory_space<semaphore_mem>>)
      } else {
      }
      %add3A_367 = arith.constant 2 : i32
      %add3A_368 = arith.addi %add3A_288, %add3A_367 : i32
      %dma_wait3A_369 = arith.constant 0 : i32
      %dma_wait3A_370 = arith.constant 2 : i32
      %dma_wait3A_371 = arith.constant 0 : i32
      %dma_wait3A_372 = arith.constant 0 : i32
      %dma_wait3A_373 = tpu.memref_slice %arg8[%dma_wait3A_370, %dma_wait3A_371, %dma_wait3A_372] : memref<8x128x64xf32, #tpu.memory_space<vmem>> -> memref<1x128x64xf32, #tpu.memory_space<vmem>>
      %dma_wait3A_374 = tpu.memref_squeeze %dma_wait3A_373 : memref<1x128x64xf32, #tpu.memory_space<vmem>> -> memref<128x64xf32, #tpu.memory_space<vmem>>
      %dma_wait3A_375 = arith.constant 0 : i32
      %dma_wait3A_376 = tpu.memref_slice %arg6[%dma_wait3A_369, %dma_wait3A_375] : memref<80x128xi32, #tpu.memory_space<vmem>> -> memref<1x128xi32, #tpu.memory_space<vmem>>
      %dma_wait3A_377 = tpu.memref_squeeze %dma_wait3A_376 : memref<1x128xi32, #tpu.memory_space<vmem>> -> memref<128xi32, #tpu.memory_space<vmem>>
      %dma_wait3A_378 = arith.constant 0 : i32
      %dma_wait3A_379 = arith.constant 0 : i32
      %dma_wait3A_380 = tpu.memref_slice %arg2[%arg0, %dma_wait3A_378, %dma_wait3A_379] : memref<2x10240x64xf32, #tpu.memory_space<hbm>> -> memref<1x10240x64xf32, #tpu.memory_space<hbm>>
      %dma_wait3A_381 = tpu.memref_squeeze %dma_wait3A_380 : memref<1x10240x64xf32, #tpu.memory_space<hbm>> -> memref<10240x64xf32, #tpu.memory_space<hbm>>
      %dma_wait3A_382 = arith.constant 0 : i32
      %dma_wait3A_383 = arith.constant 0 : i32
      %dma_wait3A_384 = tpu.memref_slice %dma_wait3A_381[%dma_wait3A_382, %dma_wait3A_383] : memref<10240x64xf32, #tpu.memory_space<hbm>> -> memref<10240x64xf32, #tpu.memory_space<hbm>>
      tpu.wait_indirect_dma semaphore(%arg12 : memref<!tpu.dma_semaphore, #tpu.memory_space<semaphore_mem>>) src(%dma_wait3A_384 : memref<10240x64xf32, #tpu.memory_space<hbm>>) dst(%dma_wait3A_374 : memref<128x64xf32, #tpu.memory_space<vmem>>)
      %ge3A_385 = arith.constant 4 : i32
      %ge3A_386 = arith.cmpi sge, %add3A_368, %ge3A_385 : i32
      %convert_element_type3A_387 = arith.extui %ge3A_386 : i1 to i32
      %cond3A_388 = arith.constant 0 : i32
      %cond3A_389 = arith.cmpi ne, %convert_element_type3A_387, %cond3A_388 : i32
      scf.if %cond3A_389 {
        %dma_wait3A_613 = arith.constant 0 : i32
        %dma_wait3A_614 = arith.constant 6 : i32
        %dma_wait3A_615 = arith.constant 0 : i32
        %dma_wait3A_616 = arith.constant 0 : i32
        %dma_wait3A_617 = tpu.memref_slice %arg8[%dma_wait3A_614, %dma_wait3A_615, %dma_wait3A_616] : memref<8x128x64xf32, #tpu.memory_space<vmem>> -> memref<1x128x64xf32, #tpu.memory_space<vmem>>
        %dma_wait3A_618 = tpu.memref_squeeze %dma_wait3A_617 : memref<1x128x64xf32, #tpu.memory_space<vmem>> -> memref<128x64xf32, #tpu.memory_space<vmem>>
        %dma_wait3A_619 = arith.constant 0 : i32
        %dma_wait3A_620 = tpu.memref_slice %arg6[%dma_wait3A_613, %dma_wait3A_619] : memref<80x128xi32, #tpu.memory_space<vmem>> -> memref<1x128xi32, #tpu.memory_space<vmem>>
        %dma_wait3A_621 = tpu.memref_squeeze %dma_wait3A_620 : memref<1x128xi32, #tpu.memory_space<vmem>> -> memref<128xi32, #tpu.memory_space<vmem>>
        %dma_wait3A_622 = arith.constant 0 : i32
        %dma_wait3A_623 = arith.constant 0 : i32
        %dma_wait3A_624 = tpu.memref_slice %arg2[%arg0, %dma_wait3A_622, %dma_wait3A_623] : memref<2x10240x64xf32, #tpu.memory_space<hbm>> -> memref<1x10240x64xf32, #tpu.memory_space<hbm>>
        %dma_wait3A_625 = tpu.memref_squeeze %dma_wait3A_624 : memref<1x10240x64xf32, #tpu.memory_space<hbm>> -> memref<10240x64xf32, #tpu.memory_space<hbm>>
        %dma_wait3A_626 = arith.constant 0 : i32
        %dma_wait3A_627 = arith.constant 0 : i32
        %dma_wait3A_628 = tpu.memref_slice %dma_wait3A_625[%dma_wait3A_626, %dma_wait3A_627] : memref<10240x64xf32, #tpu.memory_space<hbm>> -> memref<10240x64xf32, #tpu.memory_space<hbm>>
        tpu.wait_indirect_dma semaphore(%arg16 : memref<!tpu.dma_semaphore, #tpu.memory_space<semaphore_mem>>) src(%dma_wait3A_628 : memref<10240x64xf32, #tpu.memory_space<hbm>>) dst(%dma_wait3A_618 : memref<128x64xf32, #tpu.memory_space<vmem>>)
      } else {
      }
      %dma_start3A_390 = arith.constant 2 : i32
      %dma_start3A_391 = arith.constant 0 : i32
      %dma_start3A_392 = arith.constant 0 : i32
      %dma_start3A_393 = tpu.memref_slice %arg8[%dma_start3A_390, %dma_start3A_391, %dma_start3A_392] : memref<8x128x64xf32, #tpu.memory_space<vmem>> -> memref<1x128x64xf32, #tpu.memory_space<vmem>>
      %dma_start3A_394 = tpu.memref_squeeze %dma_start3A_393 : memref<1x128x64xf32, #tpu.memory_space<vmem>> -> memref<128x64xf32, #tpu.memory_space<vmem>>
      %dma_start3A_395 = arith.constant 0 : i32
      %dma_start3A_396 = tpu.memref_slice %arg7[%add3A_368, %dma_start3A_395] : memref<80x128xi32, #tpu.memory_space<vmem>> -> memref<1x128xi32, #tpu.memory_space<vmem>>
      %dma_start3A_397 = tpu.memref_squeeze %dma_start3A_396 : memref<1x128xi32, #tpu.memory_space<vmem>> -> memref<128xi32, #tpu.memory_space<vmem>>
      %dma_start3A_398 = arith.constant 0 : i32
      %dma_start3A_399 = arith.constant 0 : i32
      %dma_start3A_400 = tpu.memref_slice %arg9[%dma_start3A_398, %dma_start3A_399] : memref<10240x64xf32, #tpu.memory_space<vmem_shared>> -> memref<10240x64xf32, #tpu.memory_space<vmem_shared>>
      tpu.enqueue_indirect_dma source(%dma_start3A_394 : memref<128x64xf32, #tpu.memory_space<vmem>>) target(%dma_start3A_400 : memref<10240x64xf32, #tpu.memory_space<vmem_shared>>) offsets(%dma_start3A_397 : memref<128xi32, #tpu.memory_space<vmem>>) semaphore(%arg16 : memref<!tpu.dma_semaphore, #tpu.memory_space<semaphore_mem>>) {add = true}
      %add3A_401 = arith.constant 4 : i32
      %add3A_402 = arith.addi %add3A_368, %add3A_401 : i32
      %lt3A_403 = arith.constant 80 : i32
      %lt3A_404 = arith.cmpi slt, %add3A_402, %lt3A_403 : i32
      %convert_element_type3A_405 = arith.extui %lt3A_404 : i1 to i32
      %cond3A_406 = arith.constant 0 : i32
      %cond3A_407 = arith.cmpi ne, %convert_element_type3A_405, %cond3A_406 : i32
      scf.if %cond3A_407 {
        %add3A_613 = arith.constant 4 : i32
        %add3A_614 = arith.addi %add3A_368, %add3A_613 : i32
        %dma_start3A_615 = arith.constant 6 : i32
        %dma_start3A_616 = arith.constant 0 : i32
        %dma_start3A_617 = arith.constant 0 : i32
        %dma_start3A_618 = tpu.memref_slice %arg8[%dma_start3A_615, %dma_start3A_616, %dma_start3A_617] : memref<8x128x64xf32, #tpu.memory_space<vmem>> -> memref<1x128x64xf32, #tpu.memory_space<vmem>>
        %dma_start3A_619 = tpu.memref_squeeze %dma_start3A_618 : memref<1x128x64xf32, #tpu.memory_space<vmem>> -> memref<128x64xf32, #tpu.memory_space<vmem>>
        %dma_start3A_620 = arith.constant 0 : i32
        %dma_start3A_621 = tpu.memref_slice %arg6[%add3A_614, %dma_start3A_620] : memref<80x128xi32, #tpu.memory_space<vmem>> -> memref<1x128xi32, #tpu.memory_space<vmem>>
        %dma_start3A_622 = tpu.memref_squeeze %dma_start3A_621 : memref<1x128xi32, #tpu.memory_space<vmem>> -> memref<128xi32, #tpu.memory_space<vmem>>
        %dma_start3A_623 = arith.constant 0 : i32
        %dma_start3A_624 = arith.constant 0 : i32
        %dma_start3A_625 = tpu.memref_slice %arg2[%arg0, %dma_start3A_623, %dma_start3A_624] : memref<2x10240x64xf32, #tpu.memory_space<hbm>> -> memref<1x10240x64xf32, #tpu.memory_space<hbm>>
        %dma_start3A_626 = tpu.memref_squeeze %dma_start3A_625 : memref<1x10240x64xf32, #tpu.memory_space<hbm>> -> memref<10240x64xf32, #tpu.memory_space<hbm>>
        %dma_start3A_627 = arith.constant 0 : i32
        %dma_start3A_628 = arith.constant 0 : i32
        %dma_start3A_629 = tpu.memref_slice %dma_start3A_626[%dma_start3A_627, %dma_start3A_628] : memref<10240x64xf32, #tpu.memory_space<hbm>> -> memref<10240x64xf32, #tpu.memory_space<hbm>>
        tpu.enqueue_indirect_dma source(%dma_start3A_629 : memref<10240x64xf32, #tpu.memory_space<hbm>>) target(%dma_start3A_619 : memref<128x64xf32, #tpu.memory_space<vmem>>) offsets(%dma_start3A_622 : memref<128xi32, #tpu.memory_space<vmem>>) semaphore(%arg12 : memref<!tpu.dma_semaphore, #tpu.memory_space<semaphore_mem>>)
      } else {
      }
      %add3A_408 = arith.constant 3 : i32
      %add3A_409 = arith.addi %add3A_288, %add3A_408 : i32
      %dma_wait3A_410 = arith.constant 0 : i32
      %dma_wait3A_411 = arith.constant 3 : i32
      %dma_wait3A_412 = arith.constant 0 : i32
      %dma_wait3A_413 = arith.constant 0 : i32
      %dma_wait3A_414 = tpu.memref_slice %arg8[%dma_wait3A_411, %dma_wait3A_412, %dma_wait3A_413] : memref<8x128x64xf32, #tpu.memory_space<vmem>> -> memref<1x128x64xf32, #tpu.memory_space<vmem>>
      %dma_wait3A_415 = tpu.memref_squeeze %dma_wait3A_414 : memref<1x128x64xf32, #tpu.memory_space<vmem>> -> memref<128x64xf32, #tpu.memory_space<vmem>>
      %dma_wait3A_416 = arith.constant 0 : i32
      %dma_wait3A_417 = tpu.memref_slice %arg6[%dma_wait3A_410, %dma_wait3A_416] : memref<80x128xi32, #tpu.memory_space<vmem>> -> memref<1x128xi32, #tpu.memory_space<vmem>>
      %dma_wait3A_418 = tpu.memref_squeeze %dma_wait3A_417 : memref<1x128xi32, #tpu.memory_space<vmem>> -> memref<128xi32, #tpu.memory_space<vmem>>
      %dma_wait3A_419 = arith.constant 0 : i32
      %dma_wait3A_420 = arith.constant 0 : i32
      %dma_wait3A_421 = tpu.memref_slice %arg2[%arg0, %dma_wait3A_419, %dma_wait3A_420] : memref<2x10240x64xf32, #tpu.memory_space<hbm>> -> memref<1x10240x64xf32, #tpu.memory_space<hbm>>
      %dma_wait3A_422 = tpu.memref_squeeze %dma_wait3A_421 : memref<1x10240x64xf32, #tpu.memory_space<hbm>> -> memref<10240x64xf32, #tpu.memory_space<hbm>>
      %dma_wait3A_423 = arith.constant 0 : i32
      %dma_wait3A_424 = arith.constant 0 : i32
      %dma_wait3A_425 = tpu.memref_slice %dma_wait3A_422[%dma_wait3A_423, %dma_wait3A_424] : memref<10240x64xf32, #tpu.memory_space<hbm>> -> memref<10240x64xf32, #tpu.memory_space<hbm>>
      tpu.wait_indirect_dma semaphore(%arg13 : memref<!tpu.dma_semaphore, #tpu.memory_space<semaphore_mem>>) src(%dma_wait3A_425 : memref<10240x64xf32, #tpu.memory_space<hbm>>) dst(%dma_wait3A_415 : memref<128x64xf32, #tpu.memory_space<vmem>>)
      %ge3A_426 = arith.constant 4 : i32
      %ge3A_427 = arith.cmpi sge, %add3A_409, %ge3A_426 : i32
      %convert_element_type3A_428 = arith.extui %ge3A_427 : i1 to i32
      %cond3A_429 = arith.constant 0 : i32
      %cond3A_430 = arith.cmpi ne, %convert_element_type3A_428, %cond3A_429 : i32
      scf.if %cond3A_430 {
        %dma_wait3A_613 = arith.constant 0 : i32
        %dma_wait3A_614 = arith.constant 7 : i32
        %dma_wait3A_615 = arith.constant 0 : i32
        %dma_wait3A_616 = arith.constant 0 : i32
        %dma_wait3A_617 = tpu.memref_slice %arg8[%dma_wait3A_614, %dma_wait3A_615, %dma_wait3A_616] : memref<8x128x64xf32, #tpu.memory_space<vmem>> -> memref<1x128x64xf32, #tpu.memory_space<vmem>>
        %dma_wait3A_618 = tpu.memref_squeeze %dma_wait3A_617 : memref<1x128x64xf32, #tpu.memory_space<vmem>> -> memref<128x64xf32, #tpu.memory_space<vmem>>
        %dma_wait3A_619 = arith.constant 0 : i32
        %dma_wait3A_620 = tpu.memref_slice %arg6[%dma_wait3A_613, %dma_wait3A_619] : memref<80x128xi32, #tpu.memory_space<vmem>> -> memref<1x128xi32, #tpu.memory_space<vmem>>
        %dma_wait3A_621 = tpu.memref_squeeze %dma_wait3A_620 : memref<1x128xi32, #tpu.memory_space<vmem>> -> memref<128xi32, #tpu.memory_space<vmem>>
        %dma_wait3A_622 = arith.constant 0 : i32
        %dma_wait3A_623 = arith.constant 0 : i32
        %dma_wait3A_624 = tpu.memref_slice %arg2[%arg0, %dma_wait3A_622, %dma_wait3A_623] : memref<2x10240x64xf32, #tpu.memory_space<hbm>> -> memref<1x10240x64xf32, #tpu.memory_space<hbm>>
        %dma_wait3A_625 = tpu.memref_squeeze %dma_wait3A_624 : memref<1x10240x64xf32, #tpu.memory_space<hbm>> -> memref<10240x64xf32, #tpu.memory_space<hbm>>
        %dma_wait3A_626 = arith.constant 0 : i32
        %dma_wait3A_627 = arith.constant 0 : i32
        %dma_wait3A_628 = tpu.memref_slice %dma_wait3A_625[%dma_wait3A_626, %dma_wait3A_627] : memref<10240x64xf32, #tpu.memory_space<hbm>> -> memref<10240x64xf32, #tpu.memory_space<hbm>>
        tpu.wait_indirect_dma semaphore(%arg17 : memref<!tpu.dma_semaphore, #tpu.memory_space<semaphore_mem>>) src(%dma_wait3A_628 : memref<10240x64xf32, #tpu.memory_space<hbm>>) dst(%dma_wait3A_618 : memref<128x64xf32, #tpu.memory_space<vmem>>)
      } else {
      }
      %dma_start3A_431 = arith.constant 3 : i32
      %dma_start3A_432 = arith.constant 0 : i32
      %dma_start3A_433 = arith.constant 0 : i32
      %dma_start3A_434 = tpu.memref_slice %arg8[%dma_start3A_431, %dma_start3A_432, %dma_start3A_433] : memref<8x128x64xf32, #tpu.memory_space<vmem>> -> memref<1x128x64xf32, #tpu.memory_space<vmem>>
      %dma_start3A_435 = tpu.memref_squeeze %dma_start3A_434 : memref<1x128x64xf32, #tpu.memory_space<vmem>> -> memref<128x64xf32, #tpu.memory_space<vmem>>
      %dma_start3A_436 = arith.constant 0 : i32
      %dma_start3A_437 = tpu.memref_slice %arg7[%add3A_409, %dma_start3A_436] : memref<80x128xi32, #tpu.memory_space<vmem>> -> memref<1x128xi32, #tpu.memory_space<vmem>>
      %dma_start3A_438 = tpu.memref_squeeze %dma_start3A_437 : memref<1x128xi32, #tpu.memory_space<vmem>> -> memref<128xi32, #tpu.memory_space<vmem>>
      %dma_start3A_439 = arith.constant 0 : i32
      %dma_start3A_440 = arith.constant 0 : i32
      %dma_start3A_441 = tpu.memref_slice %arg9[%dma_start3A_439, %dma_start3A_440] : memref<10240x64xf32, #tpu.memory_space<vmem_shared>> -> memref<10240x64xf32, #tpu.memory_space<vmem_shared>>
      tpu.enqueue_indirect_dma source(%dma_start3A_435 : memref<128x64xf32, #tpu.memory_space<vmem>>) target(%dma_start3A_441 : memref<10240x64xf32, #tpu.memory_space<vmem_shared>>) offsets(%dma_start3A_438 : memref<128xi32, #tpu.memory_space<vmem>>) semaphore(%arg17 : memref<!tpu.dma_semaphore, #tpu.memory_space<semaphore_mem>>) {add = true}
      %add3A_442 = arith.constant 4 : i32
      %add3A_443 = arith.addi %add3A_409, %add3A_442 : i32
      %lt3A_444 = arith.constant 80 : i32
      %lt3A_445 = arith.cmpi slt, %add3A_443, %lt3A_444 : i32
      %convert_element_type3A_446 = arith.extui %lt3A_445 : i1 to i32
      %cond3A_447 = arith.constant 0 : i32
      %cond3A_448 = arith.cmpi ne, %convert_element_type3A_446, %cond3A_447 : i32
      scf.if %cond3A_448 {
        %add3A_613 = arith.constant 4 : i32
        %add3A_614 = arith.addi %add3A_409, %add3A_613 : i32
        %dma_start3A_615 = arith.constant 7 : i32
        %dma_start3A_616 = arith.constant 0 : i32
        %dma_start3A_617 = arith.constant 0 : i32
        %dma_start3A_618 = tpu.memref_slice %arg8[%dma_start3A_615, %dma_start3A_616, %dma_start3A_617] : memref<8x128x64xf32, #tpu.memory_space<vmem>> -> memref<1x128x64xf32, #tpu.memory_space<vmem>>
        %dma_start3A_619 = tpu.memref_squeeze %dma_start3A_618 : memref<1x128x64xf32, #tpu.memory_space<vmem>> -> memref<128x64xf32, #tpu.memory_space<vmem>>
        %dma_start3A_620 = arith.constant 0 : i32
        %dma_start3A_621 = tpu.memref_slice %arg6[%add3A_614, %dma_start3A_620] : memref<80x128xi32, #tpu.memory_space<vmem>> -> memref<1x128xi32, #tpu.memory_space<vmem>>
        %dma_start3A_622 = tpu.memref_squeeze %dma_start3A_621 : memref<1x128xi32, #tpu.memory_space<vmem>> -> memref<128xi32, #tpu.memory_space<vmem>>
        %dma_start3A_623 = arith.constant 0 : i32
        %dma_start3A_624 = arith.constant 0 : i32
        %dma_start3A_625 = tpu.memref_slice %arg2[%arg0, %dma_start3A_623, %dma_start3A_624] : memref<2x10240x64xf32, #tpu.memory_space<hbm>> -> memref<1x10240x64xf32, #tpu.memory_space<hbm>>
        %dma_start3A_626 = tpu.memref_squeeze %dma_start3A_625 : memref<1x10240x64xf32, #tpu.memory_space<hbm>> -> memref<10240x64xf32, #tpu.memory_space<hbm>>
        %dma_start3A_627 = arith.constant 0 : i32
        %dma_start3A_628 = arith.constant 0 : i32
        %dma_start3A_629 = tpu.memref_slice %dma_start3A_626[%dma_start3A_627, %dma_start3A_628] : memref<10240x64xf32, #tpu.memory_space<hbm>> -> memref<10240x64xf32, #tpu.memory_space<hbm>>
        tpu.enqueue_indirect_dma source(%dma_start3A_629 : memref<10240x64xf32, #tpu.memory_space<hbm>>) target(%dma_start3A_619 : memref<128x64xf32, #tpu.memory_space<vmem>>) offsets(%dma_start3A_622 : memref<128xi32, #tpu.memory_space<vmem>>) semaphore(%arg13 : memref<!tpu.dma_semaphore, #tpu.memory_space<semaphore_mem>>)
      } else {
      }
      %add3A_449 = arith.constant 4 : i32
      %add3A_450 = arith.addi %add3A_288, %add3A_449 : i32
      %dma_wait3A_451 = arith.constant 0 : i32
      %dma_wait3A_452 = arith.constant 4 : i32
      %dma_wait3A_453 = arith.constant 0 : i32
      %dma_wait3A_454 = arith.constant 0 : i32
      %dma_wait3A_455 = tpu.memref_slice %arg8[%dma_wait3A_452, %dma_wait3A_453, %dma_wait3A_454] : memref<8x128x64xf32, #tpu.memory_space<vmem>> -> memref<1x128x64xf32, #tpu.memory_space<vmem>>
      %dma_wait3A_456 = tpu.memref_squeeze %dma_wait3A_455 : memref<1x128x64xf32, #tpu.memory_space<vmem>> -> memref<128x64xf32, #tpu.memory_space<vmem>>
      %dma_wait3A_457 = arith.constant 0 : i32
      %dma_wait3A_458 = tpu.memref_slice %arg6[%dma_wait3A_451, %dma_wait3A_457] : memref<80x128xi32, #tpu.memory_space<vmem>> -> memref<1x128xi32, #tpu.memory_space<vmem>>
      %dma_wait3A_459 = tpu.memref_squeeze %dma_wait3A_458 : memref<1x128xi32, #tpu.memory_space<vmem>> -> memref<128xi32, #tpu.memory_space<vmem>>
      %dma_wait3A_460 = arith.constant 0 : i32
      %dma_wait3A_461 = arith.constant 0 : i32
      %dma_wait3A_462 = tpu.memref_slice %arg2[%arg0, %dma_wait3A_460, %dma_wait3A_461] : memref<2x10240x64xf32, #tpu.memory_space<hbm>> -> memref<1x10240x64xf32, #tpu.memory_space<hbm>>
      %dma_wait3A_463 = tpu.memref_squeeze %dma_wait3A_462 : memref<1x10240x64xf32, #tpu.memory_space<hbm>> -> memref<10240x64xf32, #tpu.memory_space<hbm>>
      %dma_wait3A_464 = arith.constant 0 : i32
      %dma_wait3A_465 = arith.constant 0 : i32
      %dma_wait3A_466 = tpu.memref_slice %dma_wait3A_463[%dma_wait3A_464, %dma_wait3A_465] : memref<10240x64xf32, #tpu.memory_space<hbm>> -> memref<10240x64xf32, #tpu.memory_space<hbm>>
      tpu.wait_indirect_dma semaphore(%arg10 : memref<!tpu.dma_semaphore, #tpu.memory_space<semaphore_mem>>) src(%dma_wait3A_466 : memref<10240x64xf32, #tpu.memory_space<hbm>>) dst(%dma_wait3A_456 : memref<128x64xf32, #tpu.memory_space<vmem>>)
      %ge3A_467 = arith.constant 4 : i32
      %ge3A_468 = arith.cmpi sge, %add3A_450, %ge3A_467 : i32
      %convert_element_type3A_469 = arith.extui %ge3A_468 : i1 to i32
      %cond3A_470 = arith.constant 0 : i32
      %cond3A_471 = arith.cmpi ne, %convert_element_type3A_469, %cond3A_470 : i32
      scf.if %cond3A_471 {
        %dma_wait3A_613 = arith.constant 0 : i32
        %dma_wait3A_614 = arith.constant 0 : i32
        %dma_wait3A_615 = arith.constant 0 : i32
        %dma_wait3A_616 = arith.constant 0 : i32
        %dma_wait3A_617 = tpu.memref_slice %arg8[%dma_wait3A_614, %dma_wait3A_615, %dma_wait3A_616] : memref<8x128x64xf32, #tpu.memory_space<vmem>> -> memref<1x128x64xf32, #tpu.memory_space<vmem>>
        %dma_wait3A_618 = tpu.memref_squeeze %dma_wait3A_617 : memref<1x128x64xf32, #tpu.memory_space<vmem>> -> memref<128x64xf32, #tpu.memory_space<vmem>>
        %dma_wait3A_619 = arith.constant 0 : i32
        %dma_wait3A_620 = tpu.memref_slice %arg6[%dma_wait3A_613, %dma_wait3A_619] : memref<80x128xi32, #tpu.memory_space<vmem>> -> memref<1x128xi32, #tpu.memory_space<vmem>>
        %dma_wait3A_621 = tpu.memref_squeeze %dma_wait3A_620 : memref<1x128xi32, #tpu.memory_space<vmem>> -> memref<128xi32, #tpu.memory_space<vmem>>
        %dma_wait3A_622 = arith.constant 0 : i32
        %dma_wait3A_623 = arith.constant 0 : i32
        %dma_wait3A_624 = tpu.memref_slice %arg2[%arg0, %dma_wait3A_622, %dma_wait3A_623] : memref<2x10240x64xf32, #tpu.memory_space<hbm>> -> memref<1x10240x64xf32, #tpu.memory_space<hbm>>
        %dma_wait3A_625 = tpu.memref_squeeze %dma_wait3A_624 : memref<1x10240x64xf32, #tpu.memory_space<hbm>> -> memref<10240x64xf32, #tpu.memory_space<hbm>>
        %dma_wait3A_626 = arith.constant 0 : i32
        %dma_wait3A_627 = arith.constant 0 : i32
        %dma_wait3A_628 = tpu.memref_slice %dma_wait3A_625[%dma_wait3A_626, %dma_wait3A_627] : memref<10240x64xf32, #tpu.memory_space<hbm>> -> memref<10240x64xf32, #tpu.memory_space<hbm>>
        tpu.wait_indirect_dma semaphore(%arg14 : memref<!tpu.dma_semaphore, #tpu.memory_space<semaphore_mem>>) src(%dma_wait3A_628 : memref<10240x64xf32, #tpu.memory_space<hbm>>) dst(%dma_wait3A_618 : memref<128x64xf32, #tpu.memory_space<vmem>>)
      } else {
      }
      %dma_start3A_472 = arith.constant 4 : i32
      %dma_start3A_473 = arith.constant 0 : i32
      %dma_start3A_474 = arith.constant 0 : i32
      %dma_start3A_475 = tpu.memref_slice %arg8[%dma_start3A_472, %dma_start3A_473, %dma_start3A_474] : memref<8x128x64xf32, #tpu.memory_space<vmem>> -> memref<1x128x64xf32, #tpu.memory_space<vmem>>
      %dma_start3A_476 = tpu.memref_squeeze %dma_start3A_475 : memref<1x128x64xf32, #tpu.memory_space<vmem>> -> memref<128x64xf32, #tpu.memory_space<vmem>>
      %dma_start3A_477 = arith.constant 0 : i32
      %dma_start3A_478 = tpu.memref_slice %arg7[%add3A_450, %dma_start3A_477] : memref<80x128xi32, #tpu.memory_space<vmem>> -> memref<1x128xi32, #tpu.memory_space<vmem>>
      %dma_start3A_479 = tpu.memref_squeeze %dma_start3A_478 : memref<1x128xi32, #tpu.memory_space<vmem>> -> memref<128xi32, #tpu.memory_space<vmem>>
      %dma_start3A_480 = arith.constant 0 : i32
      %dma_start3A_481 = arith.constant 0 : i32
      %dma_start3A_482 = tpu.memref_slice %arg9[%dma_start3A_480, %dma_start3A_481] : memref<10240x64xf32, #tpu.memory_space<vmem_shared>> -> memref<10240x64xf32, #tpu.memory_space<vmem_shared>>
      tpu.enqueue_indirect_dma source(%dma_start3A_476 : memref<128x64xf32, #tpu.memory_space<vmem>>) target(%dma_start3A_482 : memref<10240x64xf32, #tpu.memory_space<vmem_shared>>) offsets(%dma_start3A_479 : memref<128xi32, #tpu.memory_space<vmem>>) semaphore(%arg14 : memref<!tpu.dma_semaphore, #tpu.memory_space<semaphore_mem>>) {add = true}
      %add3A_483 = arith.constant 4 : i32
      %add3A_484 = arith.addi %add3A_450, %add3A_483 : i32
      %lt3A_485 = arith.constant 80 : i32
      %lt3A_486 = arith.cmpi slt, %add3A_484, %lt3A_485 : i32
      %convert_element_type3A_487 = arith.extui %lt3A_486 : i1 to i32
      %cond3A_488 = arith.constant 0 : i32
      %cond3A_489 = arith.cmpi ne, %convert_element_type3A_487, %cond3A_488 : i32
      scf.if %cond3A_489 {
        %add3A_613 = arith.constant 4 : i32
        %add3A_614 = arith.addi %add3A_450, %add3A_613 : i32
        %dma_start3A_615 = arith.constant 0 : i32
        %dma_start3A_616 = arith.constant 0 : i32
        %dma_start3A_617 = arith.constant 0 : i32
        %dma_start3A_618 = tpu.memref_slice %arg8[%dma_start3A_615, %dma_start3A_616, %dma_start3A_617] : memref<8x128x64xf32, #tpu.memory_space<vmem>> -> memref<1x128x64xf32, #tpu.memory_space<vmem>>
        %dma_start3A_619 = tpu.memref_squeeze %dma_start3A_618 : memref<1x128x64xf32, #tpu.memory_space<vmem>> -> memref<128x64xf32, #tpu.memory_space<vmem>>
        %dma_start3A_620 = arith.constant 0 : i32
        %dma_start3A_621 = tpu.memref_slice %arg6[%add3A_614, %dma_start3A_620] : memref<80x128xi32, #tpu.memory_space<vmem>> -> memref<1x128xi32, #tpu.memory_space<vmem>>
        %dma_start3A_622 = tpu.memref_squeeze %dma_start3A_621 : memref<1x128xi32, #tpu.memory_space<vmem>> -> memref<128xi32, #tpu.memory_space<vmem>>
        %dma_start3A_623 = arith.constant 0 : i32
        %dma_start3A_624 = arith.constant 0 : i32
        %dma_start3A_625 = tpu.memref_slice %arg2[%arg0, %dma_start3A_623, %dma_start3A_624] : memref<2x10240x64xf32, #tpu.memory_space<hbm>> -> memref<1x10240x64xf32, #tpu.memory_space<hbm>>
        %dma_start3A_626 = tpu.memref_squeeze %dma_start3A_625 : memref<1x10240x64xf32, #tpu.memory_space<hbm>> -> memref<10240x64xf32, #tpu.memory_space<hbm>>
        %dma_start3A_627 = arith.constant 0 : i32
        %dma_start3A_628 = arith.constant 0 : i32
        %dma_start3A_629 = tpu.memref_slice %dma_start3A_626[%dma_start3A_627, %dma_start3A_628] : memref<10240x64xf32, #tpu.memory_space<hbm>> -> memref<10240x64xf32, #tpu.memory_space<hbm>>
        tpu.enqueue_indirect_dma source(%dma_start3A_629 : memref<10240x64xf32, #tpu.memory_space<hbm>>) target(%dma_start3A_619 : memref<128x64xf32, #tpu.memory_space<vmem>>) offsets(%dma_start3A_622 : memref<128xi32, #tpu.memory_space<vmem>>) semaphore(%arg10 : memref<!tpu.dma_semaphore, #tpu.memory_space<semaphore_mem>>)
      } else {
      }
      %add3A_490 = arith.constant 5 : i32
      %add3A_491 = arith.addi %add3A_288, %add3A_490 : i32
      %dma_wait3A_492 = arith.constant 0 : i32
      %dma_wait3A_493 = arith.constant 5 : i32
      %dma_wait3A_494 = arith.constant 0 : i32
      %dma_wait3A_495 = arith.constant 0 : i32
      %dma_wait3A_496 = tpu.memref_slice %arg8[%dma_wait3A_493, %dma_wait3A_494, %dma_wait3A_495] : memref<8x128x64xf32, #tpu.memory_space<vmem>> -> memref<1x128x64xf32, #tpu.memory_space<vmem>>
      %dma_wait3A_497 = tpu.memref_squeeze %dma_wait3A_496 : memref<1x128x64xf32, #tpu.memory_space<vmem>> -> memref<128x64xf32, #tpu.memory_space<vmem>>
      %dma_wait3A_498 = arith.constant 0 : i32
      %dma_wait3A_499 = tpu.memref_slice %arg6[%dma_wait3A_492, %dma_wait3A_498] : memref<80x128xi32, #tpu.memory_space<vmem>> -> memref<1x128xi32, #tpu.memory_space<vmem>>
      %dma_wait3A_500 = tpu.memref_squeeze %dma_wait3A_499 : memref<1x128xi32, #tpu.memory_space<vmem>> -> memref<128xi32, #tpu.memory_space<vmem>>
      %dma_wait3A_501 = arith.constant 0 : i32
      %dma_wait3A_502 = arith.constant 0 : i32
      %dma_wait3A_503 = tpu.memref_slice %arg2[%arg0, %dma_wait3A_501, %dma_wait3A_502] : memref<2x10240x64xf32, #tpu.memory_space<hbm>> -> memref<1x10240x64xf32, #tpu.memory_space<hbm>>
      %dma_wait3A_504 = tpu.memref_squeeze %dma_wait3A_503 : memref<1x10240x64xf32, #tpu.memory_space<hbm>> -> memref<10240x64xf32, #tpu.memory_space<hbm>>
      %dma_wait3A_505 = arith.constant 0 : i32
      %dma_wait3A_506 = arith.constant 0 : i32
      %dma_wait3A_507 = tpu.memref_slice %dma_wait3A_504[%dma_wait3A_505, %dma_wait3A_506] : memref<10240x64xf32, #tpu.memory_space<hbm>> -> memref<10240x64xf32, #tpu.memory_space<hbm>>
      tpu.wait_indirect_dma semaphore(%arg11 : memref<!tpu.dma_semaphore, #tpu.memory_space<semaphore_mem>>) src(%dma_wait3A_507 : memref<10240x64xf32, #tpu.memory_space<hbm>>) dst(%dma_wait3A_497 : memref<128x64xf32, #tpu.memory_space<vmem>>)
      %ge3A_508 = arith.constant 4 : i32
      %ge3A_509 = arith.cmpi sge, %add3A_491, %ge3A_508 : i32
      %convert_element_type3A_510 = arith.extui %ge3A_509 : i1 to i32
      %cond3A_511 = arith.constant 0 : i32
      %cond3A_512 = arith.cmpi ne, %convert_element_type3A_510, %cond3A_511 : i32
      scf.if %cond3A_512 {
        %dma_wait3A_613 = arith.constant 0 : i32
        %dma_wait3A_614 = arith.constant 1 : i32
        %dma_wait3A_615 = arith.constant 0 : i32
        %dma_wait3A_616 = arith.constant 0 : i32
        %dma_wait3A_617 = tpu.memref_slice %arg8[%dma_wait3A_614, %dma_wait3A_615, %dma_wait3A_616] : memref<8x128x64xf32, #tpu.memory_space<vmem>> -> memref<1x128x64xf32, #tpu.memory_space<vmem>>
        %dma_wait3A_618 = tpu.memref_squeeze %dma_wait3A_617 : memref<1x128x64xf32, #tpu.memory_space<vmem>> -> memref<128x64xf32, #tpu.memory_space<vmem>>
        %dma_wait3A_619 = arith.constant 0 : i32
        %dma_wait3A_620 = tpu.memref_slice %arg6[%dma_wait3A_613, %dma_wait3A_619] : memref<80x128xi32, #tpu.memory_space<vmem>> -> memref<1x128xi32, #tpu.memory_space<vmem>>
        %dma_wait3A_621 = tpu.memref_squeeze %dma_wait3A_620 : memref<1x128xi32, #tpu.memory_space<vmem>> -> memref<128xi32, #tpu.memory_space<vmem>>
        %dma_wait3A_622 = arith.constant 0 : i32
        %dma_wait3A_623 = arith.constant 0 : i32
        %dma_wait3A_624 = tpu.memref_slice %arg2[%arg0, %dma_wait3A_622, %dma_wait3A_623] : memref<2x10240x64xf32, #tpu.memory_space<hbm>> -> memref<1x10240x64xf32, #tpu.memory_space<hbm>>
        %dma_wait3A_625 = tpu.memref_squeeze %dma_wait3A_624 : memref<1x10240x64xf32, #tpu.memory_space<hbm>> -> memref<10240x64xf32, #tpu.memory_space<hbm>>
        %dma_wait3A_626 = arith.constant 0 : i32
        %dma_wait3A_627 = arith.constant 0 : i32
        %dma_wait3A_628 = tpu.memref_slice %dma_wait3A_625[%dma_wait3A_626, %dma_wait3A_627] : memref<10240x64xf32, #tpu.memory_space<hbm>> -> memref<10240x64xf32, #tpu.memory_space<hbm>>
        tpu.wait_indirect_dma semaphore(%arg15 : memref<!tpu.dma_semaphore, #tpu.memory_space<semaphore_mem>>) src(%dma_wait3A_628 : memref<10240x64xf32, #tpu.memory_space<hbm>>) dst(%dma_wait3A_618 : memref<128x64xf32, #tpu.memory_space<vmem>>)
      } else {
      }
      %dma_start3A_513 = arith.constant 5 : i32
      %dma_start3A_514 = arith.constant 0 : i32
      %dma_start3A_515 = arith.constant 0 : i32
      %dma_start3A_516 = tpu.memref_slice %arg8[%dma_start3A_513, %dma_start3A_514, %dma_start3A_515] : memref<8x128x64xf32, #tpu.memory_space<vmem>> -> memref<1x128x64xf32, #tpu.memory_space<vmem>>
      %dma_start3A_517 = tpu.memref_squeeze %dma_start3A_516 : memref<1x128x64xf32, #tpu.memory_space<vmem>> -> memref<128x64xf32, #tpu.memory_space<vmem>>
      %dma_start3A_518 = arith.constant 0 : i32
      %dma_start3A_519 = tpu.memref_slice %arg7[%add3A_491, %dma_start3A_518] : memref<80x128xi32, #tpu.memory_space<vmem>> -> memref<1x128xi32, #tpu.memory_space<vmem>>
      %dma_start3A_520 = tpu.memref_squeeze %dma_start3A_519 : memref<1x128xi32, #tpu.memory_space<vmem>> -> memref<128xi32, #tpu.memory_space<vmem>>
      %dma_start3A_521 = arith.constant 0 : i32
      %dma_start3A_522 = arith.constant 0 : i32
      %dma_start3A_523 = tpu.memref_slice %arg9[%dma_start3A_521, %dma_start3A_522] : memref<10240x64xf32, #tpu.memory_space<vmem_shared>> -> memref<10240x64xf32, #tpu.memory_space<vmem_shared>>
      tpu.enqueue_indirect_dma source(%dma_start3A_517 : memref<128x64xf32, #tpu.memory_space<vmem>>) target(%dma_start3A_523 : memref<10240x64xf32, #tpu.memory_space<vmem_shared>>) offsets(%dma_start3A_520 : memref<128xi32, #tpu.memory_space<vmem>>) semaphore(%arg15 : memref<!tpu.dma_semaphore, #tpu.memory_space<semaphore_mem>>) {add = true}
      %add3A_524 = arith.constant 4 : i32
      %add3A_525 = arith.addi %add3A_491, %add3A_524 : i32
      %lt3A_526 = arith.constant 80 : i32
      %lt3A_527 = arith.cmpi slt, %add3A_525, %lt3A_526 : i32
      %convert_element_type3A_528 = arith.extui %lt3A_527 : i1 to i32
      %cond3A_529 = arith.constant 0 : i32
      %cond3A_530 = arith.cmpi ne, %convert_element_type3A_528, %cond3A_529 : i32
      scf.if %cond3A_530 {
        %add3A_613 = arith.constant 4 : i32
        %add3A_614 = arith.addi %add3A_491, %add3A_613 : i32
        %dma_start3A_615 = arith.constant 1 : i32
        %dma_start3A_616 = arith.constant 0 : i32
        %dma_start3A_617 = arith.constant 0 : i32
        %dma_start3A_618 = tpu.memref_slice %arg8[%dma_start3A_615, %dma_start3A_616, %dma_start3A_617] : memref<8x128x64xf32, #tpu.memory_space<vmem>> -> memref<1x128x64xf32, #tpu.memory_space<vmem>>
        %dma_start3A_619 = tpu.memref_squeeze %dma_start3A_618 : memref<1x128x64xf32, #tpu.memory_space<vmem>> -> memref<128x64xf32, #tpu.memory_space<vmem>>
        %dma_start3A_620 = arith.constant 0 : i32
        %dma_start3A_621 = tpu.memref_slice %arg6[%add3A_614, %dma_start3A_620] : memref<80x128xi32, #tpu.memory_space<vmem>> -> memref<1x128xi32, #tpu.memory_space<vmem>>
        %dma_start3A_622 = tpu.memref_squeeze %dma_start3A_621 : memref<1x128xi32, #tpu.memory_space<vmem>> -> memref<128xi32, #tpu.memory_space<vmem>>
        %dma_start3A_623 = arith.constant 0 : i32
        %dma_start3A_624 = arith.constant 0 : i32
        %dma_start3A_625 = tpu.memref_slice %arg2[%arg0, %dma_start3A_623, %dma_start3A_624] : memref<2x10240x64xf32, #tpu.memory_space<hbm>> -> memref<1x10240x64xf32, #tpu.memory_space<hbm>>
        %dma_start3A_626 = tpu.memref_squeeze %dma_start3A_625 : memref<1x10240x64xf32, #tpu.memory_space<hbm>> -> memref<10240x64xf32, #tpu.memory_space<hbm>>
        %dma_start3A_627 = arith.constant 0 : i32
        %dma_start3A_628 = arith.constant 0 : i32
        %dma_start3A_629 = tpu.memref_slice %dma_start3A_626[%dma_start3A_627, %dma_start3A_628] : memref<10240x64xf32, #tpu.memory_space<hbm>> -> memref<10240x64xf32, #tpu.memory_space<hbm>>
        tpu.enqueue_indirect_dma source(%dma_start3A_629 : memref<10240x64xf32, #tpu.memory_space<hbm>>) target(%dma_start3A_619 : memref<128x64xf32, #tpu.memory_space<vmem>>) offsets(%dma_start3A_622 : memref<128xi32, #tpu.memory_space<vmem>>) semaphore(%arg11 : memref<!tpu.dma_semaphore, #tpu.memory_space<semaphore_mem>>)
      } else {
      }
      %add3A_531 = arith.constant 6 : i32
      %add3A_532 = arith.addi %add3A_288, %add3A_531 : i32
      %dma_wait3A_533 = arith.constant 0 : i32
      %dma_wait3A_534 = arith.constant 6 : i32
      %dma_wait3A_535 = arith.constant 0 : i32
      %dma_wait3A_536 = arith.constant 0 : i32
      %dma_wait3A_537 = tpu.memref_slice %arg8[%dma_wait3A_534, %dma_wait3A_535, %dma_wait3A_536] : memref<8x128x64xf32, #tpu.memory_space<vmem>> -> memref<1x128x64xf32, #tpu.memory_space<vmem>>
      %dma_wait3A_538 = tpu.memref_squeeze %dma_wait3A_537 : memref<1x128x64xf32, #tpu.memory_space<vmem>> -> memref<128x64xf32, #tpu.memory_space<vmem>>
      %dma_wait3A_539 = arith.constant 0 : i32
      %dma_wait3A_540 = tpu.memref_slice %arg6[%dma_wait3A_533, %dma_wait3A_539] : memref<80x128xi32, #tpu.memory_space<vmem>> -> memref<1x128xi32, #tpu.memory_space<vmem>>
      %dma_wait3A_541 = tpu.memref_squeeze %dma_wait3A_540 : memref<1x128xi32, #tpu.memory_space<vmem>> -> memref<128xi32, #tpu.memory_space<vmem>>
      %dma_wait3A_542 = arith.constant 0 : i32
      %dma_wait3A_543 = arith.constant 0 : i32
      %dma_wait3A_544 = tpu.memref_slice %arg2[%arg0, %dma_wait3A_542, %dma_wait3A_543] : memref<2x10240x64xf32, #tpu.memory_space<hbm>> -> memref<1x10240x64xf32, #tpu.memory_space<hbm>>
      %dma_wait3A_545 = tpu.memref_squeeze %dma_wait3A_544 : memref<1x10240x64xf32, #tpu.memory_space<hbm>> -> memref<10240x64xf32, #tpu.memory_space<hbm>>
      %dma_wait3A_546 = arith.constant 0 : i32
      %dma_wait3A_547 = arith.constant 0 : i32
      %dma_wait3A_548 = tpu.memref_slice %dma_wait3A_545[%dma_wait3A_546, %dma_wait3A_547] : memref<10240x64xf32, #tpu.memory_space<hbm>> -> memref<10240x64xf32, #tpu.memory_space<hbm>>
      tpu.wait_indirect_dma semaphore(%arg12 : memref<!tpu.dma_semaphore, #tpu.memory_space<semaphore_mem>>) src(%dma_wait3A_548 : memref<10240x64xf32, #tpu.memory_space<hbm>>) dst(%dma_wait3A_538 : memref<128x64xf32, #tpu.memory_space<vmem>>)
      %ge3A_549 = arith.constant 4 : i32
      %ge3A_550 = arith.cmpi sge, %add3A_532, %ge3A_549 : i32
      %convert_element_type3A_551 = arith.extui %ge3A_550 : i1 to i32
      %cond3A_552 = arith.constant 0 : i32
      %cond3A_553 = arith.cmpi ne, %convert_element_type3A_551, %cond3A_552 : i32
      scf.if %cond3A_553 {
        %dma_wait3A_613 = arith.constant 0 : i32
        %dma_wait3A_614 = arith.constant 2 : i32
        %dma_wait3A_615 = arith.constant 0 : i32
        %dma_wait3A_616 = arith.constant 0 : i32
        %dma_wait3A_617 = tpu.memref_slice %arg8[%dma_wait3A_614, %dma_wait3A_615, %dma_wait3A_616] : memref<8x128x64xf32, #tpu.memory_space<vmem>> -> memref<1x128x64xf32, #tpu.memory_space<vmem>>
        %dma_wait3A_618 = tpu.memref_squeeze %dma_wait3A_617 : memref<1x128x64xf32, #tpu.memory_space<vmem>> -> memref<128x64xf32, #tpu.memory_space<vmem>>
        %dma_wait3A_619 = arith.constant 0 : i32
        %dma_wait3A_620 = tpu.memref_slice %arg6[%dma_wait3A_613, %dma_wait3A_619] : memref<80x128xi32, #tpu.memory_space<vmem>> -> memref<1x128xi32, #tpu.memory_space<vmem>>
        %dma_wait3A_621 = tpu.memref_squeeze %dma_wait3A_620 : memref<1x128xi32, #tpu.memory_space<vmem>> -> memref<128xi32, #tpu.memory_space<vmem>>
        %dma_wait3A_622 = arith.constant 0 : i32
        %dma_wait3A_623 = arith.constant 0 : i32
        %dma_wait3A_624 = tpu.memref_slice %arg2[%arg0, %dma_wait3A_622, %dma_wait3A_623] : memref<2x10240x64xf32, #tpu.memory_space<hbm>> -> memref<1x10240x64xf32, #tpu.memory_space<hbm>>
        %dma_wait3A_625 = tpu.memref_squeeze %dma_wait3A_624 : memref<1x10240x64xf32, #tpu.memory_space<hbm>> -> memref<10240x64xf32, #tpu.memory_space<hbm>>
        %dma_wait3A_626 = arith.constant 0 : i32
        %dma_wait3A_627 = arith.constant 0 : i32
        %dma_wait3A_628 = tpu.memref_slice %dma_wait3A_625[%dma_wait3A_626, %dma_wait3A_627] : memref<10240x64xf32, #tpu.memory_space<hbm>> -> memref<10240x64xf32, #tpu.memory_space<hbm>>
        tpu.wait_indirect_dma semaphore(%arg16 : memref<!tpu.dma_semaphore, #tpu.memory_space<semaphore_mem>>) src(%dma_wait3A_628 : memref<10240x64xf32, #tpu.memory_space<hbm>>) dst(%dma_wait3A_618 : memref<128x64xf32, #tpu.memory_space<vmem>>)
      } else {
      }
      %dma_start3A_554 = arith.constant 6 : i32
      %dma_start3A_555 = arith.constant 0 : i32
      %dma_start3A_556 = arith.constant 0 : i32
      %dma_start3A_557 = tpu.memref_slice %arg8[%dma_start3A_554, %dma_start3A_555, %dma_start3A_556] : memref<8x128x64xf32, #tpu.memory_space<vmem>> -> memref<1x128x64xf32, #tpu.memory_space<vmem>>
      %dma_start3A_558 = tpu.memref_squeeze %dma_start3A_557 : memref<1x128x64xf32, #tpu.memory_space<vmem>> -> memref<128x64xf32, #tpu.memory_space<vmem>>
      %dma_start3A_559 = arith.constant 0 : i32
      %dma_start3A_560 = tpu.memref_slice %arg7[%add3A_532, %dma_start3A_559] : memref<80x128xi32, #tpu.memory_space<vmem>> -> memref<1x128xi32, #tpu.memory_space<vmem>>
      %dma_start3A_561 = tpu.memref_squeeze %dma_start3A_560 : memref<1x128xi32, #tpu.memory_space<vmem>> -> memref<128xi32, #tpu.memory_space<vmem>>
      %dma_start3A_562 = arith.constant 0 : i32
      %dma_start3A_563 = arith.constant 0 : i32
      %dma_start3A_564 = tpu.memref_slice %arg9[%dma_start3A_562, %dma_start3A_563] : memref<10240x64xf32, #tpu.memory_space<vmem_shared>> -> memref<10240x64xf32, #tpu.memory_space<vmem_shared>>
      tpu.enqueue_indirect_dma source(%dma_start3A_558 : memref<128x64xf32, #tpu.memory_space<vmem>>) target(%dma_start3A_564 : memref<10240x64xf32, #tpu.memory_space<vmem_shared>>) offsets(%dma_start3A_561 : memref<128xi32, #tpu.memory_space<vmem>>) semaphore(%arg16 : memref<!tpu.dma_semaphore, #tpu.memory_space<semaphore_mem>>) {add = true}
      %add3A_565 = arith.constant 4 : i32
      %add3A_566 = arith.addi %add3A_532, %add3A_565 : i32
      %lt3A_567 = arith.constant 80 : i32
      %lt3A_568 = arith.cmpi slt, %add3A_566, %lt3A_567 : i32
      %convert_element_type3A_569 = arith.extui %lt3A_568 : i1 to i32
      %cond3A_570 = arith.constant 0 : i32
      %cond3A_571 = arith.cmpi ne, %convert_element_type3A_569, %cond3A_570 : i32
      scf.if %cond3A_571 {
        %add3A_613 = arith.constant 4 : i32
        %add3A_614 = arith.addi %add3A_532, %add3A_613 : i32
        %dma_start3A_615 = arith.constant 2 : i32
        %dma_start3A_616 = arith.constant 0 : i32
        %dma_start3A_617 = arith.constant 0 : i32
        %dma_start3A_618 = tpu.memref_slice %arg8[%dma_start3A_615, %dma_start3A_616, %dma_start3A_617] : memref<8x128x64xf32, #tpu.memory_space<vmem>> -> memref<1x128x64xf32, #tpu.memory_space<vmem>>
        %dma_start3A_619 = tpu.memref_squeeze %dma_start3A_618 : memref<1x128x64xf32, #tpu.memory_space<vmem>> -> memref<128x64xf32, #tpu.memory_space<vmem>>
        %dma_start3A_620 = arith.constant 0 : i32
        %dma_start3A_621 = tpu.memref_slice %arg6[%add3A_614, %dma_start3A_620] : memref<80x128xi32, #tpu.memory_space<vmem>> -> memref<1x128xi32, #tpu.memory_space<vmem>>
        %dma_start3A_622 = tpu.memref_squeeze %dma_start3A_621 : memref<1x128xi32, #tpu.memory_space<vmem>> -> memref<128xi32, #tpu.memory_space<vmem>>
        %dma_start3A_623 = arith.constant 0 : i32
        %dma_start3A_624 = arith.constant 0 : i32
        %dma_start3A_625 = tpu.memref_slice %arg2[%arg0, %dma_start3A_623, %dma_start3A_624] : memref<2x10240x64xf32, #tpu.memory_space<hbm>> -> memref<1x10240x64xf32, #tpu.memory_space<hbm>>
        %dma_start3A_626 = tpu.memref_squeeze %dma_start3A_625 : memref<1x10240x64xf32, #tpu.memory_space<hbm>> -> memref<10240x64xf32, #tpu.memory_space<hbm>>
        %dma_start3A_627 = arith.constant 0 : i32
        %dma_start3A_628 = arith.constant 0 : i32
        %dma_start3A_629 = tpu.memref_slice %dma_start3A_626[%dma_start3A_627, %dma_start3A_628] : memref<10240x64xf32, #tpu.memory_space<hbm>> -> memref<10240x64xf32, #tpu.memory_space<hbm>>
        tpu.enqueue_indirect_dma source(%dma_start3A_629 : memref<10240x64xf32, #tpu.memory_space<hbm>>) target(%dma_start3A_619 : memref<128x64xf32, #tpu.memory_space<vmem>>) offsets(%dma_start3A_622 : memref<128xi32, #tpu.memory_space<vmem>>) semaphore(%arg12 : memref<!tpu.dma_semaphore, #tpu.memory_space<semaphore_mem>>)
      } else {
      }
      %add3A_572 = arith.constant 7 : i32
      %add3A_573 = arith.addi %add3A_288, %add3A_572 : i32
      %dma_wait3A_574 = arith.constant 0 : i32
      %dma_wait3A_575 = arith.constant 7 : i32
      %dma_wait3A_576 = arith.constant 0 : i32
      %dma_wait3A_577 = arith.constant 0 : i32
      %dma_wait3A_578 = tpu.memref_slice %arg8[%dma_wait3A_575, %dma_wait3A_576, %dma_wait3A_577] : memref<8x128x64xf32, #tpu.memory_space<vmem>> -> memref<1x128x64xf32, #tpu.memory_space<vmem>>
      %dma_wait3A_579 = tpu.memref_squeeze %dma_wait3A_578 : memref<1x128x64xf32, #tpu.memory_space<vmem>> -> memref<128x64xf32, #tpu.memory_space<vmem>>
      %dma_wait3A_580 = arith.constant 0 : i32
      %dma_wait3A_581 = tpu.memref_slice %arg6[%dma_wait3A_574, %dma_wait3A_580] : memref<80x128xi32, #tpu.memory_space<vmem>> -> memref<1x128xi32, #tpu.memory_space<vmem>>
      %dma_wait3A_582 = tpu.memref_squeeze %dma_wait3A_581 : memref<1x128xi32, #tpu.memory_space<vmem>> -> memref<128xi32, #tpu.memory_space<vmem>>
      %dma_wait3A_583 = arith.constant 0 : i32
      %dma_wait3A_584 = arith.constant 0 : i32
      %dma_wait3A_585 = tpu.memref_slice %arg2[%arg0, %dma_wait3A_583, %dma_wait3A_584] : memref<2x10240x64xf32, #tpu.memory_space<hbm>> -> memref<1x10240x64xf32, #tpu.memory_space<hbm>>
      %dma_wait3A_586 = tpu.memref_squeeze %dma_wait3A_585 : memref<1x10240x64xf32, #tpu.memory_space<hbm>> -> memref<10240x64xf32, #tpu.memory_space<hbm>>
      %dma_wait3A_587 = arith.constant 0 : i32
      %dma_wait3A_588 = arith.constant 0 : i32
      %dma_wait3A_589 = tpu.memref_slice %dma_wait3A_586[%dma_wait3A_587, %dma_wait3A_588] : memref<10240x64xf32, #tpu.memory_space<hbm>> -> memref<10240x64xf32, #tpu.memory_space<hbm>>
      tpu.wait_indirect_dma semaphore(%arg13 : memref<!tpu.dma_semaphore, #tpu.memory_space<semaphore_mem>>) src(%dma_wait3A_589 : memref<10240x64xf32, #tpu.memory_space<hbm>>) dst(%dma_wait3A_579 : memref<128x64xf32, #tpu.memory_space<vmem>>)
      %ge3A_590 = arith.constant 4 : i32
      %ge3A_591 = arith.cmpi sge, %add3A_573, %ge3A_590 : i32
      %convert_element_type3A_592 = arith.extui %ge3A_591 : i1 to i32
      %cond3A_593 = arith.constant 0 : i32
      %cond3A_594 = arith.cmpi ne, %convert_element_type3A_592, %cond3A_593 : i32
      scf.if %cond3A_594 {
        %dma_wait3A_613 = arith.constant 0 : i32
        %dma_wait3A_614 = arith.constant 3 : i32
        %dma_wait3A_615 = arith.constant 0 : i32
        %dma_wait3A_616 = arith.constant 0 : i32
        %dma_wait3A_617 = tpu.memref_slice %arg8[%dma_wait3A_614, %dma_wait3A_615, %dma_wait3A_616] : memref<8x128x64xf32, #tpu.memory_space<vmem>> -> memref<1x128x64xf32, #tpu.memory_space<vmem>>
        %dma_wait3A_618 = tpu.memref_squeeze %dma_wait3A_617 : memref<1x128x64xf32, #tpu.memory_space<vmem>> -> memref<128x64xf32, #tpu.memory_space<vmem>>
        %dma_wait3A_619 = arith.constant 0 : i32
        %dma_wait3A_620 = tpu.memref_slice %arg6[%dma_wait3A_613, %dma_wait3A_619] : memref<80x128xi32, #tpu.memory_space<vmem>> -> memref<1x128xi32, #tpu.memory_space<vmem>>
        %dma_wait3A_621 = tpu.memref_squeeze %dma_wait3A_620 : memref<1x128xi32, #tpu.memory_space<vmem>> -> memref<128xi32, #tpu.memory_space<vmem>>
        %dma_wait3A_622 = arith.constant 0 : i32
        %dma_wait3A_623 = arith.constant 0 : i32
        %dma_wait3A_624 = tpu.memref_slice %arg2[%arg0, %dma_wait3A_622, %dma_wait3A_623] : memref<2x10240x64xf32, #tpu.memory_space<hbm>> -> memref<1x10240x64xf32, #tpu.memory_space<hbm>>
        %dma_wait3A_625 = tpu.memref_squeeze %dma_wait3A_624 : memref<1x10240x64xf32, #tpu.memory_space<hbm>> -> memref<10240x64xf32, #tpu.memory_space<hbm>>
        %dma_wait3A_626 = arith.constant 0 : i32
        %dma_wait3A_627 = arith.constant 0 : i32
        %dma_wait3A_628 = tpu.memref_slice %dma_wait3A_625[%dma_wait3A_626, %dma_wait3A_627] : memref<10240x64xf32, #tpu.memory_space<hbm>> -> memref<10240x64xf32, #tpu.memory_space<hbm>>
        tpu.wait_indirect_dma semaphore(%arg17 : memref<!tpu.dma_semaphore, #tpu.memory_space<semaphore_mem>>) src(%dma_wait3A_628 : memref<10240x64xf32, #tpu.memory_space<hbm>>) dst(%dma_wait3A_618 : memref<128x64xf32, #tpu.memory_space<vmem>>)
      } else {
      }
      %dma_start3A_595 = arith.constant 7 : i32
      %dma_start3A_596 = arith.constant 0 : i32
      %dma_start3A_597 = arith.constant 0 : i32
      %dma_start3A_598 = tpu.memref_slice %arg8[%dma_start3A_595, %dma_start3A_596, %dma_start3A_597] : memref<8x128x64xf32, #tpu.memory_space<vmem>> -> memref<1x128x64xf32, #tpu.memory_space<vmem>>
      %dma_start3A_599 = tpu.memref_squeeze %dma_start3A_598 : memref<1x128x64xf32, #tpu.memory_space<vmem>> -> memref<128x64xf32, #tpu.memory_space<vmem>>
      %dma_start3A_600 = arith.constant 0 : i32
      %dma_start3A_601 = tpu.memref_slice %arg7[%add3A_573, %dma_start3A_600] : memref<80x128xi32, #tpu.memory_space<vmem>> -> memref<1x128xi32, #tpu.memory_space<vmem>>
      %dma_start3A_602 = tpu.memref_squeeze %dma_start3A_601 : memref<1x128xi32, #tpu.memory_space<vmem>> -> memref<128xi32, #tpu.memory_space<vmem>>
      %dma_start3A_603 = arith.constant 0 : i32
      %dma_start3A_604 = arith.constant 0 : i32
      %dma_start3A_605 = tpu.memref_slice %arg9[%dma_start3A_603, %dma_start3A_604] : memref<10240x64xf32, #tpu.memory_space<vmem_shared>> -> memref<10240x64xf32, #tpu.memory_space<vmem_shared>>
      tpu.enqueue_indirect_dma source(%dma_start3A_599 : memref<128x64xf32, #tpu.memory_space<vmem>>) target(%dma_start3A_605 : memref<10240x64xf32, #tpu.memory_space<vmem_shared>>) offsets(%dma_start3A_602 : memref<128xi32, #tpu.memory_space<vmem>>) semaphore(%arg17 : memref<!tpu.dma_semaphore, #tpu.memory_space<semaphore_mem>>) {add = true}
      %add3A_606 = arith.constant 4 : i32
      %add3A_607 = arith.addi %add3A_573, %add3A_606 : i32
      %lt3A_608 = arith.constant 80 : i32
      %lt3A_609 = arith.cmpi slt, %add3A_607, %lt3A_608 : i32
      %convert_element_type3A_610 = arith.extui %lt3A_609 : i1 to i32
      %cond3A_611 = arith.constant 0 : i32
      %cond3A_612 = arith.cmpi ne, %convert_element_type3A_610, %cond3A_611 : i32
      scf.if %cond3A_612 {
        %add3A_613 = arith.constant 4 : i32
        %add3A_614 = arith.addi %add3A_573, %add3A_613 : i32
        %dma_start3A_615 = arith.constant 3 : i32
        %dma_start3A_616 = arith.constant 0 : i32
        %dma_start3A_617 = arith.constant 0 : i32
        %dma_start3A_618 = tpu.memref_slice %arg8[%dma_start3A_615, %dma_start3A_616, %dma_start3A_617] : memref<8x128x64xf32, #tpu.memory_space<vmem>> -> memref<1x128x64xf32, #tpu.memory_space<vmem>>
        %dma_start3A_619 = tpu.memref_squeeze %dma_start3A_618 : memref<1x128x64xf32, #tpu.memory_space<vmem>> -> memref<128x64xf32, #tpu.memory_space<vmem>>
        %dma_start3A_620 = arith.constant 0 : i32
        %dma_start3A_621 = tpu.memref_slice %arg6[%add3A_614, %dma_start3A_620] : memref<80x128xi32, #tpu.memory_space<vmem>> -> memref<1x128xi32, #tpu.memory_space<vmem>>
        %dma_start3A_622 = tpu.memref_squeeze %dma_start3A_621 : memref<1x128xi32, #tpu.memory_space<vmem>> -> memref<128xi32, #tpu.memory_space<vmem>>
        %dma_start3A_623 = arith.constant 0 : i32
        %dma_start3A_624 = arith.constant 0 : i32
        %dma_start3A_625 = tpu.memref_slice %arg2[%arg0, %dma_start3A_623, %dma_start3A_624] : memref<2x10240x64xf32, #tpu.memory_space<hbm>> -> memref<1x10240x64xf32, #tpu.memory_space<hbm>>
        %dma_start3A_626 = tpu.memref_squeeze %dma_start3A_625 : memref<1x10240x64xf32, #tpu.memory_space<hbm>> -> memref<10240x64xf32, #tpu.memory_space<hbm>>
        %dma_start3A_627 = arith.constant 0 : i32
        %dma_start3A_628 = arith.constant 0 : i32
        %dma_start3A_629 = tpu.memref_slice %dma_start3A_626[%dma_start3A_627, %dma_start3A_628] : memref<10240x64xf32, #tpu.memory_space<hbm>> -> memref<10240x64xf32, #tpu.memory_space<hbm>>
        tpu.enqueue_indirect_dma source(%dma_start3A_629 : memref<10240x64xf32, #tpu.memory_space<hbm>>) target(%dma_start3A_619 : memref<128x64xf32, #tpu.memory_space<vmem>>) offsets(%dma_start3A_622 : memref<128xi32, #tpu.memory_space<vmem>>) semaphore(%arg13 : memref<!tpu.dma_semaphore, #tpu.memory_space<semaphore_mem>>)
      } else {
      }
    }
    %scan3A_218 = arith.constant 10 : i32
    %dma_wait3A_219 = arith.constant 0 : i32
    %dma_wait3A_220 = arith.constant 0 : i32
    %dma_wait3A_221 = arith.constant 0 : i32
    %dma_wait3A_222 = arith.constant 0 : i32
    %dma_wait3A_223 = tpu.memref_slice %arg8[%dma_wait3A_220, %dma_wait3A_221, %dma_wait3A_222] : memref<8x128x64xf32, #tpu.memory_space<vmem>> -> memref<1x128x64xf32, #tpu.memory_space<vmem>>
    %dma_wait3A_224 = tpu.memref_squeeze %dma_wait3A_223 : memref<1x128x64xf32, #tpu.memory_space<vmem>> -> memref<128x64xf32, #tpu.memory_space<vmem>>
    %dma_wait3A_225 = arith.constant 0 : i32
    %dma_wait3A_226 = tpu.memref_slice %arg6[%dma_wait3A_219, %dma_wait3A_225] : memref<80x128xi32, #tpu.memory_space<vmem>> -> memref<1x128xi32, #tpu.memory_space<vmem>>
    %dma_wait3A_227 = tpu.memref_squeeze %dma_wait3A_226 : memref<1x128xi32, #tpu.memory_space<vmem>> -> memref<128xi32, #tpu.memory_space<vmem>>
    %dma_wait3A_228 = arith.constant 0 : i32
    %dma_wait3A_229 = arith.constant 0 : i32
    %dma_wait3A_230 = tpu.memref_slice %arg2[%arg0, %dma_wait3A_228, %dma_wait3A_229] : memref<2x10240x64xf32, #tpu.memory_space<hbm>> -> memref<1x10240x64xf32, #tpu.memory_space<hbm>>
    %dma_wait3A_231 = tpu.memref_squeeze %dma_wait3A_230 : memref<1x10240x64xf32, #tpu.memory_space<hbm>> -> memref<10240x64xf32, #tpu.memory_space<hbm>>
    %dma_wait3A_232 = arith.constant 0 : i32
    %dma_wait3A_233 = arith.constant 0 : i32
    %dma_wait3A_234 = tpu.memref_slice %dma_wait3A_231[%dma_wait3A_232, %dma_wait3A_233] : memref<10240x64xf32, #tpu.memory_space<hbm>> -> memref<10240x64xf32, #tpu.memory_space<hbm>>
    tpu.wait_indirect_dma semaphore(%arg14 : memref<!tpu.dma_semaphore, #tpu.memory_space<semaphore_mem>>) src(%dma_wait3A_234 : memref<10240x64xf32, #tpu.memory_space<hbm>>) dst(%dma_wait3A_224 : memref<128x64xf32, #tpu.memory_space<vmem>>)
    %dma_wait3A_235 = arith.constant 0 : i32
    %dma_wait3A_236 = arith.constant 0 : i32
    %dma_wait3A_237 = arith.constant 0 : i32
    %dma_wait3A_238 = arith.constant 0 : i32
    %dma_wait3A_239 = tpu.memref_slice %arg8[%dma_wait3A_236, %dma_wait3A_237, %dma_wait3A_238] : memref<8x128x64xf32, #tpu.memory_space<vmem>> -> memref<1x128x64xf32, #tpu.memory_space<vmem>>
    %dma_wait3A_240 = tpu.memref_squeeze %dma_wait3A_239 : memref<1x128x64xf32, #tpu.memory_space<vmem>> -> memref<128x64xf32, #tpu.memory_space<vmem>>
    %dma_wait3A_241 = arith.constant 0 : i32
    %dma_wait3A_242 = tpu.memref_slice %arg6[%dma_wait3A_235, %dma_wait3A_241] : memref<80x128xi32, #tpu.memory_space<vmem>> -> memref<1x128xi32, #tpu.memory_space<vmem>>
    %dma_wait3A_243 = tpu.memref_squeeze %dma_wait3A_242 : memref<1x128xi32, #tpu.memory_space<vmem>> -> memref<128xi32, #tpu.memory_space<vmem>>
    %dma_wait3A_244 = arith.constant 0 : i32
    %dma_wait3A_245 = arith.constant 0 : i32
    %dma_wait3A_246 = tpu.memref_slice %arg2[%arg0, %dma_wait3A_244, %dma_wait3A_245] : memref<2x10240x64xf32, #tpu.memory_space<hbm>> -> memref<1x10240x64xf32, #tpu.memory_space<hbm>>
    %dma_wait3A_247 = tpu.memref_squeeze %dma_wait3A_246 : memref<1x10240x64xf32, #tpu.memory_space<hbm>> -> memref<10240x64xf32, #tpu.memory_space<hbm>>
    %dma_wait3A_248 = arith.constant 0 : i32
    %dma_wait3A_249 = arith.constant 0 : i32
    %dma_wait3A_250 = tpu.memref_slice %dma_wait3A_247[%dma_wait3A_248, %dma_wait3A_249] : memref<10240x64xf32, #tpu.memory_space<hbm>> -> memref<10240x64xf32, #tpu.memory_space<hbm>>
    tpu.wait_indirect_dma semaphore(%arg15 : memref<!tpu.dma_semaphore, #tpu.memory_space<semaphore_mem>>) src(%dma_wait3A_250 : memref<10240x64xf32, #tpu.memory_space<hbm>>) dst(%dma_wait3A_240 : memref<128x64xf32, #tpu.memory_space<vmem>>)
    %dma_wait3A_251 = arith.constant 0 : i32
    %dma_wait3A_252 = arith.constant 0 : i32
    %dma_wait3A_253 = arith.constant 0 : i32
    %dma_wait3A_254 = arith.constant 0 : i32
    %dma_wait3A_255 = tpu.memref_slice %arg8[%dma_wait3A_252, %dma_wait3A_253, %dma_wait3A_254] : memref<8x128x64xf32, #tpu.memory_space<vmem>> -> memref<1x128x64xf32, #tpu.memory_space<vmem>>
    %dma_wait3A_256 = tpu.memref_squeeze %dma_wait3A_255 : memref<1x128x64xf32, #tpu.memory_space<vmem>> -> memref<128x64xf32, #tpu.memory_space<vmem>>
    %dma_wait3A_257 = arith.constant 0 : i32
    %dma_wait3A_258 = tpu.memref_slice %arg6[%dma_wait3A_251, %dma_wait3A_257] : memref<80x128xi32, #tpu.memory_space<vmem>> -> memref<1x128xi32, #tpu.memory_space<vmem>>
    %dma_wait3A_259 = tpu.memref_squeeze %dma_wait3A_258 : memref<1x128xi32, #tpu.memory_space<vmem>> -> memref<128xi32, #tpu.memory_space<vmem>>
    %dma_wait3A_260 = arith.constant 0 : i32
    %dma_wait3A_261 = arith.constant 0 : i32
    %dma_wait3A_262 = tpu.memref_slice %arg2[%arg0, %dma_wait3A_260, %dma_wait3A_261] : memref<2x10240x64xf32, #tpu.memory_space<hbm>> -> memref<1x10240x64xf32, #tpu.memory_space<hbm>>
    %dma_wait3A_263 = tpu.memref_squeeze %dma_wait3A_262 : memref<1x10240x64xf32, #tpu.memory_space<hbm>> -> memref<10240x64xf32, #tpu.memory_space<hbm>>
    %dma_wait3A_264 = arith.constant 0 : i32
    %dma_wait3A_265 = arith.constant 0 : i32
    %dma_wait3A_266 = tpu.memref_slice %dma_wait3A_263[%dma_wait3A_264, %dma_wait3A_265] : memref<10240x64xf32, #tpu.memory_space<hbm>> -> memref<10240x64xf32, #tpu.memory_space<hbm>>
    tpu.wait_indirect_dma semaphore(%arg16 : memref<!tpu.dma_semaphore, #tpu.memory_space<semaphore_mem>>) src(%dma_wait3A_266 : memref<10240x64xf32, #tpu.memory_space<hbm>>) dst(%dma_wait3A_256 : memref<128x64xf32, #tpu.memory_space<vmem>>)
    %dma_wait3A_267 = arith.constant 0 : i32
    %dma_wait3A_268 = arith.constant 0 : i32
    %dma_wait3A_269 = arith.constant 0 : i32
    %dma_wait3A_270 = arith.constant 0 : i32
    %dma_wait3A_271 = tpu.memref_slice %arg8[%dma_wait3A_268, %dma_wait3A_269, %dma_wait3A_270] : memref<8x128x64xf32, #tpu.memory_space<vmem>> -> memref<1x128x64xf32, #tpu.memory_space<vmem>>
    %dma_wait3A_272 = tpu.memref_squeeze %dma_wait3A_271 : memref<1x128x64xf32, #tpu.memory_space<vmem>> -> memref<128x64xf32, #tpu.memory_space<vmem>>
    %dma_wait3A_273 = arith.constant 0 : i32
    %dma_wait3A_274 = tpu.memref_slice %arg6[%dma_wait3A_267, %dma_wait3A_273] : memref<80x128xi32, #tpu.memory_space<vmem>> -> memref<1x128xi32, #tpu.memory_space<vmem>>
    %dma_wait3A_275 = tpu.memref_squeeze %dma_wait3A_274 : memref<1x128xi32, #tpu.memory_space<vmem>> -> memref<128xi32, #tpu.memory_space<vmem>>
    %dma_wait3A_276 = arith.constant 0 : i32
    %dma_wait3A_277 = arith.constant 0 : i32
    %dma_wait3A_278 = tpu.memref_slice %arg2[%arg0, %dma_wait3A_276, %dma_wait3A_277] : memref<2x10240x64xf32, #tpu.memory_space<hbm>> -> memref<1x10240x64xf32, #tpu.memory_space<hbm>>
    %dma_wait3A_279 = tpu.memref_squeeze %dma_wait3A_278 : memref<1x10240x64xf32, #tpu.memory_space<hbm>> -> memref<10240x64xf32, #tpu.memory_space<hbm>>
    %dma_wait3A_280 = arith.constant 0 : i32
    %dma_wait3A_281 = arith.constant 0 : i32
    %dma_wait3A_282 = tpu.memref_slice %dma_wait3A_279[%dma_wait3A_280, %dma_wait3A_281] : memref<10240x64xf32, #tpu.memory_space<hbm>> -> memref<10240x64xf32, #tpu.memory_space<hbm>>
    tpu.wait_indirect_dma semaphore(%arg17 : memref<!tpu.dma_semaphore, #tpu.memory_space<semaphore_mem>>) src(%dma_wait3A_282 : memref<10240x64xf32, #tpu.memory_space<hbm>>) dst(%dma_wait3A_272 : memref<128x64xf32, #tpu.memory_space<vmem>>)
    %barrier3A_283 = arith.constant 0 : index
    tpu.barrier barrier_id(%barrier3A_283)
    "tpu.region"() ({
      %run_scoped3A_284 = tpu.sem_alloc : memref<!tpu.dma_semaphore, #tpu.memory_space<semaphore_mem>>
      %dma_start3A_285 = arith.constant 0 : i32
      %dma_start3A_286 = tpu.memref_slice %arg5[%arg0, %mul3A_1, %dma_start3A_285] : memref<2x10240x64xf32, #tpu.memory_space<hbm>> -> memref<1x640x64xf32, #tpu.memory_space<hbm>>
      %dma_start3A_287 = tpu.memref_squeeze %dma_start3A_286 : memref<1x640x64xf32, #tpu.memory_space<hbm>> -> memref<640x64xf32, #tpu.memory_space<hbm>>
      %dma_start3A_288 = arith.constant 0 : i32
      %dma_start3A_289 = tpu.memref_slice %arg9[%mul3A_1, %dma_start3A_288] : memref<10240x64xf32, #tpu.memory_space<vmem_shared>> -> memref<640x64xf32, #tpu.memory_space<vmem_shared>>
      tpu.enqueue_dma source(%dma_start3A_289 : memref<640x64xf32, #tpu.memory_space<vmem_shared>>) target(%dma_start3A_287 : memref<640x64xf32, #tpu.memory_space<hbm>>) target_semaphore(%run_scoped3A_284 : memref<!tpu.dma_semaphore, #tpu.memory_space<semaphore_mem>>)
      %dma_wait3A_290 = arith.constant 0 : i32
      %dma_wait3A_291 = tpu.memref_slice %arg5[%arg0, %mul3A_1, %dma_wait3A_290] : memref<2x10240x64xf32, #tpu.memory_space<hbm>> -> memref<1x640x64xf32, #tpu.memory_space<hbm>>
      %dma_wait3A_292 = tpu.memref_squeeze %dma_wait3A_291 : memref<1x640x64xf32, #tpu.memory_space<hbm>> -> memref<640x64xf32, #tpu.memory_space<hbm>>
      %dma_wait3A_293 = arith.constant 0 : i32
      %dma_wait3A_294 = tpu.memref_slice %arg9[%mul3A_1, %dma_wait3A_293] : memref<10240x64xf32, #tpu.memory_space<vmem_shared>> -> memref<640x64xf32, #tpu.memory_space<vmem_shared>>
      tpu.wait_dma2 semaphore(%run_scoped3A_284 : memref<!tpu.dma_semaphore, #tpu.memory_space<semaphore_mem>>) src(%dma_wait3A_294 : memref<640x64xf32, #tpu.memory_space<vmem_shared>>) dst(%dma_wait3A_292 : memref<640x64xf32, #tpu.memory_space<hbm>>)
      tpu.yield
    }) : () -> ()
    return
  }
}

module attributes {stable_mosaic.version = 14 : i64} {
  func.func @body(%arg0: memref<10240x128xf32, #tpu.memory_space<vmem>>, %arg1: memref<128x128xf32, #tpu.memory_space<vmem>>, %arg2: memref<10240x128xf32, #tpu.memory_space<vmem>>) attributes {dimension_semantics = [], scalar_prefetch = 0 : i64, scratch_operands = 0 : i64, tpu.core_type = #tpu.core_type<tc>} {
    %get3A = arith.constant 0 : index
    %get3A_0 = arith.constant 0 : index
    %get3A_1 = vector.load %arg0[%get3A, %get3A_0] : memref<10240x128xf32, #tpu.memory_space<vmem>>, vector<10240x128xf32>
    %get3A_2 = arith.constant 0 : index
    %get3A_3 = arith.constant 0 : index
    %get3A_4 = vector.load %arg1[%get3A_2, %get3A_3] : memref<128x128xf32, #tpu.memory_space<vmem>>, vector<128x128xf32>
    %dot_general3A = arith.constant dense<0.000000e+00> : vector<10240x128xf32>
    %dot_general3A_5 = tpu.matmul %get3A_1, %get3A_4, %dot_general3A {dimension_numbers = #tpu.dot_dimension_numbers<[1], [0], [0], [1], [0, 0, 1, 1], [], []>, transpose_lhs_hint = false} : vector<10240x128xf32>, vector<128x128xf32>, vector<10240x128xf32> -> vector<10240x128xf32>
    %swap3A = arith.constant 0 : index
    %swap3A_6 = arith.constant 0 : index
    %swap3A_7 = vector.load %arg2[%swap3A, %swap3A_6] : memref<10240x128xf32, #tpu.memory_space<vmem>>, vector<10240x128xf32>
    tpu.vector_store %arg2[%swap3A, %swap3A_6], %dot_general3A_5 {strides = array<i32>} : memref<10240x128xf32, #tpu.memory_space<vmem>>, vector<10240x128xf32>,
    return
  }
}

module attributes {stable_mosaic.version = 14 : i64} {
  func.func @body(%arg0: memref<2x10240x16xf32, #tpu.memory_space<vmem>>, %arg1: memref<10240x128xf32, #tpu.memory_space<vmem>>, %arg2: memref<2x10240x64xf32, #tpu.memory_space<vmem>>, %arg3: memref<10240x1xf32, #tpu.memory_space<vmem>>, %arg4: memref<10240x1xf32, #tpu.memory_space<vmem>>) attributes {dimension_semantics = [], scalar_prefetch = 0 : i64, scratch_operands = 0 : i64, tpu.core_type = #tpu.core_type<tc>} {
    %get3A = arith.constant 0 : index
    %get3A_0 = arith.constant 0 : index
    %get3A_1 = arith.constant 0 : index
    %get3A_2 = vector.load %arg0[%get3A, %get3A_0, %get3A_1] : memref<2x10240x16xf32, #tpu.memory_space<vmem>>, vector<1x10240x1xf32>
    %get3A_3 = vector.shape_cast %get3A_2 : vector<1x10240x1xf32> to vector<10240x1xf32>
    %max3A = arith.constant 1.000000e+00 : f32
    %max3A_4 = vector.broadcast %max3A : f32 to vector<10240x1xf32>
    %max3A_5 = arith.maximumf %get3A_3, %max3A_4 : vector<10240x1xf32>
    %rsqrt3A = math.rsqrt %max3A_5 : vector<10240x1xf32>
    %get3A_6 = arith.constant 1 : index
    %get3A_7 = arith.constant 0 : index
    %get3A_8 = arith.constant 0 : index
    %get3A_9 = vector.load %arg0[%get3A_6, %get3A_7, %get3A_8] : memref<2x10240x16xf32, #tpu.memory_space<vmem>>, vector<1x10240x1xf32>
    %get3A_10 = vector.shape_cast %get3A_9 : vector<1x10240x1xf32> to vector<10240x1xf32>
    %max3A_11 = arith.constant 1.000000e+00 : f32
    %max3A_12 = vector.broadcast %max3A_11 : f32 to vector<10240x1xf32>
    %max3A_13 = arith.maximumf %get3A_10, %max3A_12 : vector<10240x1xf32>
    %rsqrt3A_14 = math.rsqrt %max3A_13 : vector<10240x1xf32>
    %swap3A = arith.constant 0 : index
    %swap3A_15 = arith.constant 0 : index
    %swap3A_16 = vector.load %arg3[%swap3A, %swap3A_15] : memref<10240x1xf32, #tpu.memory_space<vmem>>, vector<10240x1xf32>
    tpu.vector_store %arg3[%swap3A, %swap3A_15], %rsqrt3A {strides = array<i32>} : memref<10240x1xf32, #tpu.memory_space<vmem>>, vector<10240x1xf32>,
    %swap3A_17 = arith.constant 0 : index
    %swap3A_18 = arith.constant 0 : index
    %swap3A_19 = vector.load %arg4[%swap3A_17, %swap3A_18] : memref<10240x1xf32, #tpu.memory_space<vmem>>, vector<10240x1xf32>
    tpu.vector_store %arg4[%swap3A_17, %swap3A_18], %rsqrt3A_14 {strides = array<i32>} : memref<10240x1xf32, #tpu.memory_space<vmem>>, vector<10240x1xf32>,
    %get3A_20 = arith.constant 0 : index
    %get3A_21 = arith.constant 0 : index
    %get3A_22 = vector.load %arg1[%get3A_20, %get3A_21] : memref<10240x128xf32, #tpu.memory_space<vmem>>, vector<10240x128xf32>
    %mul3A = vector.broadcast %rsqrt3A : vector<10240x1xf32> to vector<10240x128xf32>
    %mul3A_23 = arith.mulf %get3A_22, %mul3A : vector<10240x128xf32>
    %slice3A = vector.extract_strided_slice %mul3A_23 {offsets = [0, 0], sizes = [10240, 64], strides = [1, 1]} : vector<10240x128xf32> to vector<10240x64xf32>
    %swap3A_24 = arith.constant 0 : index
    %swap3A_25 = arith.constant 0 : index
    %swap3A_26 = arith.constant 0 : index
    %swap3A_27 = vector.load %arg2[%swap3A_24, %swap3A_25, %swap3A_26] : memref<2x10240x64xf32, #tpu.memory_space<vmem>>, vector<1x10240x64xf32>
    %swap3A_28 = vector.shape_cast %swap3A_27 : vector<1x10240x64xf32> to vector<10240x64xf32>
    %swap3A_29 = vector.shape_cast %slice3A : vector<10240x64xf32> to vector<1x10240x64xf32>
    tpu.vector_store %arg2[%swap3A_24, %swap3A_25, %swap3A_26], %swap3A_29 {strides = array<i32>} : memref<2x10240x64xf32, #tpu.memory_space<vmem>>, vector<1x10240x64xf32>,
    %slice3A_30 = vector.extract_strided_slice %mul3A_23 {offsets = [0, 64], sizes = [10240, 64], strides = [1, 1]} : vector<10240x128xf32> to vector<10240x64xf32>
    %swap3A_31 = arith.constant 1 : index
    %swap3A_32 = arith.constant 0 : index
    %swap3A_33 = arith.constant 0 : index
    %swap3A_34 = vector.load %arg2[%swap3A_31, %swap3A_32, %swap3A_33] : memref<2x10240x64xf32, #tpu.memory_space<vmem>>, vector<1x10240x64xf32>
    %swap3A_35 = vector.shape_cast %swap3A_34 : vector<1x10240x64xf32> to vector<10240x64xf32>
    %swap3A_36 = vector.shape_cast %slice3A_30 : vector<10240x64xf32> to vector<1x10240x64xf32>
    tpu.vector_store %arg2[%swap3A_31, %swap3A_32, %swap3A_33], %swap3A_36 {strides = array<i32>} : memref<2x10240x64xf32, #tpu.memory_space<vmem>>, vector<1x10240x64xf32>,
    return
  }
}

module attributes {stable_mosaic.version = 14 : i64} {
  func.func @body(%arg0: memref<2x10240x64xf32, #tpu.memory_space<vmem>>, %arg1: memref<10240x1xf32, #tpu.memory_space<vmem>>, %arg2: memref<10240x1xf32, #tpu.memory_space<vmem>>, %arg3: memref<1x128xf32, #tpu.memory_space<vmem>>, %arg4: memref<128x128xf32, #tpu.memory_space<vmem>>, %arg5: memref<2x10240x64xf32, #tpu.memory_space<vmem>>) attributes {dimension_semantics = [], scalar_prefetch = 0 : i64, scratch_operands = 0 : i64, tpu.core_type = #tpu.core_type<tc>} {
    %get3A = arith.constant 0 : index
    %get3A_0 = arith.constant 0 : index
    %get3A_1 = arith.constant 0 : index
    %get3A_2 = vector.load %arg0[%get3A, %get3A_0, %get3A_1] : memref<2x10240x64xf32, #tpu.memory_space<vmem>>, vector<1x10240x64xf32>
    %get3A_3 = vector.shape_cast %get3A_2 : vector<1x10240x64xf32> to vector<10240x64xf32>
    %get3A_4 = arith.constant 1 : index
    %get3A_5 = arith.constant 0 : index
    %get3A_6 = arith.constant 0 : index
    %get3A_7 = vector.load %arg0[%get3A_4, %get3A_5, %get3A_6] : memref<2x10240x64xf32, #tpu.memory_space<vmem>>, vector<1x10240x64xf32>
    %get3A_8 = vector.shape_cast %get3A_7 : vector<1x10240x64xf32> to vector<10240x64xf32>
    %concatenate3A = tpu.concatenate %get3A_3, %get3A_8 in 1 : vector<10240x64xf32>, vector<10240x64xf32> -> vector<10240x128xf32>
    %get3A_9 = arith.constant 0 : index
    %get3A_10 = arith.constant 0 : index
    %get3A_11 = vector.load %arg2[%get3A_9, %get3A_10] : memref<10240x1xf32, #tpu.memory_space<vmem>>, vector<10240x1xf32>
    %mul3A = vector.broadcast %get3A_11 : vector<10240x1xf32> to vector<10240x128xf32>
    %mul3A_12 = arith.mulf %concatenate3A, %mul3A : vector<10240x128xf32>
    %get3A_13 = arith.constant 0 : index
    %get3A_14 = arith.constant 0 : index
    %get3A_15 = vector.load %arg3[%get3A_13, %get3A_14] : memref<1x128xf32, #tpu.memory_space<vmem>>, vector<1x128xf32>
    %add3A = vector.broadcast %get3A_15 : vector<1x128xf32> to vector<10240x128xf32>
    %add3A_16 = arith.addf %mul3A_12, %add3A : vector<10240x128xf32>
    %max3A = arith.constant 0.000000e+00 : f32
    %max3A_17 = vector.broadcast %max3A : f32 to vector<10240x128xf32>
    %max3A_18 = arith.maximumf %add3A_16, %max3A_17 : vector<10240x128xf32>
    %get3A_19 = arith.constant 0 : index
    %get3A_20 = arith.constant 0 : index
    %get3A_21 = vector.load %arg1[%get3A_19, %get3A_20] : memref<10240x1xf32, #tpu.memory_space<vmem>>, vector<10240x1xf32>
    %mul3A_22 = vector.broadcast %get3A_21 : vector<10240x1xf32> to vector<10240x128xf32>
    %mul3A_23 = arith.mulf %max3A_18, %mul3A_22 : vector<10240x128xf32>
    %get3A_24 = arith.constant 0 : index
    %get3A_25 = arith.constant 0 : index
    %get3A_26 = vector.load %arg4[%get3A_24, %get3A_25] : memref<128x128xf32, #tpu.memory_space<vmem>>, vector<128x128xf32>
    %dot_general3A = arith.constant dense<0.000000e+00> : vector<10240x128xf32>
    %dot_general3A_27 = tpu.matmul %mul3A_23, %get3A_26, %dot_general3A {dimension_numbers = #tpu.dot_dimension_numbers<[1], [0], [0], [1], [0, 0, 1, 1], [], []>, transpose_lhs_hint = false} : vector<10240x128xf32>, vector<128x128xf32>, vector<10240x128xf32> -> vector<10240x128xf32>
    %slice3A = vector.extract_strided_slice %dot_general3A_27 {offsets = [0, 0], sizes = [10240, 64], strides = [1, 1]} : vector<10240x128xf32> to vector<10240x64xf32>
    %swap3A = arith.constant 0 : index
    %swap3A_28 = arith.constant 0 : index
    %swap3A_29 = arith.constant 0 : index
    %swap3A_30 = vector.load %arg5[%swap3A, %swap3A_28, %swap3A_29] : memref<2x10240x64xf32, #tpu.memory_space<vmem>>, vector<1x10240x64xf32>
    %swap3A_31 = vector.shape_cast %swap3A_30 : vector<1x10240x64xf32> to vector<10240x64xf32>
    %swap3A_32 = vector.shape_cast %slice3A : vector<10240x64xf32> to vector<1x10240x64xf32>
    tpu.vector_store %arg5[%swap3A, %swap3A_28, %swap3A_29], %swap3A_32 {strides = array<i32>} : memref<2x10240x64xf32, #tpu.memory_space<vmem>>, vector<1x10240x64xf32>,
    %slice3A_33 = vector.extract_strided_slice %dot_general3A_27 {offsets = [0, 64], sizes = [10240, 64], strides = [1, 1]} : vector<10240x128xf32> to vector<10240x64xf32>
    %swap3A_34 = arith.constant 1 : index
    %swap3A_35 = arith.constant 0 : index
    %swap3A_36 = arith.constant 0 : index
    %swap3A_37 = vector.load %arg5[%swap3A_34, %swap3A_35, %swap3A_36] : memref<2x10240x64xf32, #tpu.memory_space<vmem>>, vector<1x10240x64xf32>
    %swap3A_38 = vector.shape_cast %swap3A_37 : vector<1x10240x64xf32> to vector<10240x64xf32>
    %swap3A_39 = vector.shape_cast %slice3A_33 : vector<10240x64xf32> to vector<1x10240x64xf32>
    tpu.vector_store %arg5[%swap3A_34, %swap3A_35, %swap3A_36], %swap3A_39 {strides = array<i32>} : memref<2x10240x64xf32, #tpu.memory_space<vmem>>, vector<1x10240x64xf32>,
    return
  }
}

module attributes {stable_mosaic.version = 14 : i64} {
  func.func @body(%arg0: memref<2x10240x64xf32, #tpu.memory_space<vmem>>, %arg1: memref<10240x1xf32, #tpu.memory_space<vmem>>, %arg2: memref<1x128xf32, #tpu.memory_space<vmem>>, %arg3: memref<10000x128xf32, #tpu.memory_space<vmem>>) attributes {dimension_semantics = [], scalar_prefetch = 0 : i64, scratch_operands = 0 : i64, tpu.core_type = #tpu.core_type<tc>} {
    %get3A = arith.constant 0 : index
    %get3A_0 = arith.constant 0 : index
    %get3A_1 = arith.constant 0 : index
    %get3A_2 = vector.load %arg0[%get3A, %get3A_0, %get3A_1] : memref<2x10240x64xf32, #tpu.memory_space<vmem>>, vector<1x10000x64xf32>
    %get3A_3 = vector.shape_cast %get3A_2 : vector<1x10000x64xf32> to vector<10000x64xf32>
    %get3A_4 = arith.constant 1 : index
    %get3A_5 = arith.constant 0 : index
    %get3A_6 = arith.constant 0 : index
    %get3A_7 = vector.load %arg0[%get3A_4, %get3A_5, %get3A_6] : memref<2x10240x64xf32, #tpu.memory_space<vmem>>, vector<1x10000x64xf32>
    %get3A_8 = vector.shape_cast %get3A_7 : vector<1x10000x64xf32> to vector<10000x64xf32>
    %concatenate3A = tpu.concatenate %get3A_3, %get3A_8 in 1 : vector<10000x64xf32>, vector<10000x64xf32> -> vector<10000x128xf32>
    %get3A_9 = arith.constant 0 : index
    %get3A_10 = arith.constant 0 : index
    %get3A_11 = vector.load %arg1[%get3A_9, %get3A_10] : memref<10240x1xf32, #tpu.memory_space<vmem>>, vector<10000x1xf32>
    %mul3A = vector.broadcast %get3A_11 : vector<10000x1xf32> to vector<10000x128xf32>
    %mul3A_12 = arith.mulf %concatenate3A, %mul3A : vector<10000x128xf32>
    %get3A_13 = arith.constant 0 : index
    %get3A_14 = arith.constant 0 : index
    %get3A_15 = vector.load %arg2[%get3A_13, %get3A_14] : memref<1x128xf32, #tpu.memory_space<vmem>>, vector<1x128xf32>
    %add3A = vector.broadcast %get3A_15 : vector<1x128xf32> to vector<10000x128xf32>
    %add3A_16 = arith.addf %mul3A_12, %add3A : vector<10000x128xf32>
    %swap3A = arith.constant 0 : index
    %swap3A_17 = arith.constant 0 : index
    %swap3A_18 = vector.load %arg3[%swap3A, %swap3A_17] : memref<10000x128xf32, #tpu.memory_space<vmem>>, vector<10000x128xf32>
    tpu.vector_store %arg3[%swap3A, %swap3A_17], %add3A_16 {strides = array<i32>} : memref<10000x128xf32, #tpu.memory_space<vmem>>, vector<10000x128xf32>,
    return
  }
}

</mosaic_0001>

<sc_bundles>
// kernel: kernel.12.cloned.1.call-start
scs
__scs_entry_jumppad:
0x0: {  	(pc) =	sbr.rel $0x88, $3  }
0x1: {  	(tag) =	ssettag $0x0;
	lr =	simm.s32 $0x1  }
0x2: {  	[smem:$0x3F9B] =	sst lr;
	_ =	strace $0xD0000000  }
0x3: {  	_ = 	snop  }
0x4: {  	_ = 	snop  }
0x5: {  	_ = 	snop  }
0x6: {  	_ = 	snop  }
0x7: {  	_ = 	snop  }
__scs_overlays_trampoline_lowered:
0x8: {  	[smem:$0x3FAA] =	sst s0  }
0x9: {  	[smem:$0x3FAB] =	sst s1  }
0xa: {  	[smem:$0x3FAC] =	sst s2  }
0xb: {  	[smem:$0x3FAD] =	sst s3  }
0xc: {  	[smem:$0x3FAE] =	sst s4  }
0xd: {  	[smem:$0x3FAF] =	sst s5  }
0xe: {  	[smem:$0x3FB0] =	sst s6  }
0xf: {  	[smem:$0x3FB1] =	sst s7  }
0x10: {  	[smem:$0x3FB2] =	sst s8  }
0x11: {  	[smem:$0x3FB3] =	sst s9;
	s0 =	simm.s32 @!p0 $0x0  }
0x12: {  	s1 =	sld [smem:$0x3F99];
	s0 =	simm.s32 @p0 $0x1  }
0x13: {  	[smem:$0x3FB4] =	sst s0;
	s0 =	simm.s32 @!p1 $0x0  }
0x14: {  	s2 =	sld [smem:$0x3F98];
	s0 =	simm.s32 @p1 $0x1  }
0x15: {  	[smem:$0x3FB5] =	sst s0;
	s0 =	simm.s32 @!p2 $0x0  }
0x16: {  	s3 =	sld [smem:$0x3FDB];
	s0 =	simm.s32 @p2 $0x1  }
0x17: {  	s4 =	simm.s32 $0x1BF5;
	[smem:$0x3FB7] =	sst s0  }
0x18: {  	s0 =	sld [smem:$0x3F9A];
	_ =	swait.ge [sflag:s4], $0x0  }
0x19: {  	s7 =	sld [smem:$0x3F9B]  }
0x1a: {  	s8 =	sadd.s32 $0xFFFFE003, lr  }
0x1b: {  	s9 =	sadd.s32 $0xFFFFFEF7, lr;
	s5 =	simm.s32 $0xFFFFFFFF;
	p2 =	slt.u32 s8, $0xFFFFF086  }
0x1c: {  	p1 =	slt.u32 s9, $0xF7A;
	s5 =	simm.s32 @!p2 $0x0  }
0x1d: {  	s5 =	simm.s32 @p1 $0x1;
	p0 =	seq.s32 s7, s2  }
0x1e: {  	s7 =	smul.u32 @!p0 $0xF7A, s2;
	p2 =	seq.s32 @!p0 s5, $0x0  }
0x1f: {  	s9 =	smul.u32 $0xF7A, s1;
	s8 =	simm.s32 @!p0 $0x1BF5;
	p2 =	por !p2, p0  }
0x20: {  	[sflag:s8] =	ssyncset.s32 @!p0 $0xFFFFF086;
	s6 =	sadd.s32 @!p0 s3, s7;
	s7 =	simm.s32 @!p0 $0x108  }
0x21: {  	s3 =	sadd.s32 s3, s9;
	s6 =	sadd.s32 @!p0 $0x88, s6;
	s7 =	simm.s32 @p2 $0x1082  }
0x22: {  	[simem:s7], [sflag:s8] =	dma.local @!p0 [hbm:s6], $0xF7A  }
0x23: {  	s9 =	sor.u32 $0xD0000000, s2;
	s6 =	simm.s32 $0x108;
	_ =	swait.ge @!p0 [sflag:s8], $0x0  }
0x24: {  	s3 =	sadd.s32 $0x88, s3;
	s6 =	simm.s32 @!p1 $0x1082;
	[sflag:s4] =	ssyncset.s32 $0xFFFFF086  }
0x25: {  	[simem:s6], [sflag:s4] =	dma.local [hbm:s3], $0xF7A  }
0x26: {  	[smem:$0x3F9B] =	sst s1;
	(tag) =	ssettag s2;
	_ =	strace s9  }
0x27: {  	s1 =	sld [smem:$0x3FAB]  }
0x28: {  	s2 =	sld [smem:$0x3FAC]  }
0x29: {  	s4 =	sld [smem:$0x3FAE]  }
0x2a: {  	p0 =	seq.s32 s5, $0x0;
	s5 =	sld [smem:$0x3FAF]  }
0x2b: {  	s6 =	sld [smem:$0x3FB0]  }
0x2c: {  	s7 =	sld [smem:$0x3FB1]  }
0x2d: {  	s3 =	simm.s32 $0x108;
	s8 =	sld [smem:$0x3FB2]  }
0x2e: {  	s3 =	simm.s32 @!p0 $0x1082;
	s9 =	sld [smem:$0x3FB3]  }
0x2f: {  	lr =	sadd.s32 s0, s3;
	s0 =	sld [smem:$0x3FAA]  }
0x30: {  	s3 =	sld [smem:$0x3FAD]  }
0x31: {  	[smem:$0x3FB6] =	sst s10  }
0x32: {  	s10 =	sld [smem:$0x3FB4];
	_ =	sdelay $0x3  }
0x33: {  	p0 =	seq.s32 s10, $0x1;
	s10 =	sld [smem:$0x3FB6];
	_ =	sdelay $0x3  }
0x34: {  	[smem:$0x3FB6] =	sst s10  }
0x35: {  	s10 =	sld [smem:$0x3FB5];
	_ =	sdelay $0x3  }
0x36: {  	p1 =	seq.s32 s10, $0x1;
	s10 =	sld [smem:$0x3FB6];
	_ =	sdelay $0x3  }
0x37: {  	[smem:$0x3FB6] =	sst s10  }
0x38: {  	s10 =	sld [smem:$0x3FB7]  }
0x39: {  	_ = 	snop;
	(pc) =	sbr.ind lr, $3  }
0x3a: {  	_ = 	snop  }
0x3b: {  	_ = 	snop  }
0x3c: {  	p2 =	seq.s32 s10, $0x1;
	s10 =	sld [smem:$0x3FB6]  }
0x3d: {  	_ =	shalt  }
0x3e: {  	_ =	shalt  }
0x3f: {  	_ =	shalt  }
0x40: {  	_ =	shalt  }
0x41: {  	_ =	shalt  }
0x42: {  	_ =	shalt  }
0x43: {  	_ =	shalt  }
0x44: {  	_ =	shalt  }
0x45: {  	_ =	shalt  }
0x46: {  	_ =	shalt  }
0x47: {  	_ =	shalt  }
0x48: {  	_ =	shalt  }
0x49: {  	_ =	shalt  }
0x4a: {  	_ =	shalt  }
0x4b: {  	_ =	shalt  }
0x4c: {  	_ =	shalt  }
0x4d: {  	_ =	shalt  }
0x4e: {  	_ =	shalt  }
0x4f: {  	_ =	shalt  }
0x50: {  	_ =	shalt  }
0x51: {  	_ =	shalt  }
0x52: {  	_ =	shalt  }
0x53: {  	_ =	shalt  }
0x54: {  	_ =	shalt  }
0x55: {  	_ =	shalt  }
0x56: {  	_ =	shalt  }
0x57: {  	_ =	shalt  }
0x58: {  	_ =	shalt  }
0x59: {  	_ =	shalt  }
0x5a: {  	_ =	shalt  }
0x5b: {  	_ =	shalt  }
0x5c: {  	_ =	shalt  }
0x5d: {  	_ =	shalt  }
0x5e: {  	_ =	shalt  }
0x5f: {  	_ =	shalt  }
0x60: {  	_ =	shalt  }
0x61: {  	_ =	shalt  }
0x62: {  	_ =	shalt  }
0x63: {  	_ =	shalt  }
0x64: {  	_ =	shalt  }
0x65: {  	_ =	shalt  }
0x66: {  	_ =	shalt  }
0x67: {  	_ =	shalt  }
0x68: {  	_ =	shalt  }
0x69: {  	_ =	shalt  }
0x6a: {  	_ =	shalt  }
0x6b: {  	_ =	shalt  }
0x6c: {  	_ =	shalt  }
0x6d: {  	_ =	shalt  }
0x6e: {  	_ =	shalt  }
0x6f: {  	_ =	shalt  }
0x70: {  	_ =	shalt  }
0x71: {  	_ =	shalt  }
0x72: {  	_ =	shalt  }
0x73: {  	_ =	shalt  }
0x74: {  	_ =	shalt  }
0x75: {  	_ =	shalt  }
0x76: {  	_ =	shalt  }
0x77: {  	_ =	shalt  }
0x78: {  	_ =	shalt  }
0x79: {  	_ =	shalt  }
0x7a: {  	_ =	shalt  }
0x7b: {  	_ =	shalt  }
0x7c: {  	_ =	shalt  }
0x7d: {  	_ =	shalt  }
0x7e: {  	_ =	shalt  }
0x7f: {  	_ =	shalt  }
0x80: {  	_ =	shalt  }
0x81: {  	_ =	shalt  }
0x82: {  	_ =	shalt  }
0x83: {  	_ =	shalt  }
0x84: {  	_ =	shalt  }
0x85: {  	_ =	shalt  }
0x86: {  	_ =	shalt  }
0x87: {  	_ =	shalt  }
.Lfunc_end0:
.L_simem_size_0:
called_computation.1_lowered:
.L_overlay_start_0:
0x88: {  	s2 =	sld [smem:$0x3FD9]  }
0x89: {  	s3 =	sld [smem:$0x3FFE];
	_ =	sdelay $0x1  }
0x8a: {  	s1 =	srdreg.scid  }
0x8b: {  	s0 =	sand.u32 $0x1, s1  }
0x8c: {  	s16 =	sshll.u32 s0, $0xA;
	s2 =	sadd.s32 s3, s2  }
0x8d: {  	s2 =	sadd.s32 s2, s16  }
0x8e: {  	[smem:$0x3FC2] =	sst s2  }
0x8f: {  	_ = 	snop  }
0x90: {  	(tm) =	ssettm $0x1  }
0x91: {  	s17 =	sld [smem:$0x3FFB];
	_ =	sdelay $0x3  }
0x92: {  	_ =	strace s17  }
0x93: {  	s2 =	sld [smem:$0x3FFC];
	_ =	sdelay $0x3  }
0x94: {  	_ =	strace s2  }
0x95: {  	s2 =	sld [smem:$0x3FFD];
	_ =	sdelay $0x3  }
0x96: {  	_ =	strace s2  }
0x97: {  	_ =	strace $0x8FFFFFFF  }
0x98: {  	s18 =	sld [smem:$0x3FDB];
	_ =	sdelay $0x1  }
0x99: {  	s19 =	simm.s32 $_scs_section_size  }
0x9a: {  	s4 =	simm.s32 $_size__tile_overlayer_lowered;
	s5 =	simm.s32 $_tile_overlayer_lowered  }
0x9b: {  	s22 =	simm.s32 $0x1BFF;
	s21 =	sshll.u32 s5, $0x1;
	s2 =	sadd.s32 s19, s18  }
0x9c: {  	s6 =	simm.s32 $0x0;
	s20 =	sshll.u32 s4, $0x1;
	s4 =	sadd.s32 s21, s2  }
0x9d: {  	[timem:s6], [sflag:s22] =	dma.local [hbm:s4], s20  }
0x9e: {  	_ =	swait.ge [sflag:s22], s20  }
0x9f: {  	s3 =	ssub.s32 $0x0, s20;
	[sflag:s22] =	ssyncset.done $0x0  }
0xa0: {  	[sflag:s22] =	ssyncadd.s32 s3;
	_ =	sdelay $0x1  }
0xa1: {  	s23 =	simm.s32 $0x1B8B  }
0xa2: {  	_ =	swait.ge [sflag:s23], $0x1  }
0xa3: {  	[sflag:s23] =	ssyncset.done $0x0  }
0xa4: {  	s25 =	simm.s32 $0x1B8E;
	s24 =	sld [smem:$0x3FFE];
	[sflag:s23] =	ssyncadd.s32 $0xFFFFFFFF  }
0xa5: {  	s26 =	simm.s32 $execute0_lowered;
	[smem:$0x3FD2] =	sst s25  }
0xa6: {  	s4 =	sshll.u32 s26, $0x1;
	_ =	strace $0x80000049;
	[dreg:$0x1] =	wrdreg $0xFFFFFFFF  }
0xa7: {  	s28 =	simm.s32 $_size_execute0_lowered;
	s2 =	sadd.s32 s2, s4;
	[dreg:$0x0] =	wrdreg $0x0  }
0xa8: {  	s4 =	sshll.u32 s28, $0x1;
	[dreg:$0x2] =	wrdreg s2  }
0xa9: {  	[dreg:$0x3] =	wrdreg s4  }
0xaa: {  	[dreg:$0x4] =	wrdreg $0xC0  }
0xab: {  	_ =	task [dreg:s6], $0x5FFFF  }
0xac: {  	[dreg:$0x1] =	wrdreg $0xFFFFFFFF  }
0xad: {  	[dreg:$0x0] =	wrdreg $0x60  }
0xae: {  	[dreg:$0x2] =	wrdreg s24  }
0xaf: {  	[dreg:$0x3] =	wrdreg $0x150000  }
0xb0: {  	[dreg:$0x4] =	wrdreg $0x9  }
0xb1: {  	_ =	task.clear_ibuf [dreg:s6], $0x5FFFF;
	_ =	strace $0x90000049  }
0xb2: {  	s29 =	simm.s32 $0x9;
	_ =	strace $0x8000004B  }
0xb3: {  	_ =	swait.ge [sflag:s29], $0x1  }
0xb4: {  	[sflag:s29] =	ssyncadd.s32 $0xFFFFFFFF  }
0xb5: {  	_ =	strace $0x9000004B  }
0xb6: {  	_ =	sfence  }
0xb7: {  	s30 =	sld [smem:$0x0];
	_ =	sdelay $0x2  }
0xb8: {  	s31 =	sshll.u32 s1, $0xD;
	s1 =	sshrl.u32 s1, $0x2  }
0xb9: {  	s3 =	sand.u32 $0x4000, s31;
	s1 =	sadd.s32 s1, s30  }
0xba: {  	s0 =	sor.u32 s3, s0;
	s1 =	sshll.u32 s1, $0x11  }
0xbb: {  	s0 =	sor.u32 s1, s0  }
0xbc: {  	s0 =	sadd.s32 $0x8F2B, s0  }
0xbd: {  	[sflag:s0] =	ssyncadd.remote.s32 $0x1  }
0xbe: {  	_ =	sfence.sel $0xFFFF  }
0xbf: {  	[dreg:$0x0] =	wrdreg $0xFFFFFFFF;
	(pc) =	sbr.abs _section_cstart, $3  }
0xc0: {  	[dreg:$0x1] =	wrdreg $0xFFFFFFFF  }
0xc1: {  	_ =	task.clear_ibuf [dreg:s6], $0x2FFFF;
	_ =	strace $0x9FFFFFFF  }
0xc2: {  	(tm) =	ssettm $0x7FFFFFFF  }
0xc3: {  	_ =	shalt  }
tec
execute0_lowered:
.L_overlay_start_1:
0x0: {  	(tag) =	ssettag $0x1  }
0x1: {  	s0 =	rddreg [dreg:$0x0]  }
0x2: {  	s1 =	rddreg [dreg:$0x1]  }
0x3: {  	s2 =	srdreg.scid;
	s3 =	simm.s32 $0x0;
	s11 =	stileid.u32  }
0x4: {  	s28 =	simm.s32 $0x2;
	s29 =	simm.s32 $0xF000;
	s5 =	smul.u32 $0xA000, s11  }
0x5: {  	s30 =	simm.s32 $0x3;
	s31 =	simm.s32 $0x11000;
	s7 =	smul.u32 $0x28000, s11  }
0x6: {  	s2 =	sand.u32 $0x1, s2;
	[smem:$0x7FF] =	sst s3;
	s11 =	smul.u32 $0x5000, s11  }
0x7: {  	s8 =	sadd.s32 $0x1C00, s0;
	s9 =	sadd.s32 $0xBC00, s0;
	s4 =	smul.u32 $0xA0000, s2  }
0x8: {  	_ =	strace $0x8000004A;
	s2 =	ssub.s32 $0x2, s2;
	s16 =	sshrl.u32 s7, $0x2  }
0x9: {  	s17 =	sshrl.u32 s2, $0x1;
	s21 =	sshrl.u32 s11, $0x3;
	s7 =	simm.s32 $0x8  }
0xa: {  	s6 =	sshrl.u32 s4, $0x3;
	s4 =	sadd.s32 s5, s4;
	s10 =	sadd.s32 s16, s1  }
0xb: {  	s2 =	ssub.s32 s2, s17;
	s23 =	sadd.s32 s8, s21;
	s24 =	sadd.s32 $0x500, s21  }
0xc: {  	s16 =	simm.s32 $0x5000;
	s17 =	simm.s32 $0x9;
	s6 =	sadd.s32 s6, s0  }
0xd: {  	s4 =	sshrl.u32 s4, $0x3;
	s18 =	sadd.s32 $0x2000, s10;
	s19 =	sadd.s32 $0x4000, s10  }
0xe: {  	s20 =	sadd.s32 $0x6000, s10;
	s22 =	sadd.s32 $0x8000, s10;
	[dreg:$0x7] =	wrdreg s23  }
0xf: {  	s25 =	sadd.s32 s8, s24;
	s26 =	sadd.s32 s9, s24;
	[dreg:$0x3] =	wrdreg s18  }
0x10: {  	s15 =	smax.u32 s2, $0x1;
	s23 =	simm.s32 $0x180;
	[dreg:$0x4] =	wrdreg s19  }
0x11: {  	s24 =	simm.s32 $0xB000;
	s2 =	simm.s32 $0x13000;
	[dreg:$0x5] =	wrdreg s20  }
0x12: {  	s8 =	simm.s32 $0x6;
	s0 =	sadd.s32 s4, s0;
	[dreg:$0x6] =	wrdreg s22  }
0x13: {  	s4 =	sadd.s32 s5, s1;
	s5 =	sadd.s32 s9, s21;
	[dreg:$0x9] =	wrdreg s25  }
.Ltmp0:
0x14: {  	s11 =	sadd.s32 $0x15C00, s6;
	[dreg:$0xa] =	wrdreg s26;
	(pc) =	sbr.rel .LBB2_1-.Ltmp0, $4  }
0x15: {  	s19 =	simm.s32 $0x80;
	s20 =	simm.s32 $0x7000;
	s21 =	simm.s32 $0x100  }
0x16: {  	s22 =	simm.s32 $0x9000;
	s25 =	simm.s32 $0x1;
	s26 =	simm.s32 $0xD000  }
0x17: {  	s6 =	simm.s32 $0x7;
	[dreg:$0x8] =	wrdreg s5;
	s0 =	sadd.s32 $0x3DC00, s0  }
0x18: {  	v0 =	vimm.f32 $0.0e+00;
	s5 =	simm.s32 $0x5;
	[dreg:$0xb] =	wrdreg s0;
	s0 =	simm.s32 $0x4  }
.LBB2_9:
0x19: {  	_ =	swait.ge [sflag:s0], $0x2000  }
0x1a: {  	[sflag:s0] =	ssyncset.done $0x0  }
0x1b: {  	[sflag:s0] =	ssyncadd.s32 $0xFFFFE000  }
0x1c: {  	_ =	swait.ge [sflag:s7], $0x2000  }
0x1d: {  	[sflag:s7] =	ssyncset.done $0x0  }
0x1e: {  	s9 =	sadd.s32 $0x2B80, s10;
	[sflag:s7] =	ssyncadd.s32 $0xFFFFE000  }
0x1f: {  	[spmem:s1] =	stream.indirect.scatter.add.f32 [tilespmem:s2], [sflag:$0x8], $0x40, s9, s19, $0xb8;
	[tilespmem:$0x1F000] =	vst v63  }
0x20: {  	_ =	swait.ge [sflag:s5], $0x2000  }
0x21: {  	[sflag:s5] =	ssyncset.done $0x0  }
0x22: {  	[sflag:s5] =	ssyncadd.s32 $0xFFFFE000  }
0x23: {  	_ =	swait.ge [sflag:s8], $0x2000  }
0x24: {  	[sflag:s8] =	ssyncset.done $0x0  }
0x25: {  	[sflag:s8] =	ssyncadd.s32 $0xFFFFE000  }
0x26: {  	_ =	swait.ge [sflag:s6], $0x2000  }
0x27: {  	[sflag:s6] =	ssyncset.done $0x0  }
0x28: {  	[sflag:s6] =	ssyncadd.s32 $0xFFFFE000  }
0x29: {  	_ =	swait.ge [sflag:s7], $0x2000  }
0x2a: {  	s14 =	stileid.u32;
	[sflag:s7] =	ssyncset.done $0x0  }
0x2b: {  	s18 =	sshrl.u32 s4, $0x3;
	s3 =	sadd.s32 $0x1, s3;
	[sflag:s7] =	ssyncadd.s32 $0xFFFFE000  }
0x2c: {  	p0 =	sne.s32 s3, s15;
	s9 =	sshll.u32 s14, $0x6;
	[bflag:$0x0] =	sbarrier.arrive $0xFFFF  }
.Ltmp1:
0x2d: {  	s9 =	sor.u32 $0x1C09, s9;
	s12 =	rddreg [dreg:$0xb];
	(pc) =	sbr.rel @!p0 .LBB2_10-.Ltmp1, $4  }
0x2e: {  	[hbm:s12], [sflag:s9] =	dma.local [spmem:s18], $0x1400  }
0x2f: {  	_ =	swait.ge [sflag:s17], $0x1400  }
0x30: {  	[sflag:s17] =	ssyncset.done $0x0  }
0x31: {  	[sflag:s17] =	ssyncadd.s32 $0xFFFFEC00  }
.LBB2_1:
0x32: {  	s10 =	simm.s32 $0x100;
	s9 =	simm.s32 $0x0  }
.LBB2_2:
0x33: {  	p0 =	sne.s32 s10, $0x7F00;
	[tilespmem:s9+$0x5030] =	vst v0;
	s18 =	smov.u32 s10;
	s10 =	sadd.s32 $0x100, s10  }
.Ltmp2:
0x34: {  	[tilespmem:s9+$0x5020] =	vst v0;
	(pc) =	sbr.rel @p0 .LBB2_2-.Ltmp2, $3  }
0x35: {  	[tilespmem:s9+$0x5000] =	vst v0  }
0x36: {  	[tilespmem:s9+$0x5010] =	vst v0;
	_ =	sdelay $0x1  }
0x37: {  	s9 =	sshra.s32 s18, $0x2  }
0x38: {  	[tilespmem:s9+$0x5030] =	vst v0  }
0x39: {  	[tilespmem:s9+$0x5020] =	vst v0  }
0x3a: {  	[tilespmem:s9+$0x5000] =	vst v0  }
0x3b: {  	[tilespmem:s9+$0x5010] =	vst v0  }
0x3c: {  	[spmem:s4] =	stream.linear.scatter [tilespmem:s16], [sflag:$0x9], $0x2000, $0x38;
	[tilespmem:$0x1F000] =	vst v63  }
0x3d: {  	_ =	swait.ge [sflag:s17], $0x2000  }
0x3e: {  	[sflag:s17] =	ssyncset.done $0x0  }
0x3f: {  	s10 =	rddreg [dreg:$0x3];
	[sflag:s17] =	ssyncadd.s32 $0xFFFFE000  }
0x40: {  	[spmem:s10] =	stream.linear.scatter [tilespmem:s16], [sflag:$0x9], $0x2000, $0x38;
	[tilespmem:$0x1F000] =	vst v63  }
0x41: {  	_ =	swait.ge [sflag:s17], $0x2000  }
0x42: {  	[sflag:s17] =	ssyncset.done $0x0  }
0x43: {  	s12 =	rddreg [dreg:$0x4];
	[sflag:s17] =	ssyncadd.s32 $0xFFFFE000  }
0x44: {  	[spmem:s12] =	stream.linear.scatter [tilespmem:s16], [sflag:$0x9], $0x2000, $0x38;
	[tilespmem:$0x1F000] =	vst v63  }
0x45: {  	_ =	swait.ge [sflag:s17], $0x2000  }
0x46: {  	[sflag:s17] =	ssyncset.done $0x0  }
0x47: {  	s13 =	rddreg [dreg:$0x5];
	[sflag:s17] =	ssyncadd.s32 $0xFFFFE000  }
0x48: {  	[spmem:s13] =	stream.linear.scatter [tilespmem:s16], [sflag:$0x9], $0x2000, $0x38;
	[tilespmem:$0x1F000] =	vst v63  }
0x49: {  	_ =	swait.ge [sflag:s17], $0x2000  }
0x4a: {  	[sflag:s17] =	ssyncset.done $0x0  }
0x4b: {  	s14 =	rddreg [dreg:$0x6];
	[sflag:s17] =	ssyncadd.s32 $0xFFFFE000  }
0x4c: {  	[spmem:s14] =	stream.linear.scatter [tilespmem:s16], [sflag:$0x9], $0x2000, $0x38;
	[tilespmem:$0x1F000] =	vst v63  }
0x4d: {  	_ =	swait.ge [sflag:s17], $0x2000  }
0x4e: {  	[sflag:s17] =	ssyncset.done $0x0  }
0x4f: {  	[sflag:s17] =	ssyncadd.s32 $0xFFFFE000  }
0x50: {  	[bflag:$0x0] =	sbarrier.arrive $0xFFFF  }
0x51: {  	s9 =	simm.s32 $0x0;
	s10 =	rddreg [dreg:$0x7]  }
0x52: {  	[tilespmem:s9], [sflag:$0x9] =	stream.linear.gather [hbm4b:s10+s9], $0x2800, $0x38;
	[tilespmem:$0x1F000] =	vst v63  }
0x53: {  	_ =	swait.ge [sflag:s17], $0x2800  }
0x54: {  	[sflag:s17] =	ssyncset.done $0x0  }
0x55: {  	s12 =	simm.s32 $0x2800;
	s18 =	rddreg [dreg:$0x8];
	[sflag:s17] =	ssyncadd.s32 $0xFFFFD800  }
0x56: {  	[tilespmem:s12], [sflag:$0x9] =	stream.linear.gather [hbm4b:s18+s9], $0x2800, $0x38;
	[tilespmem:$0x1F000] =	vst v63  }
0x57: {  	_ =	swait.ge [sflag:s17], $0x2800  }
0x58: {  	[sflag:s17] =	ssyncset.done $0x0  }
0x59: {  	[sflag:s17] =	ssyncadd.s32 $0xFFFFD800  }
0x5a: {  	[tilespmem:s16], [sflag:$0x1] =	stream.indirect.gather [hbm4b:s11+s19], $0x40, s9, s19, $0xb8;
	[tilespmem:$0x1F000] =	vst v63  }
0x5b: {  	_ = 	snop  }
0x5c: {  	[tilespmem:s20], [sflag:$0x2] =	stream.indirect.gather [hbm4b:s11+s19], $0x40, s19, s19, $0xb8;
	[tilespmem:$0x1F000] =	vst v63  }
0x5d: {  	_ = 	snop  }
0x5e: {  	[tilespmem:s22], [sflag:$0x3] =	stream.indirect.gather [hbm4b:s11+s19], $0x40, s21, s19, $0xb8;
	[tilespmem:$0x1F000] =	vst v63  }
0x5f: {  	_ = 	snop  }
0x60: {  	[tilespmem:s24], [sflag:$0x4] =	stream.indirect.gather [hbm4b:s11+s19], $0x40, s23, s19, $0xb8;
	[tilespmem:$0x1F000] =	vst v63  }
.LBB2_4:
0x61: {  	_ =	swait.ge [sflag:s25], $0x2000  }
0x62: {  	p0 =	seq.s32 s9, $0x0;
	[sflag:s25] =	ssyncset.done $0x0  }
0x63: {  	s18 =	simm.s32 @!p0 $0x5;
	[sflag:s25] =	ssyncadd.s32 $0xFFFFE000  }
0x64: {  	_ =	swait.ge @!p0 [sflag:s18], $0x2000  }
0x65: {  	s10 =	sshra.s32 s9, $0x2;
	[sflag:s18] =	ssyncset.done @!p0 $0x0  }
0x66: {  	s12 =	sadd.s32 $0x2800, s10;
	[sflag:s18] =	ssyncadd.s32 @!p0 $0xFFFFE000  }
0x67: {  	[spmem:s1] =	stream.indirect.scatter.add.f32 [tilespmem:s16], [sflag:$0x5], $0x40, s12, s19, $0xb8;
	[tilespmem:$0x1F000] =	vst v63  }
0x68: {  	s13 =	sadd.s32 $0x200, s10  }
0x69: {  	[tilespmem:s26], [sflag:$0x1] =	stream.indirect.gather [hbm4b:s11+s19], $0x40, s13, s19, $0xb8;
	[tilespmem:$0x1F000] =	vst v63  }
0x6a: {  	_ =	swait.ge [sflag:s28], $0x2000  }
0x6b: {  	[sflag:s28] =	ssyncset.done $0x0  }
0x6c: {  	s18 =	simm.s32 @!p0 $0x6;
	[sflag:s28] =	ssyncadd.s32 $0xFFFFE000  }
0x6d: {  	_ =	swait.ge @!p0 [sflag:s18], $0x2000  }
0x6e: {  	[sflag:s18] =	ssyncset.done @!p0 $0x0  }
0x6f: {  	s14 =	sadd.s32 $0x2880, s10;
	[sflag:s18] =	ssyncadd.s32 @!p0 $0xFFFFE000  }
0x70: {  	[spmem:s1] =	stream.indirect.scatter.add.f32 [tilespmem:s20], [sflag:$0x6], $0x40, s14, s19, $0xb8;
	[tilespmem:$0x1F000] =	vst v63  }
0x71: {  	s12 =	sadd.s32 $0x280, s10  }
0x72: {  	[tilespmem:s29], [sflag:$0x2] =	stream.indirect.gather [hbm4b:s11+s19], $0x40, s12, s19, $0xb8;
	[tilespmem:$0x1F000] =	vst v63  }
0x73: {  	_ =	swait.ge [sflag:s30], $0x2000  }
0x74: {  	[sflag:s30] =	ssyncset.done $0x0  }
0x75: {  	s18 =	simm.s32 @!p0 $0x7;
	[sflag:s30] =	ssyncadd.s32 $0xFFFFE000  }
0x76: {  	_ =	swait.ge @!p0 [sflag:s18], $0x2000  }
0x77: {  	[sflag:s18] =	ssyncset.done @!p0 $0x0  }
0x78: {  	s13 =	sadd.s32 $0x2900, s10;
	[sflag:s18] =	ssyncadd.s32 @!p0 $0xFFFFE000  }
0x79: {  	[spmem:s1] =	stream.indirect.scatter.add.f32 [tilespmem:s22], [sflag:$0x7], $0x40, s13, s19, $0xb8;
	[tilespmem:$0x1F000] =	vst v63  }
0x7a: {  	s14 =	sadd.s32 $0x300, s10  }
0x7b: {  	[tilespmem:s31], [sflag:$0x3] =	stream.indirect.gather [hbm4b:s11+s19], $0x40, s14, s19, $0xb8;
	[tilespmem:$0x1F000] =	vst v63  }
0x7c: {  	_ =	swait.ge [sflag:s0], $0x2000  }
0x7d: {  	[sflag:s0] =	ssyncset.done $0x0  }
0x7e: {  	s18 =	simm.s32 @!p0 $0x8;
	[sflag:s0] =	ssyncadd.s32 $0xFFFFE000  }
0x7f: {  	_ =	swait.ge @!p0 [sflag:s18], $0x2000  }
0x80: {  	[sflag:s18] =	ssyncset.done @!p0 $0x0  }
0x81: {  	s12 =	sadd.s32 $0x2980, s10;
	[sflag:s18] =	ssyncadd.s32 @!p0 $0xFFFFE000  }
0x82: {  	[spmem:s1] =	stream.indirect.scatter.add.f32 [tilespmem:s24], [sflag:$0x8], $0x40, s12, s19, $0xb8;
	[tilespmem:$0x1F000] =	vst v63  }
0x83: {  	s13 =	sadd.s32 $0x380, s10  }
0x84: {  	[tilespmem:s2], [sflag:$0x4] =	stream.indirect.gather [hbm4b:s11+s19], $0x40, s13, s19, $0xb8;
	[tilespmem:$0x1F000] =	vst v63  }
0x85: {  	_ =	swait.ge [sflag:s25], $0x2000  }
0x86: {  	[sflag:s25] =	ssyncset.done $0x0  }
0x87: {  	[sflag:s25] =	ssyncadd.s32 $0xFFFFE000  }
0x88: {  	_ =	swait.ge [sflag:s5], $0x2000  }
0x89: {  	p0 =	seq.s32 s9, $0x9000;
	[sflag:s5] =	ssyncset.done $0x0  }
0x8a: {  	s14 =	sadd.s32 $0x2A00, s10;
	s18 =	simm.s32 @p0 $0x2;
	[sflag:s5] =	ssyncadd.s32 $0xFFFFE000  }
0x8b: {  	[spmem:s1] =	stream.indirect.scatter.add.f32 [tilespmem:s26], [sflag:$0x5], $0x40, s14, s19, $0xb8;
	[tilespmem:$0x1F000] =	vst v63  }
0x8c: {  	_ =	swait.ge @p0 [sflag:s18], $0x2000  }
0x8d: {  	[sflag:s18] =	ssyncset.done @p0 $0x0  }
0x8e: {  	[sflag:s18] =	ssyncadd.s32 @p0 $0xFFFFE000;
	s18 =	simm.s32 @p0 $0x6  }
0x8f: {  	_ =	swait.ge @p0 [sflag:s18], $0x2000  }
0x90: {  	[sflag:s18] =	ssyncset.done @p0 $0x0  }
0x91: {  	[sflag:s18] =	ssyncadd.s32 @p0 $0xFFFFE000;
	s18 =	sshra.s32 @p0 s9, $0x2  }
0x92: {  	s12 =	simm.s32 @p0 $0x80;
	s13 =	simm.s32 @p0 $0xF000;
	s18 =	sadd.s32 @p0 $0x2A80, s18  }
0x93: {  	[spmem:s1] =	stream.indirect.scatter.add.f32 @p0 [tilespmem:s13], [sflag:$0x6], $0x40, s18, s12, $0xb8;
	[tilespmem:$0x1F000] =	vst v63  }
0x94: {  	s12 =	sshra.s32 @!p0 s9, $0x2  }
0x95: {  	s14 =	simm.s32 @!p0 $0x5000;
	s18 =	simm.s32 @!p0 $0x80;
	s13 =	sadd.s32 @!p0 $0x400, s12  }
0x96: {  	[tilespmem:s14], [sflag:$0x1] =	stream.indirect.gather @!p0 [hbm4b:s11+s18], $0x40, s13, s18, $0xb8;
	[tilespmem:$0x1F000] =	vst v63  }
0x97: {  	s13 =	simm.s32 @!p0 $0x2  }
0x98: {  	_ =	swait.ge @!p0 [sflag:s13], $0x2000  }
0x99: {  	[sflag:s13] =	ssyncset.done @!p0 $0x0  }
0x9a: {  	[sflag:s13] =	ssyncadd.s32 @!p0 $0xFFFFE000;
	s13 =	simm.s32 @!p0 $0x6  }
0x9b: {  	_ =	swait.ge @!p0 [sflag:s13], $0x2000  }
0x9c: {  	[sflag:s13] =	ssyncset.done @!p0 $0x0  }
0x9d: {  	s14 =	simm.s32 @!p0 $0xF000;
	[sflag:s13] =	ssyncadd.s32 @!p0 $0xFFFFE000;
	s13 =	sadd.s32 @!p0 $0x2A80, s12  }
0x9e: {  	[spmem:s1] =	stream.indirect.scatter.add.f32 @!p0 [tilespmem:s14], [sflag:$0x6], $0x40, s13, s18, $0xb8;
	[tilespmem:$0x1F000] =	vst v63  }
0x9f: {  	s12 =	sadd.s32 @!p0 $0x480, s12;
	s13 =	simm.s32 @!p0 $0x7000  }
0xa0: {  	[tilespmem:s13], [sflag:$0x2] =	stream.indirect.gather @!p0 [hbm4b:s11+s18], $0x40, s12, s18, $0xb8;
	[tilespmem:$0x1F000] =	vst v63  }
0xa1: {  	_ =	swait.ge [sflag:s30], $0x2000  }
0xa2: {  	[sflag:s30] =	ssyncset.done $0x0  }
.Ltmp3:
0xa3: {  	[sflag:s30] =	ssyncadd.s32 $0xFFFFE000;
	(pc) =	sbr.rel @p0 .LBB2_6-.Ltmp3, $4  }
0xa4: {  	_ =	swait.ge [sflag:s6], $0x2000  }
0xa5: {  	[sflag:s6] =	ssyncset.done $0x0  }
0xa6: {  	s18 =	sadd.s32 $0x2B00, s10;
	[sflag:s6] =	ssyncadd.s32 $0xFFFFE000  }
0xa7: {  	[spmem:s1] =	stream.indirect.scatter.add.f32 [tilespmem:s31], [sflag:$0x7], $0x40, s18, s19, $0xb8;
	[tilespmem:$0x1F000] =	vst v63  }
0xa8: {  	s12 =	sadd.s32 $0x500, s10  }
0xa9: {  	[tilespmem:s22], [sflag:$0x3] =	stream.indirect.gather [hbm4b:s11+s19], $0x40, s12, s19, $0xb8;
	[tilespmem:$0x1F000] =	vst v63  }
0xaa: {  	_ =	swait.ge [sflag:s0], $0x2000  }
0xab: {  	[sflag:s0] =	ssyncset.done $0x0  }
0xac: {  	[sflag:s0] =	ssyncadd.s32 $0xFFFFE000  }
0xad: {  	_ =	swait.ge [sflag:s7], $0x2000  }
.Ltmp4:
0xae: {  	[sflag:s7] =	ssyncset.done $0x0;
	(pc) =	sbr.rel .LBB2_4-.Ltmp4, $4  }
0xaf: {  	s14 =	sadd.s32 $0x2B80, s10;
	[sflag:s7] =	ssyncadd.s32 $0xFFFFE000  }
0xb0: {  	[spmem:s1] =	stream.indirect.scatter.add.f32 [tilespmem:s2], [sflag:$0x8], $0x40, s14, s19, $0xb8;
	[tilespmem:$0x1F000] =	vst v63  }
0xb1: {  	s18 =	sadd.s32 $0x580, s10;
	s9 =	sadd.s32 $0x1000, s9  }
0xb2: {  	[tilespmem:s24], [sflag:$0x4] =	stream.indirect.gather [hbm4b:s11+s19], $0x40, s18, s19, $0xb8;
	[tilespmem:$0x1F000] =	vst v63  }
.LBB2_6:
0xb3: {  	_ =	swait.ge [sflag:s0], $0x2000  }
0xb4: {  	[sflag:s0] =	ssyncset.done $0x0  }
0xb5: {  	[sflag:s0] =	ssyncadd.s32 $0xFFFFE000  }
0xb6: {  	_ =	swait.ge [sflag:s7], $0x2000  }
0xb7: {  	[sflag:s7] =	ssyncset.done $0x0  }
0xb8: {  	s9 =	sadd.s32 $0x2B80, s10;
	[sflag:s7] =	ssyncadd.s32 $0xFFFFE000  }
0xb9: {  	[spmem:s1] =	stream.indirect.scatter.add.f32 [tilespmem:s2], [sflag:$0x8], $0x40, s9, s19, $0xb8;
	[tilespmem:$0x1F000] =	vst v63  }
0xba: {  	_ =	swait.ge [sflag:s5], $0x2000  }
0xbb: {  	[sflag:s5] =	ssyncset.done $0x0  }
0xbc: {  	[sflag:s5] =	ssyncadd.s32 $0xFFFFE000  }
0xbd: {  	_ =	swait.ge [sflag:s8], $0x2000  }
0xbe: {  	[sflag:s8] =	ssyncset.done $0x0  }
0xbf: {  	[sflag:s8] =	ssyncadd.s32 $0xFFFFE000  }
0xc0: {  	_ =	swait.ge [sflag:s6], $0x2000  }
0xc1: {  	[sflag:s6] =	ssyncset.done $0x0  }
0xc2: {  	[sflag:s6] =	ssyncadd.s32 $0xFFFFE000  }
0xc3: {  	_ =	swait.ge [sflag:s7], $0x2000  }
0xc4: {  	[sflag:s7] =	ssyncset.done $0x0  }
0xc5: {  	s9 =	simm.s32 $0x0;
	s14 =	rddreg [dreg:$0x9];
	[sflag:s7] =	ssyncadd.s32 $0xFFFFE000  }
0xc6: {  	[tilespmem:s9], [sflag:$0x9] =	stream.linear.gather [hbm4b:s14+s9], $0x2800, $0x38;
	[tilespmem:$0x1F000] =	vst v63  }
0xc7: {  	_ =	swait.ge [sflag:s17], $0x2800  }
0xc8: {  	[sflag:s17] =	ssyncset.done $0x0  }
0xc9: {  	s12 =	simm.s32 $0x2800;
	s18 =	rddreg [dreg:$0xa];
	[sflag:s17] =	ssyncadd.s32 $0xFFFFD800  }
0xca: {  	[tilespmem:s12], [sflag:$0x9] =	stream.linear.gather [hbm4b:s18+s9], $0x2800, $0x38;
	[tilespmem:$0x1F000] =	vst v63  }
0xcb: {  	_ =	swait.ge [sflag:s17], $0x2800  }
0xcc: {  	[sflag:s17] =	ssyncset.done $0x0  }
0xcd: {  	[sflag:s17] =	ssyncadd.s32 $0xFFFFD800  }
0xce: {  	[tilespmem:s16], [sflag:$0x1] =	stream.indirect.gather [hbm4b:s11+s19], $0x40, s9, s19, $0xb8;
	[tilespmem:$0x1F000] =	vst v63  }
0xcf: {  	_ = 	snop  }
0xd0: {  	[tilespmem:s20], [sflag:$0x2] =	stream.indirect.gather [hbm4b:s11+s19], $0x40, s19, s19, $0xb8;
	[tilespmem:$0x1F000] =	vst v63  }
0xd1: {  	_ = 	snop  }
0xd2: {  	[tilespmem:s22], [sflag:$0x3] =	stream.indirect.gather [hbm4b:s11+s19], $0x40, s21, s19, $0xb8;
	[tilespmem:$0x1F000] =	vst v63  }
0xd3: {  	_ = 	snop  }
0xd4: {  	[tilespmem:s24], [sflag:$0x4] =	stream.indirect.gather [hbm4b:s11+s19], $0x40, s23, s19, $0xb8;
	[tilespmem:$0x1F000] =	vst v63  }
.LBB2_7:
0xd5: {  	_ =	swait.ge [sflag:s25], $0x2000  }
0xd6: {  	p0 =	seq.s32 s9, $0x0;
	[sflag:s25] =	ssyncset.done $0x0  }
0xd7: {  	s12 =	simm.s32 @!p0 $0x5;
	[sflag:s25] =	ssyncadd.s32 $0xFFFFE000  }
0xd8: {  	_ =	swait.ge @!p0 [sflag:s12], $0x2000  }
0xd9: {  	s10 =	sshra.s32 s9, $0x2;
	[sflag:s12] =	ssyncset.done @!p0 $0x0  }
0xda: {  	s18 =	sadd.s32 $0x2800, s10;
	[sflag:s12] =	ssyncadd.s32 @!p0 $0xFFFFE000  }
0xdb: {  	[spmem:s1] =	stream.indirect.scatter.add.f32 [tilespmem:s16], [sflag:$0x5], $0x40, s18, s19, $0xb8;
	[tilespmem:$0x1F000] =	vst v63  }
0xdc: {  	s13 =	sadd.s32 $0x200, s10  }
0xdd: {  	[tilespmem:s26], [sflag:$0x1] =	stream.indirect.gather [hbm4b:s11+s19], $0x40, s13, s19, $0xb8;
	[tilespmem:$0x1F000] =	vst v63  }
0xde: {  	_ =	swait.ge [sflag:s28], $0x2000  }
0xdf: {  	[sflag:s28] =	ssyncset.done $0x0  }
0xe0: {  	s12 =	simm.s32 @!p0 $0x6;
	[sflag:s28] =	ssyncadd.s32 $0xFFFFE000  }
0xe1: {  	_ =	swait.ge @!p0 [sflag:s12], $0x2000  }
0xe2: {  	[sflag:s12] =	ssyncset.done @!p0 $0x0  }
0xe3: {  	s14 =	sadd.s32 $0x2880, s10;
	[sflag:s12] =	ssyncadd.s32 @!p0 $0xFFFFE000  }
0xe4: {  	[spmem:s1] =	stream.indirect.scatter.add.f32 [tilespmem:s20], [sflag:$0x6], $0x40, s14, s19, $0xb8;
	[tilespmem:$0x1F000] =	vst v63  }
0xe5: {  	s18 =	sadd.s32 $0x280, s10  }
0xe6: {  	[tilespmem:s29], [sflag:$0x2] =	stream.indirect.gather [hbm4b:s11+s19], $0x40, s18, s19, $0xb8;
	[tilespmem:$0x1F000] =	vst v63  }
0xe7: {  	_ =	swait.ge [sflag:s30], $0x2000  }
0xe8: {  	[sflag:s30] =	ssyncset.done $0x0  }
0xe9: {  	s12 =	simm.s32 @!p0 $0x7;
	[sflag:s30] =	ssyncadd.s32 $0xFFFFE000  }
0xea: {  	_ =	swait.ge @!p0 [sflag:s12], $0x2000  }
0xeb: {  	[sflag:s12] =	ssyncset.done @!p0 $0x0  }
0xec: {  	s13 =	sadd.s32 $0x2900, s10;
	[sflag:s12] =	ssyncadd.s32 @!p0 $0xFFFFE000  }
0xed: {  	[spmem:s1] =	stream.indirect.scatter.add.f32 [tilespmem:s22], [sflag:$0x7], $0x40, s13, s19, $0xb8;
	[tilespmem:$0x1F000] =	vst v63  }
0xee: {  	s14 =	sadd.s32 $0x300, s10  }
0xef: {  	[tilespmem:s31], [sflag:$0x3] =	stream.indirect.gather [hbm4b:s11+s19], $0x40, s14, s19, $0xb8;
	[tilespmem:$0x1F000] =	vst v63  }
0xf0: {  	_ =	swait.ge [sflag:s0], $0x2000  }
0xf1: {  	[sflag:s0] =	ssyncset.done $0x0  }
0xf2: {  	s12 =	simm.s32 @!p0 $0x8;
	[sflag:s0] =	ssyncadd.s32 $0xFFFFE000  }
0xf3: {  	_ =	swait.ge @!p0 [sflag:s12], $0x2000  }
0xf4: {  	[sflag:s12] =	ssyncset.done @!p0 $0x0  }
0xf5: {  	s18 =	sadd.s32 $0x2980, s10;
	[sflag:s12] =	ssyncadd.s32 @!p0 $0xFFFFE000  }
0xf6: {  	[spmem:s1] =	stream.indirect.scatter.add.f32 [tilespmem:s24], [sflag:$0x8], $0x40, s18, s19, $0xb8;
	[tilespmem:$0x1F000] =	vst v63  }
0xf7: {  	s13 =	sadd.s32 $0x380, s10  }
0xf8: {  	[tilespmem:s2], [sflag:$0x4] =	stream.indirect.gather [hbm4b:s11+s19], $0x40, s13, s19, $0xb8;
	[tilespmem:$0x1F000] =	vst v63  }
0xf9: {  	_ =	swait.ge [sflag:s25], $0x2000  }
0xfa: {  	[sflag:s25] =	ssyncset.done $0x0  }
0xfb: {  	[sflag:s25] =	ssyncadd.s32 $0xFFFFE000  }
0xfc: {  	_ =	swait.ge [sflag:s5], $0x2000  }
0xfd: {  	p0 =	seq.s32 s9, $0x9000;
	[sflag:s5] =	ssyncset.done $0x0  }
0xfe: {  	s14 =	sadd.s32 $0x2A00, s10;
	s12 =	simm.s32 @p0 $0x2;
	[sflag:s5] =	ssyncadd.s32 $0xFFFFE000  }
0xff: {  	[spmem:s1] =	stream.indirect.scatter.add.f32 [tilespmem:s26], [sflag:$0x5], $0x40, s14, s19, $0xb8;
	[tilespmem:$0x1F000] =	vst v63  }
0x100: {  	_ =	swait.ge @p0 [sflag:s12], $0x2000  }
0x101: {  	[sflag:s12] =	ssyncset.done @p0 $0x0  }
0x102: {  	[sflag:s12] =	ssyncadd.s32 @p0 $0xFFFFE000;
	s12 =	simm.s32 @p0 $0x6  }
0x103: {  	_ =	swait.ge @p0 [sflag:s12], $0x2000  }
0x104: {  	[sflag:s12] =	ssyncset.done @p0 $0x0  }
0x105: {  	[sflag:s12] =	ssyncadd.s32 @p0 $0xFFFFE000;
	s12 =	sshra.s32 @p0 s9, $0x2  }
0x106: {  	s13 =	simm.s32 @p0 $0x80;
	s14 =	simm.s32 @p0 $0xF000;
	s12 =	sadd.s32 @p0 $0x2A80, s12  }
0x107: {  	[spmem:s1] =	stream.indirect.scatter.add.f32 @p0 [tilespmem:s14], [sflag:$0x6], $0x40, s12, s13, $0xb8;
	[tilespmem:$0x1F000] =	vst v63  }
0x108: {  	s12 =	sshra.s32 @!p0 s9, $0x2  }
0x109: {  	s18 =	simm.s32 @!p0 $0x5000;
	s14 =	simm.s32 @!p0 $0x80;
	s13 =	sadd.s32 @!p0 $0x400, s12  }
0x10a: {  	[tilespmem:s18], [sflag:$0x1] =	stream.indirect.gather @!p0 [hbm4b:s11+s14], $0x40, s13, s14, $0xb8;
	[tilespmem:$0x1F000] =	vst v63  }
0x10b: {  	s13 =	simm.s32 @!p0 $0x2  }
0x10c: {  	_ =	swait.ge @!p0 [sflag:s13], $0x2000  }
0x10d: {  	[sflag:s13] =	ssyncset.done @!p0 $0x0  }
0x10e: {  	[sflag:s13] =	ssyncadd.s32 @!p0 $0xFFFFE000;
	s13 =	simm.s32 @!p0 $0x6  }
0x10f: {  	_ =	swait.ge @!p0 [sflag:s13], $0x2000  }
0x110: {  	[sflag:s13] =	ssyncset.done @!p0 $0x0  }
0x111: {  	s18 =	simm.s32 @!p0 $0xF000;
	[sflag:s13] =	ssyncadd.s32 @!p0 $0xFFFFE000;
	s13 =	sadd.s32 @!p0 $0x2A80, s12  }
0x112: {  	[spmem:s1] =	stream.indirect.scatter.add.f32 @!p0 [tilespmem:s18], [sflag:$0x6], $0x40, s13, s14, $0xb8;
	[tilespmem:$0x1F000] =	vst v63  }
0x113: {  	s12 =	sadd.s32 @!p0 $0x480, s12;
	s13 =	simm.s32 @!p0 $0x7000  }
0x114: {  	[tilespmem:s13], [sflag:$0x2] =	stream.indirect.gather @!p0 [hbm4b:s11+s14], $0x40, s12, s14, $0xb8;
	[tilespmem:$0x1F000] =	vst v63  }
0x115: {  	_ =	swait.ge [sflag:s30], $0x2000  }
0x116: {  	[sflag:s30] =	ssyncset.done $0x0  }
.Ltmp5:
0x117: {  	[sflag:s30] =	ssyncadd.s32 $0xFFFFE000;
	(pc) =	sbr.rel @p0 .LBB2_9-.Ltmp5, $4  }
0x118: {  	_ =	swait.ge [sflag:s6], $0x2000  }
0x119: {  	[sflag:s6] =	ssyncset.done $0x0  }
0x11a: {  	s18 =	sadd.s32 $0x2B00, s10;
	[sflag:s6] =	ssyncadd.s32 $0xFFFFE000  }
0x11b: {  	[spmem:s1] =	stream.indirect.scatter.add.f32 [tilespmem:s31], [sflag:$0x7], $0x40, s18, s19, $0xb8;
	[tilespmem:$0x1F000] =	vst v63  }
0x11c: {  	s12 =	sadd.s32 $0x500, s10  }
0x11d: {  	[tilespmem:s22], [sflag:$0x3] =	stream.indirect.gather [hbm4b:s11+s19], $0x40, s12, s19, $0xb8;
	[tilespmem:$0x1F000] =	vst v63  }
0x11e: {  	_ =	swait.ge [sflag:s0], $0x2000  }
0x11f: {  	[sflag:s0] =	ssyncset.done $0x0  }
0x120: {  	[sflag:s0] =	ssyncadd.s32 $0xFFFFE000  }
0x121: {  	_ =	swait.ge [sflag:s7], $0x2000  }
.Ltmp6:
0x122: {  	[sflag:s7] =	ssyncset.done $0x0;
	(pc) =	sbr.rel .LBB2_7-.Ltmp6, $4  }
0x123: {  	s14 =	sadd.s32 $0x2B80, s10;
	[sflag:s7] =	ssyncadd.s32 $0xFFFFE000  }
0x124: {  	[spmem:s1] =	stream.indirect.scatter.add.f32 [tilespmem:s2], [sflag:$0x8], $0x40, s14, s19, $0xb8;
	[tilespmem:$0x1F000] =	vst v63  }
0x125: {  	s18 =	sadd.s32 $0x580, s10;
	s9 =	sadd.s32 $0x1000, s9  }
0x126: {  	[tilespmem:s24], [sflag:$0x4] =	stream.indirect.gather [hbm4b:s11+s19], $0x40, s18, s19, $0xb8;
	[tilespmem:$0x1F000] =	vst v63  }
.LBB2_10:
0x127: {  	_ =	sfence.sel $0x180000  }
0x128: {  	[bflag:$0x0] =	sbarrier.arrive $0xFFFF  }
0x129: {  	_ =	strace $0x9000004A  }
0x12a: {  	s0 =	stileid.u32;
	[bflag:$0x2] =	sbarrier.arrive $0xFFFF  }
0x12b: {  	p0 =	sne.s32 s0, $0x0;
	s0 =	rddreg [dreg:$0x2]  }
0x12c: {  	s0 =	sadd.s32 @!p0 $0x100000, s0  }
0x12d: {  	[sflag:s0] =	ssyncadd.tile.s32 @!p0 $0x1;
	_ =	shalt  }
.Lfunc_end2:
_tile_overlayer_lowered:
.L_overlay_start_2:
0x12e: {  	(tag) =	ssettag $0x2  }
0x12f: {  	s0 =	rddreg [dreg:$0x0];
	s2 =	stileid.u32  }
0x130: {  	s1 =	rddreg [dreg:$0x1];
	p0 =	sne.s32 s2, $0x0  }
0x131: {  	s3 =	rddreg [dreg:$0x2];
	[bflag:$0x3] =	sbarrier.arrive $0xFFFF;
	s2 =	simm.s32 @!p0 $0x1C09  }
0x132: {  	[timem:s3], [sflag:s2] =	dma.local @!p0 [hbm:s0], s1  }
0x133: {  	s0 =	simm.s32 @!p0 $0x9  }
0x134: {  	_ =	swait.ge @!p0 [sflag:s0], s1  }
0x135: {  	s1 =	ssub.s32 @!p0 $0x0, s1;
	[sflag:s0] =	ssyncset.done @!p0 $0x0  }
0x136: {  	[sflag:s0] =	ssyncadd.s32 @!p0 s1  }
0x137: {  	[bflag:$0x3] =	sbarrier.arrive $0xFFFF  }
0x138: {  	_ =	shalt  }

// kernel: kernel.15.cloned.1.call-start
scs
__scs_entry_jumppad:
0x0: {  	(pc) =	sbr.rel $0x88, $3  }
0x1: {  	(tag) =	ssettag $0x0;
	lr =	simm.s32 $0x1  }
0x2: {  	[smem:$0x3F9B] =	sst lr;
	_ =	strace $0xD0000000  }
0x3: {  	_ = 	snop  }
0x4: {  	_ = 	snop  }
0x5: {  	_ = 	snop  }
0x6: {  	_ = 	snop  }
0x7: {  	_ = 	snop  }
__scs_overlays_trampoline_lowered:
0x8: {  	[smem:$0x3FAA] =	sst s0  }
0x9: {  	[smem:$0x3FAB] =	sst s1  }
0xa: {  	[smem:$0x3FAC] =	sst s2  }
0xb: {  	[smem:$0x3FAD] =	sst s3  }
0xc: {  	[smem:$0x3FAE] =	sst s4  }
0xd: {  	[smem:$0x3FAF] =	sst s5  }
0xe: {  	[smem:$0x3FB0] =	sst s6  }
0xf: {  	[smem:$0x3FB1] =	sst s7  }
0x10: {  	[smem:$0x3FB2] =	sst s8  }
0x11: {  	[smem:$0x3FB3] =	sst s9;
	s0 =	simm.s32 @!p0 $0x0  }
0x12: {  	s1 =	sld [smem:$0x3F99];
	s0 =	simm.s32 @p0 $0x1  }
0x13: {  	[smem:$0x3FB4] =	sst s0;
	s0 =	simm.s32 @!p1 $0x0  }
0x14: {  	s2 =	sld [smem:$0x3F98];
	s0 =	simm.s32 @p1 $0x1  }
0x15: {  	[smem:$0x3FB5] =	sst s0;
	s0 =	simm.s32 @!p2 $0x0  }
0x16: {  	s3 =	sld [smem:$0x3FDB];
	s0 =	simm.s32 @p2 $0x1  }
0x17: {  	s4 =	simm.s32 $0x1BF5;
	[smem:$0x3FB7] =	sst s0  }
0x18: {  	s0 =	sld [smem:$0x3F9A];
	_ =	swait.ge [sflag:s4], $0x0  }
0x19: {  	s7 =	sld [smem:$0x3F9B]  }
0x1a: {  	s8 =	sadd.s32 $0xFFFFE003, lr  }
0x1b: {  	s9 =	sadd.s32 $0xFFFFFEF7, lr;
	s5 =	simm.s32 $0xFFFFFFFF;
	p2 =	slt.u32 s8, $0xFFFFF086  }
0x1c: {  	p1 =	slt.u32 s9, $0xF7A;
	s5 =	simm.s32 @!p2 $0x0  }
0x1d: {  	s5 =	simm.s32 @p1 $0x1;
	p0 =	seq.s32 s7, s2  }
0x1e: {  	s7 =	smul.u32 @!p0 $0xF7A, s2;
	p2 =	seq.s32 @!p0 s5, $0x0  }
0x1f: {  	s9 =	smul.u32 $0xF7A, s1;
	s8 =	simm.s32 @!p0 $0x1BF5;
	p2 =	por !p2, p0  }
0x20: {  	[sflag:s8] =	ssyncset.s32 @!p0 $0xFFFFF086;
	s6 =	sadd.s32 @!p0 s3, s7;
	s7 =	simm.s32 @!p0 $0x108  }
0x21: {  	s3 =	sadd.s32 s3, s9;
	s6 =	sadd.s32 @!p0 $0x88, s6;
	s7 =	simm.s32 @p2 $0x1082  }
0x22: {  	[simem:s7], [sflag:s8] =	dma.local @!p0 [hbm:s6], $0xF7A  }
0x23: {  	s9 =	sor.u32 $0xD0000000, s2;
	s6 =	simm.s32 $0x108;
	_ =	swait.ge @!p0 [sflag:s8], $0x0  }
0x24: {  	s3 =	sadd.s32 $0x88, s3;
	s6 =	simm.s32 @!p1 $0x1082;
	[sflag:s4] =	ssyncset.s32 $0xFFFFF086  }
0x25: {  	[simem:s6], [sflag:s4] =	dma.local [hbm:s3], $0xF7A  }
0x26: {  	[smem:$0x3F9B] =	sst s1;
	(tag) =	ssettag s2;
	_ =	strace s9  }
0x27: {  	s1 =	sld [smem:$0x3FAB]  }
0x28: {  	s2 =	sld [smem:$0x3FAC]  }
0x29: {  	s4 =	sld [smem:$0x3FAE]  }
0x2a: {  	p0 =	seq.s32 s5, $0x0;
	s5 =	sld [smem:$0x3FAF]  }
0x2b: {  	s6 =	sld [smem:$0x3FB0]  }
0x2c: {  	s7 =	sld [smem:$0x3FB1]  }
0x2d: {  	s3 =	simm.s32 $0x108;
	s8 =	sld [smem:$0x3FB2]  }
0x2e: {  	s3 =	simm.s32 @!p0 $0x1082;
	s9 =	sld [smem:$0x3FB3]  }
0x2f: {  	lr =	sadd.s32 s0, s3;
	s0 =	sld [smem:$0x3FAA]  }
0x30: {  	s3 =	sld [smem:$0x3FAD]  }
0x31: {  	[smem:$0x3FB6] =	sst s10  }
0x32: {  	s10 =	sld [smem:$0x3FB4];
	_ =	sdelay $0x3  }
0x33: {  	p0 =	seq.s32 s10, $0x1;
	s10 =	sld [smem:$0x3FB6];
	_ =	sdelay $0x3  }
0x34: {  	[smem:$0x3FB6] =	sst s10  }
0x35: {  	s10 =	sld [smem:$0x3FB5];
	_ =	sdelay $0x3  }
0x36: {  	p1 =	seq.s32 s10, $0x1;
	s10 =	sld [smem:$0x3FB6];
	_ =	sdelay $0x3  }
0x37: {  	[smem:$0x3FB6] =	sst s10  }
0x38: {  	s10 =	sld [smem:$0x3FB7]  }
0x39: {  	_ = 	snop;
	(pc) =	sbr.ind lr, $3  }
0x3a: {  	_ = 	snop  }
0x3b: {  	_ = 	snop  }
0x3c: {  	p2 =	seq.s32 s10, $0x1;
	s10 =	sld [smem:$0x3FB6]  }
0x3d: {  	_ =	shalt  }
0x3e: {  	_ =	shalt  }
0x3f: {  	_ =	shalt  }
0x40: {  	_ =	shalt  }
0x41: {  	_ =	shalt  }
0x42: {  	_ =	shalt  }
0x43: {  	_ =	shalt  }
0x44: {  	_ =	shalt  }
0x45: {  	_ =	shalt  }
0x46: {  	_ =	shalt  }
0x47: {  	_ =	shalt  }
0x48: {  	_ =	shalt  }
0x49: {  	_ =	shalt  }
0x4a: {  	_ =	shalt  }
0x4b: {  	_ =	shalt  }
0x4c: {  	_ =	shalt  }
0x4d: {  	_ =	shalt  }
0x4e: {  	_ =	shalt  }
0x4f: {  	_ =	shalt  }
0x50: {  	_ =	shalt  }
0x51: {  	_ =	shalt  }
0x52: {  	_ =	shalt  }
0x53: {  	_ =	shalt  }
0x54: {  	_ =	shalt  }
0x55: {  	_ =	shalt  }
0x56: {  	_ =	shalt  }
0x57: {  	_ =	shalt  }
0x58: {  	_ =	shalt  }
0x59: {  	_ =	shalt  }
0x5a: {  	_ =	shalt  }
0x5b: {  	_ =	shalt  }
0x5c: {  	_ =	shalt  }
0x5d: {  	_ =	shalt  }
0x5e: {  	_ =	shalt  }
0x5f: {  	_ =	shalt  }
0x60: {  	_ =	shalt  }
0x61: {  	_ =	shalt  }
0x62: {  	_ =	shalt  }
0x63: {  	_ =	shalt  }
0x64: {  	_ =	shalt  }
0x65: {  	_ =	shalt  }
0x66: {  	_ =	shalt  }
0x67: {  	_ =	shalt  }
0x68: {  	_ =	shalt  }
0x69: {  	_ =	shalt  }
0x6a: {  	_ =	shalt  }
0x6b: {  	_ =	shalt  }
0x6c: {  	_ =	shalt  }
0x6d: {  	_ =	shalt  }
0x6e: {  	_ =	shalt  }
0x6f: {  	_ =	shalt  }
0x70: {  	_ =	shalt  }
0x71: {  	_ =	shalt  }
0x72: {  	_ =	shalt  }
0x73: {  	_ =	shalt  }
0x74: {  	_ =	shalt  }
0x75: {  	_ =	shalt  }
0x76: {  	_ =	shalt  }
0x77: {  	_ =	shalt  }
0x78: {  	_ =	shalt  }
0x79: {  	_ =	shalt  }
0x7a: {  	_ =	shalt  }
0x7b: {  	_ =	shalt  }
0x7c: {  	_ =	shalt  }
0x7d: {  	_ =	shalt  }
0x7e: {  	_ =	shalt  }
0x7f: {  	_ =	shalt  }
0x80: {  	_ =	shalt  }
0x81: {  	_ =	shalt  }
0x82: {  	_ =	shalt  }
0x83: {  	_ =	shalt  }
0x84: {  	_ =	shalt  }
0x85: {  	_ =	shalt  }
0x86: {  	_ =	shalt  }
0x87: {  	_ =	shalt  }
.Lfunc_end0:
.L_simem_size_0:
called_computation.2_lowered:
.L_overlay_start_0:
0x88: {  	s2 =	sld [smem:$0x3FD9]  }
0x89: {  	s3 =	sld [smem:$0x3FFE];
	_ =	sdelay $0x1  }
0x8a: {  	s1 =	srdreg.scid  }
0x8b: {  	s0 =	sand.u32 $0x1, s1  }
0x8c: {  	s16 =	sshll.u32 s0, $0xA;
	s2 =	sadd.s32 s3, s2  }
0x8d: {  	s2 =	sadd.s32 s2, s16  }
0x8e: {  	[smem:$0x3FC2] =	sst s2  }
0x8f: {  	_ = 	snop  }
0x90: {  	(tm) =	ssettm $0x1  }
0x91: {  	s17 =	sld [smem:$0x3FFB];
	_ =	sdelay $0x3  }
0x92: {  	_ =	strace s17  }
0x93: {  	s2 =	sld [smem:$0x3FFC];
	_ =	sdelay $0x3  }
0x94: {  	_ =	strace s2  }
0x95: {  	s2 =	sld [smem:$0x3FFD];
	_ =	sdelay $0x3  }
0x96: {  	_ =	strace s2  }
0x97: {  	_ =	strace $0x8FFFFFFF  }
0x98: {  	s18 =	sld [smem:$0x3FDB];
	_ =	sdelay $0x1  }
0x99: {  	s19 =	simm.s32 $_scs_section_size  }
0x9a: {  	s4 =	simm.s32 $_size__tile_overlayer_lowered;
	s5 =	simm.s32 $_tile_overlayer_lowered  }
0x9b: {  	s22 =	simm.s32 $0x1BFF;
	s21 =	sshll.u32 s5, $0x1;
	s2 =	sadd.s32 s19, s18  }
0x9c: {  	s6 =	simm.s32 $0x0;
	s20 =	sshll.u32 s4, $0x1;
	s4 =	sadd.s32 s21, s2  }
0x9d: {  	[timem:s6], [sflag:s22] =	dma.local [hbm:s4], s20  }
0x9e: {  	_ =	swait.ge [sflag:s22], s20  }
0x9f: {  	s3 =	ssub.s32 $0x0, s20;
	[sflag:s22] =	ssyncset.done $0x0  }
0xa0: {  	[sflag:s22] =	ssyncadd.s32 s3;
	_ =	sdelay $0x1  }
0xa1: {  	s23 =	simm.s32 $0x1B8B  }
0xa2: {  	_ =	swait.ge [sflag:s23], $0x1  }
0xa3: {  	[sflag:s23] =	ssyncset.done $0x0  }
0xa4: {  	s25 =	simm.s32 $0x1B8E;
	s24 =	sld [smem:$0x3FFE];
	[sflag:s23] =	ssyncadd.s32 $0xFFFFFFFF  }
0xa5: {  	s26 =	simm.s32 $execute0_lowered;
	[smem:$0x3FD2] =	sst s25  }
0xa6: {  	s4 =	sshll.u32 s26, $0x1;
	_ =	strace $0x8000004C;
	[dreg:$0x1] =	wrdreg $0xFFFFFFFF  }
0xa7: {  	s28 =	simm.s32 $_size_execute0_lowered;
	s2 =	sadd.s32 s2, s4;
	[dreg:$0x0] =	wrdreg $0x0  }
0xa8: {  	s4 =	sshll.u32 s28, $0x1;
	[dreg:$0x2] =	wrdreg s2  }
0xa9: {  	[dreg:$0x3] =	wrdreg s4  }
0xaa: {  	[dreg:$0x4] =	wrdreg $0xC0  }
0xab: {  	_ =	task [dreg:s6], $0x5FFFF  }
0xac: {  	[dreg:$0x1] =	wrdreg $0xFFFFFFFF  }
0xad: {  	[dreg:$0x0] =	wrdreg $0x60  }
0xae: {  	[dreg:$0x2] =	wrdreg s24  }
0xaf: {  	[dreg:$0x3] =	wrdreg $0x150000  }
0xb0: {  	[dreg:$0x4] =	wrdreg $0x9  }
0xb1: {  	_ =	task.clear_ibuf [dreg:s6], $0x5FFFF;
	_ =	strace $0x9000004C  }
0xb2: {  	s29 =	simm.s32 $0x9;
	_ =	strace $0x8000004E  }
0xb3: {  	_ =	swait.ge [sflag:s29], $0x1  }
0xb4: {  	[sflag:s29] =	ssyncadd.s32 $0xFFFFFFFF  }
0xb5: {  	_ =	strace $0x9000004E  }
0xb6: {  	_ =	sfence  }
0xb7: {  	s30 =	sld [smem:$0x0];
	_ =	sdelay $0x2  }
0xb8: {  	s31 =	sshll.u32 s1, $0xD;
	s1 =	sshrl.u32 s1, $0x2  }
0xb9: {  	s3 =	sand.u32 $0x4000, s31;
	s1 =	sadd.s32 s1, s30  }
0xba: {  	s0 =	sor.u32 s3, s0;
	s1 =	sshll.u32 s1, $0x11  }
0xbb: {  	s0 =	sor.u32 s1, s0  }
0xbc: {  	s0 =	sadd.s32 $0x8F2B, s0  }
0xbd: {  	[sflag:s0] =	ssyncadd.remote.s32 $0x1  }
0xbe: {  	_ =	sfence.sel $0xFFFF  }
0xbf: {  	[dreg:$0x0] =	wrdreg $0xFFFFFFFF;
	(pc) =	sbr.abs _section_cstart, $3  }
0xc0: {  	[dreg:$0x1] =	wrdreg $0xFFFFFFFF  }
0xc1: {  	_ =	task.clear_ibuf [dreg:s6], $0x2FFFF;
	_ =	strace $0x9FFFFFFF  }
0xc2: {  	(tm) =	ssettm $0x7FFFFFFF  }
0xc3: {  	_ =	shalt  }
tec
execute0_lowered:
.L_overlay_start_1:
0x0: {  	(tag) =	ssettag $0x1  }
0x1: {  	s0 =	rddreg [dreg:$0x0]  }
0x2: {  	s1 =	rddreg [dreg:$0x1]  }
0x3: {  	s2 =	srdreg.scid;
	s3 =	simm.s32 $0x0;
	s11 =	stileid.u32  }
0x4: {  	s28 =	simm.s32 $0x2;
	s29 =	simm.s32 $0xF000;
	s5 =	smul.u32 $0xA000, s11  }
0x5: {  	s30 =	simm.s32 $0x3;
	s31 =	simm.s32 $0x11000;
	s7 =	smul.u32 $0x28000, s11  }
0x6: {  	s2 =	sand.u32 $0x1, s2;
	[smem:$0x7FF] =	sst s3;
	s11 =	smul.u32 $0x5000, s11  }
0x7: {  	s8 =	sadd.s32 $0x1C00, s0;
	s9 =	sadd.s32 $0xBC00, s0;
	s4 =	smul.u32 $0xA0000, s2  }
0x8: {  	_ =	strace $0x8000004D;
	s2 =	ssub.s32 $0x2, s2;
	s16 =	sshrl.u32 s7, $0x2  }
0x9: {  	s17 =	sshrl.u32 s2, $0x1;
	s21 =	sshrl.u32 s11, $0x3;
	s7 =	simm.s32 $0x8  }
0xa: {  	s6 =	sshrl.u32 s4, $0x3;
	s4 =	sadd.s32 s5, s4;
	s10 =	sadd.s32 s16, s1  }
0xb: {  	s2 =	ssub.s32 s2, s17;
	s23 =	sadd.s32 s8, s21;
	s24 =	sadd.s32 $0x500, s21  }
0xc: {  	s16 =	simm.s32 $0x5000;
	s17 =	simm.s32 $0x9;
	s6 =	sadd.s32 s6, s0  }
0xd: {  	s4 =	sshrl.u32 s4, $0x3;
	s18 =	sadd.s32 $0x2000, s10;
	s19 =	sadd.s32 $0x4000, s10  }
0xe: {  	s20 =	sadd.s32 $0x6000, s10;
	s22 =	sadd.s32 $0x8000, s10;
	[dreg:$0x7] =	wrdreg s23  }
0xf: {  	s25 =	sadd.s32 s8, s24;
	s26 =	sadd.s32 s9, s24;
	[dreg:$0x3] =	wrdreg s18  }
0x10: {  	s15 =	smax.u32 s2, $0x1;
	s23 =	simm.s32 $0x180;
	[dreg:$0x4] =	wrdreg s19  }
0x11: {  	s24 =	simm.s32 $0xB000;
	s2 =	simm.s32 $0x13000;
	[dreg:$0x5] =	wrdreg s20  }
0x12: {  	s8 =	simm.s32 $0x6;
	s0 =	sadd.s32 s4, s0;
	[dreg:$0x6] =	wrdreg s22  }
0x13: {  	s4 =	sadd.s32 s5, s1;
	s5 =	sadd.s32 s9, s21;
	[dreg:$0x9] =	wrdreg s25  }
.Ltmp0:
0x14: {  	s11 =	sadd.s32 $0x15C00, s6;
	[dreg:$0xa] =	wrdreg s26;
	(pc) =	sbr.rel .LBB2_1-.Ltmp0, $4  }
0x15: {  	s19 =	simm.s32 $0x80;
	s20 =	simm.s32 $0x7000;
	s21 =	simm.s32 $0x100  }
0x16: {  	s22 =	simm.s32 $0x9000;
	s25 =	simm.s32 $0x1;
	s26 =	simm.s32 $0xD000  }
0x17: {  	s6 =	simm.s32 $0x7;
	[dreg:$0x8] =	wrdreg s5;
	s0 =	sadd.s32 $0x3DC00, s0  }
0x18: {  	v0 =	vimm.f32 $0.0e+00;
	s5 =	simm.s32 $0x5;
	[dreg:$0xb] =	wrdreg s0;
	s0 =	simm.s32 $0x4  }
.LBB2_9:
0x19: {  	_ =	swait.ge [sflag:s0], $0x2000  }
0x1a: {  	[sflag:s0] =	ssyncset.done $0x0  }
0x1b: {  	[sflag:s0] =	ssyncadd.s32 $0xFFFFE000  }
0x1c: {  	_ =	swait.ge [sflag:s7], $0x2000  }
0x1d: {  	[sflag:s7] =	ssyncset.done $0x0  }
0x1e: {  	s9 =	sadd.s32 $0x2B80, s10;
	[sflag:s7] =	ssyncadd.s32 $0xFFFFE000  }
0x1f: {  	[spmem:s1] =	stream.indirect.scatter.add.f32 [tilespmem:s2], [sflag:$0x8], $0x40, s9, s19, $0xb8;
	[tilespmem:$0x1F000] =	vst v63  }
0x20: {  	_ =	swait.ge [sflag:s5], $0x2000  }
0x21: {  	[sflag:s5] =	ssyncset.done $0x0  }
0x22: {  	[sflag:s5] =	ssyncadd.s32 $0xFFFFE000  }
0x23: {  	_ =	swait.ge [sflag:s8], $0x2000  }
0x24: {  	[sflag:s8] =	ssyncset.done $0x0  }
0x25: {  	[sflag:s8] =	ssyncadd.s32 $0xFFFFE000  }
0x26: {  	_ =	swait.ge [sflag:s6], $0x2000  }
0x27: {  	[sflag:s6] =	ssyncset.done $0x0  }
0x28: {  	[sflag:s6] =	ssyncadd.s32 $0xFFFFE000  }
0x29: {  	_ =	swait.ge [sflag:s7], $0x2000  }
0x2a: {  	s14 =	stileid.u32;
	[sflag:s7] =	ssyncset.done $0x0  }
0x2b: {  	s18 =	sshrl.u32 s4, $0x3;
	s3 =	sadd.s32 $0x1, s3;
	[sflag:s7] =	ssyncadd.s32 $0xFFFFE000  }
0x2c: {  	p0 =	sne.s32 s3, s15;
	s9 =	sshll.u32 s14, $0x6;
	[bflag:$0x0] =	sbarrier.arrive $0xFFFF  }
.Ltmp1:
0x2d: {  	s9 =	sor.u32 $0x1C09, s9;
	s12 =	rddreg [dreg:$0xb];
	(pc) =	sbr.rel @!p0 .LBB2_10-.Ltmp1, $4  }
0x2e: {  	[hbm:s12], [sflag:s9] =	dma.local [spmem:s18], $0x1400  }
0x2f: {  	_ =	swait.ge [sflag:s17], $0x1400  }
0x30: {  	[sflag:s17] =	ssyncset.done $0x0  }
0x31: {  	[sflag:s17] =	ssyncadd.s32 $0xFFFFEC00  }
.LBB2_1:
0x32: {  	s10 =	simm.s32 $0x100;
	s9 =	simm.s32 $0x0  }
.LBB2_2:
0x33: {  	p0 =	sne.s32 s10, $0x7F00;
	[tilespmem:s9+$0x5030] =	vst v0;
	s18 =	smov.u32 s10;
	s10 =	sadd.s32 $0x100, s10  }
.Ltmp2:
0x34: {  	[tilespmem:s9+$0x5020] =	vst v0;
	(pc) =	sbr.rel @p0 .LBB2_2-.Ltmp2, $3  }
0x35: {  	[tilespmem:s9+$0x5000] =	vst v0  }
0x36: {  	[tilespmem:s9+$0x5010] =	vst v0;
	_ =	sdelay $0x1  }
0x37: {  	s9 =	sshra.s32 s18, $0x2  }
0x38: {  	[tilespmem:s9+$0x5030] =	vst v0  }
0x39: {  	[tilespmem:s9+$0x5020] =	vst v0  }
0x3a: {  	[tilespmem:s9+$0x5000] =	vst v0  }
0x3b: {  	[tilespmem:s9+$0x5010] =	vst v0  }
0x3c: {  	[spmem:s4] =	stream.linear.scatter [tilespmem:s16], [sflag:$0x9], $0x2000, $0x38;
	[tilespmem:$0x1F000] =	vst v63  }
0x3d: {  	_ =	swait.ge [sflag:s17], $0x2000  }
0x3e: {  	[sflag:s17] =	ssyncset.done $0x0  }
0x3f: {  	s10 =	rddreg [dreg:$0x3];
	[sflag:s17] =	ssyncadd.s32 $0xFFFFE000  }
0x40: {  	[spmem:s10] =	stream.linear.scatter [tilespmem:s16], [sflag:$0x9], $0x2000, $0x38;
	[tilespmem:$0x1F000] =	vst v63  }
0x41: {  	_ =	swait.ge [sflag:s17], $0x2000  }
0x42: {  	[sflag:s17] =	ssyncset.done $0x0  }
0x43: {  	s12 =	rddreg [dreg:$0x4];
	[sflag:s17] =	ssyncadd.s32 $0xFFFFE000  }
0x44: {  	[spmem:s12] =	stream.linear.scatter [tilespmem:s16], [sflag:$0x9], $0x2000, $0x38;
	[tilespmem:$0x1F000] =	vst v63  }
0x45: {  	_ =	swait.ge [sflag:s17], $0x2000  }
0x46: {  	[sflag:s17] =	ssyncset.done $0x0  }
0x47: {  	s13 =	rddreg [dreg:$0x5];
	[sflag:s17] =	ssyncadd.s32 $0xFFFFE000  }
0x48: {  	[spmem:s13] =	stream.linear.scatter [tilespmem:s16], [sflag:$0x9], $0x2000, $0x38;
	[tilespmem:$0x1F000] =	vst v63  }
0x49: {  	_ =	swait.ge [sflag:s17], $0x2000  }
0x4a: {  	[sflag:s17] =	ssyncset.done $0x0  }
0x4b: {  	s14 =	rddreg [dreg:$0x6];
	[sflag:s17] =	ssyncadd.s32 $0xFFFFE000  }
0x4c: {  	[spmem:s14] =	stream.linear.scatter [tilespmem:s16], [sflag:$0x9], $0x2000, $0x38;
	[tilespmem:$0x1F000] =	vst v63  }
0x4d: {  	_ =	swait.ge [sflag:s17], $0x2000  }
0x4e: {  	[sflag:s17] =	ssyncset.done $0x0  }
0x4f: {  	[sflag:s17] =	ssyncadd.s32 $0xFFFFE000  }
0x50: {  	[bflag:$0x0] =	sbarrier.arrive $0xFFFF  }
0x51: {  	s9 =	simm.s32 $0x0;
	s10 =	rddreg [dreg:$0x7]  }
0x52: {  	[tilespmem:s9], [sflag:$0x9] =	stream.linear.gather [hbm4b:s10+s9], $0x2800, $0x38;
	[tilespmem:$0x1F000] =	vst v63  }
0x53: {  	_ =	swait.ge [sflag:s17], $0x2800  }
0x54: {  	[sflag:s17] =	ssyncset.done $0x0  }
0x55: {  	s12 =	simm.s32 $0x2800;
	s18 =	rddreg [dreg:$0x8];
	[sflag:s17] =	ssyncadd.s32 $0xFFFFD800  }
0x56: {  	[tilespmem:s12], [sflag:$0x9] =	stream.linear.gather [hbm4b:s18+s9], $0x2800, $0x38;
	[tilespmem:$0x1F000] =	vst v63  }
0x57: {  	_ =	swait.ge [sflag:s17], $0x2800  }
0x58: {  	[sflag:s17] =	ssyncset.done $0x0  }
0x59: {  	[sflag:s17] =	ssyncadd.s32 $0xFFFFD800  }
0x5a: {  	[tilespmem:s16], [sflag:$0x1] =	stream.indirect.gather [hbm4b:s11+s19], $0x40, s9, s19, $0xb8;
	[tilespmem:$0x1F000] =	vst v63  }
0x5b: {  	_ = 	snop  }
0x5c: {  	[tilespmem:s20], [sflag:$0x2] =	stream.indirect.gather [hbm4b:s11+s19], $0x40, s19, s19, $0xb8;
	[tilespmem:$0x1F000] =	vst v63  }
0x5d: {  	_ = 	snop  }
0x5e: {  	[tilespmem:s22], [sflag:$0x3] =	stream.indirect.gather [hbm4b:s11+s19], $0x40, s21, s19, $0xb8;
	[tilespmem:$0x1F000] =	vst v63  }
0x5f: {  	_ = 	snop  }
0x60: {  	[tilespmem:s24], [sflag:$0x4] =	stream.indirect.gather [hbm4b:s11+s19], $0x40, s23, s19, $0xb8;
	[tilespmem:$0x1F000] =	vst v63  }
.LBB2_4:
0x61: {  	_ =	swait.ge [sflag:s25], $0x2000  }
0x62: {  	p0 =	seq.s32 s9, $0x0;
	[sflag:s25] =	ssyncset.done $0x0  }
0x63: {  	s18 =	simm.s32 @!p0 $0x5;
	[sflag:s25] =	ssyncadd.s32 $0xFFFFE000  }
0x64: {  	_ =	swait.ge @!p0 [sflag:s18], $0x2000  }
0x65: {  	s10 =	sshra.s32 s9, $0x2;
	[sflag:s18] =	ssyncset.done @!p0 $0x0  }
0x66: {  	s12 =	sadd.s32 $0x2800, s10;
	[sflag:s18] =	ssyncadd.s32 @!p0 $0xFFFFE000  }
0x67: {  	[spmem:s1] =	stream.indirect.scatter.add.f32 [tilespmem:s16], [sflag:$0x5], $0x40, s12, s19, $0xb8;
	[tilespmem:$0x1F000] =	vst v63  }
0x68: {  	s13 =	sadd.s32 $0x200, s10  }
0x69: {  	[tilespmem:s26], [sflag:$0x1] =	stream.indirect.gather [hbm4b:s11+s19], $0x40, s13, s19, $0xb8;
	[tilespmem:$0x1F000] =	vst v63  }
0x6a: {  	_ =	swait.ge [sflag:s28], $0x2000  }
0x6b: {  	[sflag:s28] =	ssyncset.done $0x0  }
0x6c: {  	s18 =	simm.s32 @!p0 $0x6;
	[sflag:s28] =	ssyncadd.s32 $0xFFFFE000  }
0x6d: {  	_ =	swait.ge @!p0 [sflag:s18], $0x2000  }
0x6e: {  	[sflag:s18] =	ssyncset.done @!p0 $0x0  }
0x6f: {  	s14 =	sadd.s32 $0x2880, s10;
	[sflag:s18] =	ssyncadd.s32 @!p0 $0xFFFFE000  }
0x70: {  	[spmem:s1] =	stream.indirect.scatter.add.f32 [tilespmem:s20], [sflag:$0x6], $0x40, s14, s19, $0xb8;
	[tilespmem:$0x1F000] =	vst v63  }
0x71: {  	s12 =	sadd.s32 $0x280, s10  }
0x72: {  	[tilespmem:s29], [sflag:$0x2] =	stream.indirect.gather [hbm4b:s11+s19], $0x40, s12, s19, $0xb8;
	[tilespmem:$0x1F000] =	vst v63  }
0x73: {  	_ =	swait.ge [sflag:s30], $0x2000  }
0x74: {  	[sflag:s30] =	ssyncset.done $0x0  }
0x75: {  	s18 =	simm.s32 @!p0 $0x7;
	[sflag:s30] =	ssyncadd.s32 $0xFFFFE000  }
0x76: {  	_ =	swait.ge @!p0 [sflag:s18], $0x2000  }
0x77: {  	[sflag:s18] =	ssyncset.done @!p0 $0x0  }
0x78: {  	s13 =	sadd.s32 $0x2900, s10;
	[sflag:s18] =	ssyncadd.s32 @!p0 $0xFFFFE000  }
0x79: {  	[spmem:s1] =	stream.indirect.scatter.add.f32 [tilespmem:s22], [sflag:$0x7], $0x40, s13, s19, $0xb8;
	[tilespmem:$0x1F000] =	vst v63  }
0x7a: {  	s14 =	sadd.s32 $0x300, s10  }
0x7b: {  	[tilespmem:s31], [sflag:$0x3] =	stream.indirect.gather [hbm4b:s11+s19], $0x40, s14, s19, $0xb8;
	[tilespmem:$0x1F000] =	vst v63  }
0x7c: {  	_ =	swait.ge [sflag:s0], $0x2000  }
0x7d: {  	[sflag:s0] =	ssyncset.done $0x0  }
0x7e: {  	s18 =	simm.s32 @!p0 $0x8;
	[sflag:s0] =	ssyncadd.s32 $0xFFFFE000  }
0x7f: {  	_ =	swait.ge @!p0 [sflag:s18], $0x2000  }
0x80: {  	[sflag:s18] =	ssyncset.done @!p0 $0x0  }
0x81: {  	s12 =	sadd.s32 $0x2980, s10;
	[sflag:s18] =	ssyncadd.s32 @!p0 $0xFFFFE000  }
0x82: {  	[spmem:s1] =	stream.indirect.scatter.add.f32 [tilespmem:s24], [sflag:$0x8], $0x40, s12, s19, $0xb8;
	[tilespmem:$0x1F000] =	vst v63  }
0x83: {  	s13 =	sadd.s32 $0x380, s10  }
0x84: {  	[tilespmem:s2], [sflag:$0x4] =	stream.indirect.gather [hbm4b:s11+s19], $0x40, s13, s19, $0xb8;
	[tilespmem:$0x1F000] =	vst v63  }
0x85: {  	_ =	swait.ge [sflag:s25], $0x2000  }
0x86: {  	[sflag:s25] =	ssyncset.done $0x0  }
0x87: {  	[sflag:s25] =	ssyncadd.s32 $0xFFFFE000  }
0x88: {  	_ =	swait.ge [sflag:s5], $0x2000  }
0x89: {  	p0 =	seq.s32 s9, $0x9000;
	[sflag:s5] =	ssyncset.done $0x0  }
0x8a: {  	s14 =	sadd.s32 $0x2A00, s10;
	s18 =	simm.s32 @p0 $0x2;
	[sflag:s5] =	ssyncadd.s32 $0xFFFFE000  }
0x8b: {  	[spmem:s1] =	stream.indirect.scatter.add.f32 [tilespmem:s26], [sflag:$0x5], $0x40, s14, s19, $0xb8;
	[tilespmem:$0x1F000] =	vst v63  }
0x8c: {  	_ =	swait.ge @p0 [sflag:s18], $0x2000  }
0x8d: {  	[sflag:s18] =	ssyncset.done @p0 $0x0  }
0x8e: {  	[sflag:s18] =	ssyncadd.s32 @p0 $0xFFFFE000;
	s18 =	simm.s32 @p0 $0x6  }
0x8f: {  	_ =	swait.ge @p0 [sflag:s18], $0x2000  }
0x90: {  	[sflag:s18] =	ssyncset.done @p0 $0x0  }
0x91: {  	[sflag:s18] =	ssyncadd.s32 @p0 $0xFFFFE000;
	s18 =	sshra.s32 @p0 s9, $0x2  }
0x92: {  	s12 =	simm.s32 @p0 $0x80;
	s13 =	simm.s32 @p0 $0xF000;
	s18 =	sadd.s32 @p0 $0x2A80, s18  }
0x93: {  	[spmem:s1] =	stream.indirect.scatter.add.f32 @p0 [tilespmem:s13], [sflag:$0x6], $0x40, s18, s12, $0xb8;
	[tilespmem:$0x1F000] =	vst v63  }
0x94: {  	s12 =	sshra.s32 @!p0 s9, $0x2  }
0x95: {  	s14 =	simm.s32 @!p0 $0x5000;
	s18 =	simm.s32 @!p0 $0x80;
	s13 =	sadd.s32 @!p0 $0x400, s12  }
0x96: {  	[tilespmem:s14], [sflag:$0x1] =	stream.indirect.gather @!p0 [hbm4b:s11+s18], $0x40, s13, s18, $0xb8;
	[tilespmem:$0x1F000] =	vst v63  }
0x97: {  	s13 =	simm.s32 @!p0 $0x2  }
0x98: {  	_ =	swait.ge @!p0 [sflag:s13], $0x2000  }
0x99: {  	[sflag:s13] =	ssyncset.done @!p0 $0x0  }
0x9a: {  	[sflag:s13] =	ssyncadd.s32 @!p0 $0xFFFFE000;
	s13 =	simm.s32 @!p0 $0x6  }
0x9b: {  	_ =	swait.ge @!p0 [sflag:s13], $0x2000  }
0x9c: {  	[sflag:s13] =	ssyncset.done @!p0 $0x0  }
0x9d: {  	s14 =	simm.s32 @!p0 $0xF000;
	[sflag:s13] =	ssyncadd.s32 @!p0 $0xFFFFE000;
	s13 =	sadd.s32 @!p0 $0x2A80, s12  }
0x9e: {  	[spmem:s1] =	stream.indirect.scatter.add.f32 @!p0 [tilespmem:s14], [sflag:$0x6], $0x40, s13, s18, $0xb8;
	[tilespmem:$0x1F000] =	vst v63  }
0x9f: {  	s12 =	sadd.s32 @!p0 $0x480, s12;
	s13 =	simm.s32 @!p0 $0x7000  }
0xa0: {  	[tilespmem:s13], [sflag:$0x2] =	stream.indirect.gather @!p0 [hbm4b:s11+s18], $0x40, s12, s18, $0xb8;
	[tilespmem:$0x1F000] =	vst v63  }
0xa1: {  	_ =	swait.ge [sflag:s30], $0x2000  }
0xa2: {  	[sflag:s30] =	ssyncset.done $0x0  }
.Ltmp3:
0xa3: {  	[sflag:s30] =	ssyncadd.s32 $0xFFFFE000;
	(pc) =	sbr.rel @p0 .LBB2_6-.Ltmp3, $4  }
0xa4: {  	_ =	swait.ge [sflag:s6], $0x2000  }
0xa5: {  	[sflag:s6] =	ssyncset.done $0x0  }
0xa6: {  	s18 =	sadd.s32 $0x2B00, s10;
	[sflag:s6] =	ssyncadd.s32 $0xFFFFE000  }
0xa7: {  	[spmem:s1] =	stream.indirect.scatter.add.f32 [tilespmem:s31], [sflag:$0x7], $0x40, s18, s19, $0xb8;
	[tilespmem:$0x1F000] =	vst v63  }
0xa8: {  	s12 =	sadd.s32 $0x500, s10  }
0xa9: {  	[tilespmem:s22], [sflag:$0x3] =	stream.indirect.gather [hbm4b:s11+s19], $0x40, s12, s19, $0xb8;
	[tilespmem:$0x1F000] =	vst v63  }
0xaa: {  	_ =	swait.ge [sflag:s0], $0x2000  }
0xab: {  	[sflag:s0] =	ssyncset.done $0x0  }
0xac: {  	[sflag:s0] =	ssyncadd.s32 $0xFFFFE000  }
0xad: {  	_ =	swait.ge [sflag:s7], $0x2000  }
.Ltmp4:
0xae: {  	[sflag:s7] =	ssyncset.done $0x0;
	(pc) =	sbr.rel .LBB2_4-.Ltmp4, $4  }
0xaf: {  	s14 =	sadd.s32 $0x2B80, s10;
	[sflag:s7] =	ssyncadd.s32 $0xFFFFE000  }
0xb0: {  	[spmem:s1] =	stream.indirect.scatter.add.f32 [tilespmem:s2], [sflag:$0x8], $0x40, s14, s19, $0xb8;
	[tilespmem:$0x1F000] =	vst v63  }
0xb1: {  	s18 =	sadd.s32 $0x580, s10;
	s9 =	sadd.s32 $0x1000, s9  }
0xb2: {  	[tilespmem:s24], [sflag:$0x4] =	stream.indirect.gather [hbm4b:s11+s19], $0x40, s18, s19, $0xb8;
	[tilespmem:$0x1F000] =	vst v63  }
.LBB2_6:
0xb3: {  	_ =	swait.ge [sflag:s0], $0x2000  }
0xb4: {  	[sflag:s0] =	ssyncset.done $0x0  }
0xb5: {  	[sflag:s0] =	ssyncadd.s32 $0xFFFFE000  }
0xb6: {  	_ =	swait.ge [sflag:s7], $0x2000  }
0xb7: {  	[sflag:s7] =	ssyncset.done $0x0  }
0xb8: {  	s9 =	sadd.s32 $0x2B80, s10;
	[sflag:s7] =	ssyncadd.s32 $0xFFFFE000  }
0xb9: {  	[spmem:s1] =	stream.indirect.scatter.add.f32 [tilespmem:s2], [sflag:$0x8], $0x40, s9, s19, $0xb8;
	[tilespmem:$0x1F000] =	vst v63  }
0xba: {  	_ =	swait.ge [sflag:s5], $0x2000  }
0xbb: {  	[sflag:s5] =	ssyncset.done $0x0  }
0xbc: {  	[sflag:s5] =	ssyncadd.s32 $0xFFFFE000  }
0xbd: {  	_ =	swait.ge [sflag:s8], $0x2000  }
0xbe: {  	[sflag:s8] =	ssyncset.done $0x0  }
0xbf: {  	[sflag:s8] =	ssyncadd.s32 $0xFFFFE000  }
0xc0: {  	_ =	swait.ge [sflag:s6], $0x2000  }
0xc1: {  	[sflag:s6] =	ssyncset.done $0x0  }
0xc2: {  	[sflag:s6] =	ssyncadd.s32 $0xFFFFE000  }
0xc3: {  	_ =	swait.ge [sflag:s7], $0x2000  }
0xc4: {  	[sflag:s7] =	ssyncset.done $0x0  }
0xc5: {  	s9 =	simm.s32 $0x0;
	s14 =	rddreg [dreg:$0x9];
	[sflag:s7] =	ssyncadd.s32 $0xFFFFE000  }
0xc6: {  	[tilespmem:s9], [sflag:$0x9] =	stream.linear.gather [hbm4b:s14+s9], $0x2800, $0x38;
	[tilespmem:$0x1F000] =	vst v63  }
0xc7: {  	_ =	swait.ge [sflag:s17], $0x2800  }
0xc8: {  	[sflag:s17] =	ssyncset.done $0x0  }
0xc9: {  	s12 =	simm.s32 $0x2800;
	s18 =	rddreg [dreg:$0xa];
	[sflag:s17] =	ssyncadd.s32 $0xFFFFD800  }
0xca: {  	[tilespmem:s12], [sflag:$0x9] =	stream.linear.gather [hbm4b:s18+s9], $0x2800, $0x38;
	[tilespmem:$0x1F000] =	vst v63  }
0xcb: {  	_ =	swait.ge [sflag:s17], $0x2800  }
0xcc: {  	[sflag:s17] =	ssyncset.done $0x0  }
0xcd: {  	[sflag:s17] =	ssyncadd.s32 $0xFFFFD800  }
0xce: {  	[tilespmem:s16], [sflag:$0x1] =	stream.indirect.gather [hbm4b:s11+s19], $0x40, s9, s19, $0xb8;
	[tilespmem:$0x1F000] =	vst v63  }
0xcf: {  	_ = 	snop  }
0xd0: {  	[tilespmem:s20], [sflag:$0x2] =	stream.indirect.gather [hbm4b:s11+s19], $0x40, s19, s19, $0xb8;
	[tilespmem:$0x1F000] =	vst v63  }
0xd1: {  	_ = 	snop  }
0xd2: {  	[tilespmem:s22], [sflag:$0x3] =	stream.indirect.gather [hbm4b:s11+s19], $0x40, s21, s19, $0xb8;
	[tilespmem:$0x1F000] =	vst v63  }
0xd3: {  	_ = 	snop  }
0xd4: {  	[tilespmem:s24], [sflag:$0x4] =	stream.indirect.gather [hbm4b:s11+s19], $0x40, s23, s19, $0xb8;
	[tilespmem:$0x1F000] =	vst v63  }
.LBB2_7:
0xd5: {  	_ =	swait.ge [sflag:s25], $0x2000  }
0xd6: {  	p0 =	seq.s32 s9, $0x0;
	[sflag:s25] =	ssyncset.done $0x0  }
0xd7: {  	s12 =	simm.s32 @!p0 $0x5;
	[sflag:s25] =	ssyncadd.s32 $0xFFFFE000  }
0xd8: {  	_ =	swait.ge @!p0 [sflag:s12], $0x2000  }
0xd9: {  	s10 =	sshra.s32 s9, $0x2;
	[sflag:s12] =	ssyncset.done @!p0 $0x0  }
0xda: {  	s18 =	sadd.s32 $0x2800, s10;
	[sflag:s12] =	ssyncadd.s32 @!p0 $0xFFFFE000  }
0xdb: {  	[spmem:s1] =	stream.indirect.scatter.add.f32 [tilespmem:s16], [sflag:$0x5], $0x40, s18, s19, $0xb8;
	[tilespmem:$0x1F000] =	vst v63  }
0xdc: {  	s13 =	sadd.s32 $0x200, s10  }
0xdd: {  	[tilespmem:s26], [sflag:$0x1] =	stream.indirect.gather [hbm4b:s11+s19], $0x40, s13, s19, $0xb8;
	[tilespmem:$0x1F000] =	vst v63  }
0xde: {  	_ =	swait.ge [sflag:s28], $0x2000  }
0xdf: {  	[sflag:s28] =	ssyncset.done $0x0  }
0xe0: {  	s12 =	simm.s32 @!p0 $0x6;
	[sflag:s28] =	ssyncadd.s32 $0xFFFFE000  }
0xe1: {  	_ =	swait.ge @!p0 [sflag:s12], $0x2000  }
0xe2: {  	[sflag:s12] =	ssyncset.done @!p0 $0x0  }
0xe3: {  	s14 =	sadd.s32 $0x2880, s10;
	[sflag:s12] =	ssyncadd.s32 @!p0 $0xFFFFE000  }
0xe4: {  	[spmem:s1] =	stream.indirect.scatter.add.f32 [tilespmem:s20], [sflag:$0x6], $0x40, s14, s19, $0xb8;
	[tilespmem:$0x1F000] =	vst v63  }
0xe5: {  	s18 =	sadd.s32 $0x280, s10  }
0xe6: {  	[tilespmem:s29], [sflag:$0x2] =	stream.indirect.gather [hbm4b:s11+s19], $0x40, s18, s19, $0xb8;
	[tilespmem:$0x1F000] =	vst v63  }
0xe7: {  	_ =	swait.ge [sflag:s30], $0x2000  }
0xe8: {  	[sflag:s30] =	ssyncset.done $0x0  }
0xe9: {  	s12 =	simm.s32 @!p0 $0x7;
	[sflag:s30] =	ssyncadd.s32 $0xFFFFE000  }
0xea: {  	_ =	swait.ge @!p0 [sflag:s12], $0x2000  }
0xeb: {  	[sflag:s12] =	ssyncset.done @!p0 $0x0  }
0xec: {  	s13 =	sadd.s32 $0x2900, s10;
	[sflag:s12] =	ssyncadd.s32 @!p0 $0xFFFFE000  }
0xed: {  	[spmem:s1] =	stream.indirect.scatter.add.f32 [tilespmem:s22], [sflag:$0x7], $0x40, s13, s19, $0xb8;
	[tilespmem:$0x1F000] =	vst v63  }
0xee: {  	s14 =	sadd.s32 $0x300, s10  }
0xef: {  	[tilespmem:s31], [sflag:$0x3] =	stream.indirect.gather [hbm4b:s11+s19], $0x40, s14, s19, $0xb8;
	[tilespmem:$0x1F000] =	vst v63  }
0xf0: {  	_ =	swait.ge [sflag:s0], $0x2000  }
0xf1: {  	[sflag:s0] =	ssyncset.done $0x0  }
0xf2: {  	s12 =	simm.s32 @!p0 $0x8;
	[sflag:s0] =	ssyncadd.s32 $0xFFFFE000  }
0xf3: {  	_ =	swait.ge @!p0 [sflag:s12], $0x2000  }
0xf4: {  	[sflag:s12] =	ssyncset.done @!p0 $0x0  }
0xf5: {  	s18 =	sadd.s32 $0x2980, s10;
	[sflag:s12] =	ssyncadd.s32 @!p0 $0xFFFFE000  }
0xf6: {  	[spmem:s1] =	stream.indirect.scatter.add.f32 [tilespmem:s24], [sflag:$0x8], $0x40, s18, s19, $0xb8;
	[tilespmem:$0x1F000] =	vst v63  }
0xf7: {  	s13 =	sadd.s32 $0x380, s10  }
0xf8: {  	[tilespmem:s2], [sflag:$0x4] =	stream.indirect.gather [hbm4b:s11+s19], $0x40, s13, s19, $0xb8;
	[tilespmem:$0x1F000] =	vst v63  }
0xf9: {  	_ =	swait.ge [sflag:s25], $0x2000  }
0xfa: {  	[sflag:s25] =	ssyncset.done $0x0  }
0xfb: {  	[sflag:s25] =	ssyncadd.s32 $0xFFFFE000  }
0xfc: {  	_ =	swait.ge [sflag:s5], $0x2000  }
0xfd: {  	p0 =	seq.s32 s9, $0x9000;
	[sflag:s5] =	ssyncset.done $0x0  }
0xfe: {  	s14 =	sadd.s32 $0x2A00, s10;
	s12 =	simm.s32 @p0 $0x2;
	[sflag:s5] =	ssyncadd.s32 $0xFFFFE000  }
0xff: {  	[spmem:s1] =	stream.indirect.scatter.add.f32 [tilespmem:s26], [sflag:$0x5], $0x40, s14, s19, $0xb8;
	[tilespmem:$0x1F000] =	vst v63  }
0x100: {  	_ =	swait.ge @p0 [sflag:s12], $0x2000  }
0x101: {  	[sflag:s12] =	ssyncset.done @p0 $0x0  }
0x102: {  	[sflag:s12] =	ssyncadd.s32 @p0 $0xFFFFE000;
	s12 =	simm.s32 @p0 $0x6  }
0x103: {  	_ =	swait.ge @p0 [sflag:s12], $0x2000  }
0x104: {  	[sflag:s12] =	ssyncset.done @p0 $0x0  }
0x105: {  	[sflag:s12] =	ssyncadd.s32 @p0 $0xFFFFE000;
	s12 =	sshra.s32 @p0 s9, $0x2  }
0x106: {  	s13 =	simm.s32 @p0 $0x80;
	s14 =	simm.s32 @p0 $0xF000;
	s12 =	sadd.s32 @p0 $0x2A80, s12  }
0x107: {  	[spmem:s1] =	stream.indirect.scatter.add.f32 @p0 [tilespmem:s14], [sflag:$0x6], $0x40, s12, s13, $0xb8;
	[tilespmem:$0x1F000] =	vst v63  }
0x108: {  	s12 =	sshra.s32 @!p0 s9, $0x2  }
0x109: {  	s18 =	simm.s32 @!p0 $0x5000;
	s14 =	simm.s32 @!p0 $0x80;
	s13 =	sadd.s32 @!p0 $0x400, s12  }
0x10a: {  	[tilespmem:s18], [sflag:$0x1] =	stream.indirect.gather @!p0 [hbm4b:s11+s14], $0x40, s13, s14, $0xb8;
	[tilespmem:$0x1F000] =	vst v63  }
0x10b: {  	s13 =	simm.s32 @!p0 $0x2  }
0x10c: {  	_ =	swait.ge @!p0 [sflag:s13], $0x2000  }
0x10d: {  	[sflag:s13] =	ssyncset.done @!p0 $0x0  }
0x10e: {  	[sflag:s13] =	ssyncadd.s32 @!p0 $0xFFFFE000;
	s13 =	simm.s32 @!p0 $0x6  }
0x10f: {  	_ =	swait.ge @!p0 [sflag:s13], $0x2000  }
0x110: {  	[sflag:s13] =	ssyncset.done @!p0 $0x0  }
0x111: {  	s18 =	simm.s32 @!p0 $0xF000;
	[sflag:s13] =	ssyncadd.s32 @!p0 $0xFFFFE000;
	s13 =	sadd.s32 @!p0 $0x2A80, s12  }
0x112: {  	[spmem:s1] =	stream.indirect.scatter.add.f32 @!p0 [tilespmem:s18], [sflag:$0x6], $0x40, s13, s14, $0xb8;
	[tilespmem:$0x1F000] =	vst v63  }
0x113: {  	s12 =	sadd.s32 @!p0 $0x480, s12;
	s13 =	simm.s32 @!p0 $0x7000  }
0x114: {  	[tilespmem:s13], [sflag:$0x2] =	stream.indirect.gather @!p0 [hbm4b:s11+s14], $0x40, s12, s14, $0xb8;
	[tilespmem:$0x1F000] =	vst v63  }
0x115: {  	_ =	swait.ge [sflag:s30], $0x2000  }
0x116: {  	[sflag:s30] =	ssyncset.done $0x0  }
.Ltmp5:
0x117: {  	[sflag:s30] =	ssyncadd.s32 $0xFFFFE000;
	(pc) =	sbr.rel @p0 .LBB2_9-.Ltmp5, $4  }
0x118: {  	_ =	swait.ge [sflag:s6], $0x2000  }
0x119: {  	[sflag:s6] =	ssyncset.done $0x0  }
0x11a: {  	s18 =	sadd.s32 $0x2B00, s10;
	[sflag:s6] =	ssyncadd.s32 $0xFFFFE000  }
0x11b: {  	[spmem:s1] =	stream.indirect.scatter.add.f32 [tilespmem:s31], [sflag:$0x7], $0x40, s18, s19, $0xb8;
	[tilespmem:$0x1F000] =	vst v63  }
0x11c: {  	s12 =	sadd.s32 $0x500, s10  }
0x11d: {  	[tilespmem:s22], [sflag:$0x3] =	stream.indirect.gather [hbm4b:s11+s19], $0x40, s12, s19, $0xb8;
	[tilespmem:$0x1F000] =	vst v63  }
0x11e: {  	_ =	swait.ge [sflag:s0], $0x2000  }
0x11f: {  	[sflag:s0] =	ssyncset.done $0x0  }
0x120: {  	[sflag:s0] =	ssyncadd.s32 $0xFFFFE000  }
0x121: {  	_ =	swait.ge [sflag:s7], $0x2000  }
.Ltmp6:
0x122: {  	[sflag:s7] =	ssyncset.done $0x0;
	(pc) =	sbr.rel .LBB2_7-.Ltmp6, $4  }
0x123: {  	s14 =	sadd.s32 $0x2B80, s10;
	[sflag:s7] =	ssyncadd.s32 $0xFFFFE000  }
0x124: {  	[spmem:s1] =	stream.indirect.scatter.add.f32 [tilespmem:s2], [sflag:$0x8], $0x40, s14, s19, $0xb8;
	[tilespmem:$0x1F000] =	vst v63  }
0x125: {  	s18 =	sadd.s32 $0x580, s10;
	s9 =	sadd.s32 $0x1000, s9  }
0x126: {  	[tilespmem:s24], [sflag:$0x4] =	stream.indirect.gather [hbm4b:s11+s19], $0x40, s18, s19, $0xb8;
	[tilespmem:$0x1F000] =	vst v63  }
.LBB2_10:
0x127: {  	_ =	sfence.sel $0x180000  }
0x128: {  	[bflag:$0x0] =	sbarrier.arrive $0xFFFF  }
0x129: {  	_ =	strace $0x9000004D  }
0x12a: {  	s0 =	stileid.u32;
	[bflag:$0x2] =	sbarrier.arrive $0xFFFF  }
0x12b: {  	p0 =	sne.s32 s0, $0x0;
	s0 =	rddreg [dreg:$0x2]  }
0x12c: {  	s0 =	sadd.s32 @!p0 $0x100000, s0  }
0x12d: {  	[sflag:s0] =	ssyncadd.tile.s32 @!p0 $0x1;
	_ =	shalt  }
.Lfunc_end2:
_tile_overlayer_lowered:
.L_overlay_start_2:
0x12e: {  	(tag) =	ssettag $0x2  }
0x12f: {  	s0 =	rddreg [dreg:$0x0];
	s2 =	stileid.u32  }
0x130: {  	s1 =	rddreg [dreg:$0x1];
	p0 =	sne.s32 s2, $0x0  }
0x131: {  	s3 =	rddreg [dreg:$0x2];
	[bflag:$0x3] =	sbarrier.arrive $0xFFFF;
	s2 =	simm.s32 @!p0 $0x1C09  }
0x132: {  	[timem:s3], [sflag:s2] =	dma.local @!p0 [hbm:s0], s1  }
0x133: {  	s0 =	simm.s32 @!p0 $0x9  }
0x134: {  	_ =	swait.ge @!p0 [sflag:s0], s1  }
0x135: {  	s1 =	ssub.s32 @!p0 $0x0, s1;
	[sflag:s0] =	ssyncset.done @!p0 $0x0  }
0x136: {  	[sflag:s0] =	ssyncadd.s32 @!p0 s1  }
0x137: {  	[bflag:$0x3] =	sbarrier.arrive $0xFFFF  }
0x138: {  	_ =	shalt  }

// kernel: kernel.9.cloned.1.call-start
scs
__scs_entry_jumppad:
0x0: {  	(pc) =	sbr.rel $0x88, $3  }
0x1: {  	(tag) =	ssettag $0x0;
	lr =	simm.s32 $0x1  }
0x2: {  	[smem:$0x3F9B] =	sst lr;
	_ =	strace $0xD0000000  }
0x3: {  	_ = 	snop  }
0x4: {  	_ = 	snop  }
0x5: {  	_ = 	snop  }
0x6: {  	_ = 	snop  }
0x7: {  	_ = 	snop  }
__scs_overlays_trampoline_lowered:
0x8: {  	[smem:$0x3FAA] =	sst s0  }
0x9: {  	[smem:$0x3FAB] =	sst s1  }
0xa: {  	[smem:$0x3FAC] =	sst s2  }
0xb: {  	[smem:$0x3FAD] =	sst s3  }
0xc: {  	[smem:$0x3FAE] =	sst s4  }
0xd: {  	[smem:$0x3FAF] =	sst s5  }
0xe: {  	[smem:$0x3FB0] =	sst s6  }
0xf: {  	[smem:$0x3FB1] =	sst s7  }
0x10: {  	[smem:$0x3FB2] =	sst s8  }
0x11: {  	[smem:$0x3FB3] =	sst s9;
	s0 =	simm.s32 @!p0 $0x0  }
0x12: {  	s1 =	sld [smem:$0x3F99];
	s0 =	simm.s32 @p0 $0x1  }
0x13: {  	[smem:$0x3FB4] =	sst s0;
	s0 =	simm.s32 @!p1 $0x0  }
0x14: {  	s2 =	sld [smem:$0x3F98];
	s0 =	simm.s32 @p1 $0x1  }
0x15: {  	[smem:$0x3FB5] =	sst s0;
	s0 =	simm.s32 @!p2 $0x0  }
0x16: {  	s3 =	sld [smem:$0x3FDB];
	s0 =	simm.s32 @p2 $0x1  }
0x17: {  	s4 =	simm.s32 $0x1BF5;
	[smem:$0x3FB7] =	sst s0  }
0x18: {  	s0 =	sld [smem:$0x3F9A];
	_ =	swait.ge [sflag:s4], $0x0  }
0x19: {  	s7 =	sld [smem:$0x3F9B]  }
0x1a: {  	s8 =	sadd.s32 $0xFFFFE003, lr  }
0x1b: {  	s9 =	sadd.s32 $0xFFFFFEF7, lr;
	s5 =	simm.s32 $0xFFFFFFFF;
	p2 =	slt.u32 s8, $0xFFFFF086  }
0x1c: {  	p1 =	slt.u32 s9, $0xF7A;
	s5 =	simm.s32 @!p2 $0x0  }
0x1d: {  	s5 =	simm.s32 @p1 $0x1;
	p0 =	seq.s32 s7, s2  }
0x1e: {  	s7 =	smul.u32 @!p0 $0xF7A, s2;
	p2 =	seq.s32 @!p0 s5, $0x0  }
0x1f: {  	s9 =	smul.u32 $0xF7A, s1;
	s8 =	simm.s32 @!p0 $0x1BF5;
	p2 =	por !p2, p0  }
0x20: {  	[sflag:s8] =	ssyncset.s32 @!p0 $0xFFFFF086;
	s6 =	sadd.s32 @!p0 s3, s7;
	s7 =	simm.s32 @!p0 $0x108  }
0x21: {  	s3 =	sadd.s32 s3, s9;
	s6 =	sadd.s32 @!p0 $0x88, s6;
	s7 =	simm.s32 @p2 $0x1082  }
0x22: {  	[simem:s7], [sflag:s8] =	dma.local @!p0 [hbm:s6], $0xF7A  }
0x23: {  	s9 =	sor.u32 $0xD0000000, s2;
	s6 =	simm.s32 $0x108;
	_ =	swait.ge @!p0 [sflag:s8], $0x0  }
0x24: {  	s3 =	sadd.s32 $0x88, s3;
	s6 =	simm.s32 @!p1 $0x1082;
	[sflag:s4] =	ssyncset.s32 $0xFFFFF086  }
0x25: {  	[simem:s6], [sflag:s4] =	dma.local [hbm:s3], $0xF7A  }
0x26: {  	[smem:$0x3F9B] =	sst s1;
	(tag) =	ssettag s2;
	_ =	strace s9  }
0x27: {  	s1 =	sld [smem:$0x3FAB]  }
0x28: {  	s2 =	sld [smem:$0x3FAC]  }
0x29: {  	s4 =	sld [smem:$0x3FAE]  }
0x2a: {  	p0 =	seq.s32 s5, $0x0;
	s5 =	sld [smem:$0x3FAF]  }
0x2b: {  	s6 =	sld [smem:$0x3FB0]  }
0x2c: {  	s7 =	sld [smem:$0x3FB1]  }
0x2d: {  	s3 =	simm.s32 $0x108;
	s8 =	sld [smem:$0x3FB2]  }
0x2e: {  	s3 =	simm.s32 @!p0 $0x1082;
	s9 =	sld [smem:$0x3FB3]  }
0x2f: {  	lr =	sadd.s32 s0, s3;
	s0 =	sld [smem:$0x3FAA]  }
0x30: {  	s3 =	sld [smem:$0x3FAD]  }
0x31: {  	[smem:$0x3FB6] =	sst s10  }
0x32: {  	s10 =	sld [smem:$0x3FB4];
	_ =	sdelay $0x3  }
0x33: {  	p0 =	seq.s32 s10, $0x1;
	s10 =	sld [smem:$0x3FB6];
	_ =	sdelay $0x3  }
0x34: {  	[smem:$0x3FB6] =	sst s10  }
0x35: {  	s10 =	sld [smem:$0x3FB5];
	_ =	sdelay $0x3  }
0x36: {  	p1 =	seq.s32 s10, $0x1;
	s10 =	sld [smem:$0x3FB6];
	_ =	sdelay $0x3  }
0x37: {  	[smem:$0x3FB6] =	sst s10  }
0x38: {  	s10 =	sld [smem:$0x3FB7]  }
0x39: {  	_ = 	snop;
	(pc) =	sbr.ind lr, $3  }
0x3a: {  	_ = 	snop  }
0x3b: {  	_ = 	snop  }
0x3c: {  	p2 =	seq.s32 s10, $0x1;
	s10 =	sld [smem:$0x3FB6]  }
0x3d: {  	_ =	shalt  }
0x3e: {  	_ =	shalt  }
0x3f: {  	_ =	shalt  }
0x40: {  	_ =	shalt  }
0x41: {  	_ =	shalt  }
0x42: {  	_ =	shalt  }
0x43: {  	_ =	shalt  }
0x44: {  	_ =	shalt  }
0x45: {  	_ =	shalt  }
0x46: {  	_ =	shalt  }
0x47: {  	_ =	shalt  }
0x48: {  	_ =	shalt  }
0x49: {  	_ =	shalt  }
0x4a: {  	_ =	shalt  }
0x4b: {  	_ =	shalt  }
0x4c: {  	_ =	shalt  }
0x4d: {  	_ =	shalt  }
0x4e: {  	_ =	shalt  }
0x4f: {  	_ =	shalt  }
0x50: {  	_ =	shalt  }
0x51: {  	_ =	shalt  }
0x52: {  	_ =	shalt  }
0x53: {  	_ =	shalt  }
0x54: {  	_ =	shalt  }
0x55: {  	_ =	shalt  }
0x56: {  	_ =	shalt  }
0x57: {  	_ =	shalt  }
0x58: {  	_ =	shalt  }
0x59: {  	_ =	shalt  }
0x5a: {  	_ =	shalt  }
0x5b: {  	_ =	shalt  }
0x5c: {  	_ =	shalt  }
0x5d: {  	_ =	shalt  }
0x5e: {  	_ =	shalt  }
0x5f: {  	_ =	shalt  }
0x60: {  	_ =	shalt  }
0x61: {  	_ =	shalt  }
0x62: {  	_ =	shalt  }
0x63: {  	_ =	shalt  }
0x64: {  	_ =	shalt  }
0x65: {  	_ =	shalt  }
0x66: {  	_ =	shalt  }
0x67: {  	_ =	shalt  }
0x68: {  	_ =	shalt  }
0x69: {  	_ =	shalt  }
0x6a: {  	_ =	shalt  }
0x6b: {  	_ =	shalt  }
0x6c: {  	_ =	shalt  }
0x6d: {  	_ =	shalt  }
0x6e: {  	_ =	shalt  }
0x6f: {  	_ =	shalt  }
0x70: {  	_ =	shalt  }
0x71: {  	_ =	shalt  }
0x72: {  	_ =	shalt  }
0x73: {  	_ =	shalt  }
0x74: {  	_ =	shalt  }
0x75: {  	_ =	shalt  }
0x76: {  	_ =	shalt  }
0x77: {  	_ =	shalt  }
0x78: {  	_ =	shalt  }
0x79: {  	_ =	shalt  }
0x7a: {  	_ =	shalt  }
0x7b: {  	_ =	shalt  }
0x7c: {  	_ =	shalt  }
0x7d: {  	_ =	shalt  }
0x7e: {  	_ =	shalt  }
0x7f: {  	_ =	shalt  }
0x80: {  	_ =	shalt  }
0x81: {  	_ =	shalt  }
0x82: {  	_ =	shalt  }
0x83: {  	_ =	shalt  }
0x84: {  	_ =	shalt  }
0x85: {  	_ =	shalt  }
0x86: {  	_ =	shalt  }
0x87: {  	_ =	shalt  }
.Lfunc_end0:
.L_simem_size_0:
called_computation_lowered:
.L_overlay_start_0:
0x88: {  	s2 =	sld [smem:$0x3FD9]  }
0x89: {  	s3 =	sld [smem:$0x3FFE];
	_ =	sdelay $0x1  }
0x8a: {  	s1 =	srdreg.scid  }
0x8b: {  	s0 =	sand.u32 $0x1, s1  }
0x8c: {  	s17 =	sshll.u32 s0, $0xA;
	s2 =	sadd.s32 s3, s2  }
0x8d: {  	s2 =	sadd.s32 s2, s17  }
0x8e: {  	[smem:$0x3FC2] =	sst s2  }
0x8f: {  	_ = 	snop  }
0x90: {  	s2 =	sld [smem:$0x3FD0];
	(tm) =	ssettm $0x1  }
0x91: {  	s18 =	sld [smem:$0x3FFB];
	_ =	sdelay $0x3  }
0x92: {  	_ =	strace s18  }
0x93: {  	s3 =	sld [smem:$0x3FFC];
	_ =	sdelay $0x3  }
0x94: {  	_ =	strace s3  }
0x95: {  	s3 =	sld [smem:$0x3FFD];
	_ =	sdelay $0x3  }
0x96: {  	_ =	strace s3  }
0x97: {  	_ =	strace $0x8FFFFFFF  }
0x98: {  	s19 =	sld [smem:$0x3FDB];
	_ =	sdelay $0x1  }
0x99: {  	s4 =	simm.s32 $_scs_section_size  }
0x9a: {  	s5 =	simm.s32 $_size__tile_overlayer_lowered;
	s6 =	simm.s32 $_tile_overlayer_lowered  }
0x9b: {  	s22 =	simm.s32 $0x1BFF;
	s21 =	sshll.u32 s6, $0x1;
	s3 =	sadd.s32 s4, s19  }
0x9c: {  	s7 =	simm.s32 $0x0;
	s20 =	sshll.u32 s5, $0x1;
	s5 =	sadd.s32 s21, s3  }
0x9d: {  	[timem:s7], [sflag:s22] =	dma.local [hbm:s5], s20  }
0x9e: {  	_ =	swait.ge [sflag:s22], s20  }
0x9f: {  	s4 =	ssub.s32 $0x0, s20;
	[sflag:s22] =	ssyncset.done $0x0  }
0xa0: {  	[sflag:s22] =	ssyncadd.s32 s4;
	_ =	sdelay $0x1  }
0xa1: {  	s23 =	simm.s32 $0x1B8B  }
0xa2: {  	_ =	swait.ge [sflag:s23], $0x1  }
0xa3: {  	[sflag:s23] =	ssyncset.done $0x0  }
0xa4: {  	s25 =	simm.s32 $0x1B8E;
	s24 =	sld [smem:$0x3FFE];
	[sflag:s23] =	ssyncadd.s32 $0xFFFFFFFF  }
0xa5: {  	s26 =	simm.s32 $execute0_lowered;
	[smem:$0x3FD2] =	sst s25  }
0xa6: {  	s5 =	sshll.u32 s26, $0x1;
	_ =	strace $0x80000046;
	[dreg:$0x1] =	wrdreg $0xFFFFFFFF  }
0xa7: {  	s28 =	simm.s32 $_size_execute0_lowered;
	s3 =	sadd.s32 s3, s5;
	[dreg:$0x0] =	wrdreg $0x0  }
0xa8: {  	s5 =	sshll.u32 s28, $0x1;
	[dreg:$0x2] =	wrdreg s3  }
0xa9: {  	[dreg:$0x3] =	wrdreg s5  }
0xaa: {  	[dreg:$0x4] =	wrdreg $0xC0  }
0xab: {  	_ =	task [dreg:s7], $0x5FFFF  }
0xac: {  	[dreg:$0x1] =	wrdreg $0xFFFFFFFF  }
0xad: {  	[dreg:$0x0] =	wrdreg $0x60  }
0xae: {  	[dreg:$0x2] =	wrdreg s2  }
0xaf: {  	[dreg:$0x3] =	wrdreg s24  }
0xb0: {  	[dreg:$0x4] =	wrdreg $0x58000  }
0xb1: {  	[dreg:$0x5] =	wrdreg $0x9  }
0xb2: {  	_ =	task.clear_ibuf [dreg:s7], $0x6FFFF;
	_ =	strace $0x90000046  }
0xb3: {  	s29 =	simm.s32 $0x9;
	_ =	strace $0x80000048  }
0xb4: {  	_ =	swait.ge [sflag:s29], $0x1  }
0xb5: {  	[sflag:s29] =	ssyncadd.s32 $0xFFFFFFFF  }
0xb6: {  	_ =	strace $0x90000048  }
0xb7: {  	_ =	sfence  }
0xb8: {  	s30 =	sld [smem:$0x0];
	_ =	sdelay $0x2  }
0xb9: {  	s31 =	sshll.u32 s1, $0xD;
	s1 =	sshrl.u32 s1, $0x2  }
0xba: {  	s3 =	sand.u32 $0x4000, s31;
	s1 =	sadd.s32 s1, s30  }
0xbb: {  	s0 =	sor.u32 s3, s0;
	s1 =	sshll.u32 s1, $0x11  }
0xbc: {  	s0 =	sor.u32 s1, s0  }
0xbd: {  	s0 =	sadd.s32 $0x8F2B, s0  }
0xbe: {  	[sflag:s0] =	ssyncadd.remote.s32 $0x1  }
0xbf: {  	_ =	sfence.sel $0xFFFF  }
0xc0: {  	[dreg:$0x0] =	wrdreg $0xFFFFFFFF;
	(pc) =	sbr.abs _section_cstart, $3  }
0xc1: {  	[dreg:$0x1] =	wrdreg $0xFFFFFFFF  }
0xc2: {  	_ =	task.clear_ibuf [dreg:s7], $0x2FFFF;
	_ =	strace $0x9FFFFFFF  }
0xc3: {  	(tm) =	ssettm $0x7FFFFFFF  }
tec
execute0_lowered:
.L_overlay_start_1:
0x0: {  	(tag) =	ssettag $0x1  }
0x1: {  	s4 =	rddreg [dreg:$0x0]  }
0x2: {  	s1 =	srdreg.scid;
	s5 =	rddreg [dreg:$0x1]  }
0x3: {  	s0 =	stileid.u32;
	s2 =	rddreg [dreg:$0x2]  }
0x4: {  	s3 =	simm.s32 $0x0;
	s13 =	simm.s32 $0x5000;
	s7 =	smul.u32 $0x2800, s0  }
0x5: {  	s14 =	simm.s32 $0x80;
	s15 =	simm.s32 $0x1;
	s10 =	smul.u32 $0x5000, s0  }
0x6: {  	s6 =	sand.u32 $0x1, s1;
	s1 =	rddreg [dreg:$0x3];
	s11 =	smul.u32 $0xA000, s0  }
0x7: {  	s18 =	simm.s32 $0x0;
	[smem:$0x7FF] =	sst s3;
	s8 =	smul.u32 $0x28000, s6  }
0x8: {  	s16 =	sshll.u32 s0, $0x6;
	s9 =	smul.u32 $0x50000, s6;
	s26 =	ssub.s32 $0x2, s6  }
0x9: {  	_ =	strace $0x80000047;
	s16 =	sor.u32 $0x1C02, s16;
	s29 =	sshrl.u32 s26, $0x1  }
0xa: {  	s30 =	sshrl.u32 s11, $0x2;
	s8 =	sadd.s32 s7, s8;
	s28 =	sadd.s32 s10, s9  }
0xb: {  	s31 =	ssub.s32 s26, s29;
	s9 =	sadd.s32 s30, s2;
	s8 =	sshrl.u32 s8, $0x3  }
0xc: {  	s6 =	sshrl.u32 s28, $0x3;
	s11 =	smax.u32 s31, $0x1;
	s12 =	sadd.s32 s8, s5  }
0xd: {  	s4 =	sadd.s32 s4, s6;
	s5 =	sadd.s32 s7, s2;
	s6 =	sadd.s32 $0x800, s9  }
0xe: {  	s7 =	sadd.s32 $0x1000, s9;
	s8 =	sadd.s32 $0x1800, s9;
	s9 =	sadd.s32 $0x2000, s9  }
0xf: {  	v0 =	vimm.f32 $0.0e+00;
	v1 =	vimm.f32 $1.000000000e+00;
	s10 =	sadd.s32 $0x15C00, s12;
	s12 =	simm.s32 $0x2;
	s17 =	sshrl.u32 s5, $0x3  }
.LBB2_1:
0x10: {  	[tilespmem:s3], [sflag:$0x2] =	stream.linear.gather [hbm4b:s4+s3], $0x5000, $0x38;
	[tilespmem:$0x8000] =	vst v63  }
0x11: {  	_ =	swait.ge [sflag:s12], $0x5000  }
0x12: {  	[sflag:s12] =	ssyncset.done $0x0  }
0x13: {  	s19 =	simm.s32 $0x40;
	s20 =	simm.s32 $0x0;
	[sflag:s12] =	ssyncadd.s32 $0xFFFFB000  }
.LBB2_2:
0x14: {  	p0 =	sne.s32 s19, $0x1FC0;
	[tilespmem:s20+$0x5000] =	vst v0;
	s20 =	smov.u32 s19;
	s19 =	sadd.s32 $0x40, s19  }
.Ltmp0:
0x15: {  	(pc) =	sbr.rel @p0 .LBB2_2-.Ltmp0, $2  }
0x16: {  	_ =	sdelay $0x2  }
0x17: {  	s20 =	sshra.s32 s20, $0x2  }
0x18: {  	[tilespmem:s20+$0x5000] =	vst v0  }
0x19: {  	[spmem:s5] =	stream.linear.scatter [tilespmem:s13], [sflag:$0x2], $0x800, $0x38;
	[tilespmem:$0x8000] =	vst v63  }
0x1a: {  	_ =	swait.ge [sflag:s12], $0x800  }
0x1b: {  	[sflag:s12] =	ssyncset.done $0x0  }
0x1c: {  	[sflag:s12] =	ssyncadd.s32 $0xFFFFF800  }
0x1d: {  	[spmem:s6] =	stream.linear.scatter [tilespmem:s13], [sflag:$0x2], $0x800, $0x38;
	[tilespmem:$0x8000] =	vst v63  }
0x1e: {  	_ =	swait.ge [sflag:s12], $0x800  }
0x1f: {  	[sflag:s12] =	ssyncset.done $0x0  }
0x20: {  	[sflag:s12] =	ssyncadd.s32 $0xFFFFF800  }
0x21: {  	[spmem:s7] =	stream.linear.scatter [tilespmem:s13], [sflag:$0x2], $0x800, $0x38;
	[tilespmem:$0x8000] =	vst v63  }
0x22: {  	_ =	swait.ge [sflag:s12], $0x800  }
0x23: {  	[sflag:s12] =	ssyncset.done $0x0  }
0x24: {  	[sflag:s12] =	ssyncadd.s32 $0xFFFFF800  }
0x25: {  	[spmem:s8] =	stream.linear.scatter [tilespmem:s13], [sflag:$0x2], $0x800, $0x38;
	[tilespmem:$0x8000] =	vst v63  }
0x26: {  	_ =	swait.ge [sflag:s12], $0x800  }
0x27: {  	[sflag:s12] =	ssyncset.done $0x0  }
0x28: {  	[sflag:s12] =	ssyncadd.s32 $0xFFFFF800  }
0x29: {  	[spmem:s9] =	stream.linear.scatter [tilespmem:s13], [sflag:$0x2], $0x800, $0x38;
	[tilespmem:$0x8000] =	vst v63  }
0x2a: {  	_ =	swait.ge [sflag:s12], $0x800  }
0x2b: {  	[sflag:s12] =	ssyncset.done $0x0  }
0x2c: {  	s19 =	simm.s32 $0x40;
	s20 =	simm.s32 $0x0;
	[sflag:s12] =	ssyncadd.s32 $0xFFFFF800  }
.LBB2_4:
0x2d: {  	p0 =	sne.s32 s19, $0x1FC0;
	[tilespmem:s20+$0x5000] =	vst v1;
	s20 =	smov.u32 s19;
	s19 =	sadd.s32 $0x40, s19  }
.Ltmp1:
0x2e: {  	(pc) =	sbr.rel @p0 .LBB2_4-.Ltmp1, $2  }
0x2f: {  	_ =	sdelay $0x2  }
0x30: {  	s20 =	sshra.s32 s20, $0x2  }
0x31: {  	[tilespmem:s20+$0x5000] =	vst v1;
	p0 =	por $0x1, $0x1  }
0x32: {  	s19 =	simm.s32 $0x0;
	[bflag:$0x0] =	sbarrier.arrive $0xFFFF;
	s21 =	simm.s32 @!p0 $0x1  }
0x33: {  	[spmem:s2] =	stream.indirect.scatter.add.f32 [tilespmem:s13], [sflag:$0x1], $0x10, s19, s14, $0xb8;
	[tilespmem:$0x8000] =	vst v63  }
0x34: {  	_ =	swait.ge @!p0 [sflag:s21], $0x800  }
0x35: {  	s20 =	simm.s32 $0x1;
	[sflag:s21] =	ssyncset.done @!p0 $0x0  }
.LBB2_6:
0x36: {  	[sflag:s21] =	ssyncadd.s32 @!p0 $0xFFFFF800  }
0x37: {  	s19 =	sadd.s32 $0x80, s19;
	s21 =	smov.u32 s20;
	s20 =	sadd.s32 $0x1, s20  }
0x38: {  	p1 =	sne.s32 s20, $0xA0  }
0x39: {  	[spmem:s2] =	stream.indirect.scatter.add.f32 [tilespmem:s13], [sflag:$0x1], $0x10, s19, s14, $0xb8;
	[tilespmem:$0x8000] =	vst v63  }
.Ltmp2:
0x3a: {  	_ = 	snop;
	(pc) =	sbr.rel @p1 .LBB2_6-.Ltmp2, $4  }
0x3b: {  	p0 =	slt.u32 s21, $0x8  }
0x3c: {  	s21 =	simm.s32 @!p0 $0x1  }
0x3d: {  	_ =	swait.ge @!p0 [sflag:s21], $0x800  }
0x3e: {  	[sflag:s21] =	ssyncset.done @!p0 $0x0  }
0x3f: {  	[sflag:s21] =	ssyncadd.s32 @!p0 $0xFFFFF800  }
0x40: {  	_ =	swait.ge [sflag:s15], $0x800  }
0x41: {  	[sflag:s15] =	ssyncset.done $0x0  }
0x42: {  	[sflag:s15] =	ssyncadd.s32 $0xFFFFF800  }
0x43: {  	_ =	swait.ge [sflag:s15], $0x800  }
0x44: {  	[sflag:s15] =	ssyncset.done $0x0  }
0x45: {  	[sflag:s15] =	ssyncadd.s32 $0xFFFFF800  }
0x46: {  	_ =	swait.ge [sflag:s15], $0x800  }
0x47: {  	[sflag:s15] =	ssyncset.done $0x0  }
0x48: {  	[sflag:s15] =	ssyncadd.s32 $0xFFFFF800  }
0x49: {  	_ =	swait.ge [sflag:s15], $0x800  }
0x4a: {  	[sflag:s15] =	ssyncset.done $0x0  }
0x4b: {  	[sflag:s15] =	ssyncadd.s32 $0xFFFFF800  }
0x4c: {  	_ =	swait.ge [sflag:s15], $0x800  }
0x4d: {  	[sflag:s15] =	ssyncset.done $0x0  }
0x4e: {  	[sflag:s15] =	ssyncadd.s32 $0xFFFFF800  }
0x4f: {  	_ =	swait.ge [sflag:s15], $0x800  }
0x50: {  	[sflag:s15] =	ssyncset.done $0x0  }
0x51: {  	[sflag:s15] =	ssyncadd.s32 $0xFFFFF800  }
0x52: {  	_ =	swait.ge [sflag:s15], $0x800  }
0x53: {  	[sflag:s15] =	ssyncset.done $0x0  }
0x54: {  	[sflag:s15] =	ssyncadd.s32 $0xFFFFF800  }
0x55: {  	_ =	swait.ge [sflag:s15], $0x800  }
0x56: {  	s18 =	sadd.s32 $0x1, s18;
	[sflag:s15] =	ssyncset.done $0x0  }
0x57: {  	p0 =	sne.s32 s18, s11;
	[sflag:s15] =	ssyncadd.s32 $0xFFFFF800  }
.Ltmp3:
0x58: {  	[bflag:$0x0] =	sbarrier.arrive $0xFFFF;
	(pc) =	sbr.rel @p0 .LBB2_1-.Ltmp3, $4  }
0x59: {  	[hbm:s10], [sflag:s16] =	dma.local [spmem:s17], $0x500  }
0x5a: {  	_ =	swait.ge [sflag:s12], $0x500  }
0x5b: {  	[sflag:s12] =	ssyncset.done $0x0  }
0x5c: {  	[sflag:s12] =	ssyncadd.s32 $0xFFFFFB00  }
0x5d: {  	_ =	sfence.sel $0x180000  }
0x5e: {  	[bflag:$0x0] =	sbarrier.arrive $0xFFFF  }
0x5f: {  	p0 =	sne.s32 s0, $0x0;
	_ =	strace $0x90000047  }
0x60: {  	s0 =	sadd.s32 @!p0 $0x100000, s1;
	[bflag:$0x2] =	sbarrier.arrive $0xFFFF  }
0x61: {  	[sflag:s0] =	ssyncadd.tile.s32 @!p0 $0x1;
	_ =	shalt  }
.Lfunc_end2:
_tile_overlayer_lowered:
.L_overlay_start_2:
0x62: {  	(tag) =	ssettag $0x2  }
0x63: {  	s0 =	rddreg [dreg:$0x0];
	s2 =	stileid.u32  }
0x64: {  	s1 =	rddreg [dreg:$0x1];
	p0 =	sne.s32 s2, $0x0  }
0x65: {  	s3 =	rddreg [dreg:$0x2];
	[bflag:$0x3] =	sbarrier.arrive $0xFFFF;
	s2 =	simm.s32 @!p0 $0x1C02  }
0x66: {  	[timem:s3], [sflag:s2] =	dma.local @!p0 [hbm:s0], s1  }
0x67: {  	s0 =	simm.s32 @!p0 $0x2  }
0x68: {  	_ =	swait.ge @!p0 [sflag:s0], s1  }
0x69: {  	s1 =	ssub.s32 @!p0 $0x0, s1;
	[sflag:s0] =	ssyncset.done @!p0 $0x0  }
0x6a: {  	[sflag:s0] =	ssyncadd.s32 @!p0 s1  }
0x6b: {  	[bflag:$0x3] =	sbarrier.arrive $0xFFFF  }
0x6c: {  	_ =	shalt  }

</sc_bundles>
